<compile_context>
chip_gen: v7x
topology: tpu7x:2x2x1
jax: 0.10.2.dev20260603
libtpu: 0.0.44.dev20260713+nightly
codegen_flags: <defaults>
</compile_context>

<pallas_src>
import functools

import jax
import jax.numpy as jnp
from jax import lax
from jax.experimental import pallas as pl
from jax.experimental.pallas import tpu as pltpu
from jax.experimental.pallas import tpu_sc as plsc

K = 8192
D = 256
BETA = 0.25
N = 8192
T = 1024
NC, NS, L = 2, 16, 16
NW = NC * NS
B_PER_W = N // NW
CHUNK = 64
NCHUNK = B_PER_W // CHUNK
HR = 2 * CHUNK

_mesh = plsc.VectorSubcoreMesh(
    core_axis_name="c", subcore_axis_name="s", num_cores=NC, num_subcores=NS)


@functools.partial(
    pl.kernel,
    out_type=(
        jax.ShapeDtypeStruct((2 * N, 128), jnp.float32),
        jax.ShapeDtypeStruct((N // 128, 128), jnp.float32),
        jax.ShapeDtypeStruct((N,), jnp.int32),
    ),
    mesh=_mesh,
    scratch_types=[
        pltpu.VMEM((B_PER_W,), jnp.int32),
        pltpu.VMEM((2 * B_PER_W,), jnp.int32),
        pltpu.VMEM((2, HR, 128), jnp.float32),
        pltpu.VMEM((2, HR, 128), jnp.float32),
        pltpu.VMEM((B_PER_W,), jnp.float32),
        pltpu.VMEM((L, L), jnp.float32),
        [pltpu.SemaphoreType.DMA] * 2,
        [pltpu.SemaphoreType.DMA] * 2,
        [pltpu.SemaphoreType.DMA] * 2,
        pltpu.SemaphoreType.DMA,
        pltpu.SemaphoreType.DMA,
    ],
    compiler_params=pltpu.CompilerParams(
        use_tc_tiling_on_sc=False, needs_layout_passes=False),
)
def _vq_sc(idx_hbm, lat_hbm, w_hbm, q_hbm, loss_hbm, idxo_hbm,
           idx_v, idx2_v, rows2, lat2, loss_v, trans_v, sgs, sls, sos, sio, slo):
    wid = lax.axis_index("s") * NC + lax.axis_index("c")
    base = wid * B_PER_W
    rbase = 2 * base
    pltpu.sync_copy(idx_hbm.at[pl.ds(base, B_PER_W)], idx_v)
    idxoc = pltpu.async_copy(idx_v, idxo_hbm.at[pl.ds(base, B_PER_W)], sio)
    scale = jnp.float32((1.0 + BETA) / D)
    lane = lax.iota(jnp.int32, L)
    masks = [(lane & d) == 0 for d in (1, 2, 4, 8)]

    def lat_issue(c):
        b = c % 2
        return pltpu.async_copy(
            lat_hbm.at[pl.ds(rbase + c * HR, HR)], lat2.at[b], sls[b])

    def gat_issue(c):
        b = c % 2
        return pltpu.async_copy(
            w_hbm.at[idx2_v.at[pl.ds(c * HR, HR)]], rows2.at[b], sgs[b])

    lat_pend = [lat_issue(0), None]

    @plsc.parallel_loop(0, B_PER_W // L)
    def expand(g16):
        k = idx_v[pl.ds(g16 * L, L)]
        i0 = ((k >> 3) << 4) | (k & 7)
        j = g16 * L + lane
        p0 = ((j >> 3) << 4) | (j & 7)
        plsc.store_scatter(idx2_v, [p0], i0)
        plsc.store_scatter(idx2_v, [p0 | 8], i0 | 8)

    gat_pend = [gat_issue(0), None]
    outs = [None, None]
    for c in range(NCHUNK):
        b = c % 2
        gat_pend[b].wait()
        lat_pend[b].wait()
        if c + 1 < NCHUNK:
            nb = (c + 1) % 2
            if outs[nb] is not None:
                outs[nb].wait()
                outs[nb] = None
            lat_pend[nb] = lat_issue(c + 1)
            gat_pend[nb] = gat_issue(c + 1)
        outs[b] = pltpu.async_copy(
            rows2.at[b], q_hbm.at[pl.ds(rbase + c * HR, HR)], sos[b])

        def group_body(g, carry):
            @plsc.parallel_loop(0, L)
            def tok_body(u):
                a0 = jnp.zeros((L,), jnp.float32)
                a1 = jnp.zeros((L,), jnp.float32)
                r0 = 32 * g + 16 * (u >> 3) + (u & 7)
                for cc in range(2):
                    r = r0 + 8 * cc
                    for j in range(128 // L):
                        e = (rows2[b, r, pl.ds(j * L, L)]
                             - lat2[b, r, pl.ds(j * L, L)])
                        if j % 2 == 0:
                            a0 = a0 + e * e
                        else:
                            a1 = a1 + e * e
                trans_v[u] = a0 + a1

            accs = [trans_v[u] for u in range(L)]
            for si, dist in enumerate((1, 2, 4, 8)):
                nxt = []
                for p in range(0, len(accs), 2):
                    x, y = accs[p], accs[p + 1]
                    px = x.at[lane ^ dist].get(mode="promise_in_bounds")
                    py = y.at[lane ^ dist].get(mode="promise_in_bounds")
                    nxt.append(jnp.where(masks[si], x + px, y + py))
                accs = nxt
            loss_v[pl.ds(c * CHUNK + g * L, L)] = accs[0] * scale
            return carry

        lax.fori_loop(0, CHUNK // L, group_body, 0)
    bb = wid // (T // B_PER_W)
    t0 = (wid % (T // B_PER_W)) * B_PER_W
    lc0 = pltpu.async_copy(loss_v.at[pl.ds(0, 128)],
                           loss_hbm.at[(t0 // 128) * (N // T) + bb], slo)
    lc1 = pltpu.async_copy(loss_v.at[pl.ds(128, 128)],
                           loss_hbm.at[(t0 // 128 + 1) * (N // T) + bb], slo)
    for o in outs:
        if o is not None:
            o.wait()
    idxoc.wait()
    lc0.wait()
    lc1.wait()


def kernel(gold_encoding_inds, latents, epc, W):
    bs, t, d = latents.shape
    n = bs * t
    idx = gold_encoding_inds[:, 0].astype(jnp.int32)
    w_r = W.reshape(K // 8, 8, 2, 128).transpose(0, 2, 1, 3).reshape(2 * K, 128)
    lat_r = latents.reshape(bs, t // 8, 8, 2, 128).transpose(0, 1, 3, 2, 4)
    lat_r = lat_r.reshape(2 * n, 128)
    q_r, loss_t, idx_out = _vq_sc(idx, lat_r, w_r)
    gold_quantized = (q_r.reshape(bs, t // 8, 2, 8, 128)
                      .transpose(0, 1, 3, 2, 4).reshape(bs, t, d))
    vq_loss = (loss_t.reshape(t // 128, bs, 128)
               .transpose(1, 0, 2).reshape(bs, t))
    inds_t = idx_out.astype(gold_encoding_inds.dtype).reshape(1, n)
    return gold_quantized, vq_loss, inds_t

# --- scband reference (transcript-rebuilt; emitter-appended) ---
"""Pipeline reference for scband-vector-quantizer-61383672594728 (READ-ONLY COPY).

The authoritative reference and input builder live on the scoring server;
editing this copy changes nothing except your own understanding.
"""

import jax, jax.numpy as jnp
import numpy as np

K = 8192
D = 256
BETA = 0.25
B = 8
T = 1024


def setup_inputs(seed: int = 0) -> dict:
    key = jax.random.key(seed)
    k1, k2, k3 = jax.random.split(key, 3)
    latents = jax.random.normal(k1, (B, T, D), dtype=jnp.float32)
    gold_encoding_inds = jax.random.randint(k2, (B * T, 1), 0, K)
    W = jax.random.uniform(k3, (K, D), minval=-1.0 / K, maxval=1.0 / K, dtype=jnp.float32)
    return {"gold_encoding_inds": gold_encoding_inds, "latents": latents, "epc": 0, "W": W}


def reference(gold_encoding_inds, latents, epc, W):
    bs, t, d = latents.shape
    flat_latents = latents.reshape(bs * t, d)
    # full pairwise squared-distance matrix [N, K] (computed in original forward regardless of branch)
    dist = (jnp.sum(flat_latents ** 2, axis=1, keepdims=True)
            + jnp.sum(W ** 2, axis=1)
            - 2.0 * jnp.matmul(flat_latents, W.T))
    encoding_inds = jnp.argmin(dist, axis=1)[:, None]
    # gold branch: scatter one-hot on dim 1, then matmul with codebook
    n = gold_encoding_inds.shape[0]
    encoding_one_hot = jnp.zeros((n, K), dtype=latents.dtype).at[jnp.arange(n), gold_encoding_inds[:, 0]].set(1.0)
    gold_quantized = jnp.matmul(encoding_one_hot, W).reshape(latents.shape)
    commitment_loss = jnp.mean((jax.lax.stop_gradient(gold_quantized) - latents) ** 2, axis=-1)
    embedding_loss = jnp.mean((gold_quantized - jax.lax.stop_gradient(latents)) ** 2, axis=-1)
    vq_loss = embedding_loss + BETA * commitment_loss
    return gold_quantized, vq_loss, gold_encoding_inds.T

if __name__ == "__main__":
    import jax
    _d = setup_inputs()
    print(jax.jit(kernel)(*tuple(_d.values())))

</pallas_src>

<mosaic_0001>
#map = affine_map<(d0, d1) -> (0)>
#map1 = affine_map<(d0, d1) -> (0, 0)>
module attributes {stable_mosaic.version = 14 : i64} {
  func.func @_vq_sc(%arg0: i32, %arg1: i32, %arg2: memref<8192xi32, #tpu.memory_space<hbm>>, %arg3: memref<16384x128xf32, #tpu.memory_space<hbm>>, %arg4: memref<16384x128xf32, #tpu.memory_space<hbm>>, %arg5: memref<16384x128xf32, #tpu.memory_space<hbm>>, %arg6: memref<64x128xf32, #tpu.memory_space<hbm>>, %arg7: memref<8192xi32, #tpu.memory_space<hbm>>, %arg8: memref<256xi32, #tpu.memory_space<vmem>>, %arg9: memref<512xi32, #tpu.memory_space<vmem>>, %arg10: memref<2x128x128xf32, #tpu.memory_space<vmem>>, %arg11: memref<2x128x128xf32, #tpu.memory_space<vmem>>, %arg12: memref<256xf32, #tpu.memory_space<vmem>>, %arg13: memref<16x16xf32, #tpu.memory_space<vmem>>, %arg14: memref<!tpu.dma_semaphore, #tpu.memory_space<semaphore_mem>>, %arg15: memref<!tpu.dma_semaphore, #tpu.memory_space<semaphore_mem>>, %arg16: memref<!tpu.dma_semaphore, #tpu.memory_space<semaphore_mem>>, %arg17: memref<!tpu.dma_semaphore, #tpu.memory_space<semaphore_mem>>, %arg18: memref<!tpu.dma_semaphore, #tpu.memory_space<semaphore_mem>>, %arg19: memref<!tpu.dma_semaphore, #tpu.memory_space<semaphore_mem>>, %arg20: memref<!tpu.dma_semaphore, #tpu.memory_space<semaphore_mem>>, %arg21: memref<!tpu.dma_semaphore, #tpu.memory_space<semaphore_mem>>) attributes {dimension_semantics = [#tpu.dimension_semantics<core_parallel>, #tpu.dimension_semantics<subcore_parallel>], iteration_bounds = array<i64: 2, 16>, scalar_prefetch = 0 : i64, scratch_operands = 14 : i64, tpu.core_type = #tpu.core_type<sc_vector_subcore>, window_params = [{transform_indices = #map}, {transform_indices = #map1}, {transform_indices = #map1}, {transform_indices = #map1}, {transform_indices = #map1}, {transform_indices = #map}]} {
    %mul3A = arith.constant 2 : i32
    %mul3A_0 = arith.muli %arg1, %mul3A : i32
    %add3A = arith.addi %mul3A_0, %arg0 : i32
    %mul3A_1 = arith.constant 256 : i32
    %mul3A_2 = arith.muli %add3A, %mul3A_1 : i32
    %mul3A_3 = arith.constant 2 : i32
    %mul3A_4 = arith.muli %mul3A_3, %mul3A_2 : i32
    "tpu.region"() ({
      %run_scoped3A = tpu.sem_alloc : memref<!tpu.dma_semaphore, #tpu.memory_space<semaphore_mem>>
      %dma_start3A_492 = tpu.memref_slice %arg2[%mul3A_2] : memref<8192xi32, #tpu.memory_space<hbm>> -> memref<256xi32, #tpu.memory_space<hbm>>
      %dma_start3A_493 = tpu.memref_slice %arg2[%mul3A_2] : memref<8192xi32, #tpu.memory_space<hbm>> -> memref<256xi32, #tpu.memory_space<hbm>>
      tpu.enqueue_dma source(%dma_start3A_493 : memref<256xi32, #tpu.memory_space<hbm>>) target(%arg8 : memref<256xi32, #tpu.memory_space<vmem>>) target_semaphore(%run_scoped3A : memref<!tpu.dma_semaphore, #tpu.memory_space<semaphore_mem>>)
      %dma_wait3A_494 = tpu.memref_slice %arg2[%mul3A_2] : memref<8192xi32, #tpu.memory_space<hbm>> -> memref<256xi32, #tpu.memory_space<hbm>>
      %dma_wait3A_495 = tpu.memref_slice %arg2[%mul3A_2] : memref<8192xi32, #tpu.memory_space<hbm>> -> memref<256xi32, #tpu.memory_space<hbm>>
      tpu.wait_dma2 semaphore(%run_scoped3A : memref<!tpu.dma_semaphore, #tpu.memory_space<semaphore_mem>>) src(%dma_wait3A_495 : memref<256xi32, #tpu.memory_space<hbm>>) dst(%arg8 : memref<256xi32, #tpu.memory_space<vmem>>)
      tpu.yield
    }) : () -> ()
    %dma_start3A = tpu.memref_slice %arg7[%mul3A_2] : memref<8192xi32, #tpu.memory_space<hbm>> -> memref<256xi32, #tpu.memory_space<hbm>>
    %dma_start3A_5 = tpu.memref_slice %arg7[%mul3A_2] : memref<8192xi32, #tpu.memory_space<hbm>> -> memref<256xi32, #tpu.memory_space<hbm>>
    tpu.enqueue_dma source(%arg8 : memref<256xi32, #tpu.memory_space<vmem>>) target(%dma_start3A_5 : memref<256xi32, #tpu.memory_space<hbm>>) target_semaphore(%arg20 : memref<!tpu.dma_semaphore, #tpu.memory_space<semaphore_mem>>)
    %iota3A = tpu.iota {dimensions = array<i32: 0>} : vector<16xi32>
    %and3A = arith.constant 1 : i32
    %and3A_6 = vector.broadcast %and3A : i32 to vector<16xi32>
    %and3A_7 = arith.andi %iota3A, %and3A_6 : vector<16xi32>
    %eq3A = arith.constant 0 : i32
    %eq3A_8 = vector.broadcast %eq3A : i32 to vector<16xi32>
    %eq3A_9 = arith.cmpi eq, %and3A_7, %eq3A_8 : vector<16xi32>
    %and3A_10 = arith.constant 2 : i32
    %and3A_11 = vector.broadcast %and3A_10 : i32 to vector<16xi32>
    %and3A_12 = arith.andi %iota3A, %and3A_11 : vector<16xi32>
    %eq3A_13 = arith.constant 0 : i32
    %eq3A_14 = vector.broadcast %eq3A_13 : i32 to vector<16xi32>
    %eq3A_15 = arith.cmpi eq, %and3A_12, %eq3A_14 : vector<16xi32>
    %and3A_16 = arith.constant 4 : i32
    %and3A_17 = vector.broadcast %and3A_16 : i32 to vector<16xi32>
    %and3A_18 = arith.andi %iota3A, %and3A_17 : vector<16xi32>
    %eq3A_19 = arith.constant 0 : i32
    %eq3A_20 = vector.broadcast %eq3A_19 : i32 to vector<16xi32>
    %eq3A_21 = arith.cmpi eq, %and3A_18, %eq3A_20 : vector<16xi32>
    %and3A_22 = arith.constant 8 : i32
    %and3A_23 = vector.broadcast %and3A_22 : i32 to vector<16xi32>
    %and3A_24 = arith.andi %iota3A, %and3A_23 : vector<16xi32>
    %eq3A_25 = arith.constant 0 : i32
    %eq3A_26 = vector.broadcast %eq3A_25 : i32 to vector<16xi32>
    %eq3A_27 = arith.cmpi eq, %and3A_24, %eq3A_26 : vector<16xi32>
    %add3A_28 = arith.constant 0 : i32
    %add3A_29 = arith.addi %mul3A_4, %add3A_28 : i32
    %dma_start3A_30 = arith.constant 0 : i32
    %dma_start3A_31 = arith.constant 0 : i32
    %dma_start3A_32 = arith.constant 0 : i32
    %dma_start3A_33 = tpu.memref_slice %arg11[%dma_start3A_30, %dma_start3A_31, %dma_start3A_32] : memref<2x128x128xf32, #tpu.memory_space<vmem>> -> memref<1x128x128xf32, #tpu.memory_space<vmem>>
    %dma_start3A_34 = tpu.memref_squeeze %dma_start3A_33 : memref<1x128x128xf32, #tpu.memory_space<vmem>> -> memref<128x128xf32, #tpu.memory_space<vmem>>
    %dma_start3A_35 = arith.constant 0 : i32
    %dma_start3A_36 = tpu.memref_slice %arg3[%add3A_29, %dma_start3A_35] : memref<16384x128xf32, #tpu.memory_space<hbm>> -> memref<128x128xf32, #tpu.memory_space<hbm>>
    %dma_start3A_37 = arith.constant 0 : i32
    %dma_start3A_38 = arith.constant 0 : i32
    %dma_start3A_39 = tpu.memref_slice %arg11[%dma_start3A_30, %dma_start3A_37, %dma_start3A_38] : memref<2x128x128xf32, #tpu.memory_space<vmem>> -> memref<1x128x128xf32, #tpu.memory_space<vmem>>
    %dma_start3A_40 = tpu.memref_squeeze %dma_start3A_39 : memref<1x128x128xf32, #tpu.memory_space<vmem>> -> memref<128x128xf32, #tpu.memory_space<vmem>>
    %dma_start3A_41 = arith.constant 0 : i32
    %dma_start3A_42 = tpu.memref_slice %arg3[%add3A_29, %dma_start3A_41] : memref<16384x128xf32, #tpu.memory_space<hbm>> -> memref<128x128xf32, #tpu.memory_space<hbm>>
    tpu.enqueue_dma source(%dma_start3A_42 : memref<128x128xf32, #tpu.memory_space<hbm>>) target(%dma_start3A_40 : memref<128x128xf32, #tpu.memory_space<vmem>>) target_semaphore(%arg16 : memref<!tpu.dma_semaphore, #tpu.memory_space<semaphore_mem>>)
    %parallel_loop3A = arith.constant 0 : i32
    %parallel_loop3A_43 = arith.constant 16 : i32
    %parallel_loop3A_44 = arith.constant 1 : i32
    scf.for %parallel_loop3A_492 = %parallel_loop3A to %parallel_loop3A_43 step %parallel_loop3A_44  : i32 {
      %parallel_loop3A_493 = arith.constant 16 : i32
      %parallel_loop3A_494 = arith.muli %parallel_loop3A_492, %parallel_loop3A_493 : i32
      %parallel_loop3A_495 = arith.index_cast %parallel_loop3A_494 : i32 to index
      %parallel_loop3A_496 = tpu.vector_load %arg8[%parallel_loop3A_495] {strides = array<i32>} : memref<256xi32, #tpu.memory_space<vmem>>, vector<16xi32>,
      %parallel_loop3A_497 = arith.constant 3 : i32
      %parallel_loop3A_498 = vector.broadcast %parallel_loop3A_497 : i32 to vector<16xi32>
      %parallel_loop3A_499 = arith.shrsi %parallel_loop3A_496, %parallel_loop3A_498 : vector<16xi32>
      %parallel_loop3A_500 = arith.constant 4 : i32
      %parallel_loop3A_501 = vector.broadcast %parallel_loop3A_500 : i32 to vector<16xi32>
      %parallel_loop3A_502 = arith.shli %parallel_loop3A_499, %parallel_loop3A_501 : vector<16xi32>
      %parallel_loop3A_503 = arith.constant 7 : i32
      %parallel_loop3A_504 = vector.broadcast %parallel_loop3A_503 : i32 to vector<16xi32>
      %parallel_loop3A_505 = arith.andi %parallel_loop3A_496, %parallel_loop3A_504 : vector<16xi32>
      %parallel_loop3A_506 = arith.ori %parallel_loop3A_502, %parallel_loop3A_505 : vector<16xi32>
      %parallel_loop3A_507 = arith.constant 16 : i32
      %parallel_loop3A_508 = arith.muli %parallel_loop3A_492, %parallel_loop3A_507 : i32
      %parallel_loop3A_509 = vector.broadcast %parallel_loop3A_508 : i32 to vector<16xi32>
      %parallel_loop3A_510 = arith.addi %parallel_loop3A_509, %iota3A : vector<16xi32>
      %parallel_loop3A_511 = arith.constant 3 : i32
      %parallel_loop3A_512 = vector.broadcast %parallel_loop3A_511 : i32 to vector<16xi32>
      %parallel_loop3A_513 = arith.shrsi %parallel_loop3A_510, %parallel_loop3A_512 : vector<16xi32>
      %parallel_loop3A_514 = arith.constant 4 : i32
      %parallel_loop3A_515 = vector.broadcast %parallel_loop3A_514 : i32 to vector<16xi32>
      %parallel_loop3A_516 = arith.shli %parallel_loop3A_513, %parallel_loop3A_515 : vector<16xi32>
      %parallel_loop3A_517 = arith.constant 7 : i32
      %parallel_loop3A_518 = vector.broadcast %parallel_loop3A_517 : i32 to vector<16xi32>
      %parallel_loop3A_519 = arith.andi %parallel_loop3A_510, %parallel_loop3A_518 : vector<16xi32>
      %parallel_loop3A_520 = arith.ori %parallel_loop3A_516, %parallel_loop3A_519 : vector<16xi32>
      tpu.vector_store_idx %arg9[%parallel_loop3A_520], %parallel_loop3A_506 : memref<512xi32, #tpu.memory_space<vmem>>[vector<16xi32>], vector<16xi32>,
      %parallel_loop3A_521 = arith.constant 8 : i32
      %parallel_loop3A_522 = vector.broadcast %parallel_loop3A_521 : i32 to vector<16xi32>
      %parallel_loop3A_523 = arith.ori %parallel_loop3A_520, %parallel_loop3A_522 : vector<16xi32>
      %parallel_loop3A_524 = arith.constant 8 : i32
      %parallel_loop3A_525 = vector.broadcast %parallel_loop3A_524 : i32 to vector<16xi32>
      %parallel_loop3A_526 = arith.ori %parallel_loop3A_506, %parallel_loop3A_525 : vector<16xi32>
      tpu.vector_store_idx %arg9[%parallel_loop3A_523], %parallel_loop3A_526 : memref<512xi32, #tpu.memory_space<vmem>>[vector<16xi32>], vector<16xi32>,
    } {sc.loop_unroll_factor = 1 : i64, sc.parallel_access}
    %dma_start3A_45 = arith.constant 0 : i32
    %dma_start3A_46 = arith.constant 0 : i32
    %dma_start3A_47 = arith.constant 0 : i32
    %dma_start3A_48 = tpu.memref_slice %arg10[%dma_start3A_45, %dma_start3A_46, %dma_start3A_47] : memref<2x128x128xf32, #tpu.memory_space<vmem>> -> memref<1x128x128xf32, #tpu.memory_space<vmem>>
    %dma_start3A_49 = tpu.memref_squeeze %dma_start3A_48 : memref<1x128x128xf32, #tpu.memory_space<vmem>> -> memref<128x128xf32, #tpu.memory_space<vmem>>
    %dma_start3A_50 = arith.constant 0 : i32
    %dma_start3A_51 = tpu.memref_slice %arg9[%dma_start3A_50] : memref<512xi32, #tpu.memory_space<vmem>> -> memref<128xi32, #tpu.memory_space<vmem>>
    %dma_start3A_52 = arith.constant 0 : i32
    %dma_start3A_53 = arith.constant 0 : i32
    %dma_start3A_54 = tpu.memref_slice %arg4[%dma_start3A_52, %dma_start3A_53] : memref<16384x128xf32, #tpu.memory_space<hbm>> -> memref<16384x128xf32, #tpu.memory_space<hbm>>
    tpu.enqueue_indirect_dma source(%dma_start3A_54 : memref<16384x128xf32, #tpu.memory_space<hbm>>) target(%dma_start3A_49 : memref<128x128xf32, #tpu.memory_space<vmem>>) offsets(%dma_start3A_51 : memref<128xi32, #tpu.memory_space<vmem>>) semaphore(%arg14 : memref<!tpu.dma_semaphore, #tpu.memory_space<semaphore_mem>>)
    %dma_wait3A = arith.constant 0 : i32
    %dma_wait3A_55 = arith.constant 0 : i32
    %dma_wait3A_56 = arith.constant 0 : i32
    %dma_wait3A_57 = tpu.memref_slice %arg10[%dma_wait3A, %dma_wait3A_55, %dma_wait3A_56] : memref<2x128x128xf32, #tpu.memory_space<vmem>> -> memref<1x128x128xf32, #tpu.memory_space<vmem>>
    %dma_wait3A_58 = tpu.memref_squeeze %dma_wait3A_57 : memref<1x128x128xf32, #tpu.memory_space<vmem>> -> memref<128x128xf32, #tpu.memory_space<vmem>>
    %dma_wait3A_59 = arith.constant 0 : i32
    %dma_wait3A_60 = tpu.memref_slice %arg9[%dma_wait3A_59] : memref<512xi32, #tpu.memory_space<vmem>> -> memref<128xi32, #tpu.memory_space<vmem>>
    %dma_wait3A_61 = arith.constant 0 : i32
    %dma_wait3A_62 = arith.constant 0 : i32
    %dma_wait3A_63 = tpu.memref_slice %arg4[%dma_wait3A_61, %dma_wait3A_62] : memref<16384x128xf32, #tpu.memory_space<hbm>> -> memref<16384x128xf32, #tpu.memory_space<hbm>>
    tpu.wait_indirect_dma semaphore(%arg14 : memref<!tpu.dma_semaphore, #tpu.memory_space<semaphore_mem>>) src(%dma_wait3A_63 : memref<16384x128xf32, #tpu.memory_space<hbm>>) dst(%dma_wait3A_58 : memref<128x128xf32, #tpu.memory_space<vmem>>)
    %dma_wait3A_64 = arith.constant 0 : i32
    %dma_wait3A_65 = arith.constant 0 : i32
    %dma_wait3A_66 = arith.constant 0 : i32
    %dma_wait3A_67 = tpu.memref_slice %arg11[%dma_wait3A_64, %dma_wait3A_65, %dma_wait3A_66] : memref<2x128x128xf32, #tpu.memory_space<vmem>> -> memref<1x128x128xf32, #tpu.memory_space<vmem>>
    %dma_wait3A_68 = tpu.memref_squeeze %dma_wait3A_67 : memref<1x128x128xf32, #tpu.memory_space<vmem>> -> memref<128x128xf32, #tpu.memory_space<vmem>>
    %dma_wait3A_69 = arith.constant 0 : i32
    %dma_wait3A_70 = tpu.memref_slice %arg3[%add3A_29, %dma_wait3A_69] : memref<16384x128xf32, #tpu.memory_space<hbm>> -> memref<128x128xf32, #tpu.memory_space<hbm>>
    %dma_wait3A_71 = arith.constant 0 : i32
    %dma_wait3A_72 = arith.constant 0 : i32
    %dma_wait3A_73 = tpu.memref_slice %arg11[%dma_wait3A_64, %dma_wait3A_71, %dma_wait3A_72] : memref<2x128x128xf32, #tpu.memory_space<vmem>> -> memref<1x128x128xf32, #tpu.memory_space<vmem>>
    %dma_wait3A_74 = tpu.memref_squeeze %dma_wait3A_73 : memref<1x128x128xf32, #tpu.memory_space<vmem>> -> memref<128x128xf32, #tpu.memory_space<vmem>>
    %dma_wait3A_75 = arith.constant 0 : i32
    %dma_wait3A_76 = tpu.memref_slice %arg3[%add3A_29, %dma_wait3A_75] : memref<16384x128xf32, #tpu.memory_space<hbm>> -> memref<128x128xf32, #tpu.memory_space<hbm>>
    tpu.wait_dma2 semaphore(%arg16 : memref<!tpu.dma_semaphore, #tpu.memory_space<semaphore_mem>>) src(%dma_wait3A_76 : memref<128x128xf32, #tpu.memory_space<hbm>>) dst(%dma_wait3A_74 : memref<128x128xf32, #tpu.memory_space<vmem>>)
    %add3A_77 = arith.constant 128 : i32
    %add3A_78 = arith.addi %mul3A_4, %add3A_77 : i32
    %dma_start3A_79 = arith.constant 1 : i32
    %dma_start3A_80 = arith.constant 0 : i32
    %dma_start3A_81 = arith.constant 0 : i32
    %dma_start3A_82 = tpu.memref_slice %arg11[%dma_start3A_79, %dma_start3A_80, %dma_start3A_81] : memref<2x128x128xf32, #tpu.memory_space<vmem>> -> memref<1x128x128xf32, #tpu.memory_space<vmem>>
    %dma_start3A_83 = tpu.memref_squeeze %dma_start3A_82 : memref<1x128x128xf32, #tpu.memory_space<vmem>> -> memref<128x128xf32, #tpu.memory_space<vmem>>
    %dma_start3A_84 = arith.constant 0 : i32
    %dma_start3A_85 = tpu.memref_slice %arg3[%add3A_78, %dma_start3A_84] : memref<16384x128xf32, #tpu.memory_space<hbm>> -> memref<128x128xf32, #tpu.memory_space<hbm>>
    %dma_start3A_86 = arith.constant 0 : i32
    %dma_start3A_87 = arith.constant 0 : i32
    %dma_start3A_88 = tpu.memref_slice %arg11[%dma_start3A_79, %dma_start3A_86, %dma_start3A_87] : memref<2x128x128xf32, #tpu.memory_space<vmem>> -> memref<1x128x128xf32, #tpu.memory_space<vmem>>
    %dma_start3A_89 = tpu.memref_squeeze %dma_start3A_88 : memref<1x128x128xf32, #tpu.memory_space<vmem>> -> memref<128x128xf32, #tpu.memory_space<vmem>>
    %dma_start3A_90 = arith.constant 0 : i32
    %dma_start3A_91 = tpu.memref_slice %arg3[%add3A_78, %dma_start3A_90] : memref<16384x128xf32, #tpu.memory_space<hbm>> -> memref<128x128xf32, #tpu.memory_space<hbm>>
    tpu.enqueue_dma source(%dma_start3A_91 : memref<128x128xf32, #tpu.memory_space<hbm>>) target(%dma_start3A_89 : memref<128x128xf32, #tpu.memory_space<vmem>>) target_semaphore(%arg17 : memref<!tpu.dma_semaphore, #tpu.memory_space<semaphore_mem>>)
    %dma_start3A_92 = arith.constant 1 : i32
    %dma_start3A_93 = arith.constant 0 : i32
    %dma_start3A_94 = arith.constant 0 : i32
    %dma_start3A_95 = tpu.memref_slice %arg10[%dma_start3A_92, %dma_start3A_93, %dma_start3A_94] : memref<2x128x128xf32, #tpu.memory_space<vmem>> -> memref<1x128x128xf32, #tpu.memory_space<vmem>>
    %dma_start3A_96 = tpu.memref_squeeze %dma_start3A_95 : memref<1x128x128xf32, #tpu.memory_space<vmem>> -> memref<128x128xf32, #tpu.memory_space<vmem>>
    %dma_start3A_97 = arith.constant 128 : i32
    %dma_start3A_98 = tpu.memref_slice %arg9[%dma_start3A_97] : memref<512xi32, #tpu.memory_space<vmem>> -> memref<128xi32, #tpu.memory_space<vmem>>
    %dma_start3A_99 = arith.constant 0 : i32
    %dma_start3A_100 = arith.constant 0 : i32
    %dma_start3A_101 = tpu.memref_slice %arg4[%dma_start3A_99, %dma_start3A_100] : memref<16384x128xf32, #tpu.memory_space<hbm>> -> memref<16384x128xf32, #tpu.memory_space<hbm>>
    tpu.enqueue_indirect_dma source(%dma_start3A_101 : memref<16384x128xf32, #tpu.memory_space<hbm>>) target(%dma_start3A_96 : memref<128x128xf32, #tpu.memory_space<vmem>>) offsets(%dma_start3A_98 : memref<128xi32, #tpu.memory_space<vmem>>) semaphore(%arg15 : memref<!tpu.dma_semaphore, #tpu.memory_space<semaphore_mem>>)
    %add3A_102 = arith.constant 0 : i32
    %add3A_103 = arith.addi %mul3A_4, %add3A_102 : i32
    %dma_start3A_104 = arith.constant 0 : i32
    %dma_start3A_105 = arith.constant 0 : i32
    %dma_start3A_106 = arith.constant 0 : i32
    %dma_start3A_107 = tpu.memref_slice %arg10[%dma_start3A_104, %dma_start3A_105, %dma_start3A_106] : memref<2x128x128xf32, #tpu.memory_space<vmem>> -> memref<1x128x128xf32, #tpu.memory_space<vmem>>
    %dma_start3A_108 = tpu.memref_squeeze %dma_start3A_107 : memref<1x128x128xf32, #tpu.memory_space<vmem>> -> memref<128x128xf32, #tpu.memory_space<vmem>>
    %dma_start3A_109 = arith.constant 0 : i32
    %dma_start3A_110 = tpu.memref_slice %arg5[%add3A_103, %dma_start3A_109] : memref<16384x128xf32, #tpu.memory_space<hbm>> -> memref<128x128xf32, #tpu.memory_space<hbm>>
    %dma_start3A_111 = arith.constant 0 : i32
    %dma_start3A_112 = tpu.memref_slice %arg5[%add3A_103, %dma_start3A_111] : memref<16384x128xf32, #tpu.memory_space<hbm>> -> memref<128x128xf32, #tpu.memory_space<hbm>>
    %dma_start3A_113 = arith.constant 0 : i32
    %dma_start3A_114 = arith.constant 0 : i32
    %dma_start3A_115 = tpu.memref_slice %arg10[%dma_start3A_104, %dma_start3A_113, %dma_start3A_114] : memref<2x128x128xf32, #tpu.memory_space<vmem>> -> memref<1x128x128xf32, #tpu.memory_space<vmem>>
    %dma_start3A_116 = tpu.memref_squeeze %dma_start3A_115 : memref<1x128x128xf32, #tpu.memory_space<vmem>> -> memref<128x128xf32, #tpu.memory_space<vmem>>
    tpu.enqueue_dma source(%dma_start3A_116 : memref<128x128xf32, #tpu.memory_space<vmem>>) target(%dma_start3A_112 : memref<128x128xf32, #tpu.memory_space<hbm>>) target_semaphore(%arg18 : memref<!tpu.dma_semaphore, #tpu.memory_space<semaphore_mem>>)
    %scan3A = arith.constant 0 : i32
    %scan3A_117 = arith.constant 0.0048828125 : f32
    %scan3A_118 = arith.constant 0 : i32
    %scan3A_119 = arith.constant 4 : i32
    %scan3A_120 = arith.addi %scan3A_118, %scan3A_119 : i32
    %scan3A_121 = arith.constant 1 : i32
    scf.for %scan3A_492 = %scan3A_118 to %scan3A_120 step %scan3A_121  : i32 {
      %parallel_loop3A_493 = arith.constant 0 : i32
      %parallel_loop3A_494 = arith.constant 16 : i32
      %parallel_loop3A_495 = arith.constant 1 : i32
      scf.for %parallel_loop3A_998 = %parallel_loop3A_493 to %parallel_loop3A_494 step %parallel_loop3A_495  : i32 {
        %parallel_loop3A_999 = arith.constant 0.000000e+00 : f32
        %parallel_loop3A_1000 = vector.broadcast %parallel_loop3A_999 : f32 to vector<16xf32>
        %parallel_loop3A_1001 = arith.constant 0.000000e+00 : f32
        %parallel_loop3A_1002 = vector.broadcast %parallel_loop3A_1001 : f32 to vector<16xf32>
        %parallel_loop3A_1003 = arith.constant 32 : i32
        %parallel_loop3A_1004 = arith.muli %parallel_loop3A_1003, %scan3A_492 : i32
        %parallel_loop3A_1005 = arith.constant 3 : i32
        %parallel_loop3A_1006 = arith.shrsi %parallel_loop3A_998, %parallel_loop3A_1005 : i32
        %parallel_loop3A_1007 = arith.constant 16 : i32
        %parallel_loop3A_1008 = arith.muli %parallel_loop3A_1007, %parallel_loop3A_1006 : i32
        %parallel_loop3A_1009 = arith.addi %parallel_loop3A_1004, %parallel_loop3A_1008 : i32
        %parallel_loop3A_1010 = arith.constant 7 : i32
        %parallel_loop3A_1011 = arith.andi %parallel_loop3A_998, %parallel_loop3A_1010 : i32
        %parallel_loop3A_1012 = arith.addi %parallel_loop3A_1009, %parallel_loop3A_1011 : i32
        %parallel_loop3A_1013 = arith.constant 0 : i32
        %parallel_loop3A_1014 = arith.addi %parallel_loop3A_1012, %parallel_loop3A_1013 : i32
        %parallel_loop3A_1015 = arith.constant 0 : i32
        %parallel_loop3A_1016 = arith.index_cast %parallel_loop3A_1015 : i32 to index
        %parallel_loop3A_1017 = arith.index_cast %parallel_loop3A_1014 : i32 to index
        %parallel_loop3A_1018 = arith.constant 0 : index
        %parallel_loop3A_1019 = tpu.vector_load %arg10[%parallel_loop3A_1016, %parallel_loop3A_1017, %parallel_loop3A_1018] {strides = array<i32>} : memref<2x128x128xf32, #tpu.memory_space<vmem>>, vector<16xf32>,
        %parallel_loop3A_1020 = arith.constant 0 : i32
        %parallel_loop3A_1021 = arith.index_cast %parallel_loop3A_1020 : i32 to index
        %parallel_loop3A_1022 = arith.index_cast %parallel_loop3A_1014 : i32 to index
        %parallel_loop3A_1023 = arith.constant 0 : index
        %parallel_loop3A_1024 = tpu.vector_load %arg11[%parallel_loop3A_1021, %parallel_loop3A_1022, %parallel_loop3A_1023] {strides = array<i32>} : memref<2x128x128xf32, #tpu.memory_space<vmem>>, vector<16xf32>,
        %parallel_loop3A_1025 = arith.subf %parallel_loop3A_1019, %parallel_loop3A_1024 : vector<16xf32>
        %parallel_loop3A_1026 = arith.mulf %parallel_loop3A_1025, %parallel_loop3A_1025 : vector<16xf32>
        %parallel_loop3A_1027 = arith.addf %parallel_loop3A_1000, %parallel_loop3A_1026 : vector<16xf32>
        %parallel_loop3A_1028 = arith.constant 0 : i32
        %parallel_loop3A_1029 = arith.index_cast %parallel_loop3A_1028 : i32 to index
        %parallel_loop3A_1030 = arith.index_cast %parallel_loop3A_1014 : i32 to index
        %parallel_loop3A_1031 = arith.constant 16 : index
        %parallel_loop3A_1032 = tpu.vector_load %arg10[%parallel_loop3A_1029, %parallel_loop3A_1030, %parallel_loop3A_1031] {strides = array<i32>} : memref<2x128x128xf32, #tpu.memory_space<vmem>>, vector<16xf32>,
        %parallel_loop3A_1033 = arith.constant 0 : i32
        %parallel_loop3A_1034 = arith.index_cast %parallel_loop3A_1033 : i32 to index
        %parallel_loop3A_1035 = arith.index_cast %parallel_loop3A_1014 : i32 to index
        %parallel_loop3A_1036 = arith.constant 16 : index
        %parallel_loop3A_1037 = tpu.vector_load %arg11[%parallel_loop3A_1034, %parallel_loop3A_1035, %parallel_loop3A_1036] {strides = array<i32>} : memref<2x128x128xf32, #tpu.memory_space<vmem>>, vector<16xf32>,
        %parallel_loop3A_1038 = arith.subf %parallel_loop3A_1032, %parallel_loop3A_1037 : vector<16xf32>
        %parallel_loop3A_1039 = arith.mulf %parallel_loop3A_1038, %parallel_loop3A_1038 : vector<16xf32>
        %parallel_loop3A_1040 = arith.addf %parallel_loop3A_1002, %parallel_loop3A_1039 : vector<16xf32>
        %parallel_loop3A_1041 = arith.constant 0 : i32
        %parallel_loop3A_1042 = arith.index_cast %parallel_loop3A_1041 : i32 to index
        %parallel_loop3A_1043 = arith.index_cast %parallel_loop3A_1014 : i32 to index
        %parallel_loop3A_1044 = arith.constant 32 : index
        %parallel_loop3A_1045 = tpu.vector_load %arg10[%parallel_loop3A_1042, %parallel_loop3A_1043, %parallel_loop3A_1044] {strides = array<i32>} : memref<2x128x128xf32, #tpu.memory_space<vmem>>, vector<16xf32>,
        %parallel_loop3A_1046 = arith.constant 0 : i32
        %parallel_loop3A_1047 = arith.index_cast %parallel_loop3A_1046 : i32 to index
        %parallel_loop3A_1048 = arith.index_cast %parallel_loop3A_1014 : i32 to index
        %parallel_loop3A_1049 = arith.constant 32 : index
        %parallel_loop3A_1050 = tpu.vector_load %arg11[%parallel_loop3A_1047, %parallel_loop3A_1048, %parallel_loop3A_1049] {strides = array<i32>} : memref<2x128x128xf32, #tpu.memory_space<vmem>>, vector<16xf32>,
        %parallel_loop3A_1051 = arith.subf %parallel_loop3A_1045, %parallel_loop3A_1050 : vector<16xf32>
        %parallel_loop3A_1052 = arith.mulf %parallel_loop3A_1051, %parallel_loop3A_1051 : vector<16xf32>
        %parallel_loop3A_1053 = arith.addf %parallel_loop3A_1027, %parallel_loop3A_1052 : vector<16xf32>
        %parallel_loop3A_1054 = arith.constant 0 : i32
        %parallel_loop3A_1055 = arith.index_cast %parallel_loop3A_1054 : i32 to index
        %parallel_loop3A_1056 = arith.index_cast %parallel_loop3A_1014 : i32 to index
        %parallel_loop3A_1057 = arith.constant 48 : index
        %parallel_loop3A_1058 = tpu.vector_load %arg10[%parallel_loop3A_1055, %parallel_loop3A_1056, %parallel_loop3A_1057] {strides = array<i32>} : memref<2x128x128xf32, #tpu.memory_space<vmem>>, vector<16xf32>,
        %parallel_loop3A_1059 = arith.constant 0 : i32
        %parallel_loop3A_1060 = arith.index_cast %parallel_loop3A_1059 : i32 to index
        %parallel_loop3A_1061 = arith.index_cast %parallel_loop3A_1014 : i32 to index
        %parallel_loop3A_1062 = arith.constant 48 : index
        %parallel_loop3A_1063 = tpu.vector_load %arg11[%parallel_loop3A_1060, %parallel_loop3A_1061, %parallel_loop3A_1062] {strides = array<i32>} : memref<2x128x128xf32, #tpu.memory_space<vmem>>, vector<16xf32>,
        %parallel_loop3A_1064 = arith.subf %parallel_loop3A_1058, %parallel_loop3A_1063 : vector<16xf32>
        %parallel_loop3A_1065 = arith.mulf %parallel_loop3A_1064, %parallel_loop3A_1064 : vector<16xf32>
        %parallel_loop3A_1066 = arith.addf %parallel_loop3A_1040, %parallel_loop3A_1065 : vector<16xf32>
        %parallel_loop3A_1067 = arith.constant 0 : i32
        %parallel_loop3A_1068 = arith.index_cast %parallel_loop3A_1067 : i32 to index
        %parallel_loop3A_1069 = arith.index_cast %parallel_loop3A_1014 : i32 to index
        %parallel_loop3A_1070 = arith.constant 64 : index
        %parallel_loop3A_1071 = tpu.vector_load %arg10[%parallel_loop3A_1068, %parallel_loop3A_1069, %parallel_loop3A_1070] {strides = array<i32>} : memref<2x128x128xf32, #tpu.memory_space<vmem>>, vector<16xf32>,
        %parallel_loop3A_1072 = arith.constant 0 : i32
        %parallel_loop3A_1073 = arith.index_cast %parallel_loop3A_1072 : i32 to index
        %parallel_loop3A_1074 = arith.index_cast %parallel_loop3A_1014 : i32 to index
        %parallel_loop3A_1075 = arith.constant 64 : index
        %parallel_loop3A_1076 = tpu.vector_load %arg11[%parallel_loop3A_1073, %parallel_loop3A_1074, %parallel_loop3A_1075] {strides = array<i32>} : memref<2x128x128xf32, #tpu.memory_space<vmem>>, vector<16xf32>,
        %parallel_loop3A_1077 = arith.subf %parallel_loop3A_1071, %parallel_loop3A_1076 : vector<16xf32>
        %parallel_loop3A_1078 = arith.mulf %parallel_loop3A_1077, %parallel_loop3A_1077 : vector<16xf32>
        %parallel_loop3A_1079 = arith.addf %parallel_loop3A_1053, %parallel_loop3A_1078 : vector<16xf32>
        %parallel_loop3A_1080 = arith.constant 0 : i32
        %parallel_loop3A_1081 = arith.index_cast %parallel_loop3A_1080 : i32 to index
        %parallel_loop3A_1082 = arith.index_cast %parallel_loop3A_1014 : i32 to index
        %parallel_loop3A_1083 = arith.constant 80 : index
        %parallel_loop3A_1084 = tpu.vector_load %arg10[%parallel_loop3A_1081, %parallel_loop3A_1082, %parallel_loop3A_1083] {strides = array<i32>} : memref<2x128x128xf32, #tpu.memory_space<vmem>>, vector<16xf32>,
        %parallel_loop3A_1085 = arith.constant 0 : i32
        %parallel_loop3A_1086 = arith.index_cast %parallel_loop3A_1085 : i32 to index
        %parallel_loop3A_1087 = arith.index_cast %parallel_loop3A_1014 : i32 to index
        %parallel_loop3A_1088 = arith.constant 80 : index
        %parallel_loop3A_1089 = tpu.vector_load %arg11[%parallel_loop3A_1086, %parallel_loop3A_1087, %parallel_loop3A_1088] {strides = array<i32>} : memref<2x128x128xf32, #tpu.memory_space<vmem>>, vector<16xf32>,
        %parallel_loop3A_1090 = arith.subf %parallel_loop3A_1084, %parallel_loop3A_1089 : vector<16xf32>
        %parallel_loop3A_1091 = arith.mulf %parallel_loop3A_1090, %parallel_loop3A_1090 : vector<16xf32>
        %parallel_loop3A_1092 = arith.addf %parallel_loop3A_1066, %parallel_loop3A_1091 : vector<16xf32>
        %parallel_loop3A_1093 = arith.constant 0 : i32
        %parallel_loop3A_1094 = arith.index_cast %parallel_loop3A_1093 : i32 to index
        %parallel_loop3A_1095 = arith.index_cast %parallel_loop3A_1014 : i32 to index
        %parallel_loop3A_1096 = arith.constant 96 : index
        %parallel_loop3A_1097 = tpu.vector_load %arg10[%parallel_loop3A_1094, %parallel_loop3A_1095, %parallel_loop3A_1096] {strides = array<i32>} : memref<2x128x128xf32, #tpu.memory_space<vmem>>, vector<16xf32>,
        %parallel_loop3A_1098 = arith.constant 0 : i32
        %parallel_loop3A_1099 = arith.index_cast %parallel_loop3A_1098 : i32 to index
        %parallel_loop3A_1100 = arith.index_cast %parallel_loop3A_1014 : i32 to index
        %parallel_loop3A_1101 = arith.constant 96 : index
        %parallel_loop3A_1102 = tpu.vector_load %arg11[%parallel_loop3A_1099, %parallel_loop3A_1100, %parallel_loop3A_1101] {strides = array<i32>} : memref<2x128x128xf32, #tpu.memory_space<vmem>>, vector<16xf32>,
        %parallel_loop3A_1103 = arith.subf %parallel_loop3A_1097, %parallel_loop3A_1102 : vector<16xf32>
        %parallel_loop3A_1104 = arith.mulf %parallel_loop3A_1103, %parallel_loop3A_1103 : vector<16xf32>
        %parallel_loop3A_1105 = arith.addf %parallel_loop3A_1079, %parallel_loop3A_1104 : vector<16xf32>
        %parallel_loop3A_1106 = arith.constant 0 : i32
        %parallel_loop3A_1107 = arith.index_cast %parallel_loop3A_1106 : i32 to index
        %parallel_loop3A_1108 = arith.index_cast %parallel_loop3A_1014 : i32 to index
        %parallel_loop3A_1109 = arith.constant 112 : index
        %parallel_loop3A_1110 = tpu.vector_load %arg10[%parallel_loop3A_1107, %parallel_loop3A_1108, %parallel_loop3A_1109] {strides = array<i32>} : memref<2x128x128xf32, #tpu.memory_space<vmem>>, vector<16xf32>,
        %parallel_loop3A_1111 = arith.constant 0 : i32
        %parallel_loop3A_1112 = arith.index_cast %parallel_loop3A_1111 : i32 to index
        %parallel_loop3A_1113 = arith.index_cast %parallel_loop3A_1014 : i32 to index
        %parallel_loop3A_1114 = arith.constant 112 : index
        %parallel_loop3A_1115 = tpu.vector_load %arg11[%parallel_loop3A_1112, %parallel_loop3A_1113, %parallel_loop3A_1114] {strides = array<i32>} : memref<2x128x128xf32, #tpu.memory_space<vmem>>, vector<16xf32>,
        %parallel_loop3A_1116 = arith.subf %parallel_loop3A_1110, %parallel_loop3A_1115 : vector<16xf32>
        %parallel_loop3A_1117 = arith.mulf %parallel_loop3A_1116, %parallel_loop3A_1116 : vector<16xf32>
        %parallel_loop3A_1118 = arith.addf %parallel_loop3A_1092, %parallel_loop3A_1117 : vector<16xf32>
        %parallel_loop3A_1119 = arith.constant 8 : i32
        %parallel_loop3A_1120 = arith.addi %parallel_loop3A_1012, %parallel_loop3A_1119 : i32
        %parallel_loop3A_1121 = arith.constant 0 : i32
        %parallel_loop3A_1122 = arith.index_cast %parallel_loop3A_1121 : i32 to index
        %parallel_loop3A_1123 = arith.index_cast %parallel_loop3A_1120 : i32 to index
        %parallel_loop3A_1124 = arith.constant 0 : index
        %parallel_loop3A_1125 = tpu.vector_load %arg10[%parallel_loop3A_1122, %parallel_loop3A_1123, %parallel_loop3A_1124] {strides = array<i32>} : memref<2x128x128xf32, #tpu.memory_space<vmem>>, vector<16xf32>,
        %parallel_loop3A_1126 = arith.constant 0 : i32
        %parallel_loop3A_1127 = arith.index_cast %parallel_loop3A_1126 : i32 to index
        %parallel_loop3A_1128 = arith.index_cast %parallel_loop3A_1120 : i32 to index
        %parallel_loop3A_1129 = arith.constant 0 : index
        %parallel_loop3A_1130 = tpu.vector_load %arg11[%parallel_loop3A_1127, %parallel_loop3A_1128, %parallel_loop3A_1129] {strides = array<i32>} : memref<2x128x128xf32, #tpu.memory_space<vmem>>, vector<16xf32>,
        %parallel_loop3A_1131 = arith.subf %parallel_loop3A_1125, %parallel_loop3A_1130 : vector<16xf32>
        %parallel_loop3A_1132 = arith.mulf %parallel_loop3A_1131, %parallel_loop3A_1131 : vector<16xf32>
        %parallel_loop3A_1133 = arith.addf %parallel_loop3A_1105, %parallel_loop3A_1132 : vector<16xf32>
        %parallel_loop3A_1134 = arith.constant 0 : i32
        %parallel_loop3A_1135 = arith.index_cast %parallel_loop3A_1134 : i32 to index
        %parallel_loop3A_1136 = arith.index_cast %parallel_loop3A_1120 : i32 to index
        %parallel_loop3A_1137 = arith.constant 16 : index
        %parallel_loop3A_1138 = tpu.vector_load %arg10[%parallel_loop3A_1135, %parallel_loop3A_1136, %parallel_loop3A_1137] {strides = array<i32>} : memref<2x128x128xf32, #tpu.memory_space<vmem>>, vector<16xf32>,
        %parallel_loop3A_1139 = arith.constant 0 : i32
        %parallel_loop3A_1140 = arith.index_cast %parallel_loop3A_1139 : i32 to index
        %parallel_loop3A_1141 = arith.index_cast %parallel_loop3A_1120 : i32 to index
        %parallel_loop3A_1142 = arith.constant 16 : index
        %parallel_loop3A_1143 = tpu.vector_load %arg11[%parallel_loop3A_1140, %parallel_loop3A_1141, %parallel_loop3A_1142] {strides = array<i32>} : memref<2x128x128xf32, #tpu.memory_space<vmem>>, vector<16xf32>,
        %parallel_loop3A_1144 = arith.subf %parallel_loop3A_1138, %parallel_loop3A_1143 : vector<16xf32>
        %parallel_loop3A_1145 = arith.mulf %parallel_loop3A_1144, %parallel_loop3A_1144 : vector<16xf32>
        %parallel_loop3A_1146 = arith.addf %parallel_loop3A_1118, %parallel_loop3A_1145 : vector<16xf32>
        %parallel_loop3A_1147 = arith.constant 0 : i32
        %parallel_loop3A_1148 = arith.index_cast %parallel_loop3A_1147 : i32 to index
        %parallel_loop3A_1149 = arith.index_cast %parallel_loop3A_1120 : i32 to index
        %parallel_loop3A_1150 = arith.constant 32 : index
        %parallel_loop3A_1151 = tpu.vector_load %arg10[%parallel_loop3A_1148, %parallel_loop3A_1149, %parallel_loop3A_1150] {strides = array<i32>} : memref<2x128x128xf32, #tpu.memory_space<vmem>>, vector<16xf32>,
        %parallel_loop3A_1152 = arith.constant 0 : i32
        %parallel_loop3A_1153 = arith.index_cast %parallel_loop3A_1152 : i32 to index
        %parallel_loop3A_1154 = arith.index_cast %parallel_loop3A_1120 : i32 to index
        %parallel_loop3A_1155 = arith.constant 32 : index
        %parallel_loop3A_1156 = tpu.vector_load %arg11[%parallel_loop3A_1153, %parallel_loop3A_1154, %parallel_loop3A_1155] {strides = array<i32>} : memref<2x128x128xf32, #tpu.memory_space<vmem>>, vector<16xf32>,
        %parallel_loop3A_1157 = arith.subf %parallel_loop3A_1151, %parallel_loop3A_1156 : vector<16xf32>
        %parallel_loop3A_1158 = arith.mulf %parallel_loop3A_1157, %parallel_loop3A_1157 : vector<16xf32>
        %parallel_loop3A_1159 = arith.addf %parallel_loop3A_1133, %parallel_loop3A_1158 : vector<16xf32>
        %parallel_loop3A_1160 = arith.constant 0 : i32
        %parallel_loop3A_1161 = arith.index_cast %parallel_loop3A_1160 : i32 to index
        %parallel_loop3A_1162 = arith.index_cast %parallel_loop3A_1120 : i32 to index
        %parallel_loop3A_1163 = arith.constant 48 : index
        %parallel_loop3A_1164 = tpu.vector_load %arg10[%parallel_loop3A_1161, %parallel_loop3A_1162, %parallel_loop3A_1163] {strides = array<i32>} : memref<2x128x128xf32, #tpu.memory_space<vmem>>, vector<16xf32>,
        %parallel_loop3A_1165 = arith.constant 0 : i32
        %parallel_loop3A_1166 = arith.index_cast %parallel_loop3A_1165 : i32 to index
        %parallel_loop3A_1167 = arith.index_cast %parallel_loop3A_1120 : i32 to index
        %parallel_loop3A_1168 = arith.constant 48 : index
        %parallel_loop3A_1169 = tpu.vector_load %arg11[%parallel_loop3A_1166, %parallel_loop3A_1167, %parallel_loop3A_1168] {strides = array<i32>} : memref<2x128x128xf32, #tpu.memory_space<vmem>>, vector<16xf32>,
        %parallel_loop3A_1170 = arith.subf %parallel_loop3A_1164, %parallel_loop3A_1169 : vector<16xf32>
        %parallel_loop3A_1171 = arith.mulf %parallel_loop3A_1170, %parallel_loop3A_1170 : vector<16xf32>
        %parallel_loop3A_1172 = arith.addf %parallel_loop3A_1146, %parallel_loop3A_1171 : vector<16xf32>
        %parallel_loop3A_1173 = arith.constant 0 : i32
        %parallel_loop3A_1174 = arith.index_cast %parallel_loop3A_1173 : i32 to index
        %parallel_loop3A_1175 = arith.index_cast %parallel_loop3A_1120 : i32 to index
        %parallel_loop3A_1176 = arith.constant 64 : index
        %parallel_loop3A_1177 = tpu.vector_load %arg10[%parallel_loop3A_1174, %parallel_loop3A_1175, %parallel_loop3A_1176] {strides = array<i32>} : memref<2x128x128xf32, #tpu.memory_space<vmem>>, vector<16xf32>,
        %parallel_loop3A_1178 = arith.constant 0 : i32
        %parallel_loop3A_1179 = arith.index_cast %parallel_loop3A_1178 : i32 to index
        %parallel_loop3A_1180 = arith.index_cast %parallel_loop3A_1120 : i32 to index
        %parallel_loop3A_1181 = arith.constant 64 : index
        %parallel_loop3A_1182 = tpu.vector_load %arg11[%parallel_loop3A_1179, %parallel_loop3A_1180, %parallel_loop3A_1181] {strides = array<i32>} : memref<2x128x128xf32, #tpu.memory_space<vmem>>, vector<16xf32>,
        %parallel_loop3A_1183 = arith.subf %parallel_loop3A_1177, %parallel_loop3A_1182 : vector<16xf32>
        %parallel_loop3A_1184 = arith.mulf %parallel_loop3A_1183, %parallel_loop3A_1183 : vector<16xf32>
        %parallel_loop3A_1185 = arith.addf %parallel_loop3A_1159, %parallel_loop3A_1184 : vector<16xf32>
        %parallel_loop3A_1186 = arith.constant 0 : i32
        %parallel_loop3A_1187 = arith.index_cast %parallel_loop3A_1186 : i32 to index
        %parallel_loop3A_1188 = arith.index_cast %parallel_loop3A_1120 : i32 to index
        %parallel_loop3A_1189 = arith.constant 80 : index
        %parallel_loop3A_1190 = tpu.vector_load %arg10[%parallel_loop3A_1187, %parallel_loop3A_1188, %parallel_loop3A_1189] {strides = array<i32>} : memref<2x128x128xf32, #tpu.memory_space<vmem>>, vector<16xf32>,
        %parallel_loop3A_1191 = arith.constant 0 : i32
        %parallel_loop3A_1192 = arith.index_cast %parallel_loop3A_1191 : i32 to index
        %parallel_loop3A_1193 = arith.index_cast %parallel_loop3A_1120 : i32 to index
        %parallel_loop3A_1194 = arith.constant 80 : index
        %parallel_loop3A_1195 = tpu.vector_load %arg11[%parallel_loop3A_1192, %parallel_loop3A_1193, %parallel_loop3A_1194] {strides = array<i32>} : memref<2x128x128xf32, #tpu.memory_space<vmem>>, vector<16xf32>,
        %parallel_loop3A_1196 = arith.subf %parallel_loop3A_1190, %parallel_loop3A_1195 : vector<16xf32>
        %parallel_loop3A_1197 = arith.mulf %parallel_loop3A_1196, %parallel_loop3A_1196 : vector<16xf32>
        %parallel_loop3A_1198 = arith.addf %parallel_loop3A_1172, %parallel_loop3A_1197 : vector<16xf32>
        %parallel_loop3A_1199 = arith.constant 0 : i32
        %parallel_loop3A_1200 = arith.index_cast %parallel_loop3A_1199 : i32 to index
        %parallel_loop3A_1201 = arith.index_cast %parallel_loop3A_1120 : i32 to index
        %parallel_loop3A_1202 = arith.constant 96 : index
        %parallel_loop3A_1203 = tpu.vector_load %arg10[%parallel_loop3A_1200, %parallel_loop3A_1201, %parallel_loop3A_1202] {strides = array<i32>} : memref<2x128x128xf32, #tpu.memory_space<vmem>>, vector<16xf32>,
        %parallel_loop3A_1204 = arith.constant 0 : i32
        %parallel_loop3A_1205 = arith.index_cast %parallel_loop3A_1204 : i32 to index
        %parallel_loop3A_1206 = arith.index_cast %parallel_loop3A_1120 : i32 to index
        %parallel_loop3A_1207 = arith.constant 96 : index
        %parallel_loop3A_1208 = tpu.vector_load %arg11[%parallel_loop3A_1205, %parallel_loop3A_1206, %parallel_loop3A_1207] {strides = array<i32>} : memref<2x128x128xf32, #tpu.memory_space<vmem>>, vector<16xf32>,
        %parallel_loop3A_1209 = arith.subf %parallel_loop3A_1203, %parallel_loop3A_1208 : vector<16xf32>
        %parallel_loop3A_1210 = arith.mulf %parallel_loop3A_1209, %parallel_loop3A_1209 : vector<16xf32>
        %parallel_loop3A_1211 = arith.addf %parallel_loop3A_1185, %parallel_loop3A_1210 : vector<16xf32>
        %parallel_loop3A_1212 = arith.constant 0 : i32
        %parallel_loop3A_1213 = arith.index_cast %parallel_loop3A_1212 : i32 to index
        %parallel_loop3A_1214 = arith.index_cast %parallel_loop3A_1120 : i32 to index
        %parallel_loop3A_1215 = arith.constant 112 : index
        %parallel_loop3A_1216 = tpu.vector_load %arg10[%parallel_loop3A_1213, %parallel_loop3A_1214, %parallel_loop3A_1215] {strides = array<i32>} : memref<2x128x128xf32, #tpu.memory_space<vmem>>, vector<16xf32>,
        %parallel_loop3A_1217 = arith.constant 0 : i32
        %parallel_loop3A_1218 = arith.index_cast %parallel_loop3A_1217 : i32 to index
        %parallel_loop3A_1219 = arith.index_cast %parallel_loop3A_1120 : i32 to index
        %parallel_loop3A_1220 = arith.constant 112 : index
        %parallel_loop3A_1221 = tpu.vector_load %arg11[%parallel_loop3A_1218, %parallel_loop3A_1219, %parallel_loop3A_1220] {strides = array<i32>} : memref<2x128x128xf32, #tpu.memory_space<vmem>>, vector<16xf32>,
        %parallel_loop3A_1222 = arith.subf %parallel_loop3A_1216, %parallel_loop3A_1221 : vector<16xf32>
        %parallel_loop3A_1223 = arith.mulf %parallel_loop3A_1222, %parallel_loop3A_1222 : vector<16xf32>
        %parallel_loop3A_1224 = arith.addf %parallel_loop3A_1198, %parallel_loop3A_1223 : vector<16xf32>
        %parallel_loop3A_1225 = arith.addf %parallel_loop3A_1211, %parallel_loop3A_1224 : vector<16xf32>
        %parallel_loop3A_1226 = arith.index_cast %parallel_loop3A_998 : i32 to index
        %parallel_loop3A_1227 = arith.constant 0 : index
        %parallel_loop3A_1228 = tpu.vector_load %arg13[%parallel_loop3A_1226, %parallel_loop3A_1227] {strides = array<i32>} : memref<16x16xf32, #tpu.memory_space<vmem>>, vector<16xf32>,
        tpu.vector_store %arg13[%parallel_loop3A_1226, %parallel_loop3A_1227], %parallel_loop3A_1225 {strides = array<i32>} : memref<16x16xf32, #tpu.memory_space<vmem>>, vector<16xf32>,
      } {sc.loop_unroll_factor = 1 : i64, sc.parallel_access}
      %get3A = arith.constant 0 : i32
      %get3A_496 = arith.index_cast %get3A : i32 to index
      %get3A_497 = arith.constant 0 : index
      %get3A_498 = tpu.vector_load %arg13[%get3A_496, %get3A_497] {strides = array<i32>} : memref<16x16xf32, #tpu.memory_space<vmem>>, vector<16xf32>,
      %get3A_499 = arith.constant 1 : i32
      %get3A_500 = arith.index_cast %get3A_499 : i32 to index
      %get3A_501 = arith.constant 0 : index
      %get3A_502 = tpu.vector_load %arg13[%get3A_500, %get3A_501] {strides = array<i32>} : memref<16x16xf32, #tpu.memory_space<vmem>>, vector<16xf32>,
      %get3A_503 = arith.constant 2 : i32
      %get3A_504 = arith.index_cast %get3A_503 : i32 to index
      %get3A_505 = arith.constant 0 : index
      %get3A_506 = tpu.vector_load %arg13[%get3A_504, %get3A_505] {strides = array<i32>} : memref<16x16xf32, #tpu.memory_space<vmem>>, vector<16xf32>,
      %get3A_507 = arith.constant 3 : i32
      %get3A_508 = arith.index_cast %get3A_507 : i32 to index
      %get3A_509 = arith.constant 0 : index
      %get3A_510 = tpu.vector_load %arg13[%get3A_508, %get3A_509] {strides = array<i32>} : memref<16x16xf32, #tpu.memory_space<vmem>>, vector<16xf32>,
      %get3A_511 = arith.constant 4 : i32
      %get3A_512 = arith.index_cast %get3A_511 : i32 to index
      %get3A_513 = arith.constant 0 : index
      %get3A_514 = tpu.vector_load %arg13[%get3A_512, %get3A_513] {strides = array<i32>} : memref<16x16xf32, #tpu.memory_space<vmem>>, vector<16xf32>,
      %get3A_515 = arith.constant 5 : i32
      %get3A_516 = arith.index_cast %get3A_515 : i32 to index
      %get3A_517 = arith.constant 0 : index
      %get3A_518 = tpu.vector_load %arg13[%get3A_516, %get3A_517] {strides = array<i32>} : memref<16x16xf32, #tpu.memory_space<vmem>>, vector<16xf32>,
      %get3A_519 = arith.constant 6 : i32
      %get3A_520 = arith.index_cast %get3A_519 : i32 to index
      %get3A_521 = arith.constant 0 : index
      %get3A_522 = tpu.vector_load %arg13[%get3A_520, %get3A_521] {strides = array<i32>} : memref<16x16xf32, #tpu.memory_space<vmem>>, vector<16xf32>,
      %get3A_523 = arith.constant 7 : i32
      %get3A_524 = arith.index_cast %get3A_523 : i32 to index
      %get3A_525 = arith.constant 0 : index
      %get3A_526 = tpu.vector_load %arg13[%get3A_524, %get3A_525] {strides = array<i32>} : memref<16x16xf32, #tpu.memory_space<vmem>>, vector<16xf32>,
      %get3A_527 = arith.constant 8 : i32
      %get3A_528 = arith.index_cast %get3A_527 : i32 to index
      %get3A_529 = arith.constant 0 : index
      %get3A_530 = tpu.vector_load %arg13[%get3A_528, %get3A_529] {strides = array<i32>} : memref<16x16xf32, #tpu.memory_space<vmem>>, vector<16xf32>,
      %get3A_531 = arith.constant 9 : i32
      %get3A_532 = arith.index_cast %get3A_531 : i32 to index
      %get3A_533 = arith.constant 0 : index
      %get3A_534 = tpu.vector_load %arg13[%get3A_532, %get3A_533] {strides = array<i32>} : memref<16x16xf32, #tpu.memory_space<vmem>>, vector<16xf32>,
      %get3A_535 = arith.constant 10 : i32
      %get3A_536 = arith.index_cast %get3A_535 : i32 to index
      %get3A_537 = arith.constant 0 : index
      %get3A_538 = tpu.vector_load %arg13[%get3A_536, %get3A_537] {strides = array<i32>} : memref<16x16xf32, #tpu.memory_space<vmem>>, vector<16xf32>,
      %get3A_539 = arith.constant 11 : i32
      %get3A_540 = arith.index_cast %get3A_539 : i32 to index
      %get3A_541 = arith.constant 0 : index
      %get3A_542 = tpu.vector_load %arg13[%get3A_540, %get3A_541] {strides = array<i32>} : memref<16x16xf32, #tpu.memory_space<vmem>>, vector<16xf32>,
      %get3A_543 = arith.constant 12 : i32
      %get3A_544 = arith.index_cast %get3A_543 : i32 to index
      %get3A_545 = arith.constant 0 : index
      %get3A_546 = tpu.vector_load %arg13[%get3A_544, %get3A_545] {strides = array<i32>} : memref<16x16xf32, #tpu.memory_space<vmem>>, vector<16xf32>,
      %get3A_547 = arith.constant 13 : i32
      %get3A_548 = arith.index_cast %get3A_547 : i32 to index
      %get3A_549 = arith.constant 0 : index
      %get3A_550 = tpu.vector_load %arg13[%get3A_548, %get3A_549] {strides = array<i32>} : memref<16x16xf32, #tpu.memory_space<vmem>>, vector<16xf32>,
      %get3A_551 = arith.constant 14 : i32
      %get3A_552 = arith.index_cast %get3A_551 : i32 to index
      %get3A_553 = arith.constant 0 : index
      %get3A_554 = tpu.vector_load %arg13[%get3A_552, %get3A_553] {strides = array<i32>} : memref<16x16xf32, #tpu.memory_space<vmem>>, vector<16xf32>,
      %get3A_555 = arith.constant 15 : i32
      %get3A_556 = arith.index_cast %get3A_555 : i32 to index
      %get3A_557 = arith.constant 0 : index
      %get3A_558 = tpu.vector_load %arg13[%get3A_556, %get3A_557] {strides = array<i32>} : memref<16x16xf32, #tpu.memory_space<vmem>>, vector<16xf32>,
      %xor3A = arith.constant 1 : i32
      %xor3A_559 = vector.broadcast %xor3A : i32 to vector<16xi32>
      %xor3A_560 = arith.xori %iota3A, %xor3A_559 : vector<16xi32>
      %lt3A_561 = arith.constant 0 : i32
      %lt3A_562 = vector.broadcast %lt3A_561 : i32 to vector<16xi32>
      %lt3A_563 = arith.cmpi slt, %xor3A_560, %lt3A_562 : vector<16xi32>
      %add3A_564 = arith.constant 16 : i32
      %add3A_565 = vector.broadcast %add3A_564 : i32 to vector<16xi32>
      %add3A_566 = arith.addi %xor3A_560, %add3A_565 : vector<16xi32>
      %select_n3A_567 = arith.select %lt3A_563, %add3A_566, %xor3A_560 : vector<16xi1>, vector<16xi32>
      %broadcast_in_dim3A = vector.shape_cast %select_n3A_567 : vector<16xi32> to vector<16x1xi32>
      %gather3A = vector.shape_cast %broadcast_in_dim3A : vector<16x1xi32> to vector<16xi32>
      %gather3A_568 = tpu.dynamic_gather %get3A_498[%gather3A] in [0] : vector<16xf32>, vector<16xi32> -> vector<16xf32>
      %xor3A_569 = arith.constant 1 : i32
      %xor3A_570 = vector.broadcast %xor3A_569 : i32 to vector<16xi32>
      %xor3A_571 = arith.xori %iota3A, %xor3A_570 : vector<16xi32>
      %lt3A_572 = arith.constant 0 : i32
      %lt3A_573 = vector.broadcast %lt3A_572 : i32 to vector<16xi32>
      %lt3A_574 = arith.cmpi slt, %xor3A_571, %lt3A_573 : vector<16xi32>
      %add3A_575 = arith.constant 16 : i32
      %add3A_576 = vector.broadcast %add3A_575 : i32 to vector<16xi32>
      %add3A_577 = arith.addi %xor3A_571, %add3A_576 : vector<16xi32>
      %select_n3A_578 = arith.select %lt3A_574, %add3A_577, %xor3A_571 : vector<16xi1>, vector<16xi32>
      %broadcast_in_dim3A_579 = vector.shape_cast %select_n3A_578 : vector<16xi32> to vector<16x1xi32>
      %gather3A_580 = vector.shape_cast %broadcast_in_dim3A_579 : vector<16x1xi32> to vector<16xi32>
      %gather3A_581 = tpu.dynamic_gather %get3A_502[%gather3A_580] in [0] : vector<16xf32>, vector<16xi32> -> vector<16xf32>
      %add3A_582 = arith.addf %get3A_498, %gather3A_568 : vector<16xf32>
      %add3A_583 = arith.addf %get3A_502, %gather3A_581 : vector<16xf32>
      %select_n3A_584 = arith.select %eq3A_9, %add3A_582, %add3A_583 : vector<16xi1>, vector<16xf32>
      %xor3A_585 = arith.constant 1 : i32
      %xor3A_586 = vector.broadcast %xor3A_585 : i32 to vector<16xi32>
      %xor3A_587 = arith.xori %iota3A, %xor3A_586 : vector<16xi32>
      %lt3A_588 = arith.constant 0 : i32
      %lt3A_589 = vector.broadcast %lt3A_588 : i32 to vector<16xi32>
      %lt3A_590 = arith.cmpi slt, %xor3A_587, %lt3A_589 : vector<16xi32>
      %add3A_591 = arith.constant 16 : i32
      %add3A_592 = vector.broadcast %add3A_591 : i32 to vector<16xi32>
      %add3A_593 = arith.addi %xor3A_587, %add3A_592 : vector<16xi32>
      %select_n3A_594 = arith.select %lt3A_590, %add3A_593, %xor3A_587 : vector<16xi1>, vector<16xi32>
      %broadcast_in_dim3A_595 = vector.shape_cast %select_n3A_594 : vector<16xi32> to vector<16x1xi32>
      %gather3A_596 = vector.shape_cast %broadcast_in_dim3A_595 : vector<16x1xi32> to vector<16xi32>
      %gather3A_597 = tpu.dynamic_gather %get3A_506[%gather3A_596] in [0] : vector<16xf32>, vector<16xi32> -> vector<16xf32>
      %xor3A_598 = arith.constant 1 : i32
      %xor3A_599 = vector.broadcast %xor3A_598 : i32 to vector<16xi32>
      %xor3A_600 = arith.xori %iota3A, %xor3A_599 : vector<16xi32>
      %lt3A_601 = arith.constant 0 : i32
      %lt3A_602 = vector.broadcast %lt3A_601 : i32 to vector<16xi32>
      %lt3A_603 = arith.cmpi slt, %xor3A_600, %lt3A_602 : vector<16xi32>
      %add3A_604 = arith.constant 16 : i32
      %add3A_605 = vector.broadcast %add3A_604 : i32 to vector<16xi32>
      %add3A_606 = arith.addi %xor3A_600, %add3A_605 : vector<16xi32>
      %select_n3A_607 = arith.select %lt3A_603, %add3A_606, %xor3A_600 : vector<16xi1>, vector<16xi32>
      %broadcast_in_dim3A_608 = vector.shape_cast %select_n3A_607 : vector<16xi32> to vector<16x1xi32>
      %gather3A_609 = vector.shape_cast %broadcast_in_dim3A_608 : vector<16x1xi32> to vector<16xi32>
      %gather3A_610 = tpu.dynamic_gather %get3A_510[%gather3A_609] in [0] : vector<16xf32>, vector<16xi32> -> vector<16xf32>
      %add3A_611 = arith.addf %get3A_506, %gather3A_597 : vector<16xf32>
      %add3A_612 = arith.addf %get3A_510, %gather3A_610 : vector<16xf32>
      %select_n3A_613 = arith.select %eq3A_9, %add3A_611, %add3A_612 : vector<16xi1>, vector<16xf32>
      %xor3A_614 = arith.constant 1 : i32
      %xor3A_615 = vector.broadcast %xor3A_614 : i32 to vector<16xi32>
      %xor3A_616 = arith.xori %iota3A, %xor3A_615 : vector<16xi32>
      %lt3A_617 = arith.constant 0 : i32
      %lt3A_618 = vector.broadcast %lt3A_617 : i32 to vector<16xi32>
      %lt3A_619 = arith.cmpi slt, %xor3A_616, %lt3A_618 : vector<16xi32>
      %add3A_620 = arith.constant 16 : i32
      %add3A_621 = vector.broadcast %add3A_620 : i32 to vector<16xi32>
      %add3A_622 = arith.addi %xor3A_616, %add3A_621 : vector<16xi32>
      %select_n3A_623 = arith.select %lt3A_619, %add3A_622, %xor3A_616 : vector<16xi1>, vector<16xi32>
      %broadcast_in_dim3A_624 = vector.shape_cast %select_n3A_623 : vector<16xi32> to vector<16x1xi32>
      %gather3A_625 = vector.shape_cast %broadcast_in_dim3A_624 : vector<16x1xi32> to vector<16xi32>
      %gather3A_626 = tpu.dynamic_gather %get3A_514[%gather3A_625] in [0] : vector<16xf32>, vector<16xi32> -> vector<16xf32>
      %xor3A_627 = arith.constant 1 : i32
      %xor3A_628 = vector.broadcast %xor3A_627 : i32 to vector<16xi32>
      %xor3A_629 = arith.xori %iota3A, %xor3A_628 : vector<16xi32>
      %lt3A_630 = arith.constant 0 : i32
      %lt3A_631 = vector.broadcast %lt3A_630 : i32 to vector<16xi32>
      %lt3A_632 = arith.cmpi slt, %xor3A_629, %lt3A_631 : vector<16xi32>
      %add3A_633 = arith.constant 16 : i32
      %add3A_634 = vector.broadcast %add3A_633 : i32 to vector<16xi32>
      %add3A_635 = arith.addi %xor3A_629, %add3A_634 : vector<16xi32>
      %select_n3A_636 = arith.select %lt3A_632, %add3A_635, %xor3A_629 : vector<16xi1>, vector<16xi32>
      %broadcast_in_dim3A_637 = vector.shape_cast %select_n3A_636 : vector<16xi32> to vector<16x1xi32>
      %gather3A_638 = vector.shape_cast %broadcast_in_dim3A_637 : vector<16x1xi32> to vector<16xi32>
      %gather3A_639 = tpu.dynamic_gather %get3A_518[%gather3A_638] in [0] : vector<16xf32>, vector<16xi32> -> vector<16xf32>
      %add3A_640 = arith.addf %get3A_514, %gather3A_626 : vector<16xf32>
      %add3A_641 = arith.addf %get3A_518, %gather3A_639 : vector<16xf32>
      %select_n3A_642 = arith.select %eq3A_9, %add3A_640, %add3A_641 : vector<16xi1>, vector<16xf32>
      %xor3A_643 = arith.constant 1 : i32
      %xor3A_644 = vector.broadcast %xor3A_643 : i32 to vector<16xi32>
      %xor3A_645 = arith.xori %iota3A, %xor3A_644 : vector<16xi32>
      %lt3A_646 = arith.constant 0 : i32
      %lt3A_647 = vector.broadcast %lt3A_646 : i32 to vector<16xi32>
      %lt3A_648 = arith.cmpi slt, %xor3A_645, %lt3A_647 : vector<16xi32>
      %add3A_649 = arith.constant 16 : i32
      %add3A_650 = vector.broadcast %add3A_649 : i32 to vector<16xi32>
      %add3A_651 = arith.addi %xor3A_645, %add3A_650 : vector<16xi32>
      %select_n3A_652 = arith.select %lt3A_648, %add3A_651, %xor3A_645 : vector<16xi1>, vector<16xi32>
      %broadcast_in_dim3A_653 = vector.shape_cast %select_n3A_652 : vector<16xi32> to vector<16x1xi32>
      %gather3A_654 = vector.shape_cast %broadcast_in_dim3A_653 : vector<16x1xi32> to vector<16xi32>
      %gather3A_655 = tpu.dynamic_gather %get3A_522[%gather3A_654] in [0] : vector<16xf32>, vector<16xi32> -> vector<16xf32>
      %xor3A_656 = arith.constant 1 : i32
      %xor3A_657 = vector.broadcast %xor3A_656 : i32 to vector<16xi32>
      %xor3A_658 = arith.xori %iota3A, %xor3A_657 : vector<16xi32>
      %lt3A_659 = arith.constant 0 : i32
      %lt3A_660 = vector.broadcast %lt3A_659 : i32 to vector<16xi32>
      %lt3A_661 = arith.cmpi slt, %xor3A_658, %lt3A_660 : vector<16xi32>
      %add3A_662 = arith.constant 16 : i32
      %add3A_663 = vector.broadcast %add3A_662 : i32 to vector<16xi32>
      %add3A_664 = arith.addi %xor3A_658, %add3A_663 : vector<16xi32>
      %select_n3A_665 = arith.select %lt3A_661, %add3A_664, %xor3A_658 : vector<16xi1>, vector<16xi32>
      %broadcast_in_dim3A_666 = vector.shape_cast %select_n3A_665 : vector<16xi32> to vector<16x1xi32>
      %gather3A_667 = vector.shape_cast %broadcast_in_dim3A_666 : vector<16x1xi32> to vector<16xi32>
      %gather3A_668 = tpu.dynamic_gather %get3A_526[%gather3A_667] in [0] : vector<16xf32>, vector<16xi32> -> vector<16xf32>
      %add3A_669 = arith.addf %get3A_522, %gather3A_655 : vector<16xf32>
      %add3A_670 = arith.addf %get3A_526, %gather3A_668 : vector<16xf32>
      %select_n3A_671 = arith.select %eq3A_9, %add3A_669, %add3A_670 : vector<16xi1>, vector<16xf32>
      %xor3A_672 = arith.constant 1 : i32
      %xor3A_673 = vector.broadcast %xor3A_672 : i32 to vector<16xi32>
      %xor3A_674 = arith.xori %iota3A, %xor3A_673 : vector<16xi32>
      %lt3A_675 = arith.constant 0 : i32
      %lt3A_676 = vector.broadcast %lt3A_675 : i32 to vector<16xi32>
      %lt3A_677 = arith.cmpi slt, %xor3A_674, %lt3A_676 : vector<16xi32>
      %add3A_678 = arith.constant 16 : i32
      %add3A_679 = vector.broadcast %add3A_678 : i32 to vector<16xi32>
      %add3A_680 = arith.addi %xor3A_674, %add3A_679 : vector<16xi32>
      %select_n3A_681 = arith.select %lt3A_677, %add3A_680, %xor3A_674 : vector<16xi1>, vector<16xi32>
      %broadcast_in_dim3A_682 = vector.shape_cast %select_n3A_681 : vector<16xi32> to vector<16x1xi32>
      %gather3A_683 = vector.shape_cast %broadcast_in_dim3A_682 : vector<16x1xi32> to vector<16xi32>
      %gather3A_684 = tpu.dynamic_gather %get3A_530[%gather3A_683] in [0] : vector<16xf32>, vector<16xi32> -> vector<16xf32>
      %xor3A_685 = arith.constant 1 : i32
      %xor3A_686 = vector.broadcast %xor3A_685 : i32 to vector<16xi32>
      %xor3A_687 = arith.xori %iota3A, %xor3A_686 : vector<16xi32>
      %lt3A_688 = arith.constant 0 : i32
      %lt3A_689 = vector.broadcast %lt3A_688 : i32 to vector<16xi32>
      %lt3A_690 = arith.cmpi slt, %xor3A_687, %lt3A_689 : vector<16xi32>
      %add3A_691 = arith.constant 16 : i32
      %add3A_692 = vector.broadcast %add3A_691 : i32 to vector<16xi32>
      %add3A_693 = arith.addi %xor3A_687, %add3A_692 : vector<16xi32>
      %select_n3A_694 = arith.select %lt3A_690, %add3A_693, %xor3A_687 : vector<16xi1>, vector<16xi32>
      %broadcast_in_dim3A_695 = vector.shape_cast %select_n3A_694 : vector<16xi32> to vector<16x1xi32>
      %gather3A_696 = vector.shape_cast %broadcast_in_dim3A_695 : vector<16x1xi32> to vector<16xi32>
      %gather3A_697 = tpu.dynamic_gather %get3A_534[%gather3A_696] in [0] : vector<16xf32>, vector<16xi32> -> vector<16xf32>
      %add3A_698 = arith.addf %get3A_530, %gather3A_684 : vector<16xf32>
      %add3A_699 = arith.addf %get3A_534, %gather3A_697 : vector<16xf32>
      %select_n3A_700 = arith.select %eq3A_9, %add3A_698, %add3A_699 : vector<16xi1>, vector<16xf32>
      %xor3A_701 = arith.constant 1 : i32
      %xor3A_702 = vector.broadcast %xor3A_701 : i32 to vector<16xi32>
      %xor3A_703 = arith.xori %iota3A, %xor3A_702 : vector<16xi32>
      %lt3A_704 = arith.constant 0 : i32
      %lt3A_705 = vector.broadcast %lt3A_704 : i32 to vector<16xi32>
      %lt3A_706 = arith.cmpi slt, %xor3A_703, %lt3A_705 : vector<16xi32>
      %add3A_707 = arith.constant 16 : i32
      %add3A_708 = vector.broadcast %add3A_707 : i32 to vector<16xi32>
      %add3A_709 = arith.addi %xor3A_703, %add3A_708 : vector<16xi32>
      %select_n3A_710 = arith.select %lt3A_706, %add3A_709, %xor3A_703 : vector<16xi1>, vector<16xi32>
      %broadcast_in_dim3A_711 = vector.shape_cast %select_n3A_710 : vector<16xi32> to vector<16x1xi32>
      %gather3A_712 = vector.shape_cast %broadcast_in_dim3A_711 : vector<16x1xi32> to vector<16xi32>
      %gather3A_713 = tpu.dynamic_gather %get3A_538[%gather3A_712] in [0] : vector<16xf32>, vector<16xi32> -> vector<16xf32>
      %xor3A_714 = arith.constant 1 : i32
      %xor3A_715 = vector.broadcast %xor3A_714 : i32 to vector<16xi32>
      %xor3A_716 = arith.xori %iota3A, %xor3A_715 : vector<16xi32>
      %lt3A_717 = arith.constant 0 : i32
      %lt3A_718 = vector.broadcast %lt3A_717 : i32 to vector<16xi32>
      %lt3A_719 = arith.cmpi slt, %xor3A_716, %lt3A_718 : vector<16xi32>
      %add3A_720 = arith.constant 16 : i32
      %add3A_721 = vector.broadcast %add3A_720 : i32 to vector<16xi32>
      %add3A_722 = arith.addi %xor3A_716, %add3A_721 : vector<16xi32>
      %select_n3A_723 = arith.select %lt3A_719, %add3A_722, %xor3A_716 : vector<16xi1>, vector<16xi32>
      %broadcast_in_dim3A_724 = vector.shape_cast %select_n3A_723 : vector<16xi32> to vector<16x1xi32>
      %gather3A_725 = vector.shape_cast %broadcast_in_dim3A_724 : vector<16x1xi32> to vector<16xi32>
      %gather3A_726 = tpu.dynamic_gather %get3A_542[%gather3A_725] in [0] : vector<16xf32>, vector<16xi32> -> vector<16xf32>
      %add3A_727 = arith.addf %get3A_538, %gather3A_713 : vector<16xf32>
      %add3A_728 = arith.addf %get3A_542, %gather3A_726 : vector<16xf32>
      %select_n3A_729 = arith.select %eq3A_9, %add3A_727, %add3A_728 : vector<16xi1>, vector<16xf32>
      %xor3A_730 = arith.constant 1 : i32
      %xor3A_731 = vector.broadcast %xor3A_730 : i32 to vector<16xi32>
      %xor3A_732 = arith.xori %iota3A, %xor3A_731 : vector<16xi32>
      %lt3A_733 = arith.constant 0 : i32
      %lt3A_734 = vector.broadcast %lt3A_733 : i32 to vector<16xi32>
      %lt3A_735 = arith.cmpi slt, %xor3A_732, %lt3A_734 : vector<16xi32>
      %add3A_736 = arith.constant 16 : i32
      %add3A_737 = vector.broadcast %add3A_736 : i32 to vector<16xi32>
      %add3A_738 = arith.addi %xor3A_732, %add3A_737 : vector<16xi32>
      %select_n3A_739 = arith.select %lt3A_735, %add3A_738, %xor3A_732 : vector<16xi1>, vector<16xi32>
      %broadcast_in_dim3A_740 = vector.shape_cast %select_n3A_739 : vector<16xi32> to vector<16x1xi32>
      %gather3A_741 = vector.shape_cast %broadcast_in_dim3A_740 : vector<16x1xi32> to vector<16xi32>
      %gather3A_742 = tpu.dynamic_gather %get3A_546[%gather3A_741] in [0] : vector<16xf32>, vector<16xi32> -> vector<16xf32>
      %xor3A_743 = arith.constant 1 : i32
      %xor3A_744 = vector.broadcast %xor3A_743 : i32 to vector<16xi32>
      %xor3A_745 = arith.xori %iota3A, %xor3A_744 : vector<16xi32>
      %lt3A_746 = arith.constant 0 : i32
      %lt3A_747 = vector.broadcast %lt3A_746 : i32 to vector<16xi32>
      %lt3A_748 = arith.cmpi slt, %xor3A_745, %lt3A_747 : vector<16xi32>
      %add3A_749 = arith.constant 16 : i32
      %add3A_750 = vector.broadcast %add3A_749 : i32 to vector<16xi32>
      %add3A_751 = arith.addi %xor3A_745, %add3A_750 : vector<16xi32>
      %select_n3A_752 = arith.select %lt3A_748, %add3A_751, %xor3A_745 : vector<16xi1>, vector<16xi32>
      %broadcast_in_dim3A_753 = vector.shape_cast %select_n3A_752 : vector<16xi32> to vector<16x1xi32>
      %gather3A_754 = vector.shape_cast %broadcast_in_dim3A_753 : vector<16x1xi32> to vector<16xi32>
      %gather3A_755 = tpu.dynamic_gather %get3A_550[%gather3A_754] in [0] : vector<16xf32>, vector<16xi32> -> vector<16xf32>
      %add3A_756 = arith.addf %get3A_546, %gather3A_742 : vector<16xf32>
      %add3A_757 = arith.addf %get3A_550, %gather3A_755 : vector<16xf32>
      %select_n3A_758 = arith.select %eq3A_9, %add3A_756, %add3A_757 : vector<16xi1>, vector<16xf32>
      %xor3A_759 = arith.constant 1 : i32
      %xor3A_760 = vector.broadcast %xor3A_759 : i32 to vector<16xi32>
      %xor3A_761 = arith.xori %iota3A, %xor3A_760 : vector<16xi32>
      %lt3A_762 = arith.constant 0 : i32
      %lt3A_763 = vector.broadcast %lt3A_762 : i32 to vector<16xi32>
      %lt3A_764 = arith.cmpi slt, %xor3A_761, %lt3A_763 : vector<16xi32>
      %add3A_765 = arith.constant 16 : i32
      %add3A_766 = vector.broadcast %add3A_765 : i32 to vector<16xi32>
      %add3A_767 = arith.addi %xor3A_761, %add3A_766 : vector<16xi32>
      %select_n3A_768 = arith.select %lt3A_764, %add3A_767, %xor3A_761 : vector<16xi1>, vector<16xi32>
      %broadcast_in_dim3A_769 = vector.shape_cast %select_n3A_768 : vector<16xi32> to vector<16x1xi32>
      %gather3A_770 = vector.shape_cast %broadcast_in_dim3A_769 : vector<16x1xi32> to vector<16xi32>
      %gather3A_771 = tpu.dynamic_gather %get3A_554[%gather3A_770] in [0] : vector<16xf32>, vector<16xi32> -> vector<16xf32>
      %xor3A_772 = arith.constant 1 : i32
      %xor3A_773 = vector.broadcast %xor3A_772 : i32 to vector<16xi32>
      %xor3A_774 = arith.xori %iota3A, %xor3A_773 : vector<16xi32>
      %lt3A_775 = arith.constant 0 : i32
      %lt3A_776 = vector.broadcast %lt3A_775 : i32 to vector<16xi32>
      %lt3A_777 = arith.cmpi slt, %xor3A_774, %lt3A_776 : vector<16xi32>
      %add3A_778 = arith.constant 16 : i32
      %add3A_779 = vector.broadcast %add3A_778 : i32 to vector<16xi32>
      %add3A_780 = arith.addi %xor3A_774, %add3A_779 : vector<16xi32>
      %select_n3A_781 = arith.select %lt3A_777, %add3A_780, %xor3A_774 : vector<16xi1>, vector<16xi32>
      %broadcast_in_dim3A_782 = vector.shape_cast %select_n3A_781 : vector<16xi32> to vector<16x1xi32>
      %gather3A_783 = vector.shape_cast %broadcast_in_dim3A_782 : vector<16x1xi32> to vector<16xi32>
      %gather3A_784 = tpu.dynamic_gather %get3A_558[%gather3A_783] in [0] : vector<16xf32>, vector<16xi32> -> vector<16xf32>
      %add3A_785 = arith.addf %get3A_554, %gather3A_771 : vector<16xf32>
      %add3A_786 = arith.addf %get3A_558, %gather3A_784 : vector<16xf32>
      %select_n3A_787 = arith.select %eq3A_9, %add3A_785, %add3A_786 : vector<16xi1>, vector<16xf32>
      %xor3A_788 = arith.constant 2 : i32
      %xor3A_789 = vector.broadcast %xor3A_788 : i32 to vector<16xi32>
      %xor3A_790 = arith.xori %iota3A, %xor3A_789 : vector<16xi32>
      %lt3A_791 = arith.constant 0 : i32
      %lt3A_792 = vector.broadcast %lt3A_791 : i32 to vector<16xi32>
      %lt3A_793 = arith.cmpi slt, %xor3A_790, %lt3A_792 : vector<16xi32>
      %add3A_794 = arith.constant 16 : i32
      %add3A_795 = vector.broadcast %add3A_794 : i32 to vector<16xi32>
      %add3A_796 = arith.addi %xor3A_790, %add3A_795 : vector<16xi32>
      %select_n3A_797 = arith.select %lt3A_793, %add3A_796, %xor3A_790 : vector<16xi1>, vector<16xi32>
      %broadcast_in_dim3A_798 = vector.shape_cast %select_n3A_797 : vector<16xi32> to vector<16x1xi32>
      %gather3A_799 = vector.shape_cast %broadcast_in_dim3A_798 : vector<16x1xi32> to vector<16xi32>
      %gather3A_800 = tpu.dynamic_gather %select_n3A_584[%gather3A_799] in [0] : vector<16xf32>, vector<16xi32> -> vector<16xf32>
      %xor3A_801 = arith.constant 2 : i32
      %xor3A_802 = vector.broadcast %xor3A_801 : i32 to vector<16xi32>
      %xor3A_803 = arith.xori %iota3A, %xor3A_802 : vector<16xi32>
      %lt3A_804 = arith.constant 0 : i32
      %lt3A_805 = vector.broadcast %lt3A_804 : i32 to vector<16xi32>
      %lt3A_806 = arith.cmpi slt, %xor3A_803, %lt3A_805 : vector<16xi32>
      %add3A_807 = arith.constant 16 : i32
      %add3A_808 = vector.broadcast %add3A_807 : i32 to vector<16xi32>
      %add3A_809 = arith.addi %xor3A_803, %add3A_808 : vector<16xi32>
      %select_n3A_810 = arith.select %lt3A_806, %add3A_809, %xor3A_803 : vector<16xi1>, vector<16xi32>
      %broadcast_in_dim3A_811 = vector.shape_cast %select_n3A_810 : vector<16xi32> to vector<16x1xi32>
      %gather3A_812 = vector.shape_cast %broadcast_in_dim3A_811 : vector<16x1xi32> to vector<16xi32>
      %gather3A_813 = tpu.dynamic_gather %select_n3A_613[%gather3A_812] in [0] : vector<16xf32>, vector<16xi32> -> vector<16xf32>
      %add3A_814 = arith.addf %select_n3A_584, %gather3A_800 : vector<16xf32>
      %add3A_815 = arith.addf %select_n3A_613, %gather3A_813 : vector<16xf32>
      %select_n3A_816 = arith.select %eq3A_15, %add3A_814, %add3A_815 : vector<16xi1>, vector<16xf32>
      %xor3A_817 = arith.constant 2 : i32
      %xor3A_818 = vector.broadcast %xor3A_817 : i32 to vector<16xi32>
      %xor3A_819 = arith.xori %iota3A, %xor3A_818 : vector<16xi32>
      %lt3A_820 = arith.constant 0 : i32
      %lt3A_821 = vector.broadcast %lt3A_820 : i32 to vector<16xi32>
      %lt3A_822 = arith.cmpi slt, %xor3A_819, %lt3A_821 : vector<16xi32>
      %add3A_823 = arith.constant 16 : i32
      %add3A_824 = vector.broadcast %add3A_823 : i32 to vector<16xi32>
      %add3A_825 = arith.addi %xor3A_819, %add3A_824 : vector<16xi32>
      %select_n3A_826 = arith.select %lt3A_822, %add3A_825, %xor3A_819 : vector<16xi1>, vector<16xi32>
      %broadcast_in_dim3A_827 = vector.shape_cast %select_n3A_826 : vector<16xi32> to vector<16x1xi32>
      %gather3A_828 = vector.shape_cast %broadcast_in_dim3A_827 : vector<16x1xi32> to vector<16xi32>
      %gather3A_829 = tpu.dynamic_gather %select_n3A_642[%gather3A_828] in [0] : vector<16xf32>, vector<16xi32> -> vector<16xf32>
      %xor3A_830 = arith.constant 2 : i32
      %xor3A_831 = vector.broadcast %xor3A_830 : i32 to vector<16xi32>
      %xor3A_832 = arith.xori %iota3A, %xor3A_831 : vector<16xi32>
      %lt3A_833 = arith.constant 0 : i32
      %lt3A_834 = vector.broadcast %lt3A_833 : i32 to vector<16xi32>
      %lt3A_835 = arith.cmpi slt, %xor3A_832, %lt3A_834 : vector<16xi32>
      %add3A_836 = arith.constant 16 : i32
      %add3A_837 = vector.broadcast %add3A_836 : i32 to vector<16xi32>
      %add3A_838 = arith.addi %xor3A_832, %add3A_837 : vector<16xi32>
      %select_n3A_839 = arith.select %lt3A_835, %add3A_838, %xor3A_832 : vector<16xi1>, vector<16xi32>
      %broadcast_in_dim3A_840 = vector.shape_cast %select_n3A_839 : vector<16xi32> to vector<16x1xi32>
      %gather3A_841 = vector.shape_cast %broadcast_in_dim3A_840 : vector<16x1xi32> to vector<16xi32>
      %gather3A_842 = tpu.dynamic_gather %select_n3A_671[%gather3A_841] in [0] : vector<16xf32>, vector<16xi32> -> vector<16xf32>
      %add3A_843 = arith.addf %select_n3A_642, %gather3A_829 : vector<16xf32>
      %add3A_844 = arith.addf %select_n3A_671, %gather3A_842 : vector<16xf32>
      %select_n3A_845 = arith.select %eq3A_15, %add3A_843, %add3A_844 : vector<16xi1>, vector<16xf32>
      %xor3A_846 = arith.constant 2 : i32
      %xor3A_847 = vector.broadcast %xor3A_846 : i32 to vector<16xi32>
      %xor3A_848 = arith.xori %iota3A, %xor3A_847 : vector<16xi32>
      %lt3A_849 = arith.constant 0 : i32
      %lt3A_850 = vector.broadcast %lt3A_849 : i32 to vector<16xi32>
      %lt3A_851 = arith.cmpi slt, %xor3A_848, %lt3A_850 : vector<16xi32>
      %add3A_852 = arith.constant 16 : i32
      %add3A_853 = vector.broadcast %add3A_852 : i32 to vector<16xi32>
      %add3A_854 = arith.addi %xor3A_848, %add3A_853 : vector<16xi32>
      %select_n3A_855 = arith.select %lt3A_851, %add3A_854, %xor3A_848 : vector<16xi1>, vector<16xi32>
      %broadcast_in_dim3A_856 = vector.shape_cast %select_n3A_855 : vector<16xi32> to vector<16x1xi32>
      %gather3A_857 = vector.shape_cast %broadcast_in_dim3A_856 : vector<16x1xi32> to vector<16xi32>
      %gather3A_858 = tpu.dynamic_gather %select_n3A_700[%gather3A_857] in [0] : vector<16xf32>, vector<16xi32> -> vector<16xf32>
      %xor3A_859 = arith.constant 2 : i32
      %xor3A_860 = vector.broadcast %xor3A_859 : i32 to vector<16xi32>
      %xor3A_861 = arith.xori %iota3A, %xor3A_860 : vector<16xi32>
      %lt3A_862 = arith.constant 0 : i32
      %lt3A_863 = vector.broadcast %lt3A_862 : i32 to vector<16xi32>
      %lt3A_864 = arith.cmpi slt, %xor3A_861, %lt3A_863 : vector<16xi32>
      %add3A_865 = arith.constant 16 : i32
      %add3A_866 = vector.broadcast %add3A_865 : i32 to vector<16xi32>
      %add3A_867 = arith.addi %xor3A_861, %add3A_866 : vector<16xi32>
      %select_n3A_868 = arith.select %lt3A_864, %add3A_867, %xor3A_861 : vector<16xi1>, vector<16xi32>
      %broadcast_in_dim3A_869 = vector.shape_cast %select_n3A_868 : vector<16xi32> to vector<16x1xi32>
      %gather3A_870 = vector.shape_cast %broadcast_in_dim3A_869 : vector<16x1xi32> to vector<16xi32>
      %gather3A_871 = tpu.dynamic_gather %select_n3A_729[%gather3A_870] in [0] : vector<16xf32>, vector<16xi32> -> vector<16xf32>
      %add3A_872 = arith.addf %select_n3A_700, %gather3A_858 : vector<16xf32>
      %add3A_873 = arith.addf %select_n3A_729, %gather3A_871 : vector<16xf32>
      %select_n3A_874 = arith.select %eq3A_15, %add3A_872, %add3A_873 : vector<16xi1>, vector<16xf32>
      %xor3A_875 = arith.constant 2 : i32
      %xor3A_876 = vector.broadcast %xor3A_875 : i32 to vector<16xi32>
      %xor3A_877 = arith.xori %iota3A, %xor3A_876 : vector<16xi32>
      %lt3A_878 = arith.constant 0 : i32
      %lt3A_879 = vector.broadcast %lt3A_878 : i32 to vector<16xi32>
      %lt3A_880 = arith.cmpi slt, %xor3A_877, %lt3A_879 : vector<16xi32>
      %add3A_881 = arith.constant 16 : i32
      %add3A_882 = vector.broadcast %add3A_881 : i32 to vector<16xi32>
      %add3A_883 = arith.addi %xor3A_877, %add3A_882 : vector<16xi32>
      %select_n3A_884 = arith.select %lt3A_880, %add3A_883, %xor3A_877 : vector<16xi1>, vector<16xi32>
      %broadcast_in_dim3A_885 = vector.shape_cast %select_n3A_884 : vector<16xi32> to vector<16x1xi32>
      %gather3A_886 = vector.shape_cast %broadcast_in_dim3A_885 : vector<16x1xi32> to vector<16xi32>
      %gather3A_887 = tpu.dynamic_gather %select_n3A_758[%gather3A_886] in [0] : vector<16xf32>, vector<16xi32> -> vector<16xf32>
      %xor3A_888 = arith.constant 2 : i32
      %xor3A_889 = vector.broadcast %xor3A_888 : i32 to vector<16xi32>
      %xor3A_890 = arith.xori %iota3A, %xor3A_889 : vector<16xi32>
      %lt3A_891 = arith.constant 0 : i32
      %lt3A_892 = vector.broadcast %lt3A_891 : i32 to vector<16xi32>
      %lt3A_893 = arith.cmpi slt, %xor3A_890, %lt3A_892 : vector<16xi32>
      %add3A_894 = arith.constant 16 : i32
      %add3A_895 = vector.broadcast %add3A_894 : i32 to vector<16xi32>
      %add3A_896 = arith.addi %xor3A_890, %add3A_895 : vector<16xi32>
      %select_n3A_897 = arith.select %lt3A_893, %add3A_896, %xor3A_890 : vector<16xi1>, vector<16xi32>
      %broadcast_in_dim3A_898 = vector.shape_cast %select_n3A_897 : vector<16xi32> to vector<16x1xi32>
      %gather3A_899 = vector.shape_cast %broadcast_in_dim3A_898 : vector<16x1xi32> to vector<16xi32>
      %gather3A_900 = tpu.dynamic_gather %select_n3A_787[%gather3A_899] in [0] : vector<16xf32>, vector<16xi32> -> vector<16xf32>
      %add3A_901 = arith.addf %select_n3A_758, %gather3A_887 : vector<16xf32>
      %add3A_902 = arith.addf %select_n3A_787, %gather3A_900 : vector<16xf32>
      %select_n3A_903 = arith.select %eq3A_15, %add3A_901, %add3A_902 : vector<16xi1>, vector<16xf32>
      %xor3A_904 = arith.constant 4 : i32
      %xor3A_905 = vector.broadcast %xor3A_904 : i32 to vector<16xi32>
      %xor3A_906 = arith.xori %iota3A, %xor3A_905 : vector<16xi32>
      %lt3A_907 = arith.constant 0 : i32
      %lt3A_908 = vector.broadcast %lt3A_907 : i32 to vector<16xi32>
      %lt3A_909 = arith.cmpi slt, %xor3A_906, %lt3A_908 : vector<16xi32>
      %add3A_910 = arith.constant 16 : i32
      %add3A_911 = vector.broadcast %add3A_910 : i32 to vector<16xi32>
      %add3A_912 = arith.addi %xor3A_906, %add3A_911 : vector<16xi32>
      %select_n3A_913 = arith.select %lt3A_909, %add3A_912, %xor3A_906 : vector<16xi1>, vector<16xi32>
      %broadcast_in_dim3A_914 = vector.shape_cast %select_n3A_913 : vector<16xi32> to vector<16x1xi32>
      %gather3A_915 = vector.shape_cast %broadcast_in_dim3A_914 : vector<16x1xi32> to vector<16xi32>
      %gather3A_916 = tpu.dynamic_gather %select_n3A_816[%gather3A_915] in [0] : vector<16xf32>, vector<16xi32> -> vector<16xf32>
      %xor3A_917 = arith.constant 4 : i32
      %xor3A_918 = vector.broadcast %xor3A_917 : i32 to vector<16xi32>
      %xor3A_919 = arith.xori %iota3A, %xor3A_918 : vector<16xi32>
      %lt3A_920 = arith.constant 0 : i32
      %lt3A_921 = vector.broadcast %lt3A_920 : i32 to vector<16xi32>
      %lt3A_922 = arith.cmpi slt, %xor3A_919, %lt3A_921 : vector<16xi32>
      %add3A_923 = arith.constant 16 : i32
      %add3A_924 = vector.broadcast %add3A_923 : i32 to vector<16xi32>
      %add3A_925 = arith.addi %xor3A_919, %add3A_924 : vector<16xi32>
      %select_n3A_926 = arith.select %lt3A_922, %add3A_925, %xor3A_919 : vector<16xi1>, vector<16xi32>
      %broadcast_in_dim3A_927 = vector.shape_cast %select_n3A_926 : vector<16xi32> to vector<16x1xi32>
      %gather3A_928 = vector.shape_cast %broadcast_in_dim3A_927 : vector<16x1xi32> to vector<16xi32>
      %gather3A_929 = tpu.dynamic_gather %select_n3A_845[%gather3A_928] in [0] : vector<16xf32>, vector<16xi32> -> vector<16xf32>
      %add3A_930 = arith.addf %select_n3A_816, %gather3A_916 : vector<16xf32>
      %add3A_931 = arith.addf %select_n3A_845, %gather3A_929 : vector<16xf32>
      %select_n3A_932 = arith.select %eq3A_21, %add3A_930, %add3A_931 : vector<16xi1>, vector<16xf32>
      %xor3A_933 = arith.constant 4 : i32
      %xor3A_934 = vector.broadcast %xor3A_933 : i32 to vector<16xi32>
      %xor3A_935 = arith.xori %iota3A, %xor3A_934 : vector<16xi32>
      %lt3A_936 = arith.constant 0 : i32
      %lt3A_937 = vector.broadcast %lt3A_936 : i32 to vector<16xi32>
      %lt3A_938 = arith.cmpi slt, %xor3A_935, %lt3A_937 : vector<16xi32>
      %add3A_939 = arith.constant 16 : i32
      %add3A_940 = vector.broadcast %add3A_939 : i32 to vector<16xi32>
      %add3A_941 = arith.addi %xor3A_935, %add3A_940 : vector<16xi32>
      %select_n3A_942 = arith.select %lt3A_938, %add3A_941, %xor3A_935 : vector<16xi1>, vector<16xi32>
      %broadcast_in_dim3A_943 = vector.shape_cast %select_n3A_942 : vector<16xi32> to vector<16x1xi32>
      %gather3A_944 = vector.shape_cast %broadcast_in_dim3A_943 : vector<16x1xi32> to vector<16xi32>
      %gather3A_945 = tpu.dynamic_gather %select_n3A_874[%gather3A_944] in [0] : vector<16xf32>, vector<16xi32> -> vector<16xf32>
      %xor3A_946 = arith.constant 4 : i32
      %xor3A_947 = vector.broadcast %xor3A_946 : i32 to vector<16xi32>
      %xor3A_948 = arith.xori %iota3A, %xor3A_947 : vector<16xi32>
      %lt3A_949 = arith.constant 0 : i32
      %lt3A_950 = vector.broadcast %lt3A_949 : i32 to vector<16xi32>
      %lt3A_951 = arith.cmpi slt, %xor3A_948, %lt3A_950 : vector<16xi32>
      %add3A_952 = arith.constant 16 : i32
      %add3A_953 = vector.broadcast %add3A_952 : i32 to vector<16xi32>
      %add3A_954 = arith.addi %xor3A_948, %add3A_953 : vector<16xi32>
      %select_n3A_955 = arith.select %lt3A_951, %add3A_954, %xor3A_948 : vector<16xi1>, vector<16xi32>
      %broadcast_in_dim3A_956 = vector.shape_cast %select_n3A_955 : vector<16xi32> to vector<16x1xi32>
      %gather3A_957 = vector.shape_cast %broadcast_in_dim3A_956 : vector<16x1xi32> to vector<16xi32>
      %gather3A_958 = tpu.dynamic_gather %select_n3A_903[%gather3A_957] in [0] : vector<16xf32>, vector<16xi32> -> vector<16xf32>
      %add3A_959 = arith.addf %select_n3A_874, %gather3A_945 : vector<16xf32>
      %add3A_960 = arith.addf %select_n3A_903, %gather3A_958 : vector<16xf32>
      %select_n3A_961 = arith.select %eq3A_21, %add3A_959, %add3A_960 : vector<16xi1>, vector<16xf32>
      %xor3A_962 = arith.constant 8 : i32
      %xor3A_963 = vector.broadcast %xor3A_962 : i32 to vector<16xi32>
      %xor3A_964 = arith.xori %iota3A, %xor3A_963 : vector<16xi32>
      %lt3A_965 = arith.constant 0 : i32
      %lt3A_966 = vector.broadcast %lt3A_965 : i32 to vector<16xi32>
      %lt3A_967 = arith.cmpi slt, %xor3A_964, %lt3A_966 : vector<16xi32>
      %add3A_968 = arith.constant 16 : i32
      %add3A_969 = vector.broadcast %add3A_968 : i32 to vector<16xi32>
      %add3A_970 = arith.addi %xor3A_964, %add3A_969 : vector<16xi32>
      %select_n3A_971 = arith.select %lt3A_967, %add3A_970, %xor3A_964 : vector<16xi1>, vector<16xi32>
      %broadcast_in_dim3A_972 = vector.shape_cast %select_n3A_971 : vector<16xi32> to vector<16x1xi32>
      %gather3A_973 = vector.shape_cast %broadcast_in_dim3A_972 : vector<16x1xi32> to vector<16xi32>
      %gather3A_974 = tpu.dynamic_gather %select_n3A_932[%gather3A_973] in [0] : vector<16xf32>, vector<16xi32> -> vector<16xf32>
      %xor3A_975 = arith.constant 8 : i32
      %xor3A_976 = vector.broadcast %xor3A_975 : i32 to vector<16xi32>
      %xor3A_977 = arith.xori %iota3A, %xor3A_976 : vector<16xi32>
      %lt3A_978 = arith.constant 0 : i32
      %lt3A_979 = vector.broadcast %lt3A_978 : i32 to vector<16xi32>
      %lt3A_980 = arith.cmpi slt, %xor3A_977, %lt3A_979 : vector<16xi32>
      %add3A_981 = arith.constant 16 : i32
      %add3A_982 = vector.broadcast %add3A_981 : i32 to vector<16xi32>
      %add3A_983 = arith.addi %xor3A_977, %add3A_982 : vector<16xi32>
      %select_n3A_984 = arith.select %lt3A_980, %add3A_983, %xor3A_977 : vector<16xi1>, vector<16xi32>
      %broadcast_in_dim3A_985 = vector.shape_cast %select_n3A_984 : vector<16xi32> to vector<16x1xi32>
      %gather3A_986 = vector.shape_cast %broadcast_in_dim3A_985 : vector<16x1xi32> to vector<16xi32>
      %gather3A_987 = tpu.dynamic_gather %select_n3A_961[%gather3A_986] in [0] : vector<16xf32>, vector<16xi32> -> vector<16xf32>
      %add3A_988 = arith.addf %select_n3A_932, %gather3A_974 : vector<16xf32>
      %add3A_989 = arith.addf %select_n3A_961, %gather3A_987 : vector<16xf32>
      %select_n3A_990 = arith.select %eq3A_27, %add3A_988, %add3A_989 : vector<16xi1>, vector<16xf32>
      %mul3A_991 = vector.broadcast %scan3A_117 : f32 to vector<16xf32>
      %mul3A_992 = arith.mulf %select_n3A_990, %mul3A_991 : vector<16xf32>
      %mul3A_993 = arith.constant 16 : i32
      %mul3A_994 = arith.muli %scan3A_492, %mul3A_993 : i32
      %add3A_995 = arith.constant 0 : i32
      %add3A_996 = arith.addi %add3A_995, %mul3A_994 : i32
      %swap3A = arith.index_cast %add3A_996 : i32 to index
      %swap3A_997 = tpu.vector_load %arg12[%swap3A] {strides = array<i32>} : memref<256xf32, #tpu.memory_space<vmem>>, vector<16xf32>,
      tpu.vector_store %arg12[%swap3A], %mul3A_992 {strides = array<i32>} : memref<256xf32, #tpu.memory_space<vmem>>, vector<16xf32>,
    }
    %scan3A_122 = arith.constant 4 : i32
    %dma_wait3A_123 = arith.constant 1 : i32
    %dma_wait3A_124 = arith.constant 0 : i32
    %dma_wait3A_125 = arith.constant 0 : i32
    %dma_wait3A_126 = tpu.memref_slice %arg10[%dma_wait3A_123, %dma_wait3A_124, %dma_wait3A_125] : memref<2x128x128xf32, #tpu.memory_space<vmem>> -> memref<1x128x128xf32, #tpu.memory_space<vmem>>
    %dma_wait3A_127 = tpu.memref_squeeze %dma_wait3A_126 : memref<1x128x128xf32, #tpu.memory_space<vmem>> -> memref<128x128xf32, #tpu.memory_space<vmem>>
    %dma_wait3A_128 = arith.constant 128 : i32
    %dma_wait3A_129 = tpu.memref_slice %arg9[%dma_wait3A_128] : memref<512xi32, #tpu.memory_space<vmem>> -> memref<128xi32, #tpu.memory_space<vmem>>
    %dma_wait3A_130 = arith.constant 0 : i32
    %dma_wait3A_131 = arith.constant 0 : i32
    %dma_wait3A_132 = tpu.memref_slice %arg4[%dma_wait3A_130, %dma_wait3A_131] : memref<16384x128xf32, #tpu.memory_space<hbm>> -> memref<16384x128xf32, #tpu.memory_space<hbm>>
    tpu.wait_indirect_dma semaphore(%arg15 : memref<!tpu.dma_semaphore, #tpu.memory_space<semaphore_mem>>) src(%dma_wait3A_132 : memref<16384x128xf32, #tpu.memory_space<hbm>>) dst(%dma_wait3A_127 : memref<128x128xf32, #tpu.memory_space<vmem>>)
    %dma_wait3A_133 = arith.constant 1 : i32
    %dma_wait3A_134 = arith.constant 0 : i32
    %dma_wait3A_135 = arith.constant 0 : i32
    %dma_wait3A_136 = tpu.memref_slice %arg11[%dma_wait3A_133, %dma_wait3A_134, %dma_wait3A_135] : memref<2x128x128xf32, #tpu.memory_space<vmem>> -> memref<1x128x128xf32, #tpu.memory_space<vmem>>
    %dma_wait3A_137 = tpu.memref_squeeze %dma_wait3A_136 : memref<1x128x128xf32, #tpu.memory_space<vmem>> -> memref<128x128xf32, #tpu.memory_space<vmem>>
    %dma_wait3A_138 = arith.constant 0 : i32
    %dma_wait3A_139 = tpu.memref_slice %arg3[%add3A_78, %dma_wait3A_138] : memref<16384x128xf32, #tpu.memory_space<hbm>> -> memref<128x128xf32, #tpu.memory_space<hbm>>
    %dma_wait3A_140 = arith.constant 0 : i32
    %dma_wait3A_141 = arith.constant 0 : i32
    %dma_wait3A_142 = tpu.memref_slice %arg11[%dma_wait3A_133, %dma_wait3A_140, %dma_wait3A_141] : memref<2x128x128xf32, #tpu.memory_space<vmem>> -> memref<1x128x128xf32, #tpu.memory_space<vmem>>
    %dma_wait3A_143 = tpu.memref_squeeze %dma_wait3A_142 : memref<1x128x128xf32, #tpu.memory_space<vmem>> -> memref<128x128xf32, #tpu.memory_space<vmem>>
    %dma_wait3A_144 = arith.constant 0 : i32
    %dma_wait3A_145 = tpu.memref_slice %arg3[%add3A_78, %dma_wait3A_144] : memref<16384x128xf32, #tpu.memory_space<hbm>> -> memref<128x128xf32, #tpu.memory_space<hbm>>
    tpu.wait_dma2 semaphore(%arg17 : memref<!tpu.dma_semaphore, #tpu.memory_space<semaphore_mem>>) src(%dma_wait3A_145 : memref<128x128xf32, #tpu.memory_space<hbm>>) dst(%dma_wait3A_143 : memref<128x128xf32, #tpu.memory_space<vmem>>)
    %dma_wait3A_146 = arith.constant 0 : i32
    %dma_wait3A_147 = arith.constant 0 : i32
    %dma_wait3A_148 = arith.constant 0 : i32
    %dma_wait3A_149 = tpu.memref_slice %arg10[%dma_wait3A_146, %dma_wait3A_147, %dma_wait3A_148] : memref<2x128x128xf32, #tpu.memory_space<vmem>> -> memref<1x128x128xf32, #tpu.memory_space<vmem>>
    %dma_wait3A_150 = tpu.memref_squeeze %dma_wait3A_149 : memref<1x128x128xf32, #tpu.memory_space<vmem>> -> memref<128x128xf32, #tpu.memory_space<vmem>>
    %dma_wait3A_151 = arith.constant 0 : i32
    %dma_wait3A_152 = tpu.memref_slice %arg5[%add3A_103, %dma_wait3A_151] : memref<16384x128xf32, #tpu.memory_space<hbm>> -> memref<128x128xf32, #tpu.memory_space<hbm>>
    %dma_wait3A_153 = arith.constant 0 : i32
    %dma_wait3A_154 = tpu.memref_slice %arg5[%add3A_103, %dma_wait3A_153] : memref<16384x128xf32, #tpu.memory_space<hbm>> -> memref<128x128xf32, #tpu.memory_space<hbm>>
    %dma_wait3A_155 = arith.constant 0 : i32
    %dma_wait3A_156 = arith.constant 0 : i32
    %dma_wait3A_157 = tpu.memref_slice %arg10[%dma_wait3A_146, %dma_wait3A_155, %dma_wait3A_156] : memref<2x128x128xf32, #tpu.memory_space<vmem>> -> memref<1x128x128xf32, #tpu.memory_space<vmem>>
    %dma_wait3A_158 = tpu.memref_squeeze %dma_wait3A_157 : memref<1x128x128xf32, #tpu.memory_space<vmem>> -> memref<128x128xf32, #tpu.memory_space<vmem>>
    tpu.wait_dma2 semaphore(%arg18 : memref<!tpu.dma_semaphore, #tpu.memory_space<semaphore_mem>>) src(%dma_wait3A_158 : memref<128x128xf32, #tpu.memory_space<vmem>>) dst(%dma_wait3A_154 : memref<128x128xf32, #tpu.memory_space<hbm>>)
    %add3A_159 = arith.constant 256 : i32
    %add3A_160 = arith.addi %mul3A_4, %add3A_159 : i32
    %dma_start3A_161 = arith.constant 0 : i32
    %dma_start3A_162 = arith.constant 0 : i32
    %dma_start3A_163 = arith.constant 0 : i32
    %dma_start3A_164 = tpu.memref_slice %arg11[%dma_start3A_161, %dma_start3A_162, %dma_start3A_163] : memref<2x128x128xf32, #tpu.memory_space<vmem>> -> memref<1x128x128xf32, #tpu.memory_space<vmem>>
    %dma_start3A_165 = tpu.memref_squeeze %dma_start3A_164 : memref<1x128x128xf32, #tpu.memory_space<vmem>> -> memref<128x128xf32, #tpu.memory_space<vmem>>
    %dma_start3A_166 = arith.constant 0 : i32
    %dma_start3A_167 = tpu.memref_slice %arg3[%add3A_160, %dma_start3A_166] : memref<16384x128xf32, #tpu.memory_space<hbm>> -> memref<128x128xf32, #tpu.memory_space<hbm>>
    %dma_start3A_168 = arith.constant 0 : i32
    %dma_start3A_169 = arith.constant 0 : i32
    %dma_start3A_170 = tpu.memref_slice %arg11[%dma_start3A_161, %dma_start3A_168, %dma_start3A_169] : memref<2x128x128xf32, #tpu.memory_space<vmem>> -> memref<1x128x128xf32, #tpu.memory_space<vmem>>
    %dma_start3A_171 = tpu.memref_squeeze %dma_start3A_170 : memref<1x128x128xf32, #tpu.memory_space<vmem>> -> memref<128x128xf32, #tpu.memory_space<vmem>>
    %dma_start3A_172 = arith.constant 0 : i32
    %dma_start3A_173 = tpu.memref_slice %arg3[%add3A_160, %dma_start3A_172] : memref<16384x128xf32, #tpu.memory_space<hbm>> -> memref<128x128xf32, #tpu.memory_space<hbm>>
    tpu.enqueue_dma source(%dma_start3A_173 : memref<128x128xf32, #tpu.memory_space<hbm>>) target(%dma_start3A_171 : memref<128x128xf32, #tpu.memory_space<vmem>>) target_semaphore(%arg16 : memref<!tpu.dma_semaphore, #tpu.memory_space<semaphore_mem>>)
    %dma_start3A_174 = arith.constant 0 : i32
    %dma_start3A_175 = arith.constant 0 : i32
    %dma_start3A_176 = arith.constant 0 : i32
    %dma_start3A_177 = tpu.memref_slice %arg10[%dma_start3A_174, %dma_start3A_175, %dma_start3A_176] : memref<2x128x128xf32, #tpu.memory_space<vmem>> -> memref<1x128x128xf32, #tpu.memory_space<vmem>>
    %dma_start3A_178 = tpu.memref_squeeze %dma_start3A_177 : memref<1x128x128xf32, #tpu.memory_space<vmem>> -> memref<128x128xf32, #tpu.memory_space<vmem>>
    %dma_start3A_179 = arith.constant 256 : i32
    %dma_start3A_180 = tpu.memref_slice %arg9[%dma_start3A_179] : memref<512xi32, #tpu.memory_space<vmem>> -> memref<128xi32, #tpu.memory_space<vmem>>
    %dma_start3A_181 = arith.constant 0 : i32
    %dma_start3A_182 = arith.constant 0 : i32
    %dma_start3A_183 = tpu.memref_slice %arg4[%dma_start3A_181, %dma_start3A_182] : memref<16384x128xf32, #tpu.memory_space<hbm>> -> memref<16384x128xf32, #tpu.memory_space<hbm>>
    tpu.enqueue_indirect_dma source(%dma_start3A_183 : memref<16384x128xf32, #tpu.memory_space<hbm>>) target(%dma_start3A_178 : memref<128x128xf32, #tpu.memory_space<vmem>>) offsets(%dma_start3A_180 : memref<128xi32, #tpu.memory_space<vmem>>) semaphore(%arg14 : memref<!tpu.dma_semaphore, #tpu.memory_space<semaphore_mem>>)
    %add3A_184 = arith.constant 128 : i32
    %add3A_185 = arith.addi %mul3A_4, %add3A_184 : i32
    %dma_start3A_186 = arith.constant 1 : i32
    %dma_start3A_187 = arith.constant 0 : i32
    %dma_start3A_188 = arith.constant 0 : i32
    %dma_start3A_189 = tpu.memref_slice %arg10[%dma_start3A_186, %dma_start3A_187, %dma_start3A_188] : memref<2x128x128xf32, #tpu.memory_space<vmem>> -> memref<1x128x128xf32, #tpu.memory_space<vmem>>
    %dma_start3A_190 = tpu.memref_squeeze %dma_start3A_189 : memref<1x128x128xf32, #tpu.memory_space<vmem>> -> memref<128x128xf32, #tpu.memory_space<vmem>>
    %dma_start3A_191 = arith.constant 0 : i32
    %dma_start3A_192 = tpu.memref_slice %arg5[%add3A_185, %dma_start3A_191] : memref<16384x128xf32, #tpu.memory_space<hbm>> -> memref<128x128xf32, #tpu.memory_space<hbm>>
    %dma_start3A_193 = arith.constant 0 : i32
    %dma_start3A_194 = tpu.memref_slice %arg5[%add3A_185, %dma_start3A_193] : memref<16384x128xf32, #tpu.memory_space<hbm>> -> memref<128x128xf32, #tpu.memory_space<hbm>>
    %dma_start3A_195 = arith.constant 0 : i32
    %dma_start3A_196 = arith.constant 0 : i32
    %dma_start3A_197 = tpu.memref_slice %arg10[%dma_start3A_186, %dma_start3A_195, %dma_start3A_196] : memref<2x128x128xf32, #tpu.memory_space<vmem>> -> memref<1x128x128xf32, #tpu.memory_space<vmem>>
    %dma_start3A_198 = tpu.memref_squeeze %dma_start3A_197 : memref<1x128x128xf32, #tpu.memory_space<vmem>> -> memref<128x128xf32, #tpu.memory_space<vmem>>
    tpu.enqueue_dma source(%dma_start3A_198 : memref<128x128xf32, #tpu.memory_space<vmem>>) target(%dma_start3A_194 : memref<128x128xf32, #tpu.memory_space<hbm>>) target_semaphore(%arg19 : memref<!tpu.dma_semaphore, #tpu.memory_space<semaphore_mem>>)
    %scan3A_199 = arith.constant 0 : i32
    %scan3A_200 = arith.constant 0.0048828125 : f32
    %scan3A_201 = arith.constant 0 : i32
    %scan3A_202 = arith.constant 4 : i32
    %scan3A_203 = arith.addi %scan3A_201, %scan3A_202 : i32
    %scan3A_204 = arith.constant 1 : i32
    scf.for %scan3A_492 = %scan3A_201 to %scan3A_203 step %scan3A_204  : i32 {
      %parallel_loop3A_493 = arith.constant 0 : i32
      %parallel_loop3A_494 = arith.constant 16 : i32
      %parallel_loop3A_495 = arith.constant 1 : i32
      scf.for %parallel_loop3A_998 = %parallel_loop3A_493 to %parallel_loop3A_494 step %parallel_loop3A_495  : i32 {
        %parallel_loop3A_999 = arith.constant 0.000000e+00 : f32
        %parallel_loop3A_1000 = vector.broadcast %parallel_loop3A_999 : f32 to vector<16xf32>
        %parallel_loop3A_1001 = arith.constant 0.000000e+00 : f32
        %parallel_loop3A_1002 = vector.broadcast %parallel_loop3A_1001 : f32 to vector<16xf32>
        %parallel_loop3A_1003 = arith.constant 32 : i32
        %parallel_loop3A_1004 = arith.muli %parallel_loop3A_1003, %scan3A_492 : i32
        %parallel_loop3A_1005 = arith.constant 3 : i32
        %parallel_loop3A_1006 = arith.shrsi %parallel_loop3A_998, %parallel_loop3A_1005 : i32
        %parallel_loop3A_1007 = arith.constant 16 : i32
        %parallel_loop3A_1008 = arith.muli %parallel_loop3A_1007, %parallel_loop3A_1006 : i32
        %parallel_loop3A_1009 = arith.addi %parallel_loop3A_1004, %parallel_loop3A_1008 : i32
        %parallel_loop3A_1010 = arith.constant 7 : i32
        %parallel_loop3A_1011 = arith.andi %parallel_loop3A_998, %parallel_loop3A_1010 : i32
        %parallel_loop3A_1012 = arith.addi %parallel_loop3A_1009, %parallel_loop3A_1011 : i32
        %parallel_loop3A_1013 = arith.constant 0 : i32
        %parallel_loop3A_1014 = arith.addi %parallel_loop3A_1012, %parallel_loop3A_1013 : i32
        %parallel_loop3A_1015 = arith.constant 1 : i32
        %parallel_loop3A_1016 = arith.index_cast %parallel_loop3A_1015 : i32 to index
        %parallel_loop3A_1017 = arith.index_cast %parallel_loop3A_1014 : i32 to index
        %parallel_loop3A_1018 = arith.constant 0 : index
        %parallel_loop3A_1019 = tpu.vector_load %arg10[%parallel_loop3A_1016, %parallel_loop3A_1017, %parallel_loop3A_1018] {strides = array<i32>} : memref<2x128x128xf32, #tpu.memory_space<vmem>>, vector<16xf32>,
        %parallel_loop3A_1020 = arith.constant 1 : i32
        %parallel_loop3A_1021 = arith.index_cast %parallel_loop3A_1020 : i32 to index
        %parallel_loop3A_1022 = arith.index_cast %parallel_loop3A_1014 : i32 to index
        %parallel_loop3A_1023 = arith.constant 0 : index
        %parallel_loop3A_1024 = tpu.vector_load %arg11[%parallel_loop3A_1021, %parallel_loop3A_1022, %parallel_loop3A_1023] {strides = array<i32>} : memref<2x128x128xf32, #tpu.memory_space<vmem>>, vector<16xf32>,
        %parallel_loop3A_1025 = arith.subf %parallel_loop3A_1019, %parallel_loop3A_1024 : vector<16xf32>
        %parallel_loop3A_1026 = arith.mulf %parallel_loop3A_1025, %parallel_loop3A_1025 : vector<16xf32>
        %parallel_loop3A_1027 = arith.addf %parallel_loop3A_1000, %parallel_loop3A_1026 : vector<16xf32>
        %parallel_loop3A_1028 = arith.constant 1 : i32
        %parallel_loop3A_1029 = arith.index_cast %parallel_loop3A_1028 : i32 to index
        %parallel_loop3A_1030 = arith.index_cast %parallel_loop3A_1014 : i32 to index
        %parallel_loop3A_1031 = arith.constant 16 : index
        %parallel_loop3A_1032 = tpu.vector_load %arg10[%parallel_loop3A_1029, %parallel_loop3A_1030, %parallel_loop3A_1031] {strides = array<i32>} : memref<2x128x128xf32, #tpu.memory_space<vmem>>, vector<16xf32>,
        %parallel_loop3A_1033 = arith.constant 1 : i32
        %parallel_loop3A_1034 = arith.index_cast %parallel_loop3A_1033 : i32 to index
        %parallel_loop3A_1035 = arith.index_cast %parallel_loop3A_1014 : i32 to index
        %parallel_loop3A_1036 = arith.constant 16 : index
        %parallel_loop3A_1037 = tpu.vector_load %arg11[%parallel_loop3A_1034, %parallel_loop3A_1035, %parallel_loop3A_1036] {strides = array<i32>} : memref<2x128x128xf32, #tpu.memory_space<vmem>>, vector<16xf32>,
        %parallel_loop3A_1038 = arith.subf %parallel_loop3A_1032, %parallel_loop3A_1037 : vector<16xf32>
        %parallel_loop3A_1039 = arith.mulf %parallel_loop3A_1038, %parallel_loop3A_1038 : vector<16xf32>
        %parallel_loop3A_1040 = arith.addf %parallel_loop3A_1002, %parallel_loop3A_1039 : vector<16xf32>
        %parallel_loop3A_1041 = arith.constant 1 : i32
        %parallel_loop3A_1042 = arith.index_cast %parallel_loop3A_1041 : i32 to index
        %parallel_loop3A_1043 = arith.index_cast %parallel_loop3A_1014 : i32 to index
        %parallel_loop3A_1044 = arith.constant 32 : index
        %parallel_loop3A_1045 = tpu.vector_load %arg10[%parallel_loop3A_1042, %parallel_loop3A_1043, %parallel_loop3A_1044] {strides = array<i32>} : memref<2x128x128xf32, #tpu.memory_space<vmem>>, vector<16xf32>,
        %parallel_loop3A_1046 = arith.constant 1 : i32
        %parallel_loop3A_1047 = arith.index_cast %parallel_loop3A_1046 : i32 to index
        %parallel_loop3A_1048 = arith.index_cast %parallel_loop3A_1014 : i32 to index
        %parallel_loop3A_1049 = arith.constant 32 : index
        %parallel_loop3A_1050 = tpu.vector_load %arg11[%parallel_loop3A_1047, %parallel_loop3A_1048, %parallel_loop3A_1049] {strides = array<i32>} : memref<2x128x128xf32, #tpu.memory_space<vmem>>, vector<16xf32>,
        %parallel_loop3A_1051 = arith.subf %parallel_loop3A_1045, %parallel_loop3A_1050 : vector<16xf32>
        %parallel_loop3A_1052 = arith.mulf %parallel_loop3A_1051, %parallel_loop3A_1051 : vector<16xf32>
        %parallel_loop3A_1053 = arith.addf %parallel_loop3A_1027, %parallel_loop3A_1052 : vector<16xf32>
        %parallel_loop3A_1054 = arith.constant 1 : i32
        %parallel_loop3A_1055 = arith.index_cast %parallel_loop3A_1054 : i32 to index
        %parallel_loop3A_1056 = arith.index_cast %parallel_loop3A_1014 : i32 to index
        %parallel_loop3A_1057 = arith.constant 48 : index
        %parallel_loop3A_1058 = tpu.vector_load %arg10[%parallel_loop3A_1055, %parallel_loop3A_1056, %parallel_loop3A_1057] {strides = array<i32>} : memref<2x128x128xf32, #tpu.memory_space<vmem>>, vector<16xf32>,
        %parallel_loop3A_1059 = arith.constant 1 : i32
        %parallel_loop3A_1060 = arith.index_cast %parallel_loop3A_1059 : i32 to index
        %parallel_loop3A_1061 = arith.index_cast %parallel_loop3A_1014 : i32 to index
        %parallel_loop3A_1062 = arith.constant 48 : index
        %parallel_loop3A_1063 = tpu.vector_load %arg11[%parallel_loop3A_1060, %parallel_loop3A_1061, %parallel_loop3A_1062] {strides = array<i32>} : memref<2x128x128xf32, #tpu.memory_space<vmem>>, vector<16xf32>,
        %parallel_loop3A_1064 = arith.subf %parallel_loop3A_1058, %parallel_loop3A_1063 : vector<16xf32>
        %parallel_loop3A_1065 = arith.mulf %parallel_loop3A_1064, %parallel_loop3A_1064 : vector<16xf32>
        %parallel_loop3A_1066 = arith.addf %parallel_loop3A_1040, %parallel_loop3A_1065 : vector<16xf32>
        %parallel_loop3A_1067 = arith.constant 1 : i32
        %parallel_loop3A_1068 = arith.index_cast %parallel_loop3A_1067 : i32 to index
        %parallel_loop3A_1069 = arith.index_cast %parallel_loop3A_1014 : i32 to index
        %parallel_loop3A_1070 = arith.constant 64 : index
        %parallel_loop3A_1071 = tpu.vector_load %arg10[%parallel_loop3A_1068, %parallel_loop3A_1069, %parallel_loop3A_1070] {strides = array<i32>} : memref<2x128x128xf32, #tpu.memory_space<vmem>>, vector<16xf32>,
        %parallel_loop3A_1072 = arith.constant 1 : i32
        %parallel_loop3A_1073 = arith.index_cast %parallel_loop3A_1072 : i32 to index
        %parallel_loop3A_1074 = arith.index_cast %parallel_loop3A_1014 : i32 to index
        %parallel_loop3A_1075 = arith.constant 64 : index
        %parallel_loop3A_1076 = tpu.vector_load %arg11[%parallel_loop3A_1073, %parallel_loop3A_1074, %parallel_loop3A_1075] {strides = array<i32>} : memref<2x128x128xf32, #tpu.memory_space<vmem>>, vector<16xf32>,
        %parallel_loop3A_1077 = arith.subf %parallel_loop3A_1071, %parallel_loop3A_1076 : vector<16xf32>
        %parallel_loop3A_1078 = arith.mulf %parallel_loop3A_1077, %parallel_loop3A_1077 : vector<16xf32>
        %parallel_loop3A_1079 = arith.addf %parallel_loop3A_1053, %parallel_loop3A_1078 : vector<16xf32>
        %parallel_loop3A_1080 = arith.constant 1 : i32
        %parallel_loop3A_1081 = arith.index_cast %parallel_loop3A_1080 : i32 to index
        %parallel_loop3A_1082 = arith.index_cast %parallel_loop3A_1014 : i32 to index
        %parallel_loop3A_1083 = arith.constant 80 : index
        %parallel_loop3A_1084 = tpu.vector_load %arg10[%parallel_loop3A_1081, %parallel_loop3A_1082, %parallel_loop3A_1083] {strides = array<i32>} : memref<2x128x128xf32, #tpu.memory_space<vmem>>, vector<16xf32>,
        %parallel_loop3A_1085 = arith.constant 1 : i32
        %parallel_loop3A_1086 = arith.index_cast %parallel_loop3A_1085 : i32 to index
        %parallel_loop3A_1087 = arith.index_cast %parallel_loop3A_1014 : i32 to index
        %parallel_loop3A_1088 = arith.constant 80 : index
        %parallel_loop3A_1089 = tpu.vector_load %arg11[%parallel_loop3A_1086, %parallel_loop3A_1087, %parallel_loop3A_1088] {strides = array<i32>} : memref<2x128x128xf32, #tpu.memory_space<vmem>>, vector<16xf32>,
        %parallel_loop3A_1090 = arith.subf %parallel_loop3A_1084, %parallel_loop3A_1089 : vector<16xf32>
        %parallel_loop3A_1091 = arith.mulf %parallel_loop3A_1090, %parallel_loop3A_1090 : vector<16xf32>
        %parallel_loop3A_1092 = arith.addf %parallel_loop3A_1066, %parallel_loop3A_1091 : vector<16xf32>
        %parallel_loop3A_1093 = arith.constant 1 : i32
        %parallel_loop3A_1094 = arith.index_cast %parallel_loop3A_1093 : i32 to index
        %parallel_loop3A_1095 = arith.index_cast %parallel_loop3A_1014 : i32 to index
        %parallel_loop3A_1096 = arith.constant 96 : index
        %parallel_loop3A_1097 = tpu.vector_load %arg10[%parallel_loop3A_1094, %parallel_loop3A_1095, %parallel_loop3A_1096] {strides = array<i32>} : memref<2x128x128xf32, #tpu.memory_space<vmem>>, vector<16xf32>,
        %parallel_loop3A_1098 = arith.constant 1 : i32
        %parallel_loop3A_1099 = arith.index_cast %parallel_loop3A_1098 : i32 to index
        %parallel_loop3A_1100 = arith.index_cast %parallel_loop3A_1014 : i32 to index
        %parallel_loop3A_1101 = arith.constant 96 : index
        %parallel_loop3A_1102 = tpu.vector_load %arg11[%parallel_loop3A_1099, %parallel_loop3A_1100, %parallel_loop3A_1101] {strides = array<i32>} : memref<2x128x128xf32, #tpu.memory_space<vmem>>, vector<16xf32>,
        %parallel_loop3A_1103 = arith.subf %parallel_loop3A_1097, %parallel_loop3A_1102 : vector<16xf32>
        %parallel_loop3A_1104 = arith.mulf %parallel_loop3A_1103, %parallel_loop3A_1103 : vector<16xf32>
        %parallel_loop3A_1105 = arith.addf %parallel_loop3A_1079, %parallel_loop3A_1104 : vector<16xf32>
        %parallel_loop3A_1106 = arith.constant 1 : i32
        %parallel_loop3A_1107 = arith.index_cast %parallel_loop3A_1106 : i32 to index
        %parallel_loop3A_1108 = arith.index_cast %parallel_loop3A_1014 : i32 to index
        %parallel_loop3A_1109 = arith.constant 112 : index
        %parallel_loop3A_1110 = tpu.vector_load %arg10[%parallel_loop3A_1107, %parallel_loop3A_1108, %parallel_loop3A_1109] {strides = array<i32>} : memref<2x128x128xf32, #tpu.memory_space<vmem>>, vector<16xf32>,
        %parallel_loop3A_1111 = arith.constant 1 : i32
        %parallel_loop3A_1112 = arith.index_cast %parallel_loop3A_1111 : i32 to index
        %parallel_loop3A_1113 = arith.index_cast %parallel_loop3A_1014 : i32 to index
        %parallel_loop3A_1114 = arith.constant 112 : index
        %parallel_loop3A_1115 = tpu.vector_load %arg11[%parallel_loop3A_1112, %parallel_loop3A_1113, %parallel_loop3A_1114] {strides = array<i32>} : memref<2x128x128xf32, #tpu.memory_space<vmem>>, vector<16xf32>,
        %parallel_loop3A_1116 = arith.subf %parallel_loop3A_1110, %parallel_loop3A_1115 : vector<16xf32>
        %parallel_loop3A_1117 = arith.mulf %parallel_loop3A_1116, %parallel_loop3A_1116 : vector<16xf32>
        %parallel_loop3A_1118 = arith.addf %parallel_loop3A_1092, %parallel_loop3A_1117 : vector<16xf32>
        %parallel_loop3A_1119 = arith.constant 8 : i32
        %parallel_loop3A_1120 = arith.addi %parallel_loop3A_1012, %parallel_loop3A_1119 : i32
        %parallel_loop3A_1121 = arith.constant 1 : i32
        %parallel_loop3A_1122 = arith.index_cast %parallel_loop3A_1121 : i32 to index
        %parallel_loop3A_1123 = arith.index_cast %parallel_loop3A_1120 : i32 to index
        %parallel_loop3A_1124 = arith.constant 0 : index
        %parallel_loop3A_1125 = tpu.vector_load %arg10[%parallel_loop3A_1122, %parallel_loop3A_1123, %parallel_loop3A_1124] {strides = array<i32>} : memref<2x128x128xf32, #tpu.memory_space<vmem>>, vector<16xf32>,
        %parallel_loop3A_1126 = arith.constant 1 : i32
        %parallel_loop3A_1127 = arith.index_cast %parallel_loop3A_1126 : i32 to index
        %parallel_loop3A_1128 = arith.index_cast %parallel_loop3A_1120 : i32 to index
        %parallel_loop3A_1129 = arith.constant 0 : index
        %parallel_loop3A_1130 = tpu.vector_load %arg11[%parallel_loop3A_1127, %parallel_loop3A_1128, %parallel_loop3A_1129] {strides = array<i32>} : memref<2x128x128xf32, #tpu.memory_space<vmem>>, vector<16xf32>,
        %parallel_loop3A_1131 = arith.subf %parallel_loop3A_1125, %parallel_loop3A_1130 : vector<16xf32>
        %parallel_loop3A_1132 = arith.mulf %parallel_loop3A_1131, %parallel_loop3A_1131 : vector<16xf32>
        %parallel_loop3A_1133 = arith.addf %parallel_loop3A_1105, %parallel_loop3A_1132 : vector<16xf32>
        %parallel_loop3A_1134 = arith.constant 1 : i32
        %parallel_loop3A_1135 = arith.index_cast %parallel_loop3A_1134 : i32 to index
        %parallel_loop3A_1136 = arith.index_cast %parallel_loop3A_1120 : i32 to index
        %parallel_loop3A_1137 = arith.constant 16 : index
        %parallel_loop3A_1138 = tpu.vector_load %arg10[%parallel_loop3A_1135, %parallel_loop3A_1136, %parallel_loop3A_1137] {strides = array<i32>} : memref<2x128x128xf32, #tpu.memory_space<vmem>>, vector<16xf32>,
        %parallel_loop3A_1139 = arith.constant 1 : i32
        %parallel_loop3A_1140 = arith.index_cast %parallel_loop3A_1139 : i32 to index
        %parallel_loop3A_1141 = arith.index_cast %parallel_loop3A_1120 : i32 to index
        %parallel_loop3A_1142 = arith.constant 16 : index
        %parallel_loop3A_1143 = tpu.vector_load %arg11[%parallel_loop3A_1140, %parallel_loop3A_1141, %parallel_loop3A_1142] {strides = array<i32>} : memref<2x128x128xf32, #tpu.memory_space<vmem>>, vector<16xf32>,
        %parallel_loop3A_1144 = arith.subf %parallel_loop3A_1138, %parallel_loop3A_1143 : vector<16xf32>
        %parallel_loop3A_1145 = arith.mulf %parallel_loop3A_1144, %parallel_loop3A_1144 : vector<16xf32>
        %parallel_loop3A_1146 = arith.addf %parallel_loop3A_1118, %parallel_loop3A_1145 : vector<16xf32>
        %parallel_loop3A_1147 = arith.constant 1 : i32
        %parallel_loop3A_1148 = arith.index_cast %parallel_loop3A_1147 : i32 to index
        %parallel_loop3A_1149 = arith.index_cast %parallel_loop3A_1120 : i32 to index
        %parallel_loop3A_1150 = arith.constant 32 : index
        %parallel_loop3A_1151 = tpu.vector_load %arg10[%parallel_loop3A_1148, %parallel_loop3A_1149, %parallel_loop3A_1150] {strides = array<i32>} : memref<2x128x128xf32, #tpu.memory_space<vmem>>, vector<16xf32>,
        %parallel_loop3A_1152 = arith.constant 1 : i32
        %parallel_loop3A_1153 = arith.index_cast %parallel_loop3A_1152 : i32 to index
        %parallel_loop3A_1154 = arith.index_cast %parallel_loop3A_1120 : i32 to index
        %parallel_loop3A_1155 = arith.constant 32 : index
        %parallel_loop3A_1156 = tpu.vector_load %arg11[%parallel_loop3A_1153, %parallel_loop3A_1154, %parallel_loop3A_1155] {strides = array<i32>} : memref<2x128x128xf32, #tpu.memory_space<vmem>>, vector<16xf32>,
        %parallel_loop3A_1157 = arith.subf %parallel_loop3A_1151, %parallel_loop3A_1156 : vector<16xf32>
        %parallel_loop3A_1158 = arith.mulf %parallel_loop3A_1157, %parallel_loop3A_1157 : vector<16xf32>
        %parallel_loop3A_1159 = arith.addf %parallel_loop3A_1133, %parallel_loop3A_1158 : vector<16xf32>
        %parallel_loop3A_1160 = arith.constant 1 : i32
        %parallel_loop3A_1161 = arith.index_cast %parallel_loop3A_1160 : i32 to index
        %parallel_loop3A_1162 = arith.index_cast %parallel_loop3A_1120 : i32 to index
        %parallel_loop3A_1163 = arith.constant 48 : index
        %parallel_loop3A_1164 = tpu.vector_load %arg10[%parallel_loop3A_1161, %parallel_loop3A_1162, %parallel_loop3A_1163] {strides = array<i32>} : memref<2x128x128xf32, #tpu.memory_space<vmem>>, vector<16xf32>,
        %parallel_loop3A_1165 = arith.constant 1 : i32
        %parallel_loop3A_1166 = arith.index_cast %parallel_loop3A_1165 : i32 to index
        %parallel_loop3A_1167 = arith.index_cast %parallel_loop3A_1120 : i32 to index
        %parallel_loop3A_1168 = arith.constant 48 : index
        %parallel_loop3A_1169 = tpu.vector_load %arg11[%parallel_loop3A_1166, %parallel_loop3A_1167, %parallel_loop3A_1168] {strides = array<i32>} : memref<2x128x128xf32, #tpu.memory_space<vmem>>, vector<16xf32>,
        %parallel_loop3A_1170 = arith.subf %parallel_loop3A_1164, %parallel_loop3A_1169 : vector<16xf32>
        %parallel_loop3A_1171 = arith.mulf %parallel_loop3A_1170, %parallel_loop3A_1170 : vector<16xf32>
        %parallel_loop3A_1172 = arith.addf %parallel_loop3A_1146, %parallel_loop3A_1171 : vector<16xf32>
        %parallel_loop3A_1173 = arith.constant 1 : i32
        %parallel_loop3A_1174 = arith.index_cast %parallel_loop3A_1173 : i32 to index
        %parallel_loop3A_1175 = arith.index_cast %parallel_loop3A_1120 : i32 to index
        %parallel_loop3A_1176 = arith.constant 64 : index
        %parallel_loop3A_1177 = tpu.vector_load %arg10[%parallel_loop3A_1174, %parallel_loop3A_1175, %parallel_loop3A_1176] {strides = array<i32>} : memref<2x128x128xf32, #tpu.memory_space<vmem>>, vector<16xf32>,
        %parallel_loop3A_1178 = arith.constant 1 : i32
        %parallel_loop3A_1179 = arith.index_cast %parallel_loop3A_1178 : i32 to index
        %parallel_loop3A_1180 = arith.index_cast %parallel_loop3A_1120 : i32 to index
        %parallel_loop3A_1181 = arith.constant 64 : index
        %parallel_loop3A_1182 = tpu.vector_load %arg11[%parallel_loop3A_1179, %parallel_loop3A_1180, %parallel_loop3A_1181] {strides = array<i32>} : memref<2x128x128xf32, #tpu.memory_space<vmem>>, vector<16xf32>,
        %parallel_loop3A_1183 = arith.subf %parallel_loop3A_1177, %parallel_loop3A_1182 : vector<16xf32>
        %parallel_loop3A_1184 = arith.mulf %parallel_loop3A_1183, %parallel_loop3A_1183 : vector<16xf32>
        %parallel_loop3A_1185 = arith.addf %parallel_loop3A_1159, %parallel_loop3A_1184 : vector<16xf32>
        %parallel_loop3A_1186 = arith.constant 1 : i32
        %parallel_loop3A_1187 = arith.index_cast %parallel_loop3A_1186 : i32 to index
        %parallel_loop3A_1188 = arith.index_cast %parallel_loop3A_1120 : i32 to index
        %parallel_loop3A_1189 = arith.constant 80 : index
        %parallel_loop3A_1190 = tpu.vector_load %arg10[%parallel_loop3A_1187, %parallel_loop3A_1188, %parallel_loop3A_1189] {strides = array<i32>} : memref<2x128x128xf32, #tpu.memory_space<vmem>>, vector<16xf32>,
        %parallel_loop3A_1191 = arith.constant 1 : i32
        %parallel_loop3A_1192 = arith.index_cast %parallel_loop3A_1191 : i32 to index
        %parallel_loop3A_1193 = arith.index_cast %parallel_loop3A_1120 : i32 to index
        %parallel_loop3A_1194 = arith.constant 80 : index
        %parallel_loop3A_1195 = tpu.vector_load %arg11[%parallel_loop3A_1192, %parallel_loop3A_1193, %parallel_loop3A_1194] {strides = array<i32>} : memref<2x128x128xf32, #tpu.memory_space<vmem>>, vector<16xf32>,
        %parallel_loop3A_1196 = arith.subf %parallel_loop3A_1190, %parallel_loop3A_1195 : vector<16xf32>
        %parallel_loop3A_1197 = arith.mulf %parallel_loop3A_1196, %parallel_loop3A_1196 : vector<16xf32>
        %parallel_loop3A_1198 = arith.addf %parallel_loop3A_1172, %parallel_loop3A_1197 : vector<16xf32>
        %parallel_loop3A_1199 = arith.constant 1 : i32
        %parallel_loop3A_1200 = arith.index_cast %parallel_loop3A_1199 : i32 to index
        %parallel_loop3A_1201 = arith.index_cast %parallel_loop3A_1120 : i32 to index
        %parallel_loop3A_1202 = arith.constant 96 : index
        %parallel_loop3A_1203 = tpu.vector_load %arg10[%parallel_loop3A_1200, %parallel_loop3A_1201, %parallel_loop3A_1202] {strides = array<i32>} : memref<2x128x128xf32, #tpu.memory_space<vmem>>, vector<16xf32>,
        %parallel_loop3A_1204 = arith.constant 1 : i32
        %parallel_loop3A_1205 = arith.index_cast %parallel_loop3A_1204 : i32 to index
        %parallel_loop3A_1206 = arith.index_cast %parallel_loop3A_1120 : i32 to index
        %parallel_loop3A_1207 = arith.constant 96 : index
        %parallel_loop3A_1208 = tpu.vector_load %arg11[%parallel_loop3A_1205, %parallel_loop3A_1206, %parallel_loop3A_1207] {strides = array<i32>} : memref<2x128x128xf32, #tpu.memory_space<vmem>>, vector<16xf32>,
        %parallel_loop3A_1209 = arith.subf %parallel_loop3A_1203, %parallel_loop3A_1208 : vector<16xf32>
        %parallel_loop3A_1210 = arith.mulf %parallel_loop3A_1209, %parallel_loop3A_1209 : vector<16xf32>
        %parallel_loop3A_1211 = arith.addf %parallel_loop3A_1185, %parallel_loop3A_1210 : vector<16xf32>
        %parallel_loop3A_1212 = arith.constant 1 : i32
        %parallel_loop3A_1213 = arith.index_cast %parallel_loop3A_1212 : i32 to index
        %parallel_loop3A_1214 = arith.index_cast %parallel_loop3A_1120 : i32 to index
        %parallel_loop3A_1215 = arith.constant 112 : index
        %parallel_loop3A_1216 = tpu.vector_load %arg10[%parallel_loop3A_1213, %parallel_loop3A_1214, %parallel_loop3A_1215] {strides = array<i32>} : memref<2x128x128xf32, #tpu.memory_space<vmem>>, vector<16xf32>,
        %parallel_loop3A_1217 = arith.constant 1 : i32
        %parallel_loop3A_1218 = arith.index_cast %parallel_loop3A_1217 : i32 to index
        %parallel_loop3A_1219 = arith.index_cast %parallel_loop3A_1120 : i32 to index
        %parallel_loop3A_1220 = arith.constant 112 : index
        %parallel_loop3A_1221 = tpu.vector_load %arg11[%parallel_loop3A_1218, %parallel_loop3A_1219, %parallel_loop3A_1220] {strides = array<i32>} : memref<2x128x128xf32, #tpu.memory_space<vmem>>, vector<16xf32>,
        %parallel_loop3A_1222 = arith.subf %parallel_loop3A_1216, %parallel_loop3A_1221 : vector<16xf32>
        %parallel_loop3A_1223 = arith.mulf %parallel_loop3A_1222, %parallel_loop3A_1222 : vector<16xf32>
        %parallel_loop3A_1224 = arith.addf %parallel_loop3A_1198, %parallel_loop3A_1223 : vector<16xf32>
        %parallel_loop3A_1225 = arith.addf %parallel_loop3A_1211, %parallel_loop3A_1224 : vector<16xf32>
        %parallel_loop3A_1226 = arith.index_cast %parallel_loop3A_998 : i32 to index
        %parallel_loop3A_1227 = arith.constant 0 : index
        %parallel_loop3A_1228 = tpu.vector_load %arg13[%parallel_loop3A_1226, %parallel_loop3A_1227] {strides = array<i32>} : memref<16x16xf32, #tpu.memory_space<vmem>>, vector<16xf32>,
        tpu.vector_store %arg13[%parallel_loop3A_1226, %parallel_loop3A_1227], %parallel_loop3A_1225 {strides = array<i32>} : memref<16x16xf32, #tpu.memory_space<vmem>>, vector<16xf32>,
      } {sc.loop_unroll_factor = 1 : i64, sc.parallel_access}
      %get3A = arith.constant 0 : i32
      %get3A_496 = arith.index_cast %get3A : i32 to index
      %get3A_497 = arith.constant 0 : index
      %get3A_498 = tpu.vector_load %arg13[%get3A_496, %get3A_497] {strides = array<i32>} : memref<16x16xf32, #tpu.memory_space<vmem>>, vector<16xf32>,
      %get3A_499 = arith.constant 1 : i32
      %get3A_500 = arith.index_cast %get3A_499 : i32 to index
      %get3A_501 = arith.constant 0 : index
      %get3A_502 = tpu.vector_load %arg13[%get3A_500, %get3A_501] {strides = array<i32>} : memref<16x16xf32, #tpu.memory_space<vmem>>, vector<16xf32>,
      %get3A_503 = arith.constant 2 : i32
      %get3A_504 = arith.index_cast %get3A_503 : i32 to index
      %get3A_505 = arith.constant 0 : index
      %get3A_506 = tpu.vector_load %arg13[%get3A_504, %get3A_505] {strides = array<i32>} : memref<16x16xf32, #tpu.memory_space<vmem>>, vector<16xf32>,
      %get3A_507 = arith.constant 3 : i32
      %get3A_508 = arith.index_cast %get3A_507 : i32 to index
      %get3A_509 = arith.constant 0 : index
      %get3A_510 = tpu.vector_load %arg13[%get3A_508, %get3A_509] {strides = array<i32>} : memref<16x16xf32, #tpu.memory_space<vmem>>, vector<16xf32>,
      %get3A_511 = arith.constant 4 : i32
      %get3A_512 = arith.index_cast %get3A_511 : i32 to index
      %get3A_513 = arith.constant 0 : index
      %get3A_514 = tpu.vector_load %arg13[%get3A_512, %get3A_513] {strides = array<i32>} : memref<16x16xf32, #tpu.memory_space<vmem>>, vector<16xf32>,
      %get3A_515 = arith.constant 5 : i32
      %get3A_516 = arith.index_cast %get3A_515 : i32 to index
      %get3A_517 = arith.constant 0 : index
      %get3A_518 = tpu.vector_load %arg13[%get3A_516, %get3A_517] {strides = array<i32>} : memref<16x16xf32, #tpu.memory_space<vmem>>, vector<16xf32>,
      %get3A_519 = arith.constant 6 : i32
      %get3A_520 = arith.index_cast %get3A_519 : i32 to index
      %get3A_521 = arith.constant 0 : index
      %get3A_522 = tpu.vector_load %arg13[%get3A_520, %get3A_521] {strides = array<i32>} : memref<16x16xf32, #tpu.memory_space<vmem>>, vector<16xf32>,
      %get3A_523 = arith.constant 7 : i32
      %get3A_524 = arith.index_cast %get3A_523 : i32 to index
      %get3A_525 = arith.constant 0 : index
      %get3A_526 = tpu.vector_load %arg13[%get3A_524, %get3A_525] {strides = array<i32>} : memref<16x16xf32, #tpu.memory_space<vmem>>, vector<16xf32>,
      %get3A_527 = arith.constant 8 : i32
      %get3A_528 = arith.index_cast %get3A_527 : i32 to index
      %get3A_529 = arith.constant 0 : index
      %get3A_530 = tpu.vector_load %arg13[%get3A_528, %get3A_529] {strides = array<i32>} : memref<16x16xf32, #tpu.memory_space<vmem>>, vector<16xf32>,
      %get3A_531 = arith.constant 9 : i32
      %get3A_532 = arith.index_cast %get3A_531 : i32 to index
      %get3A_533 = arith.constant 0 : index
      %get3A_534 = tpu.vector_load %arg13[%get3A_532, %get3A_533] {strides = array<i32>} : memref<16x16xf32, #tpu.memory_space<vmem>>, vector<16xf32>,
      %get3A_535 = arith.constant 10 : i32
      %get3A_536 = arith.index_cast %get3A_535 : i32 to index
      %get3A_537 = arith.constant 0 : index
      %get3A_538 = tpu.vector_load %arg13[%get3A_536, %get3A_537] {strides = array<i32>} : memref<16x16xf32, #tpu.memory_space<vmem>>, vector<16xf32>,
      %get3A_539 = arith.constant 11 : i32
      %get3A_540 = arith.index_cast %get3A_539 : i32 to index
      %get3A_541 = arith.constant 0 : index
      %get3A_542 = tpu.vector_load %arg13[%get3A_540, %get3A_541] {strides = array<i32>} : memref<16x16xf32, #tpu.memory_space<vmem>>, vector<16xf32>,
      %get3A_543 = arith.constant 12 : i32
      %get3A_544 = arith.index_cast %get3A_543 : i32 to index
      %get3A_545 = arith.constant 0 : index
      %get3A_546 = tpu.vector_load %arg13[%get3A_544, %get3A_545] {strides = array<i32>} : memref<16x16xf32, #tpu.memory_space<vmem>>, vector<16xf32>,
      %get3A_547 = arith.constant 13 : i32
      %get3A_548 = arith.index_cast %get3A_547 : i32 to index
      %get3A_549 = arith.constant 0 : index
      %get3A_550 = tpu.vector_load %arg13[%get3A_548, %get3A_549] {strides = array<i32>} : memref<16x16xf32, #tpu.memory_space<vmem>>, vector<16xf32>,
      %get3A_551 = arith.constant 14 : i32
      %get3A_552 = arith.index_cast %get3A_551 : i32 to index
      %get3A_553 = arith.constant 0 : index
      %get3A_554 = tpu.vector_load %arg13[%get3A_552, %get3A_553] {strides = array<i32>} : memref<16x16xf32, #tpu.memory_space<vmem>>, vector<16xf32>,
      %get3A_555 = arith.constant 15 : i32
      %get3A_556 = arith.index_cast %get3A_555 : i32 to index
      %get3A_557 = arith.constant 0 : index
      %get3A_558 = tpu.vector_load %arg13[%get3A_556, %get3A_557] {strides = array<i32>} : memref<16x16xf32, #tpu.memory_space<vmem>>, vector<16xf32>,
      %xor3A = arith.constant 1 : i32
      %xor3A_559 = vector.broadcast %xor3A : i32 to vector<16xi32>
      %xor3A_560 = arith.xori %iota3A, %xor3A_559 : vector<16xi32>
      %lt3A_561 = arith.constant 0 : i32
      %lt3A_562 = vector.broadcast %lt3A_561 : i32 to vector<16xi32>
      %lt3A_563 = arith.cmpi slt, %xor3A_560, %lt3A_562 : vector<16xi32>
      %add3A_564 = arith.constant 16 : i32
      %add3A_565 = vector.broadcast %add3A_564 : i32 to vector<16xi32>
      %add3A_566 = arith.addi %xor3A_560, %add3A_565 : vector<16xi32>
      %select_n3A_567 = arith.select %lt3A_563, %add3A_566, %xor3A_560 : vector<16xi1>, vector<16xi32>
      %broadcast_in_dim3A = vector.shape_cast %select_n3A_567 : vector<16xi32> to vector<16x1xi32>
      %gather3A = vector.shape_cast %broadcast_in_dim3A : vector<16x1xi32> to vector<16xi32>
      %gather3A_568 = tpu.dynamic_gather %get3A_498[%gather3A] in [0] : vector<16xf32>, vector<16xi32> -> vector<16xf32>
      %xor3A_569 = arith.constant 1 : i32
      %xor3A_570 = vector.broadcast %xor3A_569 : i32 to vector<16xi32>
      %xor3A_571 = arith.xori %iota3A, %xor3A_570 : vector<16xi32>
      %lt3A_572 = arith.constant 0 : i32
      %lt3A_573 = vector.broadcast %lt3A_572 : i32 to vector<16xi32>
      %lt3A_574 = arith.cmpi slt, %xor3A_571, %lt3A_573 : vector<16xi32>
      %add3A_575 = arith.constant 16 : i32
      %add3A_576 = vector.broadcast %add3A_575 : i32 to vector<16xi32>
      %add3A_577 = arith.addi %xor3A_571, %add3A_576 : vector<16xi32>
      %select_n3A_578 = arith.select %lt3A_574, %add3A_577, %xor3A_571 : vector<16xi1>, vector<16xi32>
      %broadcast_in_dim3A_579 = vector.shape_cast %select_n3A_578 : vector<16xi32> to vector<16x1xi32>
      %gather3A_580 = vector.shape_cast %broadcast_in_dim3A_579 : vector<16x1xi32> to vector<16xi32>
      %gather3A_581 = tpu.dynamic_gather %get3A_502[%gather3A_580] in [0] : vector<16xf32>, vector<16xi32> -> vector<16xf32>
      %add3A_582 = arith.addf %get3A_498, %gather3A_568 : vector<16xf32>
      %add3A_583 = arith.addf %get3A_502, %gather3A_581 : vector<16xf32>
      %select_n3A_584 = arith.select %eq3A_9, %add3A_582, %add3A_583 : vector<16xi1>, vector<16xf32>
      %xor3A_585 = arith.constant 1 : i32
      %xor3A_586 = vector.broadcast %xor3A_585 : i32 to vector<16xi32>
      %xor3A_587 = arith.xori %iota3A, %xor3A_586 : vector<16xi32>
      %lt3A_588 = arith.constant 0 : i32
      %lt3A_589 = vector.broadcast %lt3A_588 : i32 to vector<16xi32>
      %lt3A_590 = arith.cmpi slt, %xor3A_587, %lt3A_589 : vector<16xi32>
      %add3A_591 = arith.constant 16 : i32
      %add3A_592 = vector.broadcast %add3A_591 : i32 to vector<16xi32>
      %add3A_593 = arith.addi %xor3A_587, %add3A_592 : vector<16xi32>
      %select_n3A_594 = arith.select %lt3A_590, %add3A_593, %xor3A_587 : vector<16xi1>, vector<16xi32>
      %broadcast_in_dim3A_595 = vector.shape_cast %select_n3A_594 : vector<16xi32> to vector<16x1xi32>
      %gather3A_596 = vector.shape_cast %broadcast_in_dim3A_595 : vector<16x1xi32> to vector<16xi32>
      %gather3A_597 = tpu.dynamic_gather %get3A_506[%gather3A_596] in [0] : vector<16xf32>, vector<16xi32> -> vector<16xf32>
      %xor3A_598 = arith.constant 1 : i32
      %xor3A_599 = vector.broadcast %xor3A_598 : i32 to vector<16xi32>
      %xor3A_600 = arith.xori %iota3A, %xor3A_599 : vector<16xi32>
      %lt3A_601 = arith.constant 0 : i32
      %lt3A_602 = vector.broadcast %lt3A_601 : i32 to vector<16xi32>
      %lt3A_603 = arith.cmpi slt, %xor3A_600, %lt3A_602 : vector<16xi32>
      %add3A_604 = arith.constant 16 : i32
      %add3A_605 = vector.broadcast %add3A_604 : i32 to vector<16xi32>
      %add3A_606 = arith.addi %xor3A_600, %add3A_605 : vector<16xi32>
      %select_n3A_607 = arith.select %lt3A_603, %add3A_606, %xor3A_600 : vector<16xi1>, vector<16xi32>
      %broadcast_in_dim3A_608 = vector.shape_cast %select_n3A_607 : vector<16xi32> to vector<16x1xi32>
      %gather3A_609 = vector.shape_cast %broadcast_in_dim3A_608 : vector<16x1xi32> to vector<16xi32>
      %gather3A_610 = tpu.dynamic_gather %get3A_510[%gather3A_609] in [0] : vector<16xf32>, vector<16xi32> -> vector<16xf32>
      %add3A_611 = arith.addf %get3A_506, %gather3A_597 : vector<16xf32>
      %add3A_612 = arith.addf %get3A_510, %gather3A_610 : vector<16xf32>
      %select_n3A_613 = arith.select %eq3A_9, %add3A_611, %add3A_612 : vector<16xi1>, vector<16xf32>
      %xor3A_614 = arith.constant 1 : i32
      %xor3A_615 = vector.broadcast %xor3A_614 : i32 to vector<16xi32>
      %xor3A_616 = arith.xori %iota3A, %xor3A_615 : vector<16xi32>
      %lt3A_617 = arith.constant 0 : i32
      %lt3A_618 = vector.broadcast %lt3A_617 : i32 to vector<16xi32>
      %lt3A_619 = arith.cmpi slt, %xor3A_616, %lt3A_618 : vector<16xi32>
      %add3A_620 = arith.constant 16 : i32
      %add3A_621 = vector.broadcast %add3A_620 : i32 to vector<16xi32>
      %add3A_622 = arith.addi %xor3A_616, %add3A_621 : vector<16xi32>
      %select_n3A_623 = arith.select %lt3A_619, %add3A_622, %xor3A_616 : vector<16xi1>, vector<16xi32>
      %broadcast_in_dim3A_624 = vector.shape_cast %select_n3A_623 : vector<16xi32> to vector<16x1xi32>
      %gather3A_625 = vector.shape_cast %broadcast_in_dim3A_624 : vector<16x1xi32> to vector<16xi32>
      %gather3A_626 = tpu.dynamic_gather %get3A_514[%gather3A_625] in [0] : vector<16xf32>, vector<16xi32> -> vector<16xf32>
      %xor3A_627 = arith.constant 1 : i32
      %xor3A_628 = vector.broadcast %xor3A_627 : i32 to vector<16xi32>
      %xor3A_629 = arith.xori %iota3A, %xor3A_628 : vector<16xi32>
      %lt3A_630 = arith.constant 0 : i32
      %lt3A_631 = vector.broadcast %lt3A_630 : i32 to vector<16xi32>
      %lt3A_632 = arith.cmpi slt, %xor3A_629, %lt3A_631 : vector<16xi32>
      %add3A_633 = arith.constant 16 : i32
      %add3A_634 = vector.broadcast %add3A_633 : i32 to vector<16xi32>
      %add3A_635 = arith.addi %xor3A_629, %add3A_634 : vector<16xi32>
      %select_n3A_636 = arith.select %lt3A_632, %add3A_635, %xor3A_629 : vector<16xi1>, vector<16xi32>
      %broadcast_in_dim3A_637 = vector.shape_cast %select_n3A_636 : vector<16xi32> to vector<16x1xi32>
      %gather3A_638 = vector.shape_cast %broadcast_in_dim3A_637 : vector<16x1xi32> to vector<16xi32>
      %gather3A_639 = tpu.dynamic_gather %get3A_518[%gather3A_638] in [0] : vector<16xf32>, vector<16xi32> -> vector<16xf32>
      %add3A_640 = arith.addf %get3A_514, %gather3A_626 : vector<16xf32>
      %add3A_641 = arith.addf %get3A_518, %gather3A_639 : vector<16xf32>
      %select_n3A_642 = arith.select %eq3A_9, %add3A_640, %add3A_641 : vector<16xi1>, vector<16xf32>
      %xor3A_643 = arith.constant 1 : i32
      %xor3A_644 = vector.broadcast %xor3A_643 : i32 to vector<16xi32>
      %xor3A_645 = arith.xori %iota3A, %xor3A_644 : vector<16xi32>
      %lt3A_646 = arith.constant 0 : i32
      %lt3A_647 = vector.broadcast %lt3A_646 : i32 to vector<16xi32>
      %lt3A_648 = arith.cmpi slt, %xor3A_645, %lt3A_647 : vector<16xi32>
      %add3A_649 = arith.constant 16 : i32
      %add3A_650 = vector.broadcast %add3A_649 : i32 to vector<16xi32>
      %add3A_651 = arith.addi %xor3A_645, %add3A_650 : vector<16xi32>
      %select_n3A_652 = arith.select %lt3A_648, %add3A_651, %xor3A_645 : vector<16xi1>, vector<16xi32>
      %broadcast_in_dim3A_653 = vector.shape_cast %select_n3A_652 : vector<16xi32> to vector<16x1xi32>
      %gather3A_654 = vector.shape_cast %broadcast_in_dim3A_653 : vector<16x1xi32> to vector<16xi32>
      %gather3A_655 = tpu.dynamic_gather %get3A_522[%gather3A_654] in [0] : vector<16xf32>, vector<16xi32> -> vector<16xf32>
      %xor3A_656 = arith.constant 1 : i32
      %xor3A_657 = vector.broadcast %xor3A_656 : i32 to vector<16xi32>
      %xor3A_658 = arith.xori %iota3A, %xor3A_657 : vector<16xi32>
      %lt3A_659 = arith.constant 0 : i32
      %lt3A_660 = vector.broadcast %lt3A_659 : i32 to vector<16xi32>
      %lt3A_661 = arith.cmpi slt, %xor3A_658, %lt3A_660 : vector<16xi32>
      %add3A_662 = arith.constant 16 : i32
      %add3A_663 = vector.broadcast %add3A_662 : i32 to vector<16xi32>
      %add3A_664 = arith.addi %xor3A_658, %add3A_663 : vector<16xi32>
      %select_n3A_665 = arith.select %lt3A_661, %add3A_664, %xor3A_658 : vector<16xi1>, vector<16xi32>
      %broadcast_in_dim3A_666 = vector.shape_cast %select_n3A_665 : vector<16xi32> to vector<16x1xi32>
      %gather3A_667 = vector.shape_cast %broadcast_in_dim3A_666 : vector<16x1xi32> to vector<16xi32>
      %gather3A_668 = tpu.dynamic_gather %get3A_526[%gather3A_667] in [0] : vector<16xf32>, vector<16xi32> -> vector<16xf32>
      %add3A_669 = arith.addf %get3A_522, %gather3A_655 : vector<16xf32>
      %add3A_670 = arith.addf %get3A_526, %gather3A_668 : vector<16xf32>
      %select_n3A_671 = arith.select %eq3A_9, %add3A_669, %add3A_670 : vector<16xi1>, vector<16xf32>
      %xor3A_672 = arith.constant 1 : i32
      %xor3A_673 = vector.broadcast %xor3A_672 : i32 to vector<16xi32>
      %xor3A_674 = arith.xori %iota3A, %xor3A_673 : vector<16xi32>
      %lt3A_675 = arith.constant 0 : i32
      %lt3A_676 = vector.broadcast %lt3A_675 : i32 to vector<16xi32>
      %lt3A_677 = arith.cmpi slt, %xor3A_674, %lt3A_676 : vector<16xi32>
      %add3A_678 = arith.constant 16 : i32
      %add3A_679 = vector.broadcast %add3A_678 : i32 to vector<16xi32>
      %add3A_680 = arith.addi %xor3A_674, %add3A_679 : vector<16xi32>
      %select_n3A_681 = arith.select %lt3A_677, %add3A_680, %xor3A_674 : vector<16xi1>, vector<16xi32>
      %broadcast_in_dim3A_682 = vector.shape_cast %select_n3A_681 : vector<16xi32> to vector<16x1xi32>
      %gather3A_683 = vector.shape_cast %broadcast_in_dim3A_682 : vector<16x1xi32> to vector<16xi32>
      %gather3A_684 = tpu.dynamic_gather %get3A_530[%gather3A_683] in [0] : vector<16xf32>, vector<16xi32> -> vector<16xf32>
      %xor3A_685 = arith.constant 1 : i32
      %xor3A_686 = vector.broadcast %xor3A_685 : i32 to vector<16xi32>
      %xor3A_687 = arith.xori %iota3A, %xor3A_686 : vector<16xi32>
      %lt3A_688 = arith.constant 0 : i32
      %lt3A_689 = vector.broadcast %lt3A_688 : i32 to vector<16xi32>
      %lt3A_690 = arith.cmpi slt, %xor3A_687, %lt3A_689 : vector<16xi32>
      %add3A_691 = arith.constant 16 : i32
      %add3A_692 = vector.broadcast %add3A_691 : i32 to vector<16xi32>
      %add3A_693 = arith.addi %xor3A_687, %add3A_692 : vector<16xi32>
      %select_n3A_694 = arith.select %lt3A_690, %add3A_693, %xor3A_687 : vector<16xi1>, vector<16xi32>
      %broadcast_in_dim3A_695 = vector.shape_cast %select_n3A_694 : vector<16xi32> to vector<16x1xi32>
      %gather3A_696 = vector.shape_cast %broadcast_in_dim3A_695 : vector<16x1xi32> to vector<16xi32>
      %gather3A_697 = tpu.dynamic_gather %get3A_534[%gather3A_696] in [0] : vector<16xf32>, vector<16xi32> -> vector<16xf32>
      %add3A_698 = arith.addf %get3A_530, %gather3A_684 : vector<16xf32>
      %add3A_699 = arith.addf %get3A_534, %gather3A_697 : vector<16xf32>
      %select_n3A_700 = arith.select %eq3A_9, %add3A_698, %add3A_699 : vector<16xi1>, vector<16xf32>
      %xor3A_701 = arith.constant 1 : i32
      %xor3A_702 = vector.broadcast %xor3A_701 : i32 to vector<16xi32>
      %xor3A_703 = arith.xori %iota3A, %xor3A_702 : vector<16xi32>
      %lt3A_704 = arith.constant 0 : i32
      %lt3A_705 = vector.broadcast %lt3A_704 : i32 to vector<16xi32>
      %lt3A_706 = arith.cmpi slt, %xor3A_703, %lt3A_705 : vector<16xi32>
      %add3A_707 = arith.constant 16 : i32
      %add3A_708 = vector.broadcast %add3A_707 : i32 to vector<16xi32>
      %add3A_709 = arith.addi %xor3A_703, %add3A_708 : vector<16xi32>
      %select_n3A_710 = arith.select %lt3A_706, %add3A_709, %xor3A_703 : vector<16xi1>, vector<16xi32>
      %broadcast_in_dim3A_711 = vector.shape_cast %select_n3A_710 : vector<16xi32> to vector<16x1xi32>
      %gather3A_712 = vector.shape_cast %broadcast_in_dim3A_711 : vector<16x1xi32> to vector<16xi32>
      %gather3A_713 = tpu.dynamic_gather %get3A_538[%gather3A_712] in [0] : vector<16xf32>, vector<16xi32> -> vector<16xf32>
      %xor3A_714 = arith.constant 1 : i32
      %xor3A_715 = vector.broadcast %xor3A_714 : i32 to vector<16xi32>
      %xor3A_716 = arith.xori %iota3A, %xor3A_715 : vector<16xi32>
      %lt3A_717 = arith.constant 0 : i32
      %lt3A_718 = vector.broadcast %lt3A_717 : i32 to vector<16xi32>
      %lt3A_719 = arith.cmpi slt, %xor3A_716, %lt3A_718 : vector<16xi32>
      %add3A_720 = arith.constant 16 : i32
      %add3A_721 = vector.broadcast %add3A_720 : i32 to vector<16xi32>
      %add3A_722 = arith.addi %xor3A_716, %add3A_721 : vector<16xi32>
      %select_n3A_723 = arith.select %lt3A_719, %add3A_722, %xor3A_716 : vector<16xi1>, vector<16xi32>
      %broadcast_in_dim3A_724 = vector.shape_cast %select_n3A_723 : vector<16xi32> to vector<16x1xi32>
      %gather3A_725 = vector.shape_cast %broadcast_in_dim3A_724 : vector<16x1xi32> to vector<16xi32>
      %gather3A_726 = tpu.dynamic_gather %get3A_542[%gather3A_725] in [0] : vector<16xf32>, vector<16xi32> -> vector<16xf32>
      %add3A_727 = arith.addf %get3A_538, %gather3A_713 : vector<16xf32>
      %add3A_728 = arith.addf %get3A_542, %gather3A_726 : vector<16xf32>
      %select_n3A_729 = arith.select %eq3A_9, %add3A_727, %add3A_728 : vector<16xi1>, vector<16xf32>
      %xor3A_730 = arith.constant 1 : i32
      %xor3A_731 = vector.broadcast %xor3A_730 : i32 to vector<16xi32>
      %xor3A_732 = arith.xori %iota3A, %xor3A_731 : vector<16xi32>
      %lt3A_733 = arith.constant 0 : i32
      %lt3A_734 = vector.broadcast %lt3A_733 : i32 to vector<16xi32>
      %lt3A_735 = arith.cmpi slt, %xor3A_732, %lt3A_734 : vector<16xi32>
      %add3A_736 = arith.constant 16 : i32
      %add3A_737 = vector.broadcast %add3A_736 : i32 to vector<16xi32>
      %add3A_738 = arith.addi %xor3A_732, %add3A_737 : vector<16xi32>
      %select_n3A_739 = arith.select %lt3A_735, %add3A_738, %xor3A_732 : vector<16xi1>, vector<16xi32>
      %broadcast_in_dim3A_740 = vector.shape_cast %select_n3A_739 : vector<16xi32> to vector<16x1xi32>
      %gather3A_741 = vector.shape_cast %broadcast_in_dim3A_740 : vector<16x1xi32> to vector<16xi32>
      %gather3A_742 = tpu.dynamic_gather %get3A_546[%gather3A_741] in [0] : vector<16xf32>, vector<16xi32> -> vector<16xf32>
      %xor3A_743 = arith.constant 1 : i32
      %xor3A_744 = vector.broadcast %xor3A_743 : i32 to vector<16xi32>
      %xor3A_745 = arith.xori %iota3A, %xor3A_744 : vector<16xi32>
      %lt3A_746 = arith.constant 0 : i32
      %lt3A_747 = vector.broadcast %lt3A_746 : i32 to vector<16xi32>
      %lt3A_748 = arith.cmpi slt, %xor3A_745, %lt3A_747 : vector<16xi32>
      %add3A_749 = arith.constant 16 : i32
      %add3A_750 = vector.broadcast %add3A_749 : i32 to vector<16xi32>
      %add3A_751 = arith.addi %xor3A_745, %add3A_750 : vector<16xi32>
      %select_n3A_752 = arith.select %lt3A_748, %add3A_751, %xor3A_745 : vector<16xi1>, vector<16xi32>
      %broadcast_in_dim3A_753 = vector.shape_cast %select_n3A_752 : vector<16xi32> to vector<16x1xi32>
      %gather3A_754 = vector.shape_cast %broadcast_in_dim3A_753 : vector<16x1xi32> to vector<16xi32>
      %gather3A_755 = tpu.dynamic_gather %get3A_550[%gather3A_754] in [0] : vector<16xf32>, vector<16xi32> -> vector<16xf32>
      %add3A_756 = arith.addf %get3A_546, %gather3A_742 : vector<16xf32>
      %add3A_757 = arith.addf %get3A_550, %gather3A_755 : vector<16xf32>
      %select_n3A_758 = arith.select %eq3A_9, %add3A_756, %add3A_757 : vector<16xi1>, vector<16xf32>
      %xor3A_759 = arith.constant 1 : i32
      %xor3A_760 = vector.broadcast %xor3A_759 : i32 to vector<16xi32>
      %xor3A_761 = arith.xori %iota3A, %xor3A_760 : vector<16xi32>
      %lt3A_762 = arith.constant 0 : i32
      %lt3A_763 = vector.broadcast %lt3A_762 : i32 to vector<16xi32>
      %lt3A_764 = arith.cmpi slt, %xor3A_761, %lt3A_763 : vector<16xi32>
      %add3A_765 = arith.constant 16 : i32
      %add3A_766 = vector.broadcast %add3A_765 : i32 to vector<16xi32>
      %add3A_767 = arith.addi %xor3A_761, %add3A_766 : vector<16xi32>
      %select_n3A_768 = arith.select %lt3A_764, %add3A_767, %xor3A_761 : vector<16xi1>, vector<16xi32>
      %broadcast_in_dim3A_769 = vector.shape_cast %select_n3A_768 : vector<16xi32> to vector<16x1xi32>
      %gather3A_770 = vector.shape_cast %broadcast_in_dim3A_769 : vector<16x1xi32> to vector<16xi32>
      %gather3A_771 = tpu.dynamic_gather %get3A_554[%gather3A_770] in [0] : vector<16xf32>, vector<16xi32> -> vector<16xf32>
      %xor3A_772 = arith.constant 1 : i32
      %xor3A_773 = vector.broadcast %xor3A_772 : i32 to vector<16xi32>
      %xor3A_774 = arith.xori %iota3A, %xor3A_773 : vector<16xi32>
      %lt3A_775 = arith.constant 0 : i32
      %lt3A_776 = vector.broadcast %lt3A_775 : i32 to vector<16xi32>
      %lt3A_777 = arith.cmpi slt, %xor3A_774, %lt3A_776 : vector<16xi32>
      %add3A_778 = arith.constant 16 : i32
      %add3A_779 = vector.broadcast %add3A_778 : i32 to vector<16xi32>
      %add3A_780 = arith.addi %xor3A_774, %add3A_779 : vector<16xi32>
      %select_n3A_781 = arith.select %lt3A_777, %add3A_780, %xor3A_774 : vector<16xi1>, vector<16xi32>
      %broadcast_in_dim3A_782 = vector.shape_cast %select_n3A_781 : vector<16xi32> to vector<16x1xi32>
      %gather3A_783 = vector.shape_cast %broadcast_in_dim3A_782 : vector<16x1xi32> to vector<16xi32>
      %gather3A_784 = tpu.dynamic_gather %get3A_558[%gather3A_783] in [0] : vector<16xf32>, vector<16xi32> -> vector<16xf32>
      %add3A_785 = arith.addf %get3A_554, %gather3A_771 : vector<16xf32>
      %add3A_786 = arith.addf %get3A_558, %gather3A_784 : vector<16xf32>
      %select_n3A_787 = arith.select %eq3A_9, %add3A_785, %add3A_786 : vector<16xi1>, vector<16xf32>
      %xor3A_788 = arith.constant 2 : i32
      %xor3A_789 = vector.broadcast %xor3A_788 : i32 to vector<16xi32>
      %xor3A_790 = arith.xori %iota3A, %xor3A_789 : vector<16xi32>
      %lt3A_791 = arith.constant 0 : i32
      %lt3A_792 = vector.broadcast %lt3A_791 : i32 to vector<16xi32>
      %lt3A_793 = arith.cmpi slt, %xor3A_790, %lt3A_792 : vector<16xi32>
      %add3A_794 = arith.constant 16 : i32
      %add3A_795 = vector.broadcast %add3A_794 : i32 to vector<16xi32>
      %add3A_796 = arith.addi %xor3A_790, %add3A_795 : vector<16xi32>
      %select_n3A_797 = arith.select %lt3A_793, %add3A_796, %xor3A_790 : vector<16xi1>, vector<16xi32>
      %broadcast_in_dim3A_798 = vector.shape_cast %select_n3A_797 : vector<16xi32> to vector<16x1xi32>
      %gather3A_799 = vector.shape_cast %broadcast_in_dim3A_798 : vector<16x1xi32> to vector<16xi32>
      %gather3A_800 = tpu.dynamic_gather %select_n3A_584[%gather3A_799] in [0] : vector<16xf32>, vector<16xi32> -> vector<16xf32>
      %xor3A_801 = arith.constant 2 : i32
      %xor3A_802 = vector.broadcast %xor3A_801 : i32 to vector<16xi32>
      %xor3A_803 = arith.xori %iota3A, %xor3A_802 : vector<16xi32>
      %lt3A_804 = arith.constant 0 : i32
      %lt3A_805 = vector.broadcast %lt3A_804 : i32 to vector<16xi32>
      %lt3A_806 = arith.cmpi slt, %xor3A_803, %lt3A_805 : vector<16xi32>
      %add3A_807 = arith.constant 16 : i32
      %add3A_808 = vector.broadcast %add3A_807 : i32 to vector<16xi32>
      %add3A_809 = arith.addi %xor3A_803, %add3A_808 : vector<16xi32>
      %select_n3A_810 = arith.select %lt3A_806, %add3A_809, %xor3A_803 : vector<16xi1>, vector<16xi32>
      %broadcast_in_dim3A_811 = vector.shape_cast %select_n3A_810 : vector<16xi32> to vector<16x1xi32>
      %gather3A_812 = vector.shape_cast %broadcast_in_dim3A_811 : vector<16x1xi32> to vector<16xi32>
      %gather3A_813 = tpu.dynamic_gather %select_n3A_613[%gather3A_812] in [0] : vector<16xf32>, vector<16xi32> -> vector<16xf32>
      %add3A_814 = arith.addf %select_n3A_584, %gather3A_800 : vector<16xf32>
      %add3A_815 = arith.addf %select_n3A_613, %gather3A_813 : vector<16xf32>
      %select_n3A_816 = arith.select %eq3A_15, %add3A_814, %add3A_815 : vector<16xi1>, vector<16xf32>
      %xor3A_817 = arith.constant 2 : i32
      %xor3A_818 = vector.broadcast %xor3A_817 : i32 to vector<16xi32>
      %xor3A_819 = arith.xori %iota3A, %xor3A_818 : vector<16xi32>
      %lt3A_820 = arith.constant 0 : i32
      %lt3A_821 = vector.broadcast %lt3A_820 : i32 to vector<16xi32>
      %lt3A_822 = arith.cmpi slt, %xor3A_819, %lt3A_821 : vector<16xi32>
      %add3A_823 = arith.constant 16 : i32
      %add3A_824 = vector.broadcast %add3A_823 : i32 to vector<16xi32>
      %add3A_825 = arith.addi %xor3A_819, %add3A_824 : vector<16xi32>
      %select_n3A_826 = arith.select %lt3A_822, %add3A_825, %xor3A_819 : vector<16xi1>, vector<16xi32>
      %broadcast_in_dim3A_827 = vector.shape_cast %select_n3A_826 : vector<16xi32> to vector<16x1xi32>
      %gather3A_828 = vector.shape_cast %broadcast_in_dim3A_827 : vector<16x1xi32> to vector<16xi32>
      %gather3A_829 = tpu.dynamic_gather %select_n3A_642[%gather3A_828] in [0] : vector<16xf32>, vector<16xi32> -> vector<16xf32>
      %xor3A_830 = arith.constant 2 : i32
      %xor3A_831 = vector.broadcast %xor3A_830 : i32 to vector<16xi32>
      %xor3A_832 = arith.xori %iota3A, %xor3A_831 : vector<16xi32>
      %lt3A_833 = arith.constant 0 : i32
      %lt3A_834 = vector.broadcast %lt3A_833 : i32 to vector<16xi32>
      %lt3A_835 = arith.cmpi slt, %xor3A_832, %lt3A_834 : vector<16xi32>
      %add3A_836 = arith.constant 16 : i32
      %add3A_837 = vector.broadcast %add3A_836 : i32 to vector<16xi32>
      %add3A_838 = arith.addi %xor3A_832, %add3A_837 : vector<16xi32>
      %select_n3A_839 = arith.select %lt3A_835, %add3A_838, %xor3A_832 : vector<16xi1>, vector<16xi32>
      %broadcast_in_dim3A_840 = vector.shape_cast %select_n3A_839 : vector<16xi32> to vector<16x1xi32>
      %gather3A_841 = vector.shape_cast %broadcast_in_dim3A_840 : vector<16x1xi32> to vector<16xi32>
      %gather3A_842 = tpu.dynamic_gather %select_n3A_671[%gather3A_841] in [0] : vector<16xf32>, vector<16xi32> -> vector<16xf32>
      %add3A_843 = arith.addf %select_n3A_642, %gather3A_829 : vector<16xf32>
      %add3A_844 = arith.addf %select_n3A_671, %gather3A_842 : vector<16xf32>
      %select_n3A_845 = arith.select %eq3A_15, %add3A_843, %add3A_844 : vector<16xi1>, vector<16xf32>
      %xor3A_846 = arith.constant 2 : i32
      %xor3A_847 = vector.broadcast %xor3A_846 : i32 to vector<16xi32>
      %xor3A_848 = arith.xori %iota3A, %xor3A_847 : vector<16xi32>
      %lt3A_849 = arith.constant 0 : i32
      %lt3A_850 = vector.broadcast %lt3A_849 : i32 to vector<16xi32>
      %lt3A_851 = arith.cmpi slt, %xor3A_848, %lt3A_850 : vector<16xi32>
      %add3A_852 = arith.constant 16 : i32
      %add3A_853 = vector.broadcast %add3A_852 : i32 to vector<16xi32>
      %add3A_854 = arith.addi %xor3A_848, %add3A_853 : vector<16xi32>
      %select_n3A_855 = arith.select %lt3A_851, %add3A_854, %xor3A_848 : vector<16xi1>, vector<16xi32>
      %broadcast_in_dim3A_856 = vector.shape_cast %select_n3A_855 : vector<16xi32> to vector<16x1xi32>
      %gather3A_857 = vector.shape_cast %broadcast_in_dim3A_856 : vector<16x1xi32> to vector<16xi32>
      %gather3A_858 = tpu.dynamic_gather %select_n3A_700[%gather3A_857] in [0] : vector<16xf32>, vector<16xi32> -> vector<16xf32>
      %xor3A_859 = arith.constant 2 : i32
      %xor3A_860 = vector.broadcast %xor3A_859 : i32 to vector<16xi32>
      %xor3A_861 = arith.xori %iota3A, %xor3A_860 : vector<16xi32>
      %lt3A_862 = arith.constant 0 : i32
      %lt3A_863 = vector.broadcast %lt3A_862 : i32 to vector<16xi32>
      %lt3A_864 = arith.cmpi slt, %xor3A_861, %lt3A_863 : vector<16xi32>
      %add3A_865 = arith.constant 16 : i32
      %add3A_866 = vector.broadcast %add3A_865 : i32 to vector<16xi32>
      %add3A_867 = arith.addi %xor3A_861, %add3A_866 : vector<16xi32>
      %select_n3A_868 = arith.select %lt3A_864, %add3A_867, %xor3A_861 : vector<16xi1>, vector<16xi32>
      %broadcast_in_dim3A_869 = vector.shape_cast %select_n3A_868 : vector<16xi32> to vector<16x1xi32>
      %gather3A_870 = vector.shape_cast %broadcast_in_dim3A_869 : vector<16x1xi32> to vector<16xi32>
      %gather3A_871 = tpu.dynamic_gather %select_n3A_729[%gather3A_870] in [0] : vector<16xf32>, vector<16xi32> -> vector<16xf32>
      %add3A_872 = arith.addf %select_n3A_700, %gather3A_858 : vector<16xf32>
      %add3A_873 = arith.addf %select_n3A_729, %gather3A_871 : vector<16xf32>
      %select_n3A_874 = arith.select %eq3A_15, %add3A_872, %add3A_873 : vector<16xi1>, vector<16xf32>
      %xor3A_875 = arith.constant 2 : i32
      %xor3A_876 = vector.broadcast %xor3A_875 : i32 to vector<16xi32>
      %xor3A_877 = arith.xori %iota3A, %xor3A_876 : vector<16xi32>
      %lt3A_878 = arith.constant 0 : i32
      %lt3A_879 = vector.broadcast %lt3A_878 : i32 to vector<16xi32>
      %lt3A_880 = arith.cmpi slt, %xor3A_877, %lt3A_879 : vector<16xi32>
      %add3A_881 = arith.constant 16 : i32
      %add3A_882 = vector.broadcast %add3A_881 : i32 to vector<16xi32>
      %add3A_883 = arith.addi %xor3A_877, %add3A_882 : vector<16xi32>
      %select_n3A_884 = arith.select %lt3A_880, %add3A_883, %xor3A_877 : vector<16xi1>, vector<16xi32>
      %broadcast_in_dim3A_885 = vector.shape_cast %select_n3A_884 : vector<16xi32> to vector<16x1xi32>
      %gather3A_886 = vector.shape_cast %broadcast_in_dim3A_885 : vector<16x1xi32> to vector<16xi32>
      %gather3A_887 = tpu.dynamic_gather %select_n3A_758[%gather3A_886] in [0] : vector<16xf32>, vector<16xi32> -> vector<16xf32>
      %xor3A_888 = arith.constant 2 : i32
      %xor3A_889 = vector.broadcast %xor3A_888 : i32 to vector<16xi32>
      %xor3A_890 = arith.xori %iota3A, %xor3A_889 : vector<16xi32>
      %lt3A_891 = arith.constant 0 : i32
      %lt3A_892 = vector.broadcast %lt3A_891 : i32 to vector<16xi32>
      %lt3A_893 = arith.cmpi slt, %xor3A_890, %lt3A_892 : vector<16xi32>
      %add3A_894 = arith.constant 16 : i32
      %add3A_895 = vector.broadcast %add3A_894 : i32 to vector<16xi32>
      %add3A_896 = arith.addi %xor3A_890, %add3A_895 : vector<16xi32>
      %select_n3A_897 = arith.select %lt3A_893, %add3A_896, %xor3A_890 : vector<16xi1>, vector<16xi32>
      %broadcast_in_dim3A_898 = vector.shape_cast %select_n3A_897 : vector<16xi32> to vector<16x1xi32>
      %gather3A_899 = vector.shape_cast %broadcast_in_dim3A_898 : vector<16x1xi32> to vector<16xi32>
      %gather3A_900 = tpu.dynamic_gather %select_n3A_787[%gather3A_899] in [0] : vector<16xf32>, vector<16xi32> -> vector<16xf32>
      %add3A_901 = arith.addf %select_n3A_758, %gather3A_887 : vector<16xf32>
      %add3A_902 = arith.addf %select_n3A_787, %gather3A_900 : vector<16xf32>
      %select_n3A_903 = arith.select %eq3A_15, %add3A_901, %add3A_902 : vector<16xi1>, vector<16xf32>
      %xor3A_904 = arith.constant 4 : i32
      %xor3A_905 = vector.broadcast %xor3A_904 : i32 to vector<16xi32>
      %xor3A_906 = arith.xori %iota3A, %xor3A_905 : vector<16xi32>
      %lt3A_907 = arith.constant 0 : i32
      %lt3A_908 = vector.broadcast %lt3A_907 : i32 to vector<16xi32>
      %lt3A_909 = arith.cmpi slt, %xor3A_906, %lt3A_908 : vector<16xi32>
      %add3A_910 = arith.constant 16 : i32
      %add3A_911 = vector.broadcast %add3A_910 : i32 to vector<16xi32>
      %add3A_912 = arith.addi %xor3A_906, %add3A_911 : vector<16xi32>
      %select_n3A_913 = arith.select %lt3A_909, %add3A_912, %xor3A_906 : vector<16xi1>, vector<16xi32>
      %broadcast_in_dim3A_914 = vector.shape_cast %select_n3A_913 : vector<16xi32> to vector<16x1xi32>
      %gather3A_915 = vector.shape_cast %broadcast_in_dim3A_914 : vector<16x1xi32> to vector<16xi32>
      %gather3A_916 = tpu.dynamic_gather %select_n3A_816[%gather3A_915] in [0] : vector<16xf32>, vector<16xi32> -> vector<16xf32>
      %xor3A_917 = arith.constant 4 : i32
      %xor3A_918 = vector.broadcast %xor3A_917 : i32 to vector<16xi32>
      %xor3A_919 = arith.xori %iota3A, %xor3A_918 : vector<16xi32>
      %lt3A_920 = arith.constant 0 : i32
      %lt3A_921 = vector.broadcast %lt3A_920 : i32 to vector<16xi32>
      %lt3A_922 = arith.cmpi slt, %xor3A_919, %lt3A_921 : vector<16xi32>
      %add3A_923 = arith.constant 16 : i32
      %add3A_924 = vector.broadcast %add3A_923 : i32 to vector<16xi32>
      %add3A_925 = arith.addi %xor3A_919, %add3A_924 : vector<16xi32>
      %select_n3A_926 = arith.select %lt3A_922, %add3A_925, %xor3A_919 : vector<16xi1>, vector<16xi32>
      %broadcast_in_dim3A_927 = vector.shape_cast %select_n3A_926 : vector<16xi32> to vector<16x1xi32>
      %gather3A_928 = vector.shape_cast %broadcast_in_dim3A_927 : vector<16x1xi32> to vector<16xi32>
      %gather3A_929 = tpu.dynamic_gather %select_n3A_845[%gather3A_928] in [0] : vector<16xf32>, vector<16xi32> -> vector<16xf32>
      %add3A_930 = arith.addf %select_n3A_816, %gather3A_916 : vector<16xf32>
      %add3A_931 = arith.addf %select_n3A_845, %gather3A_929 : vector<16xf32>
      %select_n3A_932 = arith.select %eq3A_21, %add3A_930, %add3A_931 : vector<16xi1>, vector<16xf32>
      %xor3A_933 = arith.constant 4 : i32
      %xor3A_934 = vector.broadcast %xor3A_933 : i32 to vector<16xi32>
      %xor3A_935 = arith.xori %iota3A, %xor3A_934 : vector<16xi32>
      %lt3A_936 = arith.constant 0 : i32
      %lt3A_937 = vector.broadcast %lt3A_936 : i32 to vector<16xi32>
      %lt3A_938 = arith.cmpi slt, %xor3A_935, %lt3A_937 : vector<16xi32>
      %add3A_939 = arith.constant 16 : i32
      %add3A_940 = vector.broadcast %add3A_939 : i32 to vector<16xi32>
      %add3A_941 = arith.addi %xor3A_935, %add3A_940 : vector<16xi32>
      %select_n3A_942 = arith.select %lt3A_938, %add3A_941, %xor3A_935 : vector<16xi1>, vector<16xi32>
      %broadcast_in_dim3A_943 = vector.shape_cast %select_n3A_942 : vector<16xi32> to vector<16x1xi32>
      %gather3A_944 = vector.shape_cast %broadcast_in_dim3A_943 : vector<16x1xi32> to vector<16xi32>
      %gather3A_945 = tpu.dynamic_gather %select_n3A_874[%gather3A_944] in [0] : vector<16xf32>, vector<16xi32> -> vector<16xf32>
      %xor3A_946 = arith.constant 4 : i32
      %xor3A_947 = vector.broadcast %xor3A_946 : i32 to vector<16xi32>
      %xor3A_948 = arith.xori %iota3A, %xor3A_947 : vector<16xi32>
      %lt3A_949 = arith.constant 0 : i32
      %lt3A_950 = vector.broadcast %lt3A_949 : i32 to vector<16xi32>
      %lt3A_951 = arith.cmpi slt, %xor3A_948, %lt3A_950 : vector<16xi32>
      %add3A_952 = arith.constant 16 : i32
      %add3A_953 = vector.broadcast %add3A_952 : i32 to vector<16xi32>
      %add3A_954 = arith.addi %xor3A_948, %add3A_953 : vector<16xi32>
      %select_n3A_955 = arith.select %lt3A_951, %add3A_954, %xor3A_948 : vector<16xi1>, vector<16xi32>
      %broadcast_in_dim3A_956 = vector.shape_cast %select_n3A_955 : vector<16xi32> to vector<16x1xi32>
      %gather3A_957 = vector.shape_cast %broadcast_in_dim3A_956 : vector<16x1xi32> to vector<16xi32>
      %gather3A_958 = tpu.dynamic_gather %select_n3A_903[%gather3A_957] in [0] : vector<16xf32>, vector<16xi32> -> vector<16xf32>
      %add3A_959 = arith.addf %select_n3A_874, %gather3A_945 : vector<16xf32>
      %add3A_960 = arith.addf %select_n3A_903, %gather3A_958 : vector<16xf32>
      %select_n3A_961 = arith.select %eq3A_21, %add3A_959, %add3A_960 : vector<16xi1>, vector<16xf32>
      %xor3A_962 = arith.constant 8 : i32
      %xor3A_963 = vector.broadcast %xor3A_962 : i32 to vector<16xi32>
      %xor3A_964 = arith.xori %iota3A, %xor3A_963 : vector<16xi32>
      %lt3A_965 = arith.constant 0 : i32
      %lt3A_966 = vector.broadcast %lt3A_965 : i32 to vector<16xi32>
      %lt3A_967 = arith.cmpi slt, %xor3A_964, %lt3A_966 : vector<16xi32>
      %add3A_968 = arith.constant 16 : i32
      %add3A_969 = vector.broadcast %add3A_968 : i32 to vector<16xi32>
      %add3A_970 = arith.addi %xor3A_964, %add3A_969 : vector<16xi32>
      %select_n3A_971 = arith.select %lt3A_967, %add3A_970, %xor3A_964 : vector<16xi1>, vector<16xi32>
      %broadcast_in_dim3A_972 = vector.shape_cast %select_n3A_971 : vector<16xi32> to vector<16x1xi32>
      %gather3A_973 = vector.shape_cast %broadcast_in_dim3A_972 : vector<16x1xi32> to vector<16xi32>
      %gather3A_974 = tpu.dynamic_gather %select_n3A_932[%gather3A_973] in [0] : vector<16xf32>, vector<16xi32> -> vector<16xf32>
      %xor3A_975 = arith.constant 8 : i32
      %xor3A_976 = vector.broadcast %xor3A_975 : i32 to vector<16xi32>
      %xor3A_977 = arith.xori %iota3A, %xor3A_976 : vector<16xi32>
      %lt3A_978 = arith.constant 0 : i32
      %lt3A_979 = vector.broadcast %lt3A_978 : i32 to vector<16xi32>
      %lt3A_980 = arith.cmpi slt, %xor3A_977, %lt3A_979 : vector<16xi32>
      %add3A_981 = arith.constant 16 : i32
      %add3A_982 = vector.broadcast %add3A_981 : i32 to vector<16xi32>
      %add3A_983 = arith.addi %xor3A_977, %add3A_982 : vector<16xi32>
      %select_n3A_984 = arith.select %lt3A_980, %add3A_983, %xor3A_977 : vector<16xi1>, vector<16xi32>
      %broadcast_in_dim3A_985 = vector.shape_cast %select_n3A_984 : vector<16xi32> to vector<16x1xi32>
      %gather3A_986 = vector.shape_cast %broadcast_in_dim3A_985 : vector<16x1xi32> to vector<16xi32>
      %gather3A_987 = tpu.dynamic_gather %select_n3A_961[%gather3A_986] in [0] : vector<16xf32>, vector<16xi32> -> vector<16xf32>
      %add3A_988 = arith.addf %select_n3A_932, %gather3A_974 : vector<16xf32>
      %add3A_989 = arith.addf %select_n3A_961, %gather3A_987 : vector<16xf32>
      %select_n3A_990 = arith.select %eq3A_27, %add3A_988, %add3A_989 : vector<16xi1>, vector<16xf32>
      %mul3A_991 = vector.broadcast %scan3A_200 : f32 to vector<16xf32>
      %mul3A_992 = arith.mulf %select_n3A_990, %mul3A_991 : vector<16xf32>
      %mul3A_993 = arith.constant 16 : i32
      %mul3A_994 = arith.muli %scan3A_492, %mul3A_993 : i32
      %add3A_995 = arith.constant 64 : i32
      %add3A_996 = arith.addi %add3A_995, %mul3A_994 : i32
      %swap3A = arith.index_cast %add3A_996 : i32 to index
      %swap3A_997 = tpu.vector_load %arg12[%swap3A] {strides = array<i32>} : memref<256xf32, #tpu.memory_space<vmem>>, vector<16xf32>,
      tpu.vector_store %arg12[%swap3A], %mul3A_992 {strides = array<i32>} : memref<256xf32, #tpu.memory_space<vmem>>, vector<16xf32>,
    }
    %scan3A_205 = arith.constant 4 : i32
    %dma_wait3A_206 = arith.constant 0 : i32
    %dma_wait3A_207 = arith.constant 0 : i32
    %dma_wait3A_208 = arith.constant 0 : i32
    %dma_wait3A_209 = tpu.memref_slice %arg10[%dma_wait3A_206, %dma_wait3A_207, %dma_wait3A_208] : memref<2x128x128xf32, #tpu.memory_space<vmem>> -> memref<1x128x128xf32, #tpu.memory_space<vmem>>
    %dma_wait3A_210 = tpu.memref_squeeze %dma_wait3A_209 : memref<1x128x128xf32, #tpu.memory_space<vmem>> -> memref<128x128xf32, #tpu.memory_space<vmem>>
    %dma_wait3A_211 = arith.constant 256 : i32
    %dma_wait3A_212 = tpu.memref_slice %arg9[%dma_wait3A_211] : memref<512xi32, #tpu.memory_space<vmem>> -> memref<128xi32, #tpu.memory_space<vmem>>
    %dma_wait3A_213 = arith.constant 0 : i32
    %dma_wait3A_214 = arith.constant 0 : i32
    %dma_wait3A_215 = tpu.memref_slice %arg4[%dma_wait3A_213, %dma_wait3A_214] : memref<16384x128xf32, #tpu.memory_space<hbm>> -> memref<16384x128xf32, #tpu.memory_space<hbm>>
    tpu.wait_indirect_dma semaphore(%arg14 : memref<!tpu.dma_semaphore, #tpu.memory_space<semaphore_mem>>) src(%dma_wait3A_215 : memref<16384x128xf32, #tpu.memory_space<hbm>>) dst(%dma_wait3A_210 : memref<128x128xf32, #tpu.memory_space<vmem>>)
    %dma_wait3A_216 = arith.constant 0 : i32
    %dma_wait3A_217 = arith.constant 0 : i32
    %dma_wait3A_218 = arith.constant 0 : i32
    %dma_wait3A_219 = tpu.memref_slice %arg11[%dma_wait3A_216, %dma_wait3A_217, %dma_wait3A_218] : memref<2x128x128xf32, #tpu.memory_space<vmem>> -> memref<1x128x128xf32, #tpu.memory_space<vmem>>
    %dma_wait3A_220 = tpu.memref_squeeze %dma_wait3A_219 : memref<1x128x128xf32, #tpu.memory_space<vmem>> -> memref<128x128xf32, #tpu.memory_space<vmem>>
    %dma_wait3A_221 = arith.constant 0 : i32
    %dma_wait3A_222 = tpu.memref_slice %arg3[%add3A_160, %dma_wait3A_221] : memref<16384x128xf32, #tpu.memory_space<hbm>> -> memref<128x128xf32, #tpu.memory_space<hbm>>
    %dma_wait3A_223 = arith.constant 0 : i32
    %dma_wait3A_224 = arith.constant 0 : i32
    %dma_wait3A_225 = tpu.memref_slice %arg11[%dma_wait3A_216, %dma_wait3A_223, %dma_wait3A_224] : memref<2x128x128xf32, #tpu.memory_space<vmem>> -> memref<1x128x128xf32, #tpu.memory_space<vmem>>
    %dma_wait3A_226 = tpu.memref_squeeze %dma_wait3A_225 : memref<1x128x128xf32, #tpu.memory_space<vmem>> -> memref<128x128xf32, #tpu.memory_space<vmem>>
    %dma_wait3A_227 = arith.constant 0 : i32
    %dma_wait3A_228 = tpu.memref_slice %arg3[%add3A_160, %dma_wait3A_227] : memref<16384x128xf32, #tpu.memory_space<hbm>> -> memref<128x128xf32, #tpu.memory_space<hbm>>
    tpu.wait_dma2 semaphore(%arg16 : memref<!tpu.dma_semaphore, #tpu.memory_space<semaphore_mem>>) src(%dma_wait3A_228 : memref<128x128xf32, #tpu.memory_space<hbm>>) dst(%dma_wait3A_226 : memref<128x128xf32, #tpu.memory_space<vmem>>)
    %dma_wait3A_229 = arith.constant 1 : i32
    %dma_wait3A_230 = arith.constant 0 : i32
    %dma_wait3A_231 = arith.constant 0 : i32
    %dma_wait3A_232 = tpu.memref_slice %arg10[%dma_wait3A_229, %dma_wait3A_230, %dma_wait3A_231] : memref<2x128x128xf32, #tpu.memory_space<vmem>> -> memref<1x128x128xf32, #tpu.memory_space<vmem>>
    %dma_wait3A_233 = tpu.memref_squeeze %dma_wait3A_232 : memref<1x128x128xf32, #tpu.memory_space<vmem>> -> memref<128x128xf32, #tpu.memory_space<vmem>>
    %dma_wait3A_234 = arith.constant 0 : i32
    %dma_wait3A_235 = tpu.memref_slice %arg5[%add3A_185, %dma_wait3A_234] : memref<16384x128xf32, #tpu.memory_space<hbm>> -> memref<128x128xf32, #tpu.memory_space<hbm>>
    %dma_wait3A_236 = arith.constant 0 : i32
    %dma_wait3A_237 = tpu.memref_slice %arg5[%add3A_185, %dma_wait3A_236] : memref<16384x128xf32, #tpu.memory_space<hbm>> -> memref<128x128xf32, #tpu.memory_space<hbm>>
    %dma_wait3A_238 = arith.constant 0 : i32
    %dma_wait3A_239 = arith.constant 0 : i32
    %dma_wait3A_240 = tpu.memref_slice %arg10[%dma_wait3A_229, %dma_wait3A_238, %dma_wait3A_239] : memref<2x128x128xf32, #tpu.memory_space<vmem>> -> memref<1x128x128xf32, #tpu.memory_space<vmem>>
    %dma_wait3A_241 = tpu.memref_squeeze %dma_wait3A_240 : memref<1x128x128xf32, #tpu.memory_space<vmem>> -> memref<128x128xf32, #tpu.memory_space<vmem>>
    tpu.wait_dma2 semaphore(%arg19 : memref<!tpu.dma_semaphore, #tpu.memory_space<semaphore_mem>>) src(%dma_wait3A_241 : memref<128x128xf32, #tpu.memory_space<vmem>>) dst(%dma_wait3A_237 : memref<128x128xf32, #tpu.memory_space<hbm>>)
    %add3A_242 = arith.constant 384 : i32
    %add3A_243 = arith.addi %mul3A_4, %add3A_242 : i32
    %dma_start3A_244 = arith.constant 1 : i32
    %dma_start3A_245 = arith.constant 0 : i32
    %dma_start3A_246 = arith.constant 0 : i32
    %dma_start3A_247 = tpu.memref_slice %arg11[%dma_start3A_244, %dma_start3A_245, %dma_start3A_246] : memref<2x128x128xf32, #tpu.memory_space<vmem>> -> memref<1x128x128xf32, #tpu.memory_space<vmem>>
    %dma_start3A_248 = tpu.memref_squeeze %dma_start3A_247 : memref<1x128x128xf32, #tpu.memory_space<vmem>> -> memref<128x128xf32, #tpu.memory_space<vmem>>
    %dma_start3A_249 = arith.constant 0 : i32
    %dma_start3A_250 = tpu.memref_slice %arg3[%add3A_243, %dma_start3A_249] : memref<16384x128xf32, #tpu.memory_space<hbm>> -> memref<128x128xf32, #tpu.memory_space<hbm>>
    %dma_start3A_251 = arith.constant 0 : i32
    %dma_start3A_252 = arith.constant 0 : i32
    %dma_start3A_253 = tpu.memref_slice %arg11[%dma_start3A_244, %dma_start3A_251, %dma_start3A_252] : memref<2x128x128xf32, #tpu.memory_space<vmem>> -> memref<1x128x128xf32, #tpu.memory_space<vmem>>
    %dma_start3A_254 = tpu.memref_squeeze %dma_start3A_253 : memref<1x128x128xf32, #tpu.memory_space<vmem>> -> memref<128x128xf32, #tpu.memory_space<vmem>>
    %dma_start3A_255 = arith.constant 0 : i32
    %dma_start3A_256 = tpu.memref_slice %arg3[%add3A_243, %dma_start3A_255] : memref<16384x128xf32, #tpu.memory_space<hbm>> -> memref<128x128xf32, #tpu.memory_space<hbm>>
    tpu.enqueue_dma source(%dma_start3A_256 : memref<128x128xf32, #tpu.memory_space<hbm>>) target(%dma_start3A_254 : memref<128x128xf32, #tpu.memory_space<vmem>>) target_semaphore(%arg17 : memref<!tpu.dma_semaphore, #tpu.memory_space<semaphore_mem>>)
    %dma_start3A_257 = arith.constant 1 : i32
    %dma_start3A_258 = arith.constant 0 : i32
    %dma_start3A_259 = arith.constant 0 : i32
    %dma_start3A_260 = tpu.memref_slice %arg10[%dma_start3A_257, %dma_start3A_258, %dma_start3A_259] : memref<2x128x128xf32, #tpu.memory_space<vmem>> -> memref<1x128x128xf32, #tpu.memory_space<vmem>>
    %dma_start3A_261 = tpu.memref_squeeze %dma_start3A_260 : memref<1x128x128xf32, #tpu.memory_space<vmem>> -> memref<128x128xf32, #tpu.memory_space<vmem>>
    %dma_start3A_262 = arith.constant 384 : i32
    %dma_start3A_263 = tpu.memref_slice %arg9[%dma_start3A_262] : memref<512xi32, #tpu.memory_space<vmem>> -> memref<128xi32, #tpu.memory_space<vmem>>
    %dma_start3A_264 = arith.constant 0 : i32
    %dma_start3A_265 = arith.constant 0 : i32
    %dma_start3A_266 = tpu.memref_slice %arg4[%dma_start3A_264, %dma_start3A_265] : memref<16384x128xf32, #tpu.memory_space<hbm>> -> memref<16384x128xf32, #tpu.memory_space<hbm>>
    tpu.enqueue_indirect_dma source(%dma_start3A_266 : memref<16384x128xf32, #tpu.memory_space<hbm>>) target(%dma_start3A_261 : memref<128x128xf32, #tpu.memory_space<vmem>>) offsets(%dma_start3A_263 : memref<128xi32, #tpu.memory_space<vmem>>) semaphore(%arg15 : memref<!tpu.dma_semaphore, #tpu.memory_space<semaphore_mem>>)
    %add3A_267 = arith.constant 256 : i32
    %add3A_268 = arith.addi %mul3A_4, %add3A_267 : i32
    %dma_start3A_269 = arith.constant 0 : i32
    %dma_start3A_270 = arith.constant 0 : i32
    %dma_start3A_271 = arith.constant 0 : i32
    %dma_start3A_272 = tpu.memref_slice %arg10[%dma_start3A_269, %dma_start3A_270, %dma_start3A_271] : memref<2x128x128xf32, #tpu.memory_space<vmem>> -> memref<1x128x128xf32, #tpu.memory_space<vmem>>
    %dma_start3A_273 = tpu.memref_squeeze %dma_start3A_272 : memref<1x128x128xf32, #tpu.memory_space<vmem>> -> memref<128x128xf32, #tpu.memory_space<vmem>>
    %dma_start3A_274 = arith.constant 0 : i32
    %dma_start3A_275 = tpu.memref_slice %arg5[%add3A_268, %dma_start3A_274] : memref<16384x128xf32, #tpu.memory_space<hbm>> -> memref<128x128xf32, #tpu.memory_space<hbm>>
    %dma_start3A_276 = arith.constant 0 : i32
    %dma_start3A_277 = tpu.memref_slice %arg5[%add3A_268, %dma_start3A_276] : memref<16384x128xf32, #tpu.memory_space<hbm>> -> memref<128x128xf32, #tpu.memory_space<hbm>>
    %dma_start3A_278 = arith.constant 0 : i32
    %dma_start3A_279 = arith.constant 0 : i32
    %dma_start3A_280 = tpu.memref_slice %arg10[%dma_start3A_269, %dma_start3A_278, %dma_start3A_279] : memref<2x128x128xf32, #tpu.memory_space<vmem>> -> memref<1x128x128xf32, #tpu.memory_space<vmem>>
    %dma_start3A_281 = tpu.memref_squeeze %dma_start3A_280 : memref<1x128x128xf32, #tpu.memory_space<vmem>> -> memref<128x128xf32, #tpu.memory_space<vmem>>
    tpu.enqueue_dma source(%dma_start3A_281 : memref<128x128xf32, #tpu.memory_space<vmem>>) target(%dma_start3A_277 : memref<128x128xf32, #tpu.memory_space<hbm>>) target_semaphore(%arg18 : memref<!tpu.dma_semaphore, #tpu.memory_space<semaphore_mem>>)
    %scan3A_282 = arith.constant 0 : i32
    %scan3A_283 = arith.constant 0.0048828125 : f32
    %scan3A_284 = arith.constant 0 : i32
    %scan3A_285 = arith.constant 4 : i32
    %scan3A_286 = arith.addi %scan3A_284, %scan3A_285 : i32
    %scan3A_287 = arith.constant 1 : i32
    scf.for %scan3A_492 = %scan3A_284 to %scan3A_286 step %scan3A_287  : i32 {
      %parallel_loop3A_493 = arith.constant 0 : i32
      %parallel_loop3A_494 = arith.constant 16 : i32
      %parallel_loop3A_495 = arith.constant 1 : i32
      scf.for %parallel_loop3A_998 = %parallel_loop3A_493 to %parallel_loop3A_494 step %parallel_loop3A_495  : i32 {
        %parallel_loop3A_999 = arith.constant 0.000000e+00 : f32
        %parallel_loop3A_1000 = vector.broadcast %parallel_loop3A_999 : f32 to vector<16xf32>
        %parallel_loop3A_1001 = arith.constant 0.000000e+00 : f32
        %parallel_loop3A_1002 = vector.broadcast %parallel_loop3A_1001 : f32 to vector<16xf32>
        %parallel_loop3A_1003 = arith.constant 32 : i32
        %parallel_loop3A_1004 = arith.muli %parallel_loop3A_1003, %scan3A_492 : i32
        %parallel_loop3A_1005 = arith.constant 3 : i32
        %parallel_loop3A_1006 = arith.shrsi %parallel_loop3A_998, %parallel_loop3A_1005 : i32
        %parallel_loop3A_1007 = arith.constant 16 : i32
        %parallel_loop3A_1008 = arith.muli %parallel_loop3A_1007, %parallel_loop3A_1006 : i32
        %parallel_loop3A_1009 = arith.addi %parallel_loop3A_1004, %parallel_loop3A_1008 : i32
        %parallel_loop3A_1010 = arith.constant 7 : i32
        %parallel_loop3A_1011 = arith.andi %parallel_loop3A_998, %parallel_loop3A_1010 : i32
        %parallel_loop3A_1012 = arith.addi %parallel_loop3A_1009, %parallel_loop3A_1011 : i32
        %parallel_loop3A_1013 = arith.constant 0 : i32
        %parallel_loop3A_1014 = arith.addi %parallel_loop3A_1012, %parallel_loop3A_1013 : i32
        %parallel_loop3A_1015 = arith.constant 0 : i32
        %parallel_loop3A_1016 = arith.index_cast %parallel_loop3A_1015 : i32 to index
        %parallel_loop3A_1017 = arith.index_cast %parallel_loop3A_1014 : i32 to index
        %parallel_loop3A_1018 = arith.constant 0 : index
        %parallel_loop3A_1019 = tpu.vector_load %arg10[%parallel_loop3A_1016, %parallel_loop3A_1017, %parallel_loop3A_1018] {strides = array<i32>} : memref<2x128x128xf32, #tpu.memory_space<vmem>>, vector<16xf32>,
        %parallel_loop3A_1020 = arith.constant 0 : i32
        %parallel_loop3A_1021 = arith.index_cast %parallel_loop3A_1020 : i32 to index
        %parallel_loop3A_1022 = arith.index_cast %parallel_loop3A_1014 : i32 to index
        %parallel_loop3A_1023 = arith.constant 0 : index
        %parallel_loop3A_1024 = tpu.vector_load %arg11[%parallel_loop3A_1021, %parallel_loop3A_1022, %parallel_loop3A_1023] {strides = array<i32>} : memref<2x128x128xf32, #tpu.memory_space<vmem>>, vector<16xf32>,
        %parallel_loop3A_1025 = arith.subf %parallel_loop3A_1019, %parallel_loop3A_1024 : vector<16xf32>
        %parallel_loop3A_1026 = arith.mulf %parallel_loop3A_1025, %parallel_loop3A_1025 : vector<16xf32>
        %parallel_loop3A_1027 = arith.addf %parallel_loop3A_1000, %parallel_loop3A_1026 : vector<16xf32>
        %parallel_loop3A_1028 = arith.constant 0 : i32
        %parallel_loop3A_1029 = arith.index_cast %parallel_loop3A_1028 : i32 to index
        %parallel_loop3A_1030 = arith.index_cast %parallel_loop3A_1014 : i32 to index
        %parallel_loop3A_1031 = arith.constant 16 : index
        %parallel_loop3A_1032 = tpu.vector_load %arg10[%parallel_loop3A_1029, %parallel_loop3A_1030, %parallel_loop3A_1031] {strides = array<i32>} : memref<2x128x128xf32, #tpu.memory_space<vmem>>, vector<16xf32>,
        %parallel_loop3A_1033 = arith.constant 0 : i32
        %parallel_loop3A_1034 = arith.index_cast %parallel_loop3A_1033 : i32 to index
        %parallel_loop3A_1035 = arith.index_cast %parallel_loop3A_1014 : i32 to index
        %parallel_loop3A_1036 = arith.constant 16 : index
        %parallel_loop3A_1037 = tpu.vector_load %arg11[%parallel_loop3A_1034, %parallel_loop3A_1035, %parallel_loop3A_1036] {strides = array<i32>} : memref<2x128x128xf32, #tpu.memory_space<vmem>>, vector<16xf32>,
        %parallel_loop3A_1038 = arith.subf %parallel_loop3A_1032, %parallel_loop3A_1037 : vector<16xf32>
        %parallel_loop3A_1039 = arith.mulf %parallel_loop3A_1038, %parallel_loop3A_1038 : vector<16xf32>
        %parallel_loop3A_1040 = arith.addf %parallel_loop3A_1002, %parallel_loop3A_1039 : vector<16xf32>
        %parallel_loop3A_1041 = arith.constant 0 : i32
        %parallel_loop3A_1042 = arith.index_cast %parallel_loop3A_1041 : i32 to index
        %parallel_loop3A_1043 = arith.index_cast %parallel_loop3A_1014 : i32 to index
        %parallel_loop3A_1044 = arith.constant 32 : index
        %parallel_loop3A_1045 = tpu.vector_load %arg10[%parallel_loop3A_1042, %parallel_loop3A_1043, %parallel_loop3A_1044] {strides = array<i32>} : memref<2x128x128xf32, #tpu.memory_space<vmem>>, vector<16xf32>,
        %parallel_loop3A_1046 = arith.constant 0 : i32
        %parallel_loop3A_1047 = arith.index_cast %parallel_loop3A_1046 : i32 to index
        %parallel_loop3A_1048 = arith.index_cast %parallel_loop3A_1014 : i32 to index
        %parallel_loop3A_1049 = arith.constant 32 : index
        %parallel_loop3A_1050 = tpu.vector_load %arg11[%parallel_loop3A_1047, %parallel_loop3A_1048, %parallel_loop3A_1049] {strides = array<i32>} : memref<2x128x128xf32, #tpu.memory_space<vmem>>, vector<16xf32>,
        %parallel_loop3A_1051 = arith.subf %parallel_loop3A_1045, %parallel_loop3A_1050 : vector<16xf32>
        %parallel_loop3A_1052 = arith.mulf %parallel_loop3A_1051, %parallel_loop3A_1051 : vector<16xf32>
        %parallel_loop3A_1053 = arith.addf %parallel_loop3A_1027, %parallel_loop3A_1052 : vector<16xf32>
        %parallel_loop3A_1054 = arith.constant 0 : i32
        %parallel_loop3A_1055 = arith.index_cast %parallel_loop3A_1054 : i32 to index
        %parallel_loop3A_1056 = arith.index_cast %parallel_loop3A_1014 : i32 to index
        %parallel_loop3A_1057 = arith.constant 48 : index
        %parallel_loop3A_1058 = tpu.vector_load %arg10[%parallel_loop3A_1055, %parallel_loop3A_1056, %parallel_loop3A_1057] {strides = array<i32>} : memref<2x128x128xf32, #tpu.memory_space<vmem>>, vector<16xf32>,
        %parallel_loop3A_1059 = arith.constant 0 : i32
        %parallel_loop3A_1060 = arith.index_cast %parallel_loop3A_1059 : i32 to index
        %parallel_loop3A_1061 = arith.index_cast %parallel_loop3A_1014 : i32 to index
        %parallel_loop3A_1062 = arith.constant 48 : index
        %parallel_loop3A_1063 = tpu.vector_load %arg11[%parallel_loop3A_1060, %parallel_loop3A_1061, %parallel_loop3A_1062] {strides = array<i32>} : memref<2x128x128xf32, #tpu.memory_space<vmem>>, vector<16xf32>,
        %parallel_loop3A_1064 = arith.subf %parallel_loop3A_1058, %parallel_loop3A_1063 : vector<16xf32>
        %parallel_loop3A_1065 = arith.mulf %parallel_loop3A_1064, %parallel_loop3A_1064 : vector<16xf32>
        %parallel_loop3A_1066 = arith.addf %parallel_loop3A_1040, %parallel_loop3A_1065 : vector<16xf32>
        %parallel_loop3A_1067 = arith.constant 0 : i32
        %parallel_loop3A_1068 = arith.index_cast %parallel_loop3A_1067 : i32 to index
        %parallel_loop3A_1069 = arith.index_cast %parallel_loop3A_1014 : i32 to index
        %parallel_loop3A_1070 = arith.constant 64 : index
        %parallel_loop3A_1071 = tpu.vector_load %arg10[%parallel_loop3A_1068, %parallel_loop3A_1069, %parallel_loop3A_1070] {strides = array<i32>} : memref<2x128x128xf32, #tpu.memory_space<vmem>>, vector<16xf32>,
        %parallel_loop3A_1072 = arith.constant 0 : i32
        %parallel_loop3A_1073 = arith.index_cast %parallel_loop3A_1072 : i32 to index
        %parallel_loop3A_1074 = arith.index_cast %parallel_loop3A_1014 : i32 to index
        %parallel_loop3A_1075 = arith.constant 64 : index
        %parallel_loop3A_1076 = tpu.vector_load %arg11[%parallel_loop3A_1073, %parallel_loop3A_1074, %parallel_loop3A_1075] {strides = array<i32>} : memref<2x128x128xf32, #tpu.memory_space<vmem>>, vector<16xf32>,
        %parallel_loop3A_1077 = arith.subf %parallel_loop3A_1071, %parallel_loop3A_1076 : vector<16xf32>
        %parallel_loop3A_1078 = arith.mulf %parallel_loop3A_1077, %parallel_loop3A_1077 : vector<16xf32>
        %parallel_loop3A_1079 = arith.addf %parallel_loop3A_1053, %parallel_loop3A_1078 : vector<16xf32>
        %parallel_loop3A_1080 = arith.constant 0 : i32
        %parallel_loop3A_1081 = arith.index_cast %parallel_loop3A_1080 : i32 to index
        %parallel_loop3A_1082 = arith.index_cast %parallel_loop3A_1014 : i32 to index
        %parallel_loop3A_1083 = arith.constant 80 : index
        %parallel_loop3A_1084 = tpu.vector_load %arg10[%parallel_loop3A_1081, %parallel_loop3A_1082, %parallel_loop3A_1083] {strides = array<i32>} : memref<2x128x128xf32, #tpu.memory_space<vmem>>, vector<16xf32>,
        %parallel_loop3A_1085 = arith.constant 0 : i32
        %parallel_loop3A_1086 = arith.index_cast %parallel_loop3A_1085 : i32 to index
        %parallel_loop3A_1087 = arith.index_cast %parallel_loop3A_1014 : i32 to index
        %parallel_loop3A_1088 = arith.constant 80 : index
        %parallel_loop3A_1089 = tpu.vector_load %arg11[%parallel_loop3A_1086, %parallel_loop3A_1087, %parallel_loop3A_1088] {strides = array<i32>} : memref<2x128x128xf32, #tpu.memory_space<vmem>>, vector<16xf32>,
        %parallel_loop3A_1090 = arith.subf %parallel_loop3A_1084, %parallel_loop3A_1089 : vector<16xf32>
        %parallel_loop3A_1091 = arith.mulf %parallel_loop3A_1090, %parallel_loop3A_1090 : vector<16xf32>
        %parallel_loop3A_1092 = arith.addf %parallel_loop3A_1066, %parallel_loop3A_1091 : vector<16xf32>
        %parallel_loop3A_1093 = arith.constant 0 : i32
        %parallel_loop3A_1094 = arith.index_cast %parallel_loop3A_1093 : i32 to index
        %parallel_loop3A_1095 = arith.index_cast %parallel_loop3A_1014 : i32 to index
        %parallel_loop3A_1096 = arith.constant 96 : index
        %parallel_loop3A_1097 = tpu.vector_load %arg10[%parallel_loop3A_1094, %parallel_loop3A_1095, %parallel_loop3A_1096] {strides = array<i32>} : memref<2x128x128xf32, #tpu.memory_space<vmem>>, vector<16xf32>,
        %parallel_loop3A_1098 = arith.constant 0 : i32
        %parallel_loop3A_1099 = arith.index_cast %parallel_loop3A_1098 : i32 to index
        %parallel_loop3A_1100 = arith.index_cast %parallel_loop3A_1014 : i32 to index
        %parallel_loop3A_1101 = arith.constant 96 : index
        %parallel_loop3A_1102 = tpu.vector_load %arg11[%parallel_loop3A_1099, %parallel_loop3A_1100, %parallel_loop3A_1101] {strides = array<i32>} : memref<2x128x128xf32, #tpu.memory_space<vmem>>, vector<16xf32>,
        %parallel_loop3A_1103 = arith.subf %parallel_loop3A_1097, %parallel_loop3A_1102 : vector<16xf32>
        %parallel_loop3A_1104 = arith.mulf %parallel_loop3A_1103, %parallel_loop3A_1103 : vector<16xf32>
        %parallel_loop3A_1105 = arith.addf %parallel_loop3A_1079, %parallel_loop3A_1104 : vector<16xf32>
        %parallel_loop3A_1106 = arith.constant 0 : i32
        %parallel_loop3A_1107 = arith.index_cast %parallel_loop3A_1106 : i32 to index
        %parallel_loop3A_1108 = arith.index_cast %parallel_loop3A_1014 : i32 to index
        %parallel_loop3A_1109 = arith.constant 112 : index
        %parallel_loop3A_1110 = tpu.vector_load %arg10[%parallel_loop3A_1107, %parallel_loop3A_1108, %parallel_loop3A_1109] {strides = array<i32>} : memref<2x128x128xf32, #tpu.memory_space<vmem>>, vector<16xf32>,
        %parallel_loop3A_1111 = arith.constant 0 : i32
        %parallel_loop3A_1112 = arith.index_cast %parallel_loop3A_1111 : i32 to index
        %parallel_loop3A_1113 = arith.index_cast %parallel_loop3A_1014 : i32 to index
        %parallel_loop3A_1114 = arith.constant 112 : index
        %parallel_loop3A_1115 = tpu.vector_load %arg11[%parallel_loop3A_1112, %parallel_loop3A_1113, %parallel_loop3A_1114] {strides = array<i32>} : memref<2x128x128xf32, #tpu.memory_space<vmem>>, vector<16xf32>,
        %parallel_loop3A_1116 = arith.subf %parallel_loop3A_1110, %parallel_loop3A_1115 : vector<16xf32>
        %parallel_loop3A_1117 = arith.mulf %parallel_loop3A_1116, %parallel_loop3A_1116 : vector<16xf32>
        %parallel_loop3A_1118 = arith.addf %parallel_loop3A_1092, %parallel_loop3A_1117 : vector<16xf32>
        %parallel_loop3A_1119 = arith.constant 8 : i32
        %parallel_loop3A_1120 = arith.addi %parallel_loop3A_1012, %parallel_loop3A_1119 : i32
        %parallel_loop3A_1121 = arith.constant 0 : i32
        %parallel_loop3A_1122 = arith.index_cast %parallel_loop3A_1121 : i32 to index
        %parallel_loop3A_1123 = arith.index_cast %parallel_loop3A_1120 : i32 to index
        %parallel_loop3A_1124 = arith.constant 0 : index
        %parallel_loop3A_1125 = tpu.vector_load %arg10[%parallel_loop3A_1122, %parallel_loop3A_1123, %parallel_loop3A_1124] {strides = array<i32>} : memref<2x128x128xf32, #tpu.memory_space<vmem>>, vector<16xf32>,
        %parallel_loop3A_1126 = arith.constant 0 : i32
        %parallel_loop3A_1127 = arith.index_cast %parallel_loop3A_1126 : i32 to index
        %parallel_loop3A_1128 = arith.index_cast %parallel_loop3A_1120 : i32 to index
        %parallel_loop3A_1129 = arith.constant 0 : index
        %parallel_loop3A_1130 = tpu.vector_load %arg11[%parallel_loop3A_1127, %parallel_loop3A_1128, %parallel_loop3A_1129] {strides = array<i32>} : memref<2x128x128xf32, #tpu.memory_space<vmem>>, vector<16xf32>,
        %parallel_loop3A_1131 = arith.subf %parallel_loop3A_1125, %parallel_loop3A_1130 : vector<16xf32>
        %parallel_loop3A_1132 = arith.mulf %parallel_loop3A_1131, %parallel_loop3A_1131 : vector<16xf32>
        %parallel_loop3A_1133 = arith.addf %parallel_loop3A_1105, %parallel_loop3A_1132 : vector<16xf32>
        %parallel_loop3A_1134 = arith.constant 0 : i32
        %parallel_loop3A_1135 = arith.index_cast %parallel_loop3A_1134 : i32 to index
        %parallel_loop3A_1136 = arith.index_cast %parallel_loop3A_1120 : i32 to index
        %parallel_loop3A_1137 = arith.constant 16 : index
        %parallel_loop3A_1138 = tpu.vector_load %arg10[%parallel_loop3A_1135, %parallel_loop3A_1136, %parallel_loop3A_1137] {strides = array<i32>} : memref<2x128x128xf32, #tpu.memory_space<vmem>>, vector<16xf32>,
        %parallel_loop3A_1139 = arith.constant 0 : i32
        %parallel_loop3A_1140 = arith.index_cast %parallel_loop3A_1139 : i32 to index
        %parallel_loop3A_1141 = arith.index_cast %parallel_loop3A_1120 : i32 to index
        %parallel_loop3A_1142 = arith.constant 16 : index
        %parallel_loop3A_1143 = tpu.vector_load %arg11[%parallel_loop3A_1140, %parallel_loop3A_1141, %parallel_loop3A_1142] {strides = array<i32>} : memref<2x128x128xf32, #tpu.memory_space<vmem>>, vector<16xf32>,
        %parallel_loop3A_1144 = arith.subf %parallel_loop3A_1138, %parallel_loop3A_1143 : vector<16xf32>
        %parallel_loop3A_1145 = arith.mulf %parallel_loop3A_1144, %parallel_loop3A_1144 : vector<16xf32>
        %parallel_loop3A_1146 = arith.addf %parallel_loop3A_1118, %parallel_loop3A_1145 : vector<16xf32>
        %parallel_loop3A_1147 = arith.constant 0 : i32
        %parallel_loop3A_1148 = arith.index_cast %parallel_loop3A_1147 : i32 to index
        %parallel_loop3A_1149 = arith.index_cast %parallel_loop3A_1120 : i32 to index
        %parallel_loop3A_1150 = arith.constant 32 : index
        %parallel_loop3A_1151 = tpu.vector_load %arg10[%parallel_loop3A_1148, %parallel_loop3A_1149, %parallel_loop3A_1150] {strides = array<i32>} : memref<2x128x128xf32, #tpu.memory_space<vmem>>, vector<16xf32>,
        %parallel_loop3A_1152 = arith.constant 0 : i32
        %parallel_loop3A_1153 = arith.index_cast %parallel_loop3A_1152 : i32 to index
        %parallel_loop3A_1154 = arith.index_cast %parallel_loop3A_1120 : i32 to index
        %parallel_loop3A_1155 = arith.constant 32 : index
        %parallel_loop3A_1156 = tpu.vector_load %arg11[%parallel_loop3A_1153, %parallel_loop3A_1154, %parallel_loop3A_1155] {strides = array<i32>} : memref<2x128x128xf32, #tpu.memory_space<vmem>>, vector<16xf32>,
        %parallel_loop3A_1157 = arith.subf %parallel_loop3A_1151, %parallel_loop3A_1156 : vector<16xf32>
        %parallel_loop3A_1158 = arith.mulf %parallel_loop3A_1157, %parallel_loop3A_1157 : vector<16xf32>
        %parallel_loop3A_1159 = arith.addf %parallel_loop3A_1133, %parallel_loop3A_1158 : vector<16xf32>
        %parallel_loop3A_1160 = arith.constant 0 : i32
        %parallel_loop3A_1161 = arith.index_cast %parallel_loop3A_1160 : i32 to index
        %parallel_loop3A_1162 = arith.index_cast %parallel_loop3A_1120 : i32 to index
        %parallel_loop3A_1163 = arith.constant 48 : index
        %parallel_loop3A_1164 = tpu.vector_load %arg10[%parallel_loop3A_1161, %parallel_loop3A_1162, %parallel_loop3A_1163] {strides = array<i32>} : memref<2x128x128xf32, #tpu.memory_space<vmem>>, vector<16xf32>,
        %parallel_loop3A_1165 = arith.constant 0 : i32
        %parallel_loop3A_1166 = arith.index_cast %parallel_loop3A_1165 : i32 to index
        %parallel_loop3A_1167 = arith.index_cast %parallel_loop3A_1120 : i32 to index
        %parallel_loop3A_1168 = arith.constant 48 : index
        %parallel_loop3A_1169 = tpu.vector_load %arg11[%parallel_loop3A_1166, %parallel_loop3A_1167, %parallel_loop3A_1168] {strides = array<i32>} : memref<2x128x128xf32, #tpu.memory_space<vmem>>, vector<16xf32>,
        %parallel_loop3A_1170 = arith.subf %parallel_loop3A_1164, %parallel_loop3A_1169 : vector<16xf32>
        %parallel_loop3A_1171 = arith.mulf %parallel_loop3A_1170, %parallel_loop3A_1170 : vector<16xf32>
        %parallel_loop3A_1172 = arith.addf %parallel_loop3A_1146, %parallel_loop3A_1171 : vector<16xf32>
        %parallel_loop3A_1173 = arith.constant 0 : i32
        %parallel_loop3A_1174 = arith.index_cast %parallel_loop3A_1173 : i32 to index
        %parallel_loop3A_1175 = arith.index_cast %parallel_loop3A_1120 : i32 to index
        %parallel_loop3A_1176 = arith.constant 64 : index
        %parallel_loop3A_1177 = tpu.vector_load %arg10[%parallel_loop3A_1174, %parallel_loop3A_1175, %parallel_loop3A_1176] {strides = array<i32>} : memref<2x128x128xf32, #tpu.memory_space<vmem>>, vector<16xf32>,
        %parallel_loop3A_1178 = arith.constant 0 : i32
        %parallel_loop3A_1179 = arith.index_cast %parallel_loop3A_1178 : i32 to index
        %parallel_loop3A_1180 = arith.index_cast %parallel_loop3A_1120 : i32 to index
        %parallel_loop3A_1181 = arith.constant 64 : index
        %parallel_loop3A_1182 = tpu.vector_load %arg11[%parallel_loop3A_1179, %parallel_loop3A_1180, %parallel_loop3A_1181] {strides = array<i32>} : memref<2x128x128xf32, #tpu.memory_space<vmem>>, vector<16xf32>,
        %parallel_loop3A_1183 = arith.subf %parallel_loop3A_1177, %parallel_loop3A_1182 : vector<16xf32>
        %parallel_loop3A_1184 = arith.mulf %parallel_loop3A_1183, %parallel_loop3A_1183 : vector<16xf32>
        %parallel_loop3A_1185 = arith.addf %parallel_loop3A_1159, %parallel_loop3A_1184 : vector<16xf32>
        %parallel_loop3A_1186 = arith.constant 0 : i32
        %parallel_loop3A_1187 = arith.index_cast %parallel_loop3A_1186 : i32 to index
        %parallel_loop3A_1188 = arith.index_cast %parallel_loop3A_1120 : i32 to index
        %parallel_loop3A_1189 = arith.constant 80 : index
        %parallel_loop3A_1190 = tpu.vector_load %arg10[%parallel_loop3A_1187, %parallel_loop3A_1188, %parallel_loop3A_1189] {strides = array<i32>} : memref<2x128x128xf32, #tpu.memory_space<vmem>>, vector<16xf32>,
        %parallel_loop3A_1191 = arith.constant 0 : i32
        %parallel_loop3A_1192 = arith.index_cast %parallel_loop3A_1191 : i32 to index
        %parallel_loop3A_1193 = arith.index_cast %parallel_loop3A_1120 : i32 to index
        %parallel_loop3A_1194 = arith.constant 80 : index
        %parallel_loop3A_1195 = tpu.vector_load %arg11[%parallel_loop3A_1192, %parallel_loop3A_1193, %parallel_loop3A_1194] {strides = array<i32>} : memref<2x128x128xf32, #tpu.memory_space<vmem>>, vector<16xf32>,
        %parallel_loop3A_1196 = arith.subf %parallel_loop3A_1190, %parallel_loop3A_1195 : vector<16xf32>
        %parallel_loop3A_1197 = arith.mulf %parallel_loop3A_1196, %parallel_loop3A_1196 : vector<16xf32>
        %parallel_loop3A_1198 = arith.addf %parallel_loop3A_1172, %parallel_loop3A_1197 : vector<16xf32>
        %parallel_loop3A_1199 = arith.constant 0 : i32
        %parallel_loop3A_1200 = arith.index_cast %parallel_loop3A_1199 : i32 to index
        %parallel_loop3A_1201 = arith.index_cast %parallel_loop3A_1120 : i32 to index
        %parallel_loop3A_1202 = arith.constant 96 : index
        %parallel_loop3A_1203 = tpu.vector_load %arg10[%parallel_loop3A_1200, %parallel_loop3A_1201, %parallel_loop3A_1202] {strides = array<i32>} : memref<2x128x128xf32, #tpu.memory_space<vmem>>, vector<16xf32>,
        %parallel_loop3A_1204 = arith.constant 0 : i32
        %parallel_loop3A_1205 = arith.index_cast %parallel_loop3A_1204 : i32 to index
        %parallel_loop3A_1206 = arith.index_cast %parallel_loop3A_1120 : i32 to index
        %parallel_loop3A_1207 = arith.constant 96 : index
        %parallel_loop3A_1208 = tpu.vector_load %arg11[%parallel_loop3A_1205, %parallel_loop3A_1206, %parallel_loop3A_1207] {strides = array<i32>} : memref<2x128x128xf32, #tpu.memory_space<vmem>>, vector<16xf32>,
        %parallel_loop3A_1209 = arith.subf %parallel_loop3A_1203, %parallel_loop3A_1208 : vector<16xf32>
        %parallel_loop3A_1210 = arith.mulf %parallel_loop3A_1209, %parallel_loop3A_1209 : vector<16xf32>
        %parallel_loop3A_1211 = arith.addf %parallel_loop3A_1185, %parallel_loop3A_1210 : vector<16xf32>
        %parallel_loop3A_1212 = arith.constant 0 : i32
        %parallel_loop3A_1213 = arith.index_cast %parallel_loop3A_1212 : i32 to index
        %parallel_loop3A_1214 = arith.index_cast %parallel_loop3A_1120 : i32 to index
        %parallel_loop3A_1215 = arith.constant 112 : index
        %parallel_loop3A_1216 = tpu.vector_load %arg10[%parallel_loop3A_1213, %parallel_loop3A_1214, %parallel_loop3A_1215] {strides = array<i32>} : memref<2x128x128xf32, #tpu.memory_space<vmem>>, vector<16xf32>,
        %parallel_loop3A_1217 = arith.constant 0 : i32
        %parallel_loop3A_1218 = arith.index_cast %parallel_loop3A_1217 : i32 to index
        %parallel_loop3A_1219 = arith.index_cast %parallel_loop3A_1120 : i32 to index
        %parallel_loop3A_1220 = arith.constant 112 : index
        %parallel_loop3A_1221 = tpu.vector_load %arg11[%parallel_loop3A_1218, %parallel_loop3A_1219, %parallel_loop3A_1220] {strides = array<i32>} : memref<2x128x128xf32, #tpu.memory_space<vmem>>, vector<16xf32>,
        %parallel_loop3A_1222 = arith.subf %parallel_loop3A_1216, %parallel_loop3A_1221 : vector<16xf32>
        %parallel_loop3A_1223 = arith.mulf %parallel_loop3A_1222, %parallel_loop3A_1222 : vector<16xf32>
        %parallel_loop3A_1224 = arith.addf %parallel_loop3A_1198, %parallel_loop3A_1223 : vector<16xf32>
        %parallel_loop3A_1225 = arith.addf %parallel_loop3A_1211, %parallel_loop3A_1224 : vector<16xf32>
        %parallel_loop3A_1226 = arith.index_cast %parallel_loop3A_998 : i32 to index
        %parallel_loop3A_1227 = arith.constant 0 : index
        %parallel_loop3A_1228 = tpu.vector_load %arg13[%parallel_loop3A_1226, %parallel_loop3A_1227] {strides = array<i32>} : memref<16x16xf32, #tpu.memory_space<vmem>>, vector<16xf32>,
        tpu.vector_store %arg13[%parallel_loop3A_1226, %parallel_loop3A_1227], %parallel_loop3A_1225 {strides = array<i32>} : memref<16x16xf32, #tpu.memory_space<vmem>>, vector<16xf32>,
      } {sc.loop_unroll_factor = 1 : i64, sc.parallel_access}
      %get3A = arith.constant 0 : i32
      %get3A_496 = arith.index_cast %get3A : i32 to index
      %get3A_497 = arith.constant 0 : index
      %get3A_498 = tpu.vector_load %arg13[%get3A_496, %get3A_497] {strides = array<i32>} : memref<16x16xf32, #tpu.memory_space<vmem>>, vector<16xf32>,
      %get3A_499 = arith.constant 1 : i32
      %get3A_500 = arith.index_cast %get3A_499 : i32 to index
      %get3A_501 = arith.constant 0 : index
      %get3A_502 = tpu.vector_load %arg13[%get3A_500, %get3A_501] {strides = array<i32>} : memref<16x16xf32, #tpu.memory_space<vmem>>, vector<16xf32>,
      %get3A_503 = arith.constant 2 : i32
      %get3A_504 = arith.index_cast %get3A_503 : i32 to index
      %get3A_505 = arith.constant 0 : index
      %get3A_506 = tpu.vector_load %arg13[%get3A_504, %get3A_505] {strides = array<i32>} : memref<16x16xf32, #tpu.memory_space<vmem>>, vector<16xf32>,
      %get3A_507 = arith.constant 3 : i32
      %get3A_508 = arith.index_cast %get3A_507 : i32 to index
      %get3A_509 = arith.constant 0 : index
      %get3A_510 = tpu.vector_load %arg13[%get3A_508, %get3A_509] {strides = array<i32>} : memref<16x16xf32, #tpu.memory_space<vmem>>, vector<16xf32>,
      %get3A_511 = arith.constant 4 : i32
      %get3A_512 = arith.index_cast %get3A_511 : i32 to index
      %get3A_513 = arith.constant 0 : index
      %get3A_514 = tpu.vector_load %arg13[%get3A_512, %get3A_513] {strides = array<i32>} : memref<16x16xf32, #tpu.memory_space<vmem>>, vector<16xf32>,
      %get3A_515 = arith.constant 5 : i32
      %get3A_516 = arith.index_cast %get3A_515 : i32 to index
      %get3A_517 = arith.constant 0 : index
      %get3A_518 = tpu.vector_load %arg13[%get3A_516, %get3A_517] {strides = array<i32>} : memref<16x16xf32, #tpu.memory_space<vmem>>, vector<16xf32>,
      %get3A_519 = arith.constant 6 : i32
      %get3A_520 = arith.index_cast %get3A_519 : i32 to index
      %get3A_521 = arith.constant 0 : index
      %get3A_522 = tpu.vector_load %arg13[%get3A_520, %get3A_521] {strides = array<i32>} : memref<16x16xf32, #tpu.memory_space<vmem>>, vector<16xf32>,
      %get3A_523 = arith.constant 7 : i32
      %get3A_524 = arith.index_cast %get3A_523 : i32 to index
      %get3A_525 = arith.constant 0 : index
      %get3A_526 = tpu.vector_load %arg13[%get3A_524, %get3A_525] {strides = array<i32>} : memref<16x16xf32, #tpu.memory_space<vmem>>, vector<16xf32>,
      %get3A_527 = arith.constant 8 : i32
      %get3A_528 = arith.index_cast %get3A_527 : i32 to index
      %get3A_529 = arith.constant 0 : index
      %get3A_530 = tpu.vector_load %arg13[%get3A_528, %get3A_529] {strides = array<i32>} : memref<16x16xf32, #tpu.memory_space<vmem>>, vector<16xf32>,
      %get3A_531 = arith.constant 9 : i32
      %get3A_532 = arith.index_cast %get3A_531 : i32 to index
      %get3A_533 = arith.constant 0 : index
      %get3A_534 = tpu.vector_load %arg13[%get3A_532, %get3A_533] {strides = array<i32>} : memref<16x16xf32, #tpu.memory_space<vmem>>, vector<16xf32>,
      %get3A_535 = arith.constant 10 : i32
      %get3A_536 = arith.index_cast %get3A_535 : i32 to index
      %get3A_537 = arith.constant 0 : index
      %get3A_538 = tpu.vector_load %arg13[%get3A_536, %get3A_537] {strides = array<i32>} : memref<16x16xf32, #tpu.memory_space<vmem>>, vector<16xf32>,
      %get3A_539 = arith.constant 11 : i32
      %get3A_540 = arith.index_cast %get3A_539 : i32 to index
      %get3A_541 = arith.constant 0 : index
      %get3A_542 = tpu.vector_load %arg13[%get3A_540, %get3A_541] {strides = array<i32>} : memref<16x16xf32, #tpu.memory_space<vmem>>, vector<16xf32>,
      %get3A_543 = arith.constant 12 : i32
      %get3A_544 = arith.index_cast %get3A_543 : i32 to index
      %get3A_545 = arith.constant 0 : index
      %get3A_546 = tpu.vector_load %arg13[%get3A_544, %get3A_545] {strides = array<i32>} : memref<16x16xf32, #tpu.memory_space<vmem>>, vector<16xf32>,
      %get3A_547 = arith.constant 13 : i32
      %get3A_548 = arith.index_cast %get3A_547 : i32 to index
      %get3A_549 = arith.constant 0 : index
      %get3A_550 = tpu.vector_load %arg13[%get3A_548, %get3A_549] {strides = array<i32>} : memref<16x16xf32, #tpu.memory_space<vmem>>, vector<16xf32>,
      %get3A_551 = arith.constant 14 : i32
      %get3A_552 = arith.index_cast %get3A_551 : i32 to index
      %get3A_553 = arith.constant 0 : index
      %get3A_554 = tpu.vector_load %arg13[%get3A_552, %get3A_553] {strides = array<i32>} : memref<16x16xf32, #tpu.memory_space<vmem>>, vector<16xf32>,
      %get3A_555 = arith.constant 15 : i32
      %get3A_556 = arith.index_cast %get3A_555 : i32 to index
      %get3A_557 = arith.constant 0 : index
      %get3A_558 = tpu.vector_load %arg13[%get3A_556, %get3A_557] {strides = array<i32>} : memref<16x16xf32, #tpu.memory_space<vmem>>, vector<16xf32>,
      %xor3A = arith.constant 1 : i32
      %xor3A_559 = vector.broadcast %xor3A : i32 to vector<16xi32>
      %xor3A_560 = arith.xori %iota3A, %xor3A_559 : vector<16xi32>
      %lt3A_561 = arith.constant 0 : i32
      %lt3A_562 = vector.broadcast %lt3A_561 : i32 to vector<16xi32>
      %lt3A_563 = arith.cmpi slt, %xor3A_560, %lt3A_562 : vector<16xi32>
      %add3A_564 = arith.constant 16 : i32
      %add3A_565 = vector.broadcast %add3A_564 : i32 to vector<16xi32>
      %add3A_566 = arith.addi %xor3A_560, %add3A_565 : vector<16xi32>
      %select_n3A_567 = arith.select %lt3A_563, %add3A_566, %xor3A_560 : vector<16xi1>, vector<16xi32>
      %broadcast_in_dim3A = vector.shape_cast %select_n3A_567 : vector<16xi32> to vector<16x1xi32>
      %gather3A = vector.shape_cast %broadcast_in_dim3A : vector<16x1xi32> to vector<16xi32>
      %gather3A_568 = tpu.dynamic_gather %get3A_498[%gather3A] in [0] : vector<16xf32>, vector<16xi32> -> vector<16xf32>
      %xor3A_569 = arith.constant 1 : i32
      %xor3A_570 = vector.broadcast %xor3A_569 : i32 to vector<16xi32>
      %xor3A_571 = arith.xori %iota3A, %xor3A_570 : vector<16xi32>
      %lt3A_572 = arith.constant 0 : i32
      %lt3A_573 = vector.broadcast %lt3A_572 : i32 to vector<16xi32>
      %lt3A_574 = arith.cmpi slt, %xor3A_571, %lt3A_573 : vector<16xi32>
      %add3A_575 = arith.constant 16 : i32
      %add3A_576 = vector.broadcast %add3A_575 : i32 to vector<16xi32>
      %add3A_577 = arith.addi %xor3A_571, %add3A_576 : vector<16xi32>
      %select_n3A_578 = arith.select %lt3A_574, %add3A_577, %xor3A_571 : vector<16xi1>, vector<16xi32>
      %broadcast_in_dim3A_579 = vector.shape_cast %select_n3A_578 : vector<16xi32> to vector<16x1xi32>
      %gather3A_580 = vector.shape_cast %broadcast_in_dim3A_579 : vector<16x1xi32> to vector<16xi32>
      %gather3A_581 = tpu.dynamic_gather %get3A_502[%gather3A_580] in [0] : vector<16xf32>, vector<16xi32> -> vector<16xf32>
      %add3A_582 = arith.addf %get3A_498, %gather3A_568 : vector<16xf32>
      %add3A_583 = arith.addf %get3A_502, %gather3A_581 : vector<16xf32>
      %select_n3A_584 = arith.select %eq3A_9, %add3A_582, %add3A_583 : vector<16xi1>, vector<16xf32>
      %xor3A_585 = arith.constant 1 : i32
      %xor3A_586 = vector.broadcast %xor3A_585 : i32 to vector<16xi32>
      %xor3A_587 = arith.xori %iota3A, %xor3A_586 : vector<16xi32>
      %lt3A_588 = arith.constant 0 : i32
      %lt3A_589 = vector.broadcast %lt3A_588 : i32 to vector<16xi32>
      %lt3A_590 = arith.cmpi slt, %xor3A_587, %lt3A_589 : vector<16xi32>
      %add3A_591 = arith.constant 16 : i32
      %add3A_592 = vector.broadcast %add3A_591 : i32 to vector<16xi32>
      %add3A_593 = arith.addi %xor3A_587, %add3A_592 : vector<16xi32>
      %select_n3A_594 = arith.select %lt3A_590, %add3A_593, %xor3A_587 : vector<16xi1>, vector<16xi32>
      %broadcast_in_dim3A_595 = vector.shape_cast %select_n3A_594 : vector<16xi32> to vector<16x1xi32>
      %gather3A_596 = vector.shape_cast %broadcast_in_dim3A_595 : vector<16x1xi32> to vector<16xi32>
      %gather3A_597 = tpu.dynamic_gather %get3A_506[%gather3A_596] in [0] : vector<16xf32>, vector<16xi32> -> vector<16xf32>
      %xor3A_598 = arith.constant 1 : i32
      %xor3A_599 = vector.broadcast %xor3A_598 : i32 to vector<16xi32>
      %xor3A_600 = arith.xori %iota3A, %xor3A_599 : vector<16xi32>
      %lt3A_601 = arith.constant 0 : i32
      %lt3A_602 = vector.broadcast %lt3A_601 : i32 to vector<16xi32>
      %lt3A_603 = arith.cmpi slt, %xor3A_600, %lt3A_602 : vector<16xi32>
      %add3A_604 = arith.constant 16 : i32
      %add3A_605 = vector.broadcast %add3A_604 : i32 to vector<16xi32>
      %add3A_606 = arith.addi %xor3A_600, %add3A_605 : vector<16xi32>
      %select_n3A_607 = arith.select %lt3A_603, %add3A_606, %xor3A_600 : vector<16xi1>, vector<16xi32>
      %broadcast_in_dim3A_608 = vector.shape_cast %select_n3A_607 : vector<16xi32> to vector<16x1xi32>
      %gather3A_609 = vector.shape_cast %broadcast_in_dim3A_608 : vector<16x1xi32> to vector<16xi32>
      %gather3A_610 = tpu.dynamic_gather %get3A_510[%gather3A_609] in [0] : vector<16xf32>, vector<16xi32> -> vector<16xf32>
      %add3A_611 = arith.addf %get3A_506, %gather3A_597 : vector<16xf32>
      %add3A_612 = arith.addf %get3A_510, %gather3A_610 : vector<16xf32>
      %select_n3A_613 = arith.select %eq3A_9, %add3A_611, %add3A_612 : vector<16xi1>, vector<16xf32>
      %xor3A_614 = arith.constant 1 : i32
      %xor3A_615 = vector.broadcast %xor3A_614 : i32 to vector<16xi32>
      %xor3A_616 = arith.xori %iota3A, %xor3A_615 : vector<16xi32>
      %lt3A_617 = arith.constant 0 : i32
      %lt3A_618 = vector.broadcast %lt3A_617 : i32 to vector<16xi32>
      %lt3A_619 = arith.cmpi slt, %xor3A_616, %lt3A_618 : vector<16xi32>
      %add3A_620 = arith.constant 16 : i32
      %add3A_621 = vector.broadcast %add3A_620 : i32 to vector<16xi32>
      %add3A_622 = arith.addi %xor3A_616, %add3A_621 : vector<16xi32>
      %select_n3A_623 = arith.select %lt3A_619, %add3A_622, %xor3A_616 : vector<16xi1>, vector<16xi32>
      %broadcast_in_dim3A_624 = vector.shape_cast %select_n3A_623 : vector<16xi32> to vector<16x1xi32>
      %gather3A_625 = vector.shape_cast %broadcast_in_dim3A_624 : vector<16x1xi32> to vector<16xi32>
      %gather3A_626 = tpu.dynamic_gather %get3A_514[%gather3A_625] in [0] : vector<16xf32>, vector<16xi32> -> vector<16xf32>
      %xor3A_627 = arith.constant 1 : i32
      %xor3A_628 = vector.broadcast %xor3A_627 : i32 to vector<16xi32>
      %xor3A_629 = arith.xori %iota3A, %xor3A_628 : vector<16xi32>
      %lt3A_630 = arith.constant 0 : i32
      %lt3A_631 = vector.broadcast %lt3A_630 : i32 to vector<16xi32>
      %lt3A_632 = arith.cmpi slt, %xor3A_629, %lt3A_631 : vector<16xi32>
      %add3A_633 = arith.constant 16 : i32
      %add3A_634 = vector.broadcast %add3A_633 : i32 to vector<16xi32>
      %add3A_635 = arith.addi %xor3A_629, %add3A_634 : vector<16xi32>
      %select_n3A_636 = arith.select %lt3A_632, %add3A_635, %xor3A_629 : vector<16xi1>, vector<16xi32>
      %broadcast_in_dim3A_637 = vector.shape_cast %select_n3A_636 : vector<16xi32> to vector<16x1xi32>
      %gather3A_638 = vector.shape_cast %broadcast_in_dim3A_637 : vector<16x1xi32> to vector<16xi32>
      %gather3A_639 = tpu.dynamic_gather %get3A_518[%gather3A_638] in [0] : vector<16xf32>, vector<16xi32> -> vector<16xf32>
      %add3A_640 = arith.addf %get3A_514, %gather3A_626 : vector<16xf32>
      %add3A_641 = arith.addf %get3A_518, %gather3A_639 : vector<16xf32>
      %select_n3A_642 = arith.select %eq3A_9, %add3A_640, %add3A_641 : vector<16xi1>, vector<16xf32>
      %xor3A_643 = arith.constant 1 : i32
      %xor3A_644 = vector.broadcast %xor3A_643 : i32 to vector<16xi32>
      %xor3A_645 = arith.xori %iota3A, %xor3A_644 : vector<16xi32>
      %lt3A_646 = arith.constant 0 : i32
      %lt3A_647 = vector.broadcast %lt3A_646 : i32 to vector<16xi32>
      %lt3A_648 = arith.cmpi slt, %xor3A_645, %lt3A_647 : vector<16xi32>
      %add3A_649 = arith.constant 16 : i32
      %add3A_650 = vector.broadcast %add3A_649 : i32 to vector<16xi32>
      %add3A_651 = arith.addi %xor3A_645, %add3A_650 : vector<16xi32>
      %select_n3A_652 = arith.select %lt3A_648, %add3A_651, %xor3A_645 : vector<16xi1>, vector<16xi32>
      %broadcast_in_dim3A_653 = vector.shape_cast %select_n3A_652 : vector<16xi32> to vector<16x1xi32>
      %gather3A_654 = vector.shape_cast %broadcast_in_dim3A_653 : vector<16x1xi32> to vector<16xi32>
      %gather3A_655 = tpu.dynamic_gather %get3A_522[%gather3A_654] in [0] : vector<16xf32>, vector<16xi32> -> vector<16xf32>
      %xor3A_656 = arith.constant 1 : i32
      %xor3A_657 = vector.broadcast %xor3A_656 : i32 to vector<16xi32>
      %xor3A_658 = arith.xori %iota3A, %xor3A_657 : vector<16xi32>
      %lt3A_659 = arith.constant 0 : i32
      %lt3A_660 = vector.broadcast %lt3A_659 : i32 to vector<16xi32>
      %lt3A_661 = arith.cmpi slt, %xor3A_658, %lt3A_660 : vector<16xi32>
      %add3A_662 = arith.constant 16 : i32
      %add3A_663 = vector.broadcast %add3A_662 : i32 to vector<16xi32>
      %add3A_664 = arith.addi %xor3A_658, %add3A_663 : vector<16xi32>
      %select_n3A_665 = arith.select %lt3A_661, %add3A_664, %xor3A_658 : vector<16xi1>, vector<16xi32>
      %broadcast_in_dim3A_666 = vector.shape_cast %select_n3A_665 : vector<16xi32> to vector<16x1xi32>
      %gather3A_667 = vector.shape_cast %broadcast_in_dim3A_666 : vector<16x1xi32> to vector<16xi32>
      %gather3A_668 = tpu.dynamic_gather %get3A_526[%gather3A_667] in [0] : vector<16xf32>, vector<16xi32> -> vector<16xf32>
      %add3A_669 = arith.addf %get3A_522, %gather3A_655 : vector<16xf32>
      %add3A_670 = arith.addf %get3A_526, %gather3A_668 : vector<16xf32>
      %select_n3A_671 = arith.select %eq3A_9, %add3A_669, %add3A_670 : vector<16xi1>, vector<16xf32>
      %xor3A_672 = arith.constant 1 : i32
      %xor3A_673 = vector.broadcast %xor3A_672 : i32 to vector<16xi32>
      %xor3A_674 = arith.xori %iota3A, %xor3A_673 : vector<16xi32>
      %lt3A_675 = arith.constant 0 : i32
      %lt3A_676 = vector.broadcast %lt3A_675 : i32 to vector<16xi32>
      %lt3A_677 = arith.cmpi slt, %xor3A_674, %lt3A_676 : vector<16xi32>
      %add3A_678 = arith.constant 16 : i32
      %add3A_679 = vector.broadcast %add3A_678 : i32 to vector<16xi32>
      %add3A_680 = arith.addi %xor3A_674, %add3A_679 : vector<16xi32>
      %select_n3A_681 = arith.select %lt3A_677, %add3A_680, %xor3A_674 : vector<16xi1>, vector<16xi32>
      %broadcast_in_dim3A_682 = vector.shape_cast %select_n3A_681 : vector<16xi32> to vector<16x1xi32>
      %gather3A_683 = vector.shape_cast %broadcast_in_dim3A_682 : vector<16x1xi32> to vector<16xi32>
      %gather3A_684 = tpu.dynamic_gather %get3A_530[%gather3A_683] in [0] : vector<16xf32>, vector<16xi32> -> vector<16xf32>
      %xor3A_685 = arith.constant 1 : i32
      %xor3A_686 = vector.broadcast %xor3A_685 : i32 to vector<16xi32>
      %xor3A_687 = arith.xori %iota3A, %xor3A_686 : vector<16xi32>
      %lt3A_688 = arith.constant 0 : i32
      %lt3A_689 = vector.broadcast %lt3A_688 : i32 to vector<16xi32>
      %lt3A_690 = arith.cmpi slt, %xor3A_687, %lt3A_689 : vector<16xi32>
      %add3A_691 = arith.constant 16 : i32
      %add3A_692 = vector.broadcast %add3A_691 : i32 to vector<16xi32>
      %add3A_693 = arith.addi %xor3A_687, %add3A_692 : vector<16xi32>
      %select_n3A_694 = arith.select %lt3A_690, %add3A_693, %xor3A_687 : vector<16xi1>, vector<16xi32>
      %broadcast_in_dim3A_695 = vector.shape_cast %select_n3A_694 : vector<16xi32> to vector<16x1xi32>
      %gather3A_696 = vector.shape_cast %broadcast_in_dim3A_695 : vector<16x1xi32> to vector<16xi32>
      %gather3A_697 = tpu.dynamic_gather %get3A_534[%gather3A_696] in [0] : vector<16xf32>, vector<16xi32> -> vector<16xf32>
      %add3A_698 = arith.addf %get3A_530, %gather3A_684 : vector<16xf32>
      %add3A_699 = arith.addf %get3A_534, %gather3A_697 : vector<16xf32>
      %select_n3A_700 = arith.select %eq3A_9, %add3A_698, %add3A_699 : vector<16xi1>, vector<16xf32>
      %xor3A_701 = arith.constant 1 : i32
      %xor3A_702 = vector.broadcast %xor3A_701 : i32 to vector<16xi32>
      %xor3A_703 = arith.xori %iota3A, %xor3A_702 : vector<16xi32>
      %lt3A_704 = arith.constant 0 : i32
      %lt3A_705 = vector.broadcast %lt3A_704 : i32 to vector<16xi32>
      %lt3A_706 = arith.cmpi slt, %xor3A_703, %lt3A_705 : vector<16xi32>
      %add3A_707 = arith.constant 16 : i32
      %add3A_708 = vector.broadcast %add3A_707 : i32 to vector<16xi32>
      %add3A_709 = arith.addi %xor3A_703, %add3A_708 : vector<16xi32>
      %select_n3A_710 = arith.select %lt3A_706, %add3A_709, %xor3A_703 : vector<16xi1>, vector<16xi32>
      %broadcast_in_dim3A_711 = vector.shape_cast %select_n3A_710 : vector<16xi32> to vector<16x1xi32>
      %gather3A_712 = vector.shape_cast %broadcast_in_dim3A_711 : vector<16x1xi32> to vector<16xi32>
      %gather3A_713 = tpu.dynamic_gather %get3A_538[%gather3A_712] in [0] : vector<16xf32>, vector<16xi32> -> vector<16xf32>
      %xor3A_714 = arith.constant 1 : i32
      %xor3A_715 = vector.broadcast %xor3A_714 : i32 to vector<16xi32>
      %xor3A_716 = arith.xori %iota3A, %xor3A_715 : vector<16xi32>
      %lt3A_717 = arith.constant 0 : i32
      %lt3A_718 = vector.broadcast %lt3A_717 : i32 to vector<16xi32>
      %lt3A_719 = arith.cmpi slt, %xor3A_716, %lt3A_718 : vector<16xi32>
      %add3A_720 = arith.constant 16 : i32
      %add3A_721 = vector.broadcast %add3A_720 : i32 to vector<16xi32>
      %add3A_722 = arith.addi %xor3A_716, %add3A_721 : vector<16xi32>
      %select_n3A_723 = arith.select %lt3A_719, %add3A_722, %xor3A_716 : vector<16xi1>, vector<16xi32>
      %broadcast_in_dim3A_724 = vector.shape_cast %select_n3A_723 : vector<16xi32> to vector<16x1xi32>
      %gather3A_725 = vector.shape_cast %broadcast_in_dim3A_724 : vector<16x1xi32> to vector<16xi32>
      %gather3A_726 = tpu.dynamic_gather %get3A_542[%gather3A_725] in [0] : vector<16xf32>, vector<16xi32> -> vector<16xf32>
      %add3A_727 = arith.addf %get3A_538, %gather3A_713 : vector<16xf32>
      %add3A_728 = arith.addf %get3A_542, %gather3A_726 : vector<16xf32>
      %select_n3A_729 = arith.select %eq3A_9, %add3A_727, %add3A_728 : vector<16xi1>, vector<16xf32>
      %xor3A_730 = arith.constant 1 : i32
      %xor3A_731 = vector.broadcast %xor3A_730 : i32 to vector<16xi32>
      %xor3A_732 = arith.xori %iota3A, %xor3A_731 : vector<16xi32>
      %lt3A_733 = arith.constant 0 : i32
      %lt3A_734 = vector.broadcast %lt3A_733 : i32 to vector<16xi32>
      %lt3A_735 = arith.cmpi slt, %xor3A_732, %lt3A_734 : vector<16xi32>
      %add3A_736 = arith.constant 16 : i32
      %add3A_737 = vector.broadcast %add3A_736 : i32 to vector<16xi32>
      %add3A_738 = arith.addi %xor3A_732, %add3A_737 : vector<16xi32>
      %select_n3A_739 = arith.select %lt3A_735, %add3A_738, %xor3A_732 : vector<16xi1>, vector<16xi32>
      %broadcast_in_dim3A_740 = vector.shape_cast %select_n3A_739 : vector<16xi32> to vector<16x1xi32>
      %gather3A_741 = vector.shape_cast %broadcast_in_dim3A_740 : vector<16x1xi32> to vector<16xi32>
      %gather3A_742 = tpu.dynamic_gather %get3A_546[%gather3A_741] in [0] : vector<16xf32>, vector<16xi32> -> vector<16xf32>
      %xor3A_743 = arith.constant 1 : i32
      %xor3A_744 = vector.broadcast %xor3A_743 : i32 to vector<16xi32>
      %xor3A_745 = arith.xori %iota3A, %xor3A_744 : vector<16xi32>
      %lt3A_746 = arith.constant 0 : i32
      %lt3A_747 = vector.broadcast %lt3A_746 : i32 to vector<16xi32>
      %lt3A_748 = arith.cmpi slt, %xor3A_745, %lt3A_747 : vector<16xi32>
      %add3A_749 = arith.constant 16 : i32
      %add3A_750 = vector.broadcast %add3A_749 : i32 to vector<16xi32>
      %add3A_751 = arith.addi %xor3A_745, %add3A_750 : vector<16xi32>
      %select_n3A_752 = arith.select %lt3A_748, %add3A_751, %xor3A_745 : vector<16xi1>, vector<16xi32>
      %broadcast_in_dim3A_753 = vector.shape_cast %select_n3A_752 : vector<16xi32> to vector<16x1xi32>
      %gather3A_754 = vector.shape_cast %broadcast_in_dim3A_753 : vector<16x1xi32> to vector<16xi32>
      %gather3A_755 = tpu.dynamic_gather %get3A_550[%gather3A_754] in [0] : vector<16xf32>, vector<16xi32> -> vector<16xf32>
      %add3A_756 = arith.addf %get3A_546, %gather3A_742 : vector<16xf32>
      %add3A_757 = arith.addf %get3A_550, %gather3A_755 : vector<16xf32>
      %select_n3A_758 = arith.select %eq3A_9, %add3A_756, %add3A_757 : vector<16xi1>, vector<16xf32>
      %xor3A_759 = arith.constant 1 : i32
      %xor3A_760 = vector.broadcast %xor3A_759 : i32 to vector<16xi32>
      %xor3A_761 = arith.xori %iota3A, %xor3A_760 : vector<16xi32>
      %lt3A_762 = arith.constant 0 : i32
      %lt3A_763 = vector.broadcast %lt3A_762 : i32 to vector<16xi32>
      %lt3A_764 = arith.cmpi slt, %xor3A_761, %lt3A_763 : vector<16xi32>
      %add3A_765 = arith.constant 16 : i32
      %add3A_766 = vector.broadcast %add3A_765 : i32 to vector<16xi32>
      %add3A_767 = arith.addi %xor3A_761, %add3A_766 : vector<16xi32>
      %select_n3A_768 = arith.select %lt3A_764, %add3A_767, %xor3A_761 : vector<16xi1>, vector<16xi32>
      %broadcast_in_dim3A_769 = vector.shape_cast %select_n3A_768 : vector<16xi32> to vector<16x1xi32>
      %gather3A_770 = vector.shape_cast %broadcast_in_dim3A_769 : vector<16x1xi32> to vector<16xi32>
      %gather3A_771 = tpu.dynamic_gather %get3A_554[%gather3A_770] in [0] : vector<16xf32>, vector<16xi32> -> vector<16xf32>
      %xor3A_772 = arith.constant 1 : i32
      %xor3A_773 = vector.broadcast %xor3A_772 : i32 to vector<16xi32>
      %xor3A_774 = arith.xori %iota3A, %xor3A_773 : vector<16xi32>
      %lt3A_775 = arith.constant 0 : i32
      %lt3A_776 = vector.broadcast %lt3A_775 : i32 to vector<16xi32>
      %lt3A_777 = arith.cmpi slt, %xor3A_774, %lt3A_776 : vector<16xi32>
      %add3A_778 = arith.constant 16 : i32
      %add3A_779 = vector.broadcast %add3A_778 : i32 to vector<16xi32>
      %add3A_780 = arith.addi %xor3A_774, %add3A_779 : vector<16xi32>
      %select_n3A_781 = arith.select %lt3A_777, %add3A_780, %xor3A_774 : vector<16xi1>, vector<16xi32>
      %broadcast_in_dim3A_782 = vector.shape_cast %select_n3A_781 : vector<16xi32> to vector<16x1xi32>
      %gather3A_783 = vector.shape_cast %broadcast_in_dim3A_782 : vector<16x1xi32> to vector<16xi32>
      %gather3A_784 = tpu.dynamic_gather %get3A_558[%gather3A_783] in [0] : vector<16xf32>, vector<16xi32> -> vector<16xf32>
      %add3A_785 = arith.addf %get3A_554, %gather3A_771 : vector<16xf32>
      %add3A_786 = arith.addf %get3A_558, %gather3A_784 : vector<16xf32>
      %select_n3A_787 = arith.select %eq3A_9, %add3A_785, %add3A_786 : vector<16xi1>, vector<16xf32>
      %xor3A_788 = arith.constant 2 : i32
      %xor3A_789 = vector.broadcast %xor3A_788 : i32 to vector<16xi32>
      %xor3A_790 = arith.xori %iota3A, %xor3A_789 : vector<16xi32>
      %lt3A_791 = arith.constant 0 : i32
      %lt3A_792 = vector.broadcast %lt3A_791 : i32 to vector<16xi32>
      %lt3A_793 = arith.cmpi slt, %xor3A_790, %lt3A_792 : vector<16xi32>
      %add3A_794 = arith.constant 16 : i32
      %add3A_795 = vector.broadcast %add3A_794 : i32 to vector<16xi32>
      %add3A_796 = arith.addi %xor3A_790, %add3A_795 : vector<16xi32>
      %select_n3A_797 = arith.select %lt3A_793, %add3A_796, %xor3A_790 : vector<16xi1>, vector<16xi32>
      %broadcast_in_dim3A_798 = vector.shape_cast %select_n3A_797 : vector<16xi32> to vector<16x1xi32>
      %gather3A_799 = vector.shape_cast %broadcast_in_dim3A_798 : vector<16x1xi32> to vector<16xi32>
      %gather3A_800 = tpu.dynamic_gather %select_n3A_584[%gather3A_799] in [0] : vector<16xf32>, vector<16xi32> -> vector<16xf32>
      %xor3A_801 = arith.constant 2 : i32
      %xor3A_802 = vector.broadcast %xor3A_801 : i32 to vector<16xi32>
      %xor3A_803 = arith.xori %iota3A, %xor3A_802 : vector<16xi32>
      %lt3A_804 = arith.constant 0 : i32
      %lt3A_805 = vector.broadcast %lt3A_804 : i32 to vector<16xi32>
      %lt3A_806 = arith.cmpi slt, %xor3A_803, %lt3A_805 : vector<16xi32>
      %add3A_807 = arith.constant 16 : i32
      %add3A_808 = vector.broadcast %add3A_807 : i32 to vector<16xi32>
      %add3A_809 = arith.addi %xor3A_803, %add3A_808 : vector<16xi32>
      %select_n3A_810 = arith.select %lt3A_806, %add3A_809, %xor3A_803 : vector<16xi1>, vector<16xi32>
      %broadcast_in_dim3A_811 = vector.shape_cast %select_n3A_810 : vector<16xi32> to vector<16x1xi32>
      %gather3A_812 = vector.shape_cast %broadcast_in_dim3A_811 : vector<16x1xi32> to vector<16xi32>
      %gather3A_813 = tpu.dynamic_gather %select_n3A_613[%gather3A_812] in [0] : vector<16xf32>, vector<16xi32> -> vector<16xf32>
      %add3A_814 = arith.addf %select_n3A_584, %gather3A_800 : vector<16xf32>
      %add3A_815 = arith.addf %select_n3A_613, %gather3A_813 : vector<16xf32>
      %select_n3A_816 = arith.select %eq3A_15, %add3A_814, %add3A_815 : vector<16xi1>, vector<16xf32>
      %xor3A_817 = arith.constant 2 : i32
      %xor3A_818 = vector.broadcast %xor3A_817 : i32 to vector<16xi32>
      %xor3A_819 = arith.xori %iota3A, %xor3A_818 : vector<16xi32>
      %lt3A_820 = arith.constant 0 : i32
      %lt3A_821 = vector.broadcast %lt3A_820 : i32 to vector<16xi32>
      %lt3A_822 = arith.cmpi slt, %xor3A_819, %lt3A_821 : vector<16xi32>
      %add3A_823 = arith.constant 16 : i32
      %add3A_824 = vector.broadcast %add3A_823 : i32 to vector<16xi32>
      %add3A_825 = arith.addi %xor3A_819, %add3A_824 : vector<16xi32>
      %select_n3A_826 = arith.select %lt3A_822, %add3A_825, %xor3A_819 : vector<16xi1>, vector<16xi32>
      %broadcast_in_dim3A_827 = vector.shape_cast %select_n3A_826 : vector<16xi32> to vector<16x1xi32>
      %gather3A_828 = vector.shape_cast %broadcast_in_dim3A_827 : vector<16x1xi32> to vector<16xi32>
      %gather3A_829 = tpu.dynamic_gather %select_n3A_642[%gather3A_828] in [0] : vector<16xf32>, vector<16xi32> -> vector<16xf32>
      %xor3A_830 = arith.constant 2 : i32
      %xor3A_831 = vector.broadcast %xor3A_830 : i32 to vector<16xi32>
      %xor3A_832 = arith.xori %iota3A, %xor3A_831 : vector<16xi32>
      %lt3A_833 = arith.constant 0 : i32
      %lt3A_834 = vector.broadcast %lt3A_833 : i32 to vector<16xi32>
      %lt3A_835 = arith.cmpi slt, %xor3A_832, %lt3A_834 : vector<16xi32>
      %add3A_836 = arith.constant 16 : i32
      %add3A_837 = vector.broadcast %add3A_836 : i32 to vector<16xi32>
      %add3A_838 = arith.addi %xor3A_832, %add3A_837 : vector<16xi32>
      %select_n3A_839 = arith.select %lt3A_835, %add3A_838, %xor3A_832 : vector<16xi1>, vector<16xi32>
      %broadcast_in_dim3A_840 = vector.shape_cast %select_n3A_839 : vector<16xi32> to vector<16x1xi32>
      %gather3A_841 = vector.shape_cast %broadcast_in_dim3A_840 : vector<16x1xi32> to vector<16xi32>
      %gather3A_842 = tpu.dynamic_gather %select_n3A_671[%gather3A_841] in [0] : vector<16xf32>, vector<16xi32> -> vector<16xf32>
      %add3A_843 = arith.addf %select_n3A_642, %gather3A_829 : vector<16xf32>
      %add3A_844 = arith.addf %select_n3A_671, %gather3A_842 : vector<16xf32>
      %select_n3A_845 = arith.select %eq3A_15, %add3A_843, %add3A_844 : vector<16xi1>, vector<16xf32>
      %xor3A_846 = arith.constant 2 : i32
      %xor3A_847 = vector.broadcast %xor3A_846 : i32 to vector<16xi32>
      %xor3A_848 = arith.xori %iota3A, %xor3A_847 : vector<16xi32>
      %lt3A_849 = arith.constant 0 : i32
      %lt3A_850 = vector.broadcast %lt3A_849 : i32 to vector<16xi32>
      %lt3A_851 = arith.cmpi slt, %xor3A_848, %lt3A_850 : vector<16xi32>
      %add3A_852 = arith.constant 16 : i32
      %add3A_853 = vector.broadcast %add3A_852 : i32 to vector<16xi32>
      %add3A_854 = arith.addi %xor3A_848, %add3A_853 : vector<16xi32>
      %select_n3A_855 = arith.select %lt3A_851, %add3A_854, %xor3A_848 : vector<16xi1>, vector<16xi32>
      %broadcast_in_dim3A_856 = vector.shape_cast %select_n3A_855 : vector<16xi32> to vector<16x1xi32>
      %gather3A_857 = vector.shape_cast %broadcast_in_dim3A_856 : vector<16x1xi32> to vector<16xi32>
      %gather3A_858 = tpu.dynamic_gather %select_n3A_700[%gather3A_857] in [0] : vector<16xf32>, vector<16xi32> -> vector<16xf32>
      %xor3A_859 = arith.constant 2 : i32
      %xor3A_860 = vector.broadcast %xor3A_859 : i32 to vector<16xi32>
      %xor3A_861 = arith.xori %iota3A, %xor3A_860 : vector<16xi32>
      %lt3A_862 = arith.constant 0 : i32
      %lt3A_863 = vector.broadcast %lt3A_862 : i32 to vector<16xi32>
      %lt3A_864 = arith.cmpi slt, %xor3A_861, %lt3A_863 : vector<16xi32>
      %add3A_865 = arith.constant 16 : i32
      %add3A_866 = vector.broadcast %add3A_865 : i32 to vector<16xi32>
      %add3A_867 = arith.addi %xor3A_861, %add3A_866 : vector<16xi32>
      %select_n3A_868 = arith.select %lt3A_864, %add3A_867, %xor3A_861 : vector<16xi1>, vector<16xi32>
      %broadcast_in_dim3A_869 = vector.shape_cast %select_n3A_868 : vector<16xi32> to vector<16x1xi32>
      %gather3A_870 = vector.shape_cast %broadcast_in_dim3A_869 : vector<16x1xi32> to vector<16xi32>
      %gather3A_871 = tpu.dynamic_gather %select_n3A_729[%gather3A_870] in [0] : vector<16xf32>, vector<16xi32> -> vector<16xf32>
      %add3A_872 = arith.addf %select_n3A_700, %gather3A_858 : vector<16xf32>
      %add3A_873 = arith.addf %select_n3A_729, %gather3A_871 : vector<16xf32>
      %select_n3A_874 = arith.select %eq3A_15, %add3A_872, %add3A_873 : vector<16xi1>, vector<16xf32>
      %xor3A_875 = arith.constant 2 : i32
      %xor3A_876 = vector.broadcast %xor3A_875 : i32 to vector<16xi32>
      %xor3A_877 = arith.xori %iota3A, %xor3A_876 : vector<16xi32>
      %lt3A_878 = arith.constant 0 : i32
      %lt3A_879 = vector.broadcast %lt3A_878 : i32 to vector<16xi32>
      %lt3A_880 = arith.cmpi slt, %xor3A_877, %lt3A_879 : vector<16xi32>
      %add3A_881 = arith.constant 16 : i32
      %add3A_882 = vector.broadcast %add3A_881 : i32 to vector<16xi32>
      %add3A_883 = arith.addi %xor3A_877, %add3A_882 : vector<16xi32>
      %select_n3A_884 = arith.select %lt3A_880, %add3A_883, %xor3A_877 : vector<16xi1>, vector<16xi32>
      %broadcast_in_dim3A_885 = vector.shape_cast %select_n3A_884 : vector<16xi32> to vector<16x1xi32>
      %gather3A_886 = vector.shape_cast %broadcast_in_dim3A_885 : vector<16x1xi32> to vector<16xi32>
      %gather3A_887 = tpu.dynamic_gather %select_n3A_758[%gather3A_886] in [0] : vector<16xf32>, vector<16xi32> -> vector<16xf32>
      %xor3A_888 = arith.constant 2 : i32
      %xor3A_889 = vector.broadcast %xor3A_888 : i32 to vector<16xi32>
      %xor3A_890 = arith.xori %iota3A, %xor3A_889 : vector<16xi32>
      %lt3A_891 = arith.constant 0 : i32
      %lt3A_892 = vector.broadcast %lt3A_891 : i32 to vector<16xi32>
      %lt3A_893 = arith.cmpi slt, %xor3A_890, %lt3A_892 : vector<16xi32>
      %add3A_894 = arith.constant 16 : i32
      %add3A_895 = vector.broadcast %add3A_894 : i32 to vector<16xi32>
      %add3A_896 = arith.addi %xor3A_890, %add3A_895 : vector<16xi32>
      %select_n3A_897 = arith.select %lt3A_893, %add3A_896, %xor3A_890 : vector<16xi1>, vector<16xi32>
      %broadcast_in_dim3A_898 = vector.shape_cast %select_n3A_897 : vector<16xi32> to vector<16x1xi32>
      %gather3A_899 = vector.shape_cast %broadcast_in_dim3A_898 : vector<16x1xi32> to vector<16xi32>
      %gather3A_900 = tpu.dynamic_gather %select_n3A_787[%gather3A_899] in [0] : vector<16xf32>, vector<16xi32> -> vector<16xf32>
      %add3A_901 = arith.addf %select_n3A_758, %gather3A_887 : vector<16xf32>
      %add3A_902 = arith.addf %select_n3A_787, %gather3A_900 : vector<16xf32>
      %select_n3A_903 = arith.select %eq3A_15, %add3A_901, %add3A_902 : vector<16xi1>, vector<16xf32>
      %xor3A_904 = arith.constant 4 : i32
      %xor3A_905 = vector.broadcast %xor3A_904 : i32 to vector<16xi32>
      %xor3A_906 = arith.xori %iota3A, %xor3A_905 : vector<16xi32>
      %lt3A_907 = arith.constant 0 : i32
      %lt3A_908 = vector.broadcast %lt3A_907 : i32 to vector<16xi32>
      %lt3A_909 = arith.cmpi slt, %xor3A_906, %lt3A_908 : vector<16xi32>
      %add3A_910 = arith.constant 16 : i32
      %add3A_911 = vector.broadcast %add3A_910 : i32 to vector<16xi32>
      %add3A_912 = arith.addi %xor3A_906, %add3A_911 : vector<16xi32>
      %select_n3A_913 = arith.select %lt3A_909, %add3A_912, %xor3A_906 : vector<16xi1>, vector<16xi32>
      %broadcast_in_dim3A_914 = vector.shape_cast %select_n3A_913 : vector<16xi32> to vector<16x1xi32>
      %gather3A_915 = vector.shape_cast %broadcast_in_dim3A_914 : vector<16x1xi32> to vector<16xi32>
      %gather3A_916 = tpu.dynamic_gather %select_n3A_816[%gather3A_915] in [0] : vector<16xf32>, vector<16xi32> -> vector<16xf32>
      %xor3A_917 = arith.constant 4 : i32
      %xor3A_918 = vector.broadcast %xor3A_917 : i32 to vector<16xi32>
      %xor3A_919 = arith.xori %iota3A, %xor3A_918 : vector<16xi32>
      %lt3A_920 = arith.constant 0 : i32
      %lt3A_921 = vector.broadcast %lt3A_920 : i32 to vector<16xi32>
      %lt3A_922 = arith.cmpi slt, %xor3A_919, %lt3A_921 : vector<16xi32>
      %add3A_923 = arith.constant 16 : i32
      %add3A_924 = vector.broadcast %add3A_923 : i32 to vector<16xi32>
      %add3A_925 = arith.addi %xor3A_919, %add3A_924 : vector<16xi32>
      %select_n3A_926 = arith.select %lt3A_922, %add3A_925, %xor3A_919 : vector<16xi1>, vector<16xi32>
      %broadcast_in_dim3A_927 = vector.shape_cast %select_n3A_926 : vector<16xi32> to vector<16x1xi32>
      %gather3A_928 = vector.shape_cast %broadcast_in_dim3A_927 : vector<16x1xi32> to vector<16xi32>
      %gather3A_929 = tpu.dynamic_gather %select_n3A_845[%gather3A_928] in [0] : vector<16xf32>, vector<16xi32> -> vector<16xf32>
      %add3A_930 = arith.addf %select_n3A_816, %gather3A_916 : vector<16xf32>
      %add3A_931 = arith.addf %select_n3A_845, %gather3A_929 : vector<16xf32>
      %select_n3A_932 = arith.select %eq3A_21, %add3A_930, %add3A_931 : vector<16xi1>, vector<16xf32>
      %xor3A_933 = arith.constant 4 : i32
      %xor3A_934 = vector.broadcast %xor3A_933 : i32 to vector<16xi32>
      %xor3A_935 = arith.xori %iota3A, %xor3A_934 : vector<16xi32>
      %lt3A_936 = arith.constant 0 : i32
      %lt3A_937 = vector.broadcast %lt3A_936 : i32 to vector<16xi32>
      %lt3A_938 = arith.cmpi slt, %xor3A_935, %lt3A_937 : vector<16xi32>
      %add3A_939 = arith.constant 16 : i32
      %add3A_940 = vector.broadcast %add3A_939 : i32 to vector<16xi32>
      %add3A_941 = arith.addi %xor3A_935, %add3A_940 : vector<16xi32>
      %select_n3A_942 = arith.select %lt3A_938, %add3A_941, %xor3A_935 : vector<16xi1>, vector<16xi32>
      %broadcast_in_dim3A_943 = vector.shape_cast %select_n3A_942 : vector<16xi32> to vector<16x1xi32>
      %gather3A_944 = vector.shape_cast %broadcast_in_dim3A_943 : vector<16x1xi32> to vector<16xi32>
      %gather3A_945 = tpu.dynamic_gather %select_n3A_874[%gather3A_944] in [0] : vector<16xf32>, vector<16xi32> -> vector<16xf32>
      %xor3A_946 = arith.constant 4 : i32
      %xor3A_947 = vector.broadcast %xor3A_946 : i32 to vector<16xi32>
      %xor3A_948 = arith.xori %iota3A, %xor3A_947 : vector<16xi32>
      %lt3A_949 = arith.constant 0 : i32
      %lt3A_950 = vector.broadcast %lt3A_949 : i32 to vector<16xi32>
      %lt3A_951 = arith.cmpi slt, %xor3A_948, %lt3A_950 : vector<16xi32>
      %add3A_952 = arith.constant 16 : i32
      %add3A_953 = vector.broadcast %add3A_952 : i32 to vector<16xi32>
      %add3A_954 = arith.addi %xor3A_948, %add3A_953 : vector<16xi32>
      %select_n3A_955 = arith.select %lt3A_951, %add3A_954, %xor3A_948 : vector<16xi1>, vector<16xi32>
      %broadcast_in_dim3A_956 = vector.shape_cast %select_n3A_955 : vector<16xi32> to vector<16x1xi32>
      %gather3A_957 = vector.shape_cast %broadcast_in_dim3A_956 : vector<16x1xi32> to vector<16xi32>
      %gather3A_958 = tpu.dynamic_gather %select_n3A_903[%gather3A_957] in [0] : vector<16xf32>, vector<16xi32> -> vector<16xf32>
      %add3A_959 = arith.addf %select_n3A_874, %gather3A_945 : vector<16xf32>
      %add3A_960 = arith.addf %select_n3A_903, %gather3A_958 : vector<16xf32>
      %select_n3A_961 = arith.select %eq3A_21, %add3A_959, %add3A_960 : vector<16xi1>, vector<16xf32>
      %xor3A_962 = arith.constant 8 : i32
      %xor3A_963 = vector.broadcast %xor3A_962 : i32 to vector<16xi32>
      %xor3A_964 = arith.xori %iota3A, %xor3A_963 : vector<16xi32>
      %lt3A_965 = arith.constant 0 : i32
      %lt3A_966 = vector.broadcast %lt3A_965 : i32 to vector<16xi32>
      %lt3A_967 = arith.cmpi slt, %xor3A_964, %lt3A_966 : vector<16xi32>
      %add3A_968 = arith.constant 16 : i32
      %add3A_969 = vector.broadcast %add3A_968 : i32 to vector<16xi32>
      %add3A_970 = arith.addi %xor3A_964, %add3A_969 : vector<16xi32>
      %select_n3A_971 = arith.select %lt3A_967, %add3A_970, %xor3A_964 : vector<16xi1>, vector<16xi32>
      %broadcast_in_dim3A_972 = vector.shape_cast %select_n3A_971 : vector<16xi32> to vector<16x1xi32>
      %gather3A_973 = vector.shape_cast %broadcast_in_dim3A_972 : vector<16x1xi32> to vector<16xi32>
      %gather3A_974 = tpu.dynamic_gather %select_n3A_932[%gather3A_973] in [0] : vector<16xf32>, vector<16xi32> -> vector<16xf32>
      %xor3A_975 = arith.constant 8 : i32
      %xor3A_976 = vector.broadcast %xor3A_975 : i32 to vector<16xi32>
      %xor3A_977 = arith.xori %iota3A, %xor3A_976 : vector<16xi32>
      %lt3A_978 = arith.constant 0 : i32
      %lt3A_979 = vector.broadcast %lt3A_978 : i32 to vector<16xi32>
      %lt3A_980 = arith.cmpi slt, %xor3A_977, %lt3A_979 : vector<16xi32>
      %add3A_981 = arith.constant 16 : i32
      %add3A_982 = vector.broadcast %add3A_981 : i32 to vector<16xi32>
      %add3A_983 = arith.addi %xor3A_977, %add3A_982 : vector<16xi32>
      %select_n3A_984 = arith.select %lt3A_980, %add3A_983, %xor3A_977 : vector<16xi1>, vector<16xi32>
      %broadcast_in_dim3A_985 = vector.shape_cast %select_n3A_984 : vector<16xi32> to vector<16x1xi32>
      %gather3A_986 = vector.shape_cast %broadcast_in_dim3A_985 : vector<16x1xi32> to vector<16xi32>
      %gather3A_987 = tpu.dynamic_gather %select_n3A_961[%gather3A_986] in [0] : vector<16xf32>, vector<16xi32> -> vector<16xf32>
      %add3A_988 = arith.addf %select_n3A_932, %gather3A_974 : vector<16xf32>
      %add3A_989 = arith.addf %select_n3A_961, %gather3A_987 : vector<16xf32>
      %select_n3A_990 = arith.select %eq3A_27, %add3A_988, %add3A_989 : vector<16xi1>, vector<16xf32>
      %mul3A_991 = vector.broadcast %scan3A_283 : f32 to vector<16xf32>
      %mul3A_992 = arith.mulf %select_n3A_990, %mul3A_991 : vector<16xf32>
      %mul3A_993 = arith.constant 16 : i32
      %mul3A_994 = arith.muli %scan3A_492, %mul3A_993 : i32
      %add3A_995 = arith.constant 128 : i32
      %add3A_996 = arith.addi %add3A_995, %mul3A_994 : i32
      %swap3A = arith.index_cast %add3A_996 : i32 to index
      %swap3A_997 = tpu.vector_load %arg12[%swap3A] {strides = array<i32>} : memref<256xf32, #tpu.memory_space<vmem>>, vector<16xf32>,
      tpu.vector_store %arg12[%swap3A], %mul3A_992 {strides = array<i32>} : memref<256xf32, #tpu.memory_space<vmem>>, vector<16xf32>,
    }
    %scan3A_288 = arith.constant 4 : i32
    %dma_wait3A_289 = arith.constant 1 : i32
    %dma_wait3A_290 = arith.constant 0 : i32
    %dma_wait3A_291 = arith.constant 0 : i32
    %dma_wait3A_292 = tpu.memref_slice %arg10[%dma_wait3A_289, %dma_wait3A_290, %dma_wait3A_291] : memref<2x128x128xf32, #tpu.memory_space<vmem>> -> memref<1x128x128xf32, #tpu.memory_space<vmem>>
    %dma_wait3A_293 = tpu.memref_squeeze %dma_wait3A_292 : memref<1x128x128xf32, #tpu.memory_space<vmem>> -> memref<128x128xf32, #tpu.memory_space<vmem>>
    %dma_wait3A_294 = arith.constant 384 : i32
    %dma_wait3A_295 = tpu.memref_slice %arg9[%dma_wait3A_294] : memref<512xi32, #tpu.memory_space<vmem>> -> memref<128xi32, #tpu.memory_space<vmem>>
    %dma_wait3A_296 = arith.constant 0 : i32
    %dma_wait3A_297 = arith.constant 0 : i32
    %dma_wait3A_298 = tpu.memref_slice %arg4[%dma_wait3A_296, %dma_wait3A_297] : memref<16384x128xf32, #tpu.memory_space<hbm>> -> memref<16384x128xf32, #tpu.memory_space<hbm>>
    tpu.wait_indirect_dma semaphore(%arg15 : memref<!tpu.dma_semaphore, #tpu.memory_space<semaphore_mem>>) src(%dma_wait3A_298 : memref<16384x128xf32, #tpu.memory_space<hbm>>) dst(%dma_wait3A_293 : memref<128x128xf32, #tpu.memory_space<vmem>>)
    %dma_wait3A_299 = arith.constant 1 : i32
    %dma_wait3A_300 = arith.constant 0 : i32
    %dma_wait3A_301 = arith.constant 0 : i32
    %dma_wait3A_302 = tpu.memref_slice %arg11[%dma_wait3A_299, %dma_wait3A_300, %dma_wait3A_301] : memref<2x128x128xf32, #tpu.memory_space<vmem>> -> memref<1x128x128xf32, #tpu.memory_space<vmem>>
    %dma_wait3A_303 = tpu.memref_squeeze %dma_wait3A_302 : memref<1x128x128xf32, #tpu.memory_space<vmem>> -> memref<128x128xf32, #tpu.memory_space<vmem>>
    %dma_wait3A_304 = arith.constant 0 : i32
    %dma_wait3A_305 = tpu.memref_slice %arg3[%add3A_243, %dma_wait3A_304] : memref<16384x128xf32, #tpu.memory_space<hbm>> -> memref<128x128xf32, #tpu.memory_space<hbm>>
    %dma_wait3A_306 = arith.constant 0 : i32
    %dma_wait3A_307 = arith.constant 0 : i32
    %dma_wait3A_308 = tpu.memref_slice %arg11[%dma_wait3A_299, %dma_wait3A_306, %dma_wait3A_307] : memref<2x128x128xf32, #tpu.memory_space<vmem>> -> memref<1x128x128xf32, #tpu.memory_space<vmem>>
    %dma_wait3A_309 = tpu.memref_squeeze %dma_wait3A_308 : memref<1x128x128xf32, #tpu.memory_space<vmem>> -> memref<128x128xf32, #tpu.memory_space<vmem>>
    %dma_wait3A_310 = arith.constant 0 : i32
    %dma_wait3A_311 = tpu.memref_slice %arg3[%add3A_243, %dma_wait3A_310] : memref<16384x128xf32, #tpu.memory_space<hbm>> -> memref<128x128xf32, #tpu.memory_space<hbm>>
    tpu.wait_dma2 semaphore(%arg17 : memref<!tpu.dma_semaphore, #tpu.memory_space<semaphore_mem>>) src(%dma_wait3A_311 : memref<128x128xf32, #tpu.memory_space<hbm>>) dst(%dma_wait3A_309 : memref<128x128xf32, #tpu.memory_space<vmem>>)
    %add3A_312 = arith.constant 384 : i32
    %add3A_313 = arith.addi %mul3A_4, %add3A_312 : i32
    %dma_start3A_314 = arith.constant 1 : i32
    %dma_start3A_315 = arith.constant 0 : i32
    %dma_start3A_316 = arith.constant 0 : i32
    %dma_start3A_317 = tpu.memref_slice %arg10[%dma_start3A_314, %dma_start3A_315, %dma_start3A_316] : memref<2x128x128xf32, #tpu.memory_space<vmem>> -> memref<1x128x128xf32, #tpu.memory_space<vmem>>
    %dma_start3A_318 = tpu.memref_squeeze %dma_start3A_317 : memref<1x128x128xf32, #tpu.memory_space<vmem>> -> memref<128x128xf32, #tpu.memory_space<vmem>>
    %dma_start3A_319 = arith.constant 0 : i32
    %dma_start3A_320 = tpu.memref_slice %arg5[%add3A_313, %dma_start3A_319] : memref<16384x128xf32, #tpu.memory_space<hbm>> -> memref<128x128xf32, #tpu.memory_space<hbm>>
    %dma_start3A_321 = arith.constant 0 : i32
    %dma_start3A_322 = tpu.memref_slice %arg5[%add3A_313, %dma_start3A_321] : memref<16384x128xf32, #tpu.memory_space<hbm>> -> memref<128x128xf32, #tpu.memory_space<hbm>>
    %dma_start3A_323 = arith.constant 0 : i32
    %dma_start3A_324 = arith.constant 0 : i32
    %dma_start3A_325 = tpu.memref_slice %arg10[%dma_start3A_314, %dma_start3A_323, %dma_start3A_324] : memref<2x128x128xf32, #tpu.memory_space<vmem>> -> memref<1x128x128xf32, #tpu.memory_space<vmem>>
    %dma_start3A_326 = tpu.memref_squeeze %dma_start3A_325 : memref<1x128x128xf32, #tpu.memory_space<vmem>> -> memref<128x128xf32, #tpu.memory_space<vmem>>
    tpu.enqueue_dma source(%dma_start3A_326 : memref<128x128xf32, #tpu.memory_space<vmem>>) target(%dma_start3A_322 : memref<128x128xf32, #tpu.memory_space<hbm>>) target_semaphore(%arg19 : memref<!tpu.dma_semaphore, #tpu.memory_space<semaphore_mem>>)
    %scan3A_327 = arith.constant 0 : i32
    %scan3A_328 = arith.constant 0.0048828125 : f32
    %scan3A_329 = arith.constant 0 : i32
    %scan3A_330 = arith.constant 4 : i32
    %scan3A_331 = arith.addi %scan3A_329, %scan3A_330 : i32
    %scan3A_332 = arith.constant 1 : i32
    scf.for %scan3A_492 = %scan3A_329 to %scan3A_331 step %scan3A_332  : i32 {
      %parallel_loop3A_493 = arith.constant 0 : i32
      %parallel_loop3A_494 = arith.constant 16 : i32
      %parallel_loop3A_495 = arith.constant 1 : i32
      scf.for %parallel_loop3A_998 = %parallel_loop3A_493 to %parallel_loop3A_494 step %parallel_loop3A_495  : i32 {
        %parallel_loop3A_999 = arith.constant 0.000000e+00 : f32
        %parallel_loop3A_1000 = vector.broadcast %parallel_loop3A_999 : f32 to vector<16xf32>
        %parallel_loop3A_1001 = arith.constant 0.000000e+00 : f32
        %parallel_loop3A_1002 = vector.broadcast %parallel_loop3A_1001 : f32 to vector<16xf32>
        %parallel_loop3A_1003 = arith.constant 32 : i32
        %parallel_loop3A_1004 = arith.muli %parallel_loop3A_1003, %scan3A_492 : i32
        %parallel_loop3A_1005 = arith.constant 3 : i32
        %parallel_loop3A_1006 = arith.shrsi %parallel_loop3A_998, %parallel_loop3A_1005 : i32
        %parallel_loop3A_1007 = arith.constant 16 : i32
        %parallel_loop3A_1008 = arith.muli %parallel_loop3A_1007, %parallel_loop3A_1006 : i32
        %parallel_loop3A_1009 = arith.addi %parallel_loop3A_1004, %parallel_loop3A_1008 : i32
        %parallel_loop3A_1010 = arith.constant 7 : i32
        %parallel_loop3A_1011 = arith.andi %parallel_loop3A_998, %parallel_loop3A_1010 : i32
        %parallel_loop3A_1012 = arith.addi %parallel_loop3A_1009, %parallel_loop3A_1011 : i32
        %parallel_loop3A_1013 = arith.constant 0 : i32
        %parallel_loop3A_1014 = arith.addi %parallel_loop3A_1012, %parallel_loop3A_1013 : i32
        %parallel_loop3A_1015 = arith.constant 1 : i32
        %parallel_loop3A_1016 = arith.index_cast %parallel_loop3A_1015 : i32 to index
        %parallel_loop3A_1017 = arith.index_cast %parallel_loop3A_1014 : i32 to index
        %parallel_loop3A_1018 = arith.constant 0 : index
        %parallel_loop3A_1019 = tpu.vector_load %arg10[%parallel_loop3A_1016, %parallel_loop3A_1017, %parallel_loop3A_1018] {strides = array<i32>} : memref<2x128x128xf32, #tpu.memory_space<vmem>>, vector<16xf32>,
        %parallel_loop3A_1020 = arith.constant 1 : i32
        %parallel_loop3A_1021 = arith.index_cast %parallel_loop3A_1020 : i32 to index
        %parallel_loop3A_1022 = arith.index_cast %parallel_loop3A_1014 : i32 to index
        %parallel_loop3A_1023 = arith.constant 0 : index
        %parallel_loop3A_1024 = tpu.vector_load %arg11[%parallel_loop3A_1021, %parallel_loop3A_1022, %parallel_loop3A_1023] {strides = array<i32>} : memref<2x128x128xf32, #tpu.memory_space<vmem>>, vector<16xf32>,
        %parallel_loop3A_1025 = arith.subf %parallel_loop3A_1019, %parallel_loop3A_1024 : vector<16xf32>
        %parallel_loop3A_1026 = arith.mulf %parallel_loop3A_1025, %parallel_loop3A_1025 : vector<16xf32>
        %parallel_loop3A_1027 = arith.addf %parallel_loop3A_1000, %parallel_loop3A_1026 : vector<16xf32>
        %parallel_loop3A_1028 = arith.constant 1 : i32
        %parallel_loop3A_1029 = arith.index_cast %parallel_loop3A_1028 : i32 to index
        %parallel_loop3A_1030 = arith.index_cast %parallel_loop3A_1014 : i32 to index
        %parallel_loop3A_1031 = arith.constant 16 : index
        %parallel_loop3A_1032 = tpu.vector_load %arg10[%parallel_loop3A_1029, %parallel_loop3A_1030, %parallel_loop3A_1031] {strides = array<i32>} : memref<2x128x128xf32, #tpu.memory_space<vmem>>, vector<16xf32>,
        %parallel_loop3A_1033 = arith.constant 1 : i32
        %parallel_loop3A_1034 = arith.index_cast %parallel_loop3A_1033 : i32 to index
        %parallel_loop3A_1035 = arith.index_cast %parallel_loop3A_1014 : i32 to index
        %parallel_loop3A_1036 = arith.constant 16 : index
        %parallel_loop3A_1037 = tpu.vector_load %arg11[%parallel_loop3A_1034, %parallel_loop3A_1035, %parallel_loop3A_1036] {strides = array<i32>} : memref<2x128x128xf32, #tpu.memory_space<vmem>>, vector<16xf32>,
        %parallel_loop3A_1038 = arith.subf %parallel_loop3A_1032, %parallel_loop3A_1037 : vector<16xf32>
        %parallel_loop3A_1039 = arith.mulf %parallel_loop3A_1038, %parallel_loop3A_1038 : vector<16xf32>
        %parallel_loop3A_1040 = arith.addf %parallel_loop3A_1002, %parallel_loop3A_1039 : vector<16xf32>
        %parallel_loop3A_1041 = arith.constant 1 : i32
        %parallel_loop3A_1042 = arith.index_cast %parallel_loop3A_1041 : i32 to index
        %parallel_loop3A_1043 = arith.index_cast %parallel_loop3A_1014 : i32 to index
        %parallel_loop3A_1044 = arith.constant 32 : index
        %parallel_loop3A_1045 = tpu.vector_load %arg10[%parallel_loop3A_1042, %parallel_loop3A_1043, %parallel_loop3A_1044] {strides = array<i32>} : memref<2x128x128xf32, #tpu.memory_space<vmem>>, vector<16xf32>,
        %parallel_loop3A_1046 = arith.constant 1 : i32
        %parallel_loop3A_1047 = arith.index_cast %parallel_loop3A_1046 : i32 to index
        %parallel_loop3A_1048 = arith.index_cast %parallel_loop3A_1014 : i32 to index
        %parallel_loop3A_1049 = arith.constant 32 : index
        %parallel_loop3A_1050 = tpu.vector_load %arg11[%parallel_loop3A_1047, %parallel_loop3A_1048, %parallel_loop3A_1049] {strides = array<i32>} : memref<2x128x128xf32, #tpu.memory_space<vmem>>, vector<16xf32>,
        %parallel_loop3A_1051 = arith.subf %parallel_loop3A_1045, %parallel_loop3A_1050 : vector<16xf32>
        %parallel_loop3A_1052 = arith.mulf %parallel_loop3A_1051, %parallel_loop3A_1051 : vector<16xf32>
        %parallel_loop3A_1053 = arith.addf %parallel_loop3A_1027, %parallel_loop3A_1052 : vector<16xf32>
        %parallel_loop3A_1054 = arith.constant 1 : i32
        %parallel_loop3A_1055 = arith.index_cast %parallel_loop3A_1054 : i32 to index
        %parallel_loop3A_1056 = arith.index_cast %parallel_loop3A_1014 : i32 to index
        %parallel_loop3A_1057 = arith.constant 48 : index
        %parallel_loop3A_1058 = tpu.vector_load %arg10[%parallel_loop3A_1055, %parallel_loop3A_1056, %parallel_loop3A_1057] {strides = array<i32>} : memref<2x128x128xf32, #tpu.memory_space<vmem>>, vector<16xf32>,
        %parallel_loop3A_1059 = arith.constant 1 : i32
        %parallel_loop3A_1060 = arith.index_cast %parallel_loop3A_1059 : i32 to index
        %parallel_loop3A_1061 = arith.index_cast %parallel_loop3A_1014 : i32 to index
        %parallel_loop3A_1062 = arith.constant 48 : index
        %parallel_loop3A_1063 = tpu.vector_load %arg11[%parallel_loop3A_1060, %parallel_loop3A_1061, %parallel_loop3A_1062] {strides = array<i32>} : memref<2x128x128xf32, #tpu.memory_space<vmem>>, vector<16xf32>,
        %parallel_loop3A_1064 = arith.subf %parallel_loop3A_1058, %parallel_loop3A_1063 : vector<16xf32>
        %parallel_loop3A_1065 = arith.mulf %parallel_loop3A_1064, %parallel_loop3A_1064 : vector<16xf32>
        %parallel_loop3A_1066 = arith.addf %parallel_loop3A_1040, %parallel_loop3A_1065 : vector<16xf32>
        %parallel_loop3A_1067 = arith.constant 1 : i32
        %parallel_loop3A_1068 = arith.index_cast %parallel_loop3A_1067 : i32 to index
        %parallel_loop3A_1069 = arith.index_cast %parallel_loop3A_1014 : i32 to index
        %parallel_loop3A_1070 = arith.constant 64 : index
        %parallel_loop3A_1071 = tpu.vector_load %arg10[%parallel_loop3A_1068, %parallel_loop3A_1069, %parallel_loop3A_1070] {strides = array<i32>} : memref<2x128x128xf32, #tpu.memory_space<vmem>>, vector<16xf32>,
        %parallel_loop3A_1072 = arith.constant 1 : i32
        %parallel_loop3A_1073 = arith.index_cast %parallel_loop3A_1072 : i32 to index
        %parallel_loop3A_1074 = arith.index_cast %parallel_loop3A_1014 : i32 to index
        %parallel_loop3A_1075 = arith.constant 64 : index
        %parallel_loop3A_1076 = tpu.vector_load %arg11[%parallel_loop3A_1073, %parallel_loop3A_1074, %parallel_loop3A_1075] {strides = array<i32>} : memref<2x128x128xf32, #tpu.memory_space<vmem>>, vector<16xf32>,
        %parallel_loop3A_1077 = arith.subf %parallel_loop3A_1071, %parallel_loop3A_1076 : vector<16xf32>
        %parallel_loop3A_1078 = arith.mulf %parallel_loop3A_1077, %parallel_loop3A_1077 : vector<16xf32>
        %parallel_loop3A_1079 = arith.addf %parallel_loop3A_1053, %parallel_loop3A_1078 : vector<16xf32>
        %parallel_loop3A_1080 = arith.constant 1 : i32
        %parallel_loop3A_1081 = arith.index_cast %parallel_loop3A_1080 : i32 to index
        %parallel_loop3A_1082 = arith.index_cast %parallel_loop3A_1014 : i32 to index
        %parallel_loop3A_1083 = arith.constant 80 : index
        %parallel_loop3A_1084 = tpu.vector_load %arg10[%parallel_loop3A_1081, %parallel_loop3A_1082, %parallel_loop3A_1083] {strides = array<i32>} : memref<2x128x128xf32, #tpu.memory_space<vmem>>, vector<16xf32>,
        %parallel_loop3A_1085 = arith.constant 1 : i32
        %parallel_loop3A_1086 = arith.index_cast %parallel_loop3A_1085 : i32 to index
        %parallel_loop3A_1087 = arith.index_cast %parallel_loop3A_1014 : i32 to index
        %parallel_loop3A_1088 = arith.constant 80 : index
        %parallel_loop3A_1089 = tpu.vector_load %arg11[%parallel_loop3A_1086, %parallel_loop3A_1087, %parallel_loop3A_1088] {strides = array<i32>} : memref<2x128x128xf32, #tpu.memory_space<vmem>>, vector<16xf32>,
        %parallel_loop3A_1090 = arith.subf %parallel_loop3A_1084, %parallel_loop3A_1089 : vector<16xf32>
        %parallel_loop3A_1091 = arith.mulf %parallel_loop3A_1090, %parallel_loop3A_1090 : vector<16xf32>
        %parallel_loop3A_1092 = arith.addf %parallel_loop3A_1066, %parallel_loop3A_1091 : vector<16xf32>
        %parallel_loop3A_1093 = arith.constant 1 : i32
        %parallel_loop3A_1094 = arith.index_cast %parallel_loop3A_1093 : i32 to index
        %parallel_loop3A_1095 = arith.index_cast %parallel_loop3A_1014 : i32 to index
        %parallel_loop3A_1096 = arith.constant 96 : index
        %parallel_loop3A_1097 = tpu.vector_load %arg10[%parallel_loop3A_1094, %parallel_loop3A_1095, %parallel_loop3A_1096] {strides = array<i32>} : memref<2x128x128xf32, #tpu.memory_space<vmem>>, vector<16xf32>,
        %parallel_loop3A_1098 = arith.constant 1 : i32
        %parallel_loop3A_1099 = arith.index_cast %parallel_loop3A_1098 : i32 to index
        %parallel_loop3A_1100 = arith.index_cast %parallel_loop3A_1014 : i32 to index
        %parallel_loop3A_1101 = arith.constant 96 : index
        %parallel_loop3A_1102 = tpu.vector_load %arg11[%parallel_loop3A_1099, %parallel_loop3A_1100, %parallel_loop3A_1101] {strides = array<i32>} : memref<2x128x128xf32, #tpu.memory_space<vmem>>, vector<16xf32>,
        %parallel_loop3A_1103 = arith.subf %parallel_loop3A_1097, %parallel_loop3A_1102 : vector<16xf32>
        %parallel_loop3A_1104 = arith.mulf %parallel_loop3A_1103, %parallel_loop3A_1103 : vector<16xf32>
        %parallel_loop3A_1105 = arith.addf %parallel_loop3A_1079, %parallel_loop3A_1104 : vector<16xf32>
        %parallel_loop3A_1106 = arith.constant 1 : i32
        %parallel_loop3A_1107 = arith.index_cast %parallel_loop3A_1106 : i32 to index
        %parallel_loop3A_1108 = arith.index_cast %parallel_loop3A_1014 : i32 to index
        %parallel_loop3A_1109 = arith.constant 112 : index
        %parallel_loop3A_1110 = tpu.vector_load %arg10[%parallel_loop3A_1107, %parallel_loop3A_1108, %parallel_loop3A_1109] {strides = array<i32>} : memref<2x128x128xf32, #tpu.memory_space<vmem>>, vector<16xf32>,
        %parallel_loop3A_1111 = arith.constant 1 : i32
        %parallel_loop3A_1112 = arith.index_cast %parallel_loop3A_1111 : i32 to index
        %parallel_loop3A_1113 = arith.index_cast %parallel_loop3A_1014 : i32 to index
        %parallel_loop3A_1114 = arith.constant 112 : index
        %parallel_loop3A_1115 = tpu.vector_load %arg11[%parallel_loop3A_1112, %parallel_loop3A_1113, %parallel_loop3A_1114] {strides = array<i32>} : memref<2x128x128xf32, #tpu.memory_space<vmem>>, vector<16xf32>,
        %parallel_loop3A_1116 = arith.subf %parallel_loop3A_1110, %parallel_loop3A_1115 : vector<16xf32>
        %parallel_loop3A_1117 = arith.mulf %parallel_loop3A_1116, %parallel_loop3A_1116 : vector<16xf32>
        %parallel_loop3A_1118 = arith.addf %parallel_loop3A_1092, %parallel_loop3A_1117 : vector<16xf32>
        %parallel_loop3A_1119 = arith.constant 8 : i32
        %parallel_loop3A_1120 = arith.addi %parallel_loop3A_1012, %parallel_loop3A_1119 : i32
        %parallel_loop3A_1121 = arith.constant 1 : i32
        %parallel_loop3A_1122 = arith.index_cast %parallel_loop3A_1121 : i32 to index
        %parallel_loop3A_1123 = arith.index_cast %parallel_loop3A_1120 : i32 to index
        %parallel_loop3A_1124 = arith.constant 0 : index
        %parallel_loop3A_1125 = tpu.vector_load %arg10[%parallel_loop3A_1122, %parallel_loop3A_1123, %parallel_loop3A_1124] {strides = array<i32>} : memref<2x128x128xf32, #tpu.memory_space<vmem>>, vector<16xf32>,
        %parallel_loop3A_1126 = arith.constant 1 : i32
        %parallel_loop3A_1127 = arith.index_cast %parallel_loop3A_1126 : i32 to index
        %parallel_loop3A_1128 = arith.index_cast %parallel_loop3A_1120 : i32 to index
        %parallel_loop3A_1129 = arith.constant 0 : index
        %parallel_loop3A_1130 = tpu.vector_load %arg11[%parallel_loop3A_1127, %parallel_loop3A_1128, %parallel_loop3A_1129] {strides = array<i32>} : memref<2x128x128xf32, #tpu.memory_space<vmem>>, vector<16xf32>,
        %parallel_loop3A_1131 = arith.subf %parallel_loop3A_1125, %parallel_loop3A_1130 : vector<16xf32>
        %parallel_loop3A_1132 = arith.mulf %parallel_loop3A_1131, %parallel_loop3A_1131 : vector<16xf32>
        %parallel_loop3A_1133 = arith.addf %parallel_loop3A_1105, %parallel_loop3A_1132 : vector<16xf32>
        %parallel_loop3A_1134 = arith.constant 1 : i32
        %parallel_loop3A_1135 = arith.index_cast %parallel_loop3A_1134 : i32 to index
        %parallel_loop3A_1136 = arith.index_cast %parallel_loop3A_1120 : i32 to index
        %parallel_loop3A_1137 = arith.constant 16 : index
        %parallel_loop3A_1138 = tpu.vector_load %arg10[%parallel_loop3A_1135, %parallel_loop3A_1136, %parallel_loop3A_1137] {strides = array<i32>} : memref<2x128x128xf32, #tpu.memory_space<vmem>>, vector<16xf32>,
        %parallel_loop3A_1139 = arith.constant 1 : i32
        %parallel_loop3A_1140 = arith.index_cast %parallel_loop3A_1139 : i32 to index
        %parallel_loop3A_1141 = arith.index_cast %parallel_loop3A_1120 : i32 to index
        %parallel_loop3A_1142 = arith.constant 16 : index
        %parallel_loop3A_1143 = tpu.vector_load %arg11[%parallel_loop3A_1140, %parallel_loop3A_1141, %parallel_loop3A_1142] {strides = array<i32>} : memref<2x128x128xf32, #tpu.memory_space<vmem>>, vector<16xf32>,
        %parallel_loop3A_1144 = arith.subf %parallel_loop3A_1138, %parallel_loop3A_1143 : vector<16xf32>
        %parallel_loop3A_1145 = arith.mulf %parallel_loop3A_1144, %parallel_loop3A_1144 : vector<16xf32>
        %parallel_loop3A_1146 = arith.addf %parallel_loop3A_1118, %parallel_loop3A_1145 : vector<16xf32>
        %parallel_loop3A_1147 = arith.constant 1 : i32
        %parallel_loop3A_1148 = arith.index_cast %parallel_loop3A_1147 : i32 to index
        %parallel_loop3A_1149 = arith.index_cast %parallel_loop3A_1120 : i32 to index
        %parallel_loop3A_1150 = arith.constant 32 : index
        %parallel_loop3A_1151 = tpu.vector_load %arg10[%parallel_loop3A_1148, %parallel_loop3A_1149, %parallel_loop3A_1150] {strides = array<i32>} : memref<2x128x128xf32, #tpu.memory_space<vmem>>, vector<16xf32>,
        %parallel_loop3A_1152 = arith.constant 1 : i32
        %parallel_loop3A_1153 = arith.index_cast %parallel_loop3A_1152 : i32 to index
        %parallel_loop3A_1154 = arith.index_cast %parallel_loop3A_1120 : i32 to index
        %parallel_loop3A_1155 = arith.constant 32 : index
        %parallel_loop3A_1156 = tpu.vector_load %arg11[%parallel_loop3A_1153, %parallel_loop3A_1154, %parallel_loop3A_1155] {strides = array<i32>} : memref<2x128x128xf32, #tpu.memory_space<vmem>>, vector<16xf32>,
        %parallel_loop3A_1157 = arith.subf %parallel_loop3A_1151, %parallel_loop3A_1156 : vector<16xf32>
        %parallel_loop3A_1158 = arith.mulf %parallel_loop3A_1157, %parallel_loop3A_1157 : vector<16xf32>
        %parallel_loop3A_1159 = arith.addf %parallel_loop3A_1133, %parallel_loop3A_1158 : vector<16xf32>
        %parallel_loop3A_1160 = arith.constant 1 : i32
        %parallel_loop3A_1161 = arith.index_cast %parallel_loop3A_1160 : i32 to index
        %parallel_loop3A_1162 = arith.index_cast %parallel_loop3A_1120 : i32 to index
        %parallel_loop3A_1163 = arith.constant 48 : index
        %parallel_loop3A_1164 = tpu.vector_load %arg10[%parallel_loop3A_1161, %parallel_loop3A_1162, %parallel_loop3A_1163] {strides = array<i32>} : memref<2x128x128xf32, #tpu.memory_space<vmem>>, vector<16xf32>,
        %parallel_loop3A_1165 = arith.constant 1 : i32
        %parallel_loop3A_1166 = arith.index_cast %parallel_loop3A_1165 : i32 to index
        %parallel_loop3A_1167 = arith.index_cast %parallel_loop3A_1120 : i32 to index
        %parallel_loop3A_1168 = arith.constant 48 : index
        %parallel_loop3A_1169 = tpu.vector_load %arg11[%parallel_loop3A_1166, %parallel_loop3A_1167, %parallel_loop3A_1168] {strides = array<i32>} : memref<2x128x128xf32, #tpu.memory_space<vmem>>, vector<16xf32>,
        %parallel_loop3A_1170 = arith.subf %parallel_loop3A_1164, %parallel_loop3A_1169 : vector<16xf32>
        %parallel_loop3A_1171 = arith.mulf %parallel_loop3A_1170, %parallel_loop3A_1170 : vector<16xf32>
        %parallel_loop3A_1172 = arith.addf %parallel_loop3A_1146, %parallel_loop3A_1171 : vector<16xf32>
        %parallel_loop3A_1173 = arith.constant 1 : i32
        %parallel_loop3A_1174 = arith.index_cast %parallel_loop3A_1173 : i32 to index
        %parallel_loop3A_1175 = arith.index_cast %parallel_loop3A_1120 : i32 to index
        %parallel_loop3A_1176 = arith.constant 64 : index
        %parallel_loop3A_1177 = tpu.vector_load %arg10[%parallel_loop3A_1174, %parallel_loop3A_1175, %parallel_loop3A_1176] {strides = array<i32>} : memref<2x128x128xf32, #tpu.memory_space<vmem>>, vector<16xf32>,
        %parallel_loop3A_1178 = arith.constant 1 : i32
        %parallel_loop3A_1179 = arith.index_cast %parallel_loop3A_1178 : i32 to index
        %parallel_loop3A_1180 = arith.index_cast %parallel_loop3A_1120 : i32 to index
        %parallel_loop3A_1181 = arith.constant 64 : index
        %parallel_loop3A_1182 = tpu.vector_load %arg11[%parallel_loop3A_1179, %parallel_loop3A_1180, %parallel_loop3A_1181] {strides = array<i32>} : memref<2x128x128xf32, #tpu.memory_space<vmem>>, vector<16xf32>,
        %parallel_loop3A_1183 = arith.subf %parallel_loop3A_1177, %parallel_loop3A_1182 : vector<16xf32>
        %parallel_loop3A_1184 = arith.mulf %parallel_loop3A_1183, %parallel_loop3A_1183 : vector<16xf32>
        %parallel_loop3A_1185 = arith.addf %parallel_loop3A_1159, %parallel_loop3A_1184 : vector<16xf32>
        %parallel_loop3A_1186 = arith.constant 1 : i32
        %parallel_loop3A_1187 = arith.index_cast %parallel_loop3A_1186 : i32 to index
        %parallel_loop3A_1188 = arith.index_cast %parallel_loop3A_1120 : i32 to index
        %parallel_loop3A_1189 = arith.constant 80 : index
        %parallel_loop3A_1190 = tpu.vector_load %arg10[%parallel_loop3A_1187, %parallel_loop3A_1188, %parallel_loop3A_1189] {strides = array<i32>} : memref<2x128x128xf32, #tpu.memory_space<vmem>>, vector<16xf32>,
        %parallel_loop3A_1191 = arith.constant 1 : i32
        %parallel_loop3A_1192 = arith.index_cast %parallel_loop3A_1191 : i32 to index
        %parallel_loop3A_1193 = arith.index_cast %parallel_loop3A_1120 : i32 to index
        %parallel_loop3A_1194 = arith.constant 80 : index
        %parallel_loop3A_1195 = tpu.vector_load %arg11[%parallel_loop3A_1192, %parallel_loop3A_1193, %parallel_loop3A_1194] {strides = array<i32>} : memref<2x128x128xf32, #tpu.memory_space<vmem>>, vector<16xf32>,
        %parallel_loop3A_1196 = arith.subf %parallel_loop3A_1190, %parallel_loop3A_1195 : vector<16xf32>
        %parallel_loop3A_1197 = arith.mulf %parallel_loop3A_1196, %parallel_loop3A_1196 : vector<16xf32>
        %parallel_loop3A_1198 = arith.addf %parallel_loop3A_1172, %parallel_loop3A_1197 : vector<16xf32>
        %parallel_loop3A_1199 = arith.constant 1 : i32
        %parallel_loop3A_1200 = arith.index_cast %parallel_loop3A_1199 : i32 to index
        %parallel_loop3A_1201 = arith.index_cast %parallel_loop3A_1120 : i32 to index
        %parallel_loop3A_1202 = arith.constant 96 : index
        %parallel_loop3A_1203 = tpu.vector_load %arg10[%parallel_loop3A_1200, %parallel_loop3A_1201, %parallel_loop3A_1202] {strides = array<i32>} : memref<2x128x128xf32, #tpu.memory_space<vmem>>, vector<16xf32>,
        %parallel_loop3A_1204 = arith.constant 1 : i32
        %parallel_loop3A_1205 = arith.index_cast %parallel_loop3A_1204 : i32 to index
        %parallel_loop3A_1206 = arith.index_cast %parallel_loop3A_1120 : i32 to index
        %parallel_loop3A_1207 = arith.constant 96 : index
        %parallel_loop3A_1208 = tpu.vector_load %arg11[%parallel_loop3A_1205, %parallel_loop3A_1206, %parallel_loop3A_1207] {strides = array<i32>} : memref<2x128x128xf32, #tpu.memory_space<vmem>>, vector<16xf32>,
        %parallel_loop3A_1209 = arith.subf %parallel_loop3A_1203, %parallel_loop3A_1208 : vector<16xf32>
        %parallel_loop3A_1210 = arith.mulf %parallel_loop3A_1209, %parallel_loop3A_1209 : vector<16xf32>
        %parallel_loop3A_1211 = arith.addf %parallel_loop3A_1185, %parallel_loop3A_1210 : vector<16xf32>
        %parallel_loop3A_1212 = arith.constant 1 : i32
        %parallel_loop3A_1213 = arith.index_cast %parallel_loop3A_1212 : i32 to index
        %parallel_loop3A_1214 = arith.index_cast %parallel_loop3A_1120 : i32 to index
        %parallel_loop3A_1215 = arith.constant 112 : index
        %parallel_loop3A_1216 = tpu.vector_load %arg10[%parallel_loop3A_1213, %parallel_loop3A_1214, %parallel_loop3A_1215] {strides = array<i32>} : memref<2x128x128xf32, #tpu.memory_space<vmem>>, vector<16xf32>,
        %parallel_loop3A_1217 = arith.constant 1 : i32
        %parallel_loop3A_1218 = arith.index_cast %parallel_loop3A_1217 : i32 to index
        %parallel_loop3A_1219 = arith.index_cast %parallel_loop3A_1120 : i32 to index
        %parallel_loop3A_1220 = arith.constant 112 : index
        %parallel_loop3A_1221 = tpu.vector_load %arg11[%parallel_loop3A_1218, %parallel_loop3A_1219, %parallel_loop3A_1220] {strides = array<i32>} : memref<2x128x128xf32, #tpu.memory_space<vmem>>, vector<16xf32>,
        %parallel_loop3A_1222 = arith.subf %parallel_loop3A_1216, %parallel_loop3A_1221 : vector<16xf32>
        %parallel_loop3A_1223 = arith.mulf %parallel_loop3A_1222, %parallel_loop3A_1222 : vector<16xf32>
        %parallel_loop3A_1224 = arith.addf %parallel_loop3A_1198, %parallel_loop3A_1223 : vector<16xf32>
        %parallel_loop3A_1225 = arith.addf %parallel_loop3A_1211, %parallel_loop3A_1224 : vector<16xf32>
        %parallel_loop3A_1226 = arith.index_cast %parallel_loop3A_998 : i32 to index
        %parallel_loop3A_1227 = arith.constant 0 : index
        %parallel_loop3A_1228 = tpu.vector_load %arg13[%parallel_loop3A_1226, %parallel_loop3A_1227] {strides = array<i32>} : memref<16x16xf32, #tpu.memory_space<vmem>>, vector<16xf32>,
        tpu.vector_store %arg13[%parallel_loop3A_1226, %parallel_loop3A_1227], %parallel_loop3A_1225 {strides = array<i32>} : memref<16x16xf32, #tpu.memory_space<vmem>>, vector<16xf32>,
      } {sc.loop_unroll_factor = 1 : i64, sc.parallel_access}
      %get3A = arith.constant 0 : i32
      %get3A_496 = arith.index_cast %get3A : i32 to index
      %get3A_497 = arith.constant 0 : index
      %get3A_498 = tpu.vector_load %arg13[%get3A_496, %get3A_497] {strides = array<i32>} : memref<16x16xf32, #tpu.memory_space<vmem>>, vector<16xf32>,
      %get3A_499 = arith.constant 1 : i32
      %get3A_500 = arith.index_cast %get3A_499 : i32 to index
      %get3A_501 = arith.constant 0 : index
      %get3A_502 = tpu.vector_load %arg13[%get3A_500, %get3A_501] {strides = array<i32>} : memref<16x16xf32, #tpu.memory_space<vmem>>, vector<16xf32>,
      %get3A_503 = arith.constant 2 : i32
      %get3A_504 = arith.index_cast %get3A_503 : i32 to index
      %get3A_505 = arith.constant 0 : index
      %get3A_506 = tpu.vector_load %arg13[%get3A_504, %get3A_505] {strides = array<i32>} : memref<16x16xf32, #tpu.memory_space<vmem>>, vector<16xf32>,
      %get3A_507 = arith.constant 3 : i32
      %get3A_508 = arith.index_cast %get3A_507 : i32 to index
      %get3A_509 = arith.constant 0 : index
      %get3A_510 = tpu.vector_load %arg13[%get3A_508, %get3A_509] {strides = array<i32>} : memref<16x16xf32, #tpu.memory_space<vmem>>, vector<16xf32>,
      %get3A_511 = arith.constant 4 : i32
      %get3A_512 = arith.index_cast %get3A_511 : i32 to index
      %get3A_513 = arith.constant 0 : index
      %get3A_514 = tpu.vector_load %arg13[%get3A_512, %get3A_513] {strides = array<i32>} : memref<16x16xf32, #tpu.memory_space<vmem>>, vector<16xf32>,
      %get3A_515 = arith.constant 5 : i32
      %get3A_516 = arith.index_cast %get3A_515 : i32 to index
      %get3A_517 = arith.constant 0 : index
      %get3A_518 = tpu.vector_load %arg13[%get3A_516, %get3A_517] {strides = array<i32>} : memref<16x16xf32, #tpu.memory_space<vmem>>, vector<16xf32>,
      %get3A_519 = arith.constant 6 : i32
      %get3A_520 = arith.index_cast %get3A_519 : i32 to index
      %get3A_521 = arith.constant 0 : index
      %get3A_522 = tpu.vector_load %arg13[%get3A_520, %get3A_521] {strides = array<i32>} : memref<16x16xf32, #tpu.memory_space<vmem>>, vector<16xf32>,
      %get3A_523 = arith.constant 7 : i32
      %get3A_524 = arith.index_cast %get3A_523 : i32 to index
      %get3A_525 = arith.constant 0 : index
      %get3A_526 = tpu.vector_load %arg13[%get3A_524, %get3A_525] {strides = array<i32>} : memref<16x16xf32, #tpu.memory_space<vmem>>, vector<16xf32>,
      %get3A_527 = arith.constant 8 : i32
      %get3A_528 = arith.index_cast %get3A_527 : i32 to index
      %get3A_529 = arith.constant 0 : index
      %get3A_530 = tpu.vector_load %arg13[%get3A_528, %get3A_529] {strides = array<i32>} : memref<16x16xf32, #tpu.memory_space<vmem>>, vector<16xf32>,
      %get3A_531 = arith.constant 9 : i32
      %get3A_532 = arith.index_cast %get3A_531 : i32 to index
      %get3A_533 = arith.constant 0 : index
      %get3A_534 = tpu.vector_load %arg13[%get3A_532, %get3A_533] {strides = array<i32>} : memref<16x16xf32, #tpu.memory_space<vmem>>, vector<16xf32>,
      %get3A_535 = arith.constant 10 : i32
      %get3A_536 = arith.index_cast %get3A_535 : i32 to index
      %get3A_537 = arith.constant 0 : index
      %get3A_538 = tpu.vector_load %arg13[%get3A_536, %get3A_537] {strides = array<i32>} : memref<16x16xf32, #tpu.memory_space<vmem>>, vector<16xf32>,
      %get3A_539 = arith.constant 11 : i32
      %get3A_540 = arith.index_cast %get3A_539 : i32 to index
      %get3A_541 = arith.constant 0 : index
      %get3A_542 = tpu.vector_load %arg13[%get3A_540, %get3A_541] {strides = array<i32>} : memref<16x16xf32, #tpu.memory_space<vmem>>, vector<16xf32>,
      %get3A_543 = arith.constant 12 : i32
      %get3A_544 = arith.index_cast %get3A_543 : i32 to index
      %get3A_545 = arith.constant 0 : index
      %get3A_546 = tpu.vector_load %arg13[%get3A_544, %get3A_545] {strides = array<i32>} : memref<16x16xf32, #tpu.memory_space<vmem>>, vector<16xf32>,
      %get3A_547 = arith.constant 13 : i32
      %get3A_548 = arith.index_cast %get3A_547 : i32 to index
      %get3A_549 = arith.constant 0 : index
      %get3A_550 = tpu.vector_load %arg13[%get3A_548, %get3A_549] {strides = array<i32>} : memref<16x16xf32, #tpu.memory_space<vmem>>, vector<16xf32>,
      %get3A_551 = arith.constant 14 : i32
      %get3A_552 = arith.index_cast %get3A_551 : i32 to index
      %get3A_553 = arith.constant 0 : index
      %get3A_554 = tpu.vector_load %arg13[%get3A_552, %get3A_553] {strides = array<i32>} : memref<16x16xf32, #tpu.memory_space<vmem>>, vector<16xf32>,
      %get3A_555 = arith.constant 15 : i32
      %get3A_556 = arith.index_cast %get3A_555 : i32 to index
      %get3A_557 = arith.constant 0 : index
      %get3A_558 = tpu.vector_load %arg13[%get3A_556, %get3A_557] {strides = array<i32>} : memref<16x16xf32, #tpu.memory_space<vmem>>, vector<16xf32>,
      %xor3A = arith.constant 1 : i32
      %xor3A_559 = vector.broadcast %xor3A : i32 to vector<16xi32>
      %xor3A_560 = arith.xori %iota3A, %xor3A_559 : vector<16xi32>
      %lt3A_561 = arith.constant 0 : i32
      %lt3A_562 = vector.broadcast %lt3A_561 : i32 to vector<16xi32>
      %lt3A_563 = arith.cmpi slt, %xor3A_560, %lt3A_562 : vector<16xi32>
      %add3A_564 = arith.constant 16 : i32
      %add3A_565 = vector.broadcast %add3A_564 : i32 to vector<16xi32>
      %add3A_566 = arith.addi %xor3A_560, %add3A_565 : vector<16xi32>
      %select_n3A_567 = arith.select %lt3A_563, %add3A_566, %xor3A_560 : vector<16xi1>, vector<16xi32>
      %broadcast_in_dim3A = vector.shape_cast %select_n3A_567 : vector<16xi32> to vector<16x1xi32>
      %gather3A = vector.shape_cast %broadcast_in_dim3A : vector<16x1xi32> to vector<16xi32>
      %gather3A_568 = tpu.dynamic_gather %get3A_498[%gather3A] in [0] : vector<16xf32>, vector<16xi32> -> vector<16xf32>
      %xor3A_569 = arith.constant 1 : i32
      %xor3A_570 = vector.broadcast %xor3A_569 : i32 to vector<16xi32>
      %xor3A_571 = arith.xori %iota3A, %xor3A_570 : vector<16xi32>
      %lt3A_572 = arith.constant 0 : i32
      %lt3A_573 = vector.broadcast %lt3A_572 : i32 to vector<16xi32>
      %lt3A_574 = arith.cmpi slt, %xor3A_571, %lt3A_573 : vector<16xi32>
      %add3A_575 = arith.constant 16 : i32
      %add3A_576 = vector.broadcast %add3A_575 : i32 to vector<16xi32>
      %add3A_577 = arith.addi %xor3A_571, %add3A_576 : vector<16xi32>
      %select_n3A_578 = arith.select %lt3A_574, %add3A_577, %xor3A_571 : vector<16xi1>, vector<16xi32>
      %broadcast_in_dim3A_579 = vector.shape_cast %select_n3A_578 : vector<16xi32> to vector<16x1xi32>
      %gather3A_580 = vector.shape_cast %broadcast_in_dim3A_579 : vector<16x1xi32> to vector<16xi32>
      %gather3A_581 = tpu.dynamic_gather %get3A_502[%gather3A_580] in [0] : vector<16xf32>, vector<16xi32> -> vector<16xf32>
      %add3A_582 = arith.addf %get3A_498, %gather3A_568 : vector<16xf32>
      %add3A_583 = arith.addf %get3A_502, %gather3A_581 : vector<16xf32>
      %select_n3A_584 = arith.select %eq3A_9, %add3A_582, %add3A_583 : vector<16xi1>, vector<16xf32>
      %xor3A_585 = arith.constant 1 : i32
      %xor3A_586 = vector.broadcast %xor3A_585 : i32 to vector<16xi32>
      %xor3A_587 = arith.xori %iota3A, %xor3A_586 : vector<16xi32>
      %lt3A_588 = arith.constant 0 : i32
      %lt3A_589 = vector.broadcast %lt3A_588 : i32 to vector<16xi32>
      %lt3A_590 = arith.cmpi slt, %xor3A_587, %lt3A_589 : vector<16xi32>
      %add3A_591 = arith.constant 16 : i32
      %add3A_592 = vector.broadcast %add3A_591 : i32 to vector<16xi32>
      %add3A_593 = arith.addi %xor3A_587, %add3A_592 : vector<16xi32>
      %select_n3A_594 = arith.select %lt3A_590, %add3A_593, %xor3A_587 : vector<16xi1>, vector<16xi32>
      %broadcast_in_dim3A_595 = vector.shape_cast %select_n3A_594 : vector<16xi32> to vector<16x1xi32>
      %gather3A_596 = vector.shape_cast %broadcast_in_dim3A_595 : vector<16x1xi32> to vector<16xi32>
      %gather3A_597 = tpu.dynamic_gather %get3A_506[%gather3A_596] in [0] : vector<16xf32>, vector<16xi32> -> vector<16xf32>
      %xor3A_598 = arith.constant 1 : i32
      %xor3A_599 = vector.broadcast %xor3A_598 : i32 to vector<16xi32>
      %xor3A_600 = arith.xori %iota3A, %xor3A_599 : vector<16xi32>
      %lt3A_601 = arith.constant 0 : i32
      %lt3A_602 = vector.broadcast %lt3A_601 : i32 to vector<16xi32>
      %lt3A_603 = arith.cmpi slt, %xor3A_600, %lt3A_602 : vector<16xi32>
      %add3A_604 = arith.constant 16 : i32
      %add3A_605 = vector.broadcast %add3A_604 : i32 to vector<16xi32>
      %add3A_606 = arith.addi %xor3A_600, %add3A_605 : vector<16xi32>
      %select_n3A_607 = arith.select %lt3A_603, %add3A_606, %xor3A_600 : vector<16xi1>, vector<16xi32>
      %broadcast_in_dim3A_608 = vector.shape_cast %select_n3A_607 : vector<16xi32> to vector<16x1xi32>
      %gather3A_609 = vector.shape_cast %broadcast_in_dim3A_608 : vector<16x1xi32> to vector<16xi32>
      %gather3A_610 = tpu.dynamic_gather %get3A_510[%gather3A_609] in [0] : vector<16xf32>, vector<16xi32> -> vector<16xf32>
      %add3A_611 = arith.addf %get3A_506, %gather3A_597 : vector<16xf32>
      %add3A_612 = arith.addf %get3A_510, %gather3A_610 : vector<16xf32>
      %select_n3A_613 = arith.select %eq3A_9, %add3A_611, %add3A_612 : vector<16xi1>, vector<16xf32>
      %xor3A_614 = arith.constant 1 : i32
      %xor3A_615 = vector.broadcast %xor3A_614 : i32 to vector<16xi32>
      %xor3A_616 = arith.xori %iota3A, %xor3A_615 : vector<16xi32>
      %lt3A_617 = arith.constant 0 : i32
      %lt3A_618 = vector.broadcast %lt3A_617 : i32 to vector<16xi32>
      %lt3A_619 = arith.cmpi slt, %xor3A_616, %lt3A_618 : vector<16xi32>
      %add3A_620 = arith.constant 16 : i32
      %add3A_621 = vector.broadcast %add3A_620 : i32 to vector<16xi32>
      %add3A_622 = arith.addi %xor3A_616, %add3A_621 : vector<16xi32>
      %select_n3A_623 = arith.select %lt3A_619, %add3A_622, %xor3A_616 : vector<16xi1>, vector<16xi32>
      %broadcast_in_dim3A_624 = vector.shape_cast %select_n3A_623 : vector<16xi32> to vector<16x1xi32>
      %gather3A_625 = vector.shape_cast %broadcast_in_dim3A_624 : vector<16x1xi32> to vector<16xi32>
      %gather3A_626 = tpu.dynamic_gather %get3A_514[%gather3A_625] in [0] : vector<16xf32>, vector<16xi32> -> vector<16xf32>
      %xor3A_627 = arith.constant 1 : i32
      %xor3A_628 = vector.broadcast %xor3A_627 : i32 to vector<16xi32>
      %xor3A_629 = arith.xori %iota3A, %xor3A_628 : vector<16xi32>
      %lt3A_630 = arith.constant 0 : i32
      %lt3A_631 = vector.broadcast %lt3A_630 : i32 to vector<16xi32>
      %lt3A_632 = arith.cmpi slt, %xor3A_629, %lt3A_631 : vector<16xi32>
      %add3A_633 = arith.constant 16 : i32
      %add3A_634 = vector.broadcast %add3A_633 : i32 to vector<16xi32>
      %add3A_635 = arith.addi %xor3A_629, %add3A_634 : vector<16xi32>
      %select_n3A_636 = arith.select %lt3A_632, %add3A_635, %xor3A_629 : vector<16xi1>, vector<16xi32>
      %broadcast_in_dim3A_637 = vector.shape_cast %select_n3A_636 : vector<16xi32> to vector<16x1xi32>
      %gather3A_638 = vector.shape_cast %broadcast_in_dim3A_637 : vector<16x1xi32> to vector<16xi32>
      %gather3A_639 = tpu.dynamic_gather %get3A_518[%gather3A_638] in [0] : vector<16xf32>, vector<16xi32> -> vector<16xf32>
      %add3A_640 = arith.addf %get3A_514, %gather3A_626 : vector<16xf32>
      %add3A_641 = arith.addf %get3A_518, %gather3A_639 : vector<16xf32>
      %select_n3A_642 = arith.select %eq3A_9, %add3A_640, %add3A_641 : vector<16xi1>, vector<16xf32>
      %xor3A_643 = arith.constant 1 : i32
      %xor3A_644 = vector.broadcast %xor3A_643 : i32 to vector<16xi32>
      %xor3A_645 = arith.xori %iota3A, %xor3A_644 : vector<16xi32>
      %lt3A_646 = arith.constant 0 : i32
      %lt3A_647 = vector.broadcast %lt3A_646 : i32 to vector<16xi32>
      %lt3A_648 = arith.cmpi slt, %xor3A_645, %lt3A_647 : vector<16xi32>
      %add3A_649 = arith.constant 16 : i32
      %add3A_650 = vector.broadcast %add3A_649 : i32 to vector<16xi32>
      %add3A_651 = arith.addi %xor3A_645, %add3A_650 : vector<16xi32>
      %select_n3A_652 = arith.select %lt3A_648, %add3A_651, %xor3A_645 : vector<16xi1>, vector<16xi32>
      %broadcast_in_dim3A_653 = vector.shape_cast %select_n3A_652 : vector<16xi32> to vector<16x1xi32>
      %gather3A_654 = vector.shape_cast %broadcast_in_dim3A_653 : vector<16x1xi32> to vector<16xi32>
      %gather3A_655 = tpu.dynamic_gather %get3A_522[%gather3A_654] in [0] : vector<16xf32>, vector<16xi32> -> vector<16xf32>
      %xor3A_656 = arith.constant 1 : i32
      %xor3A_657 = vector.broadcast %xor3A_656 : i32 to vector<16xi32>
      %xor3A_658 = arith.xori %iota3A, %xor3A_657 : vector<16xi32>
      %lt3A_659 = arith.constant 0 : i32
      %lt3A_660 = vector.broadcast %lt3A_659 : i32 to vector<16xi32>
      %lt3A_661 = arith.cmpi slt, %xor3A_658, %lt3A_660 : vector<16xi32>
      %add3A_662 = arith.constant 16 : i32
      %add3A_663 = vector.broadcast %add3A_662 : i32 to vector<16xi32>
      %add3A_664 = arith.addi %xor3A_658, %add3A_663 : vector<16xi32>
      %select_n3A_665 = arith.select %lt3A_661, %add3A_664, %xor3A_658 : vector<16xi1>, vector<16xi32>
      %broadcast_in_dim3A_666 = vector.shape_cast %select_n3A_665 : vector<16xi32> to vector<16x1xi32>
      %gather3A_667 = vector.shape_cast %broadcast_in_dim3A_666 : vector<16x1xi32> to vector<16xi32>
      %gather3A_668 = tpu.dynamic_gather %get3A_526[%gather3A_667] in [0] : vector<16xf32>, vector<16xi32> -> vector<16xf32>
      %add3A_669 = arith.addf %get3A_522, %gather3A_655 : vector<16xf32>
      %add3A_670 = arith.addf %get3A_526, %gather3A_668 : vector<16xf32>
      %select_n3A_671 = arith.select %eq3A_9, %add3A_669, %add3A_670 : vector<16xi1>, vector<16xf32>
      %xor3A_672 = arith.constant 1 : i32
      %xor3A_673 = vector.broadcast %xor3A_672 : i32 to vector<16xi32>
      %xor3A_674 = arith.xori %iota3A, %xor3A_673 : vector<16xi32>
      %lt3A_675 = arith.constant 0 : i32
      %lt3A_676 = vector.broadcast %lt3A_675 : i32 to vector<16xi32>
      %lt3A_677 = arith.cmpi slt, %xor3A_674, %lt3A_676 : vector<16xi32>
      %add3A_678 = arith.constant 16 : i32
      %add3A_679 = vector.broadcast %add3A_678 : i32 to vector<16xi32>
      %add3A_680 = arith.addi %xor3A_674, %add3A_679 : vector<16xi32>
      %select_n3A_681 = arith.select %lt3A_677, %add3A_680, %xor3A_674 : vector<16xi1>, vector<16xi32>
      %broadcast_in_dim3A_682 = vector.shape_cast %select_n3A_681 : vector<16xi32> to vector<16x1xi32>
      %gather3A_683 = vector.shape_cast %broadcast_in_dim3A_682 : vector<16x1xi32> to vector<16xi32>
      %gather3A_684 = tpu.dynamic_gather %get3A_530[%gather3A_683] in [0] : vector<16xf32>, vector<16xi32> -> vector<16xf32>
      %xor3A_685 = arith.constant 1 : i32
      %xor3A_686 = vector.broadcast %xor3A_685 : i32 to vector<16xi32>
      %xor3A_687 = arith.xori %iota3A, %xor3A_686 : vector<16xi32>
      %lt3A_688 = arith.constant 0 : i32
      %lt3A_689 = vector.broadcast %lt3A_688 : i32 to vector<16xi32>
      %lt3A_690 = arith.cmpi slt, %xor3A_687, %lt3A_689 : vector<16xi32>
      %add3A_691 = arith.constant 16 : i32
      %add3A_692 = vector.broadcast %add3A_691 : i32 to vector<16xi32>
      %add3A_693 = arith.addi %xor3A_687, %add3A_692 : vector<16xi32>
      %select_n3A_694 = arith.select %lt3A_690, %add3A_693, %xor3A_687 : vector<16xi1>, vector<16xi32>
      %broadcast_in_dim3A_695 = vector.shape_cast %select_n3A_694 : vector<16xi32> to vector<16x1xi32>
      %gather3A_696 = vector.shape_cast %broadcast_in_dim3A_695 : vector<16x1xi32> to vector<16xi32>
      %gather3A_697 = tpu.dynamic_gather %get3A_534[%gather3A_696] in [0] : vector<16xf32>, vector<16xi32> -> vector<16xf32>
      %add3A_698 = arith.addf %get3A_530, %gather3A_684 : vector<16xf32>
      %add3A_699 = arith.addf %get3A_534, %gather3A_697 : vector<16xf32>
      %select_n3A_700 = arith.select %eq3A_9, %add3A_698, %add3A_699 : vector<16xi1>, vector<16xf32>
      %xor3A_701 = arith.constant 1 : i32
      %xor3A_702 = vector.broadcast %xor3A_701 : i32 to vector<16xi32>
      %xor3A_703 = arith.xori %iota3A, %xor3A_702 : vector<16xi32>
      %lt3A_704 = arith.constant 0 : i32
      %lt3A_705 = vector.broadcast %lt3A_704 : i32 to vector<16xi32>
      %lt3A_706 = arith.cmpi slt, %xor3A_703, %lt3A_705 : vector<16xi32>
      %add3A_707 = arith.constant 16 : i32
      %add3A_708 = vector.broadcast %add3A_707 : i32 to vector<16xi32>
      %add3A_709 = arith.addi %xor3A_703, %add3A_708 : vector<16xi32>
      %select_n3A_710 = arith.select %lt3A_706, %add3A_709, %xor3A_703 : vector<16xi1>, vector<16xi32>
      %broadcast_in_dim3A_711 = vector.shape_cast %select_n3A_710 : vector<16xi32> to vector<16x1xi32>
      %gather3A_712 = vector.shape_cast %broadcast_in_dim3A_711 : vector<16x1xi32> to vector<16xi32>
      %gather3A_713 = tpu.dynamic_gather %get3A_538[%gather3A_712] in [0] : vector<16xf32>, vector<16xi32> -> vector<16xf32>
      %xor3A_714 = arith.constant 1 : i32
      %xor3A_715 = vector.broadcast %xor3A_714 : i32 to vector<16xi32>
      %xor3A_716 = arith.xori %iota3A, %xor3A_715 : vector<16xi32>
      %lt3A_717 = arith.constant 0 : i32
      %lt3A_718 = vector.broadcast %lt3A_717 : i32 to vector<16xi32>
      %lt3A_719 = arith.cmpi slt, %xor3A_716, %lt3A_718 : vector<16xi32>
      %add3A_720 = arith.constant 16 : i32
      %add3A_721 = vector.broadcast %add3A_720 : i32 to vector<16xi32>
      %add3A_722 = arith.addi %xor3A_716, %add3A_721 : vector<16xi32>
      %select_n3A_723 = arith.select %lt3A_719, %add3A_722, %xor3A_716 : vector<16xi1>, vector<16xi32>
      %broadcast_in_dim3A_724 = vector.shape_cast %select_n3A_723 : vector<16xi32> to vector<16x1xi32>
      %gather3A_725 = vector.shape_cast %broadcast_in_dim3A_724 : vector<16x1xi32> to vector<16xi32>
      %gather3A_726 = tpu.dynamic_gather %get3A_542[%gather3A_725] in [0] : vector<16xf32>, vector<16xi32> -> vector<16xf32>
      %add3A_727 = arith.addf %get3A_538, %gather3A_713 : vector<16xf32>
      %add3A_728 = arith.addf %get3A_542, %gather3A_726 : vector<16xf32>
      %select_n3A_729 = arith.select %eq3A_9, %add3A_727, %add3A_728 : vector<16xi1>, vector<16xf32>
      %xor3A_730 = arith.constant 1 : i32
      %xor3A_731 = vector.broadcast %xor3A_730 : i32 to vector<16xi32>
      %xor3A_732 = arith.xori %iota3A, %xor3A_731 : vector<16xi32>
      %lt3A_733 = arith.constant 0 : i32
      %lt3A_734 = vector.broadcast %lt3A_733 : i32 to vector<16xi32>
      %lt3A_735 = arith.cmpi slt, %xor3A_732, %lt3A_734 : vector<16xi32>
      %add3A_736 = arith.constant 16 : i32
      %add3A_737 = vector.broadcast %add3A_736 : i32 to vector<16xi32>
      %add3A_738 = arith.addi %xor3A_732, %add3A_737 : vector<16xi32>
      %select_n3A_739 = arith.select %lt3A_735, %add3A_738, %xor3A_732 : vector<16xi1>, vector<16xi32>
      %broadcast_in_dim3A_740 = vector.shape_cast %select_n3A_739 : vector<16xi32> to vector<16x1xi32>
      %gather3A_741 = vector.shape_cast %broadcast_in_dim3A_740 : vector<16x1xi32> to vector<16xi32>
      %gather3A_742 = tpu.dynamic_gather %get3A_546[%gather3A_741] in [0] : vector<16xf32>, vector<16xi32> -> vector<16xf32>
      %xor3A_743 = arith.constant 1 : i32
      %xor3A_744 = vector.broadcast %xor3A_743 : i32 to vector<16xi32>
      %xor3A_745 = arith.xori %iota3A, %xor3A_744 : vector<16xi32>
      %lt3A_746 = arith.constant 0 : i32
      %lt3A_747 = vector.broadcast %lt3A_746 : i32 to vector<16xi32>
      %lt3A_748 = arith.cmpi slt, %xor3A_745, %lt3A_747 : vector<16xi32>
      %add3A_749 = arith.constant 16 : i32
      %add3A_750 = vector.broadcast %add3A_749 : i32 to vector<16xi32>
      %add3A_751 = arith.addi %xor3A_745, %add3A_750 : vector<16xi32>
      %select_n3A_752 = arith.select %lt3A_748, %add3A_751, %xor3A_745 : vector<16xi1>, vector<16xi32>
      %broadcast_in_dim3A_753 = vector.shape_cast %select_n3A_752 : vector<16xi32> to vector<16x1xi32>
      %gather3A_754 = vector.shape_cast %broadcast_in_dim3A_753 : vector<16x1xi32> to vector<16xi32>
      %gather3A_755 = tpu.dynamic_gather %get3A_550[%gather3A_754] in [0] : vector<16xf32>, vector<16xi32> -> vector<16xf32>
      %add3A_756 = arith.addf %get3A_546, %gather3A_742 : vector<16xf32>
      %add3A_757 = arith.addf %get3A_550, %gather3A_755 : vector<16xf32>
      %select_n3A_758 = arith.select %eq3A_9, %add3A_756, %add3A_757 : vector<16xi1>, vector<16xf32>
      %xor3A_759 = arith.constant 1 : i32
      %xor3A_760 = vector.broadcast %xor3A_759 : i32 to vector<16xi32>
      %xor3A_761 = arith.xori %iota3A, %xor3A_760 : vector<16xi32>
      %lt3A_762 = arith.constant 0 : i32
      %lt3A_763 = vector.broadcast %lt3A_762 : i32 to vector<16xi32>
      %lt3A_764 = arith.cmpi slt, %xor3A_761, %lt3A_763 : vector<16xi32>
      %add3A_765 = arith.constant 16 : i32
      %add3A_766 = vector.broadcast %add3A_765 : i32 to vector<16xi32>
      %add3A_767 = arith.addi %xor3A_761, %add3A_766 : vector<16xi32>
      %select_n3A_768 = arith.select %lt3A_764, %add3A_767, %xor3A_761 : vector<16xi1>, vector<16xi32>
      %broadcast_in_dim3A_769 = vector.shape_cast %select_n3A_768 : vector<16xi32> to vector<16x1xi32>
      %gather3A_770 = vector.shape_cast %broadcast_in_dim3A_769 : vector<16x1xi32> to vector<16xi32>
      %gather3A_771 = tpu.dynamic_gather %get3A_554[%gather3A_770] in [0] : vector<16xf32>, vector<16xi32> -> vector<16xf32>
      %xor3A_772 = arith.constant 1 : i32
      %xor3A_773 = vector.broadcast %xor3A_772 : i32 to vector<16xi32>
      %xor3A_774 = arith.xori %iota3A, %xor3A_773 : vector<16xi32>
      %lt3A_775 = arith.constant 0 : i32
      %lt3A_776 = vector.broadcast %lt3A_775 : i32 to vector<16xi32>
      %lt3A_777 = arith.cmpi slt, %xor3A_774, %lt3A_776 : vector<16xi32>
      %add3A_778 = arith.constant 16 : i32
      %add3A_779 = vector.broadcast %add3A_778 : i32 to vector<16xi32>
      %add3A_780 = arith.addi %xor3A_774, %add3A_779 : vector<16xi32>
      %select_n3A_781 = arith.select %lt3A_777, %add3A_780, %xor3A_774 : vector<16xi1>, vector<16xi32>
      %broadcast_in_dim3A_782 = vector.shape_cast %select_n3A_781 : vector<16xi32> to vector<16x1xi32>
      %gather3A_783 = vector.shape_cast %broadcast_in_dim3A_782 : vector<16x1xi32> to vector<16xi32>
      %gather3A_784 = tpu.dynamic_gather %get3A_558[%gather3A_783] in [0] : vector<16xf32>, vector<16xi32> -> vector<16xf32>
      %add3A_785 = arith.addf %get3A_554, %gather3A_771 : vector<16xf32>
      %add3A_786 = arith.addf %get3A_558, %gather3A_784 : vector<16xf32>
      %select_n3A_787 = arith.select %eq3A_9, %add3A_785, %add3A_786 : vector<16xi1>, vector<16xf32>
      %xor3A_788 = arith.constant 2 : i32
      %xor3A_789 = vector.broadcast %xor3A_788 : i32 to vector<16xi32>
      %xor3A_790 = arith.xori %iota3A, %xor3A_789 : vector<16xi32>
      %lt3A_791 = arith.constant 0 : i32
      %lt3A_792 = vector.broadcast %lt3A_791 : i32 to vector<16xi32>
      %lt3A_793 = arith.cmpi slt, %xor3A_790, %lt3A_792 : vector<16xi32>
      %add3A_794 = arith.constant 16 : i32
      %add3A_795 = vector.broadcast %add3A_794 : i32 to vector<16xi32>
      %add3A_796 = arith.addi %xor3A_790, %add3A_795 : vector<16xi32>
      %select_n3A_797 = arith.select %lt3A_793, %add3A_796, %xor3A_790 : vector<16xi1>, vector<16xi32>
      %broadcast_in_dim3A_798 = vector.shape_cast %select_n3A_797 : vector<16xi32> to vector<16x1xi32>
      %gather3A_799 = vector.shape_cast %broadcast_in_dim3A_798 : vector<16x1xi32> to vector<16xi32>
      %gather3A_800 = tpu.dynamic_gather %select_n3A_584[%gather3A_799] in [0] : vector<16xf32>, vector<16xi32> -> vector<16xf32>
      %xor3A_801 = arith.constant 2 : i32
      %xor3A_802 = vector.broadcast %xor3A_801 : i32 to vector<16xi32>
      %xor3A_803 = arith.xori %iota3A, %xor3A_802 : vector<16xi32>
      %lt3A_804 = arith.constant 0 : i32
      %lt3A_805 = vector.broadcast %lt3A_804 : i32 to vector<16xi32>
      %lt3A_806 = arith.cmpi slt, %xor3A_803, %lt3A_805 : vector<16xi32>
      %add3A_807 = arith.constant 16 : i32
      %add3A_808 = vector.broadcast %add3A_807 : i32 to vector<16xi32>
      %add3A_809 = arith.addi %xor3A_803, %add3A_808 : vector<16xi32>
      %select_n3A_810 = arith.select %lt3A_806, %add3A_809, %xor3A_803 : vector<16xi1>, vector<16xi32>
      %broadcast_in_dim3A_811 = vector.shape_cast %select_n3A_810 : vector<16xi32> to vector<16x1xi32>
      %gather3A_812 = vector.shape_cast %broadcast_in_dim3A_811 : vector<16x1xi32> to vector<16xi32>
      %gather3A_813 = tpu.dynamic_gather %select_n3A_613[%gather3A_812] in [0] : vector<16xf32>, vector<16xi32> -> vector<16xf32>
      %add3A_814 = arith.addf %select_n3A_584, %gather3A_800 : vector<16xf32>
      %add3A_815 = arith.addf %select_n3A_613, %gather3A_813 : vector<16xf32>
      %select_n3A_816 = arith.select %eq3A_15, %add3A_814, %add3A_815 : vector<16xi1>, vector<16xf32>
      %xor3A_817 = arith.constant 2 : i32
      %xor3A_818 = vector.broadcast %xor3A_817 : i32 to vector<16xi32>
      %xor3A_819 = arith.xori %iota3A, %xor3A_818 : vector<16xi32>
      %lt3A_820 = arith.constant 0 : i32
      %lt3A_821 = vector.broadcast %lt3A_820 : i32 to vector<16xi32>
      %lt3A_822 = arith.cmpi slt, %xor3A_819, %lt3A_821 : vector<16xi32>
      %add3A_823 = arith.constant 16 : i32
      %add3A_824 = vector.broadcast %add3A_823 : i32 to vector<16xi32>
      %add3A_825 = arith.addi %xor3A_819, %add3A_824 : vector<16xi32>
      %select_n3A_826 = arith.select %lt3A_822, %add3A_825, %xor3A_819 : vector<16xi1>, vector<16xi32>
      %broadcast_in_dim3A_827 = vector.shape_cast %select_n3A_826 : vector<16xi32> to vector<16x1xi32>
      %gather3A_828 = vector.shape_cast %broadcast_in_dim3A_827 : vector<16x1xi32> to vector<16xi32>
      %gather3A_829 = tpu.dynamic_gather %select_n3A_642[%gather3A_828] in [0] : vector<16xf32>, vector<16xi32> -> vector<16xf32>
      %xor3A_830 = arith.constant 2 : i32
      %xor3A_831 = vector.broadcast %xor3A_830 : i32 to vector<16xi32>
      %xor3A_832 = arith.xori %iota3A, %xor3A_831 : vector<16xi32>
      %lt3A_833 = arith.constant 0 : i32
      %lt3A_834 = vector.broadcast %lt3A_833 : i32 to vector<16xi32>
      %lt3A_835 = arith.cmpi slt, %xor3A_832, %lt3A_834 : vector<16xi32>
      %add3A_836 = arith.constant 16 : i32
      %add3A_837 = vector.broadcast %add3A_836 : i32 to vector<16xi32>
      %add3A_838 = arith.addi %xor3A_832, %add3A_837 : vector<16xi32>
      %select_n3A_839 = arith.select %lt3A_835, %add3A_838, %xor3A_832 : vector<16xi1>, vector<16xi32>
      %broadcast_in_dim3A_840 = vector.shape_cast %select_n3A_839 : vector<16xi32> to vector<16x1xi32>
      %gather3A_841 = vector.shape_cast %broadcast_in_dim3A_840 : vector<16x1xi32> to vector<16xi32>
      %gather3A_842 = tpu.dynamic_gather %select_n3A_671[%gather3A_841] in [0] : vector<16xf32>, vector<16xi32> -> vector<16xf32>
      %add3A_843 = arith.addf %select_n3A_642, %gather3A_829 : vector<16xf32>
      %add3A_844 = arith.addf %select_n3A_671, %gather3A_842 : vector<16xf32>
      %select_n3A_845 = arith.select %eq3A_15, %add3A_843, %add3A_844 : vector<16xi1>, vector<16xf32>
      %xor3A_846 = arith.constant 2 : i32
      %xor3A_847 = vector.broadcast %xor3A_846 : i32 to vector<16xi32>
      %xor3A_848 = arith.xori %iota3A, %xor3A_847 : vector<16xi32>
      %lt3A_849 = arith.constant 0 : i32
      %lt3A_850 = vector.broadcast %lt3A_849 : i32 to vector<16xi32>
      %lt3A_851 = arith.cmpi slt, %xor3A_848, %lt3A_850 : vector<16xi32>
      %add3A_852 = arith.constant 16 : i32
      %add3A_853 = vector.broadcast %add3A_852 : i32 to vector<16xi32>
      %add3A_854 = arith.addi %xor3A_848, %add3A_853 : vector<16xi32>
      %select_n3A_855 = arith.select %lt3A_851, %add3A_854, %xor3A_848 : vector<16xi1>, vector<16xi32>
      %broadcast_in_dim3A_856 = vector.shape_cast %select_n3A_855 : vector<16xi32> to vector<16x1xi32>
      %gather3A_857 = vector.shape_cast %broadcast_in_dim3A_856 : vector<16x1xi32> to vector<16xi32>
      %gather3A_858 = tpu.dynamic_gather %select_n3A_700[%gather3A_857] in [0] : vector<16xf32>, vector<16xi32> -> vector<16xf32>
      %xor3A_859 = arith.constant 2 : i32
      %xor3A_860 = vector.broadcast %xor3A_859 : i32 to vector<16xi32>
      %xor3A_861 = arith.xori %iota3A, %xor3A_860 : vector<16xi32>
      %lt3A_862 = arith.constant 0 : i32
      %lt3A_863 = vector.broadcast %lt3A_862 : i32 to vector<16xi32>
      %lt3A_864 = arith.cmpi slt, %xor3A_861, %lt3A_863 : vector<16xi32>
      %add3A_865 = arith.constant 16 : i32
      %add3A_866 = vector.broadcast %add3A_865 : i32 to vector<16xi32>
      %add3A_867 = arith.addi %xor3A_861, %add3A_866 : vector<16xi32>
      %select_n3A_868 = arith.select %lt3A_864, %add3A_867, %xor3A_861 : vector<16xi1>, vector<16xi32>
      %broadcast_in_dim3A_869 = vector.shape_cast %select_n3A_868 : vector<16xi32> to vector<16x1xi32>
      %gather3A_870 = vector.shape_cast %broadcast_in_dim3A_869 : vector<16x1xi32> to vector<16xi32>
      %gather3A_871 = tpu.dynamic_gather %select_n3A_729[%gather3A_870] in [0] : vector<16xf32>, vector<16xi32> -> vector<16xf32>
      %add3A_872 = arith.addf %select_n3A_700, %gather3A_858 : vector<16xf32>
      %add3A_873 = arith.addf %select_n3A_729, %gather3A_871 : vector<16xf32>
      %select_n3A_874 = arith.select %eq3A_15, %add3A_872, %add3A_873 : vector<16xi1>, vector<16xf32>
      %xor3A_875 = arith.constant 2 : i32
      %xor3A_876 = vector.broadcast %xor3A_875 : i32 to vector<16xi32>
      %xor3A_877 = arith.xori %iota3A, %xor3A_876 : vector<16xi32>
      %lt3A_878 = arith.constant 0 : i32
      %lt3A_879 = vector.broadcast %lt3A_878 : i32 to vector<16xi32>
      %lt3A_880 = arith.cmpi slt, %xor3A_877, %lt3A_879 : vector<16xi32>
      %add3A_881 = arith.constant 16 : i32
      %add3A_882 = vector.broadcast %add3A_881 : i32 to vector<16xi32>
      %add3A_883 = arith.addi %xor3A_877, %add3A_882 : vector<16xi32>
      %select_n3A_884 = arith.select %lt3A_880, %add3A_883, %xor3A_877 : vector<16xi1>, vector<16xi32>
      %broadcast_in_dim3A_885 = vector.shape_cast %select_n3A_884 : vector<16xi32> to vector<16x1xi32>
      %gather3A_886 = vector.shape_cast %broadcast_in_dim3A_885 : vector<16x1xi32> to vector<16xi32>
      %gather3A_887 = tpu.dynamic_gather %select_n3A_758[%gather3A_886] in [0] : vector<16xf32>, vector<16xi32> -> vector<16xf32>
      %xor3A_888 = arith.constant 2 : i32
      %xor3A_889 = vector.broadcast %xor3A_888 : i32 to vector<16xi32>
      %xor3A_890 = arith.xori %iota3A, %xor3A_889 : vector<16xi32>
      %lt3A_891 = arith.constant 0 : i32
      %lt3A_892 = vector.broadcast %lt3A_891 : i32 to vector<16xi32>
      %lt3A_893 = arith.cmpi slt, %xor3A_890, %lt3A_892 : vector<16xi32>
      %add3A_894 = arith.constant 16 : i32
      %add3A_895 = vector.broadcast %add3A_894 : i32 to vector<16xi32>
      %add3A_896 = arith.addi %xor3A_890, %add3A_895 : vector<16xi32>
      %select_n3A_897 = arith.select %lt3A_893, %add3A_896, %xor3A_890 : vector<16xi1>, vector<16xi32>
      %broadcast_in_dim3A_898 = vector.shape_cast %select_n3A_897 : vector<16xi32> to vector<16x1xi32>
      %gather3A_899 = vector.shape_cast %broadcast_in_dim3A_898 : vector<16x1xi32> to vector<16xi32>
      %gather3A_900 = tpu.dynamic_gather %select_n3A_787[%gather3A_899] in [0] : vector<16xf32>, vector<16xi32> -> vector<16xf32>
      %add3A_901 = arith.addf %select_n3A_758, %gather3A_887 : vector<16xf32>
      %add3A_902 = arith.addf %select_n3A_787, %gather3A_900 : vector<16xf32>
      %select_n3A_903 = arith.select %eq3A_15, %add3A_901, %add3A_902 : vector<16xi1>, vector<16xf32>
      %xor3A_904 = arith.constant 4 : i32
      %xor3A_905 = vector.broadcast %xor3A_904 : i32 to vector<16xi32>
      %xor3A_906 = arith.xori %iota3A, %xor3A_905 : vector<16xi32>
      %lt3A_907 = arith.constant 0 : i32
      %lt3A_908 = vector.broadcast %lt3A_907 : i32 to vector<16xi32>
      %lt3A_909 = arith.cmpi slt, %xor3A_906, %lt3A_908 : vector<16xi32>
      %add3A_910 = arith.constant 16 : i32
      %add3A_911 = vector.broadcast %add3A_910 : i32 to vector<16xi32>
      %add3A_912 = arith.addi %xor3A_906, %add3A_911 : vector<16xi32>
      %select_n3A_913 = arith.select %lt3A_909, %add3A_912, %xor3A_906 : vector<16xi1>, vector<16xi32>
      %broadcast_in_dim3A_914 = vector.shape_cast %select_n3A_913 : vector<16xi32> to vector<16x1xi32>
      %gather3A_915 = vector.shape_cast %broadcast_in_dim3A_914 : vector<16x1xi32> to vector<16xi32>
      %gather3A_916 = tpu.dynamic_gather %select_n3A_816[%gather3A_915] in [0] : vector<16xf32>, vector<16xi32> -> vector<16xf32>
      %xor3A_917 = arith.constant 4 : i32
      %xor3A_918 = vector.broadcast %xor3A_917 : i32 to vector<16xi32>
      %xor3A_919 = arith.xori %iota3A, %xor3A_918 : vector<16xi32>
      %lt3A_920 = arith.constant 0 : i32
      %lt3A_921 = vector.broadcast %lt3A_920 : i32 to vector<16xi32>
      %lt3A_922 = arith.cmpi slt, %xor3A_919, %lt3A_921 : vector<16xi32>
      %add3A_923 = arith.constant 16 : i32
      %add3A_924 = vector.broadcast %add3A_923 : i32 to vector<16xi32>
      %add3A_925 = arith.addi %xor3A_919, %add3A_924 : vector<16xi32>
      %select_n3A_926 = arith.select %lt3A_922, %add3A_925, %xor3A_919 : vector<16xi1>, vector<16xi32>
      %broadcast_in_dim3A_927 = vector.shape_cast %select_n3A_926 : vector<16xi32> to vector<16x1xi32>
      %gather3A_928 = vector.shape_cast %broadcast_in_dim3A_927 : vector<16x1xi32> to vector<16xi32>
      %gather3A_929 = tpu.dynamic_gather %select_n3A_845[%gather3A_928] in [0] : vector<16xf32>, vector<16xi32> -> vector<16xf32>
      %add3A_930 = arith.addf %select_n3A_816, %gather3A_916 : vector<16xf32>
      %add3A_931 = arith.addf %select_n3A_845, %gather3A_929 : vector<16xf32>
      %select_n3A_932 = arith.select %eq3A_21, %add3A_930, %add3A_931 : vector<16xi1>, vector<16xf32>
      %xor3A_933 = arith.constant 4 : i32
      %xor3A_934 = vector.broadcast %xor3A_933 : i32 to vector<16xi32>
      %xor3A_935 = arith.xori %iota3A, %xor3A_934 : vector<16xi32>
      %lt3A_936 = arith.constant 0 : i32
      %lt3A_937 = vector.broadcast %lt3A_936 : i32 to vector<16xi32>
      %lt3A_938 = arith.cmpi slt, %xor3A_935, %lt3A_937 : vector<16xi32>
      %add3A_939 = arith.constant 16 : i32
      %add3A_940 = vector.broadcast %add3A_939 : i32 to vector<16xi32>
      %add3A_941 = arith.addi %xor3A_935, %add3A_940 : vector<16xi32>
      %select_n3A_942 = arith.select %lt3A_938, %add3A_941, %xor3A_935 : vector<16xi1>, vector<16xi32>
      %broadcast_in_dim3A_943 = vector.shape_cast %select_n3A_942 : vector<16xi32> to vector<16x1xi32>
      %gather3A_944 = vector.shape_cast %broadcast_in_dim3A_943 : vector<16x1xi32> to vector<16xi32>
      %gather3A_945 = tpu.dynamic_gather %select_n3A_874[%gather3A_944] in [0] : vector<16xf32>, vector<16xi32> -> vector<16xf32>
      %xor3A_946 = arith.constant 4 : i32
      %xor3A_947 = vector.broadcast %xor3A_946 : i32 to vector<16xi32>
      %xor3A_948 = arith.xori %iota3A, %xor3A_947 : vector<16xi32>
      %lt3A_949 = arith.constant 0 : i32
      %lt3A_950 = vector.broadcast %lt3A_949 : i32 to vector<16xi32>
      %lt3A_951 = arith.cmpi slt, %xor3A_948, %lt3A_950 : vector<16xi32>
      %add3A_952 = arith.constant 16 : i32
      %add3A_953 = vector.broadcast %add3A_952 : i32 to vector<16xi32>
      %add3A_954 = arith.addi %xor3A_948, %add3A_953 : vector<16xi32>
      %select_n3A_955 = arith.select %lt3A_951, %add3A_954, %xor3A_948 : vector<16xi1>, vector<16xi32>
      %broadcast_in_dim3A_956 = vector.shape_cast %select_n3A_955 : vector<16xi32> to vector<16x1xi32>
      %gather3A_957 = vector.shape_cast %broadcast_in_dim3A_956 : vector<16x1xi32> to vector<16xi32>
      %gather3A_958 = tpu.dynamic_gather %select_n3A_903[%gather3A_957] in [0] : vector<16xf32>, vector<16xi32> -> vector<16xf32>
      %add3A_959 = arith.addf %select_n3A_874, %gather3A_945 : vector<16xf32>
      %add3A_960 = arith.addf %select_n3A_903, %gather3A_958 : vector<16xf32>
      %select_n3A_961 = arith.select %eq3A_21, %add3A_959, %add3A_960 : vector<16xi1>, vector<16xf32>
      %xor3A_962 = arith.constant 8 : i32
      %xor3A_963 = vector.broadcast %xor3A_962 : i32 to vector<16xi32>
      %xor3A_964 = arith.xori %iota3A, %xor3A_963 : vector<16xi32>
      %lt3A_965 = arith.constant 0 : i32
      %lt3A_966 = vector.broadcast %lt3A_965 : i32 to vector<16xi32>
      %lt3A_967 = arith.cmpi slt, %xor3A_964, %lt3A_966 : vector<16xi32>
      %add3A_968 = arith.constant 16 : i32
      %add3A_969 = vector.broadcast %add3A_968 : i32 to vector<16xi32>
      %add3A_970 = arith.addi %xor3A_964, %add3A_969 : vector<16xi32>
      %select_n3A_971 = arith.select %lt3A_967, %add3A_970, %xor3A_964 : vector<16xi1>, vector<16xi32>
      %broadcast_in_dim3A_972 = vector.shape_cast %select_n3A_971 : vector<16xi32> to vector<16x1xi32>
      %gather3A_973 = vector.shape_cast %broadcast_in_dim3A_972 : vector<16x1xi32> to vector<16xi32>
      %gather3A_974 = tpu.dynamic_gather %select_n3A_932[%gather3A_973] in [0] : vector<16xf32>, vector<16xi32> -> vector<16xf32>
      %xor3A_975 = arith.constant 8 : i32
      %xor3A_976 = vector.broadcast %xor3A_975 : i32 to vector<16xi32>
      %xor3A_977 = arith.xori %iota3A, %xor3A_976 : vector<16xi32>
      %lt3A_978 = arith.constant 0 : i32
      %lt3A_979 = vector.broadcast %lt3A_978 : i32 to vector<16xi32>
      %lt3A_980 = arith.cmpi slt, %xor3A_977, %lt3A_979 : vector<16xi32>
      %add3A_981 = arith.constant 16 : i32
      %add3A_982 = vector.broadcast %add3A_981 : i32 to vector<16xi32>
      %add3A_983 = arith.addi %xor3A_977, %add3A_982 : vector<16xi32>
      %select_n3A_984 = arith.select %lt3A_980, %add3A_983, %xor3A_977 : vector<16xi1>, vector<16xi32>
      %broadcast_in_dim3A_985 = vector.shape_cast %select_n3A_984 : vector<16xi32> to vector<16x1xi32>
      %gather3A_986 = vector.shape_cast %broadcast_in_dim3A_985 : vector<16x1xi32> to vector<16xi32>
      %gather3A_987 = tpu.dynamic_gather %select_n3A_961[%gather3A_986] in [0] : vector<16xf32>, vector<16xi32> -> vector<16xf32>
      %add3A_988 = arith.addf %select_n3A_932, %gather3A_974 : vector<16xf32>
      %add3A_989 = arith.addf %select_n3A_961, %gather3A_987 : vector<16xf32>
      %select_n3A_990 = arith.select %eq3A_27, %add3A_988, %add3A_989 : vector<16xi1>, vector<16xf32>
      %mul3A_991 = vector.broadcast %scan3A_328 : f32 to vector<16xf32>
      %mul3A_992 = arith.mulf %select_n3A_990, %mul3A_991 : vector<16xf32>
      %mul3A_993 = arith.constant 16 : i32
      %mul3A_994 = arith.muli %scan3A_492, %mul3A_993 : i32
      %add3A_995 = arith.constant 192 : i32
      %add3A_996 = arith.addi %add3A_995, %mul3A_994 : i32
      %swap3A = arith.index_cast %add3A_996 : i32 to index
      %swap3A_997 = tpu.vector_load %arg12[%swap3A] {strides = array<i32>} : memref<256xf32, #tpu.memory_space<vmem>>, vector<16xf32>,
      tpu.vector_store %arg12[%swap3A], %mul3A_992 {strides = array<i32>} : memref<256xf32, #tpu.memory_space<vmem>>, vector<16xf32>,
    }
    %scan3A_333 = arith.constant 4 : i32
    %jit3A = arith.constant 4 : i32
    %div3A = arith.divsi %add3A, %jit3A : i32
    %sign3A = arith.constant 0 : i32
    %sign3A_334 = arith.cmpi sgt, %add3A, %sign3A : i32
    %sign3A_335 = arith.extui %sign3A_334 : i1 to i32
    %sign3A_336 = arith.constant 0 : i32
    %sign3A_337 = arith.cmpi slt, %add3A, %sign3A_336 : i32
    %sign3A_338 = arith.extui %sign3A_337 : i1 to i32
    %sign3A_339 = arith.subi %sign3A_335, %sign3A_338 : i32
    %sign3A_340 = arith.constant 0 : i32
    %sign3A_341 = arith.cmpi sgt, %jit3A, %sign3A_340 : i32
    %sign3A_342 = arith.extui %sign3A_341 : i1 to i32
    %sign3A_343 = arith.constant 0 : i32
    %sign3A_344 = arith.cmpi slt, %jit3A, %sign3A_343 : i32
    %sign3A_345 = arith.extui %sign3A_344 : i1 to i32
    %sign3A_346 = arith.subi %sign3A_342, %sign3A_345 : i32
    %ne3A = arith.cmpi ne, %sign3A_339, %sign3A_346 : i32
    %rem3A = arith.remsi %add3A, %jit3A : i32
    %ne3A_347 = arith.constant 0 : i32
    %ne3A_348 = arith.cmpi ne, %rem3A, %ne3A_347 : i32
    %and3A_349 = arith.andi %ne3A, %ne3A_348 : i1
    %sub3A = arith.constant 1 : i32
    %sub3A_350 = arith.subi %div3A, %sub3A : i32
    %select_n3A = arith.select %and3A_349, %sub3A_350, %div3A : i32
    %jit3A_351 = arith.constant 4 : i32
    %eq3A_352 = arith.constant 0 : i32
    %eq3A_353 = arith.cmpi eq, %jit3A_351, %eq3A_352 : i32
    %jit3A_354 = arith.constant 1 : i32
    %select_n3A_355 = arith.select %eq3A_353, %jit3A_354, %jit3A_351 : i32
    %rem3A_356 = arith.remsi %add3A, %select_n3A_355 : i32
    %ne3A_357 = arith.constant 0 : i32
    %ne3A_358 = arith.cmpi ne, %rem3A_356, %ne3A_357 : i32
    %lt3A = arith.constant 0 : i32
    %lt3A_359 = arith.cmpi slt, %rem3A_356, %lt3A : i32
    %lt3A_360 = arith.constant 0 : i32
    %lt3A_361 = arith.cmpi slt, %select_n3A_355, %lt3A_360 : i32
    %ne3A_362 = arith.xori %lt3A_359, %lt3A_361 : i1
    %and3A_363 = arith.andi %ne3A_362, %ne3A_358 : i1
    %add3A_364 = arith.addi %rem3A_356, %select_n3A_355 : i32
    %select_n3A_365 = arith.select %and3A_363, %add3A_364, %rem3A_356 : i32
    %mul3A_366 = arith.constant 256 : i32
    %mul3A_367 = arith.muli %select_n3A_365, %mul3A_366 : i32
    %jit3A_368 = arith.constant 128 : i32
    %div3A_369 = arith.divsi %mul3A_367, %jit3A_368 : i32
    %sign3A_370 = arith.constant 0 : i32
    %sign3A_371 = arith.cmpi sgt, %mul3A_367, %sign3A_370 : i32
    %sign3A_372 = arith.extui %sign3A_371 : i1 to i32
    %sign3A_373 = arith.constant 0 : i32
    %sign3A_374 = arith.cmpi slt, %mul3A_367, %sign3A_373 : i32
    %sign3A_375 = arith.extui %sign3A_374 : i1 to i32
    %sign3A_376 = arith.subi %sign3A_372, %sign3A_375 : i32
    %sign3A_377 = arith.constant 0 : i32
    %sign3A_378 = arith.cmpi sgt, %jit3A_368, %sign3A_377 : i32
    %sign3A_379 = arith.extui %sign3A_378 : i1 to i32
    %sign3A_380 = arith.constant 0 : i32
    %sign3A_381 = arith.cmpi slt, %jit3A_368, %sign3A_380 : i32
    %sign3A_382 = arith.extui %sign3A_381 : i1 to i32
    %sign3A_383 = arith.subi %sign3A_379, %sign3A_382 : i32
    %ne3A_384 = arith.cmpi ne, %sign3A_376, %sign3A_383 : i32
    %rem3A_385 = arith.remsi %mul3A_367, %jit3A_368 : i32
    %ne3A_386 = arith.constant 0 : i32
    %ne3A_387 = arith.cmpi ne, %rem3A_385, %ne3A_386 : i32
    %and3A_388 = arith.andi %ne3A_384, %ne3A_387 : i1
    %sub3A_389 = arith.constant 1 : i32
    %sub3A_390 = arith.subi %div3A_369, %sub3A_389 : i32
    %select_n3A_391 = arith.select %and3A_388, %sub3A_390, %div3A_369 : i32
    %mul3A_392 = arith.constant 8 : i32
    %mul3A_393 = arith.muli %select_n3A_391, %mul3A_392 : i32
    %add3A_394 = arith.addi %mul3A_393, %select_n3A : i32
    %dma_start3A_395 = arith.constant 0 : i32
    %dma_start3A_396 = tpu.memref_slice %arg12[%dma_start3A_395] : memref<256xf32, #tpu.memory_space<vmem>> -> memref<128xf32, #tpu.memory_space<vmem>>
    %dma_start3A_397 = arith.constant 0 : i32
    %dma_start3A_398 = tpu.memref_slice %arg6[%add3A_394, %dma_start3A_397] : memref<64x128xf32, #tpu.memory_space<hbm>> -> memref<1x128xf32, #tpu.memory_space<hbm>>
    %dma_start3A_399 = tpu.memref_squeeze %dma_start3A_398 : memref<1x128xf32, #tpu.memory_space<hbm>> -> memref<128xf32, #tpu.memory_space<hbm>>
    %dma_start3A_400 = arith.constant 0 : i32
    %dma_start3A_401 = tpu.memref_slice %arg6[%add3A_394, %dma_start3A_400] : memref<64x128xf32, #tpu.memory_space<hbm>> -> memref<1x128xf32, #tpu.memory_space<hbm>>
    %dma_start3A_402 = tpu.memref_squeeze %dma_start3A_401 : memref<1x128xf32, #tpu.memory_space<hbm>> -> memref<128xf32, #tpu.memory_space<hbm>>
    %dma_start3A_403 = arith.constant 0 : i32
    %dma_start3A_404 = tpu.memref_slice %arg12[%dma_start3A_403] : memref<256xf32, #tpu.memory_space<vmem>> -> memref<128xf32, #tpu.memory_space<vmem>>
    tpu.enqueue_dma source(%dma_start3A_404 : memref<128xf32, #tpu.memory_space<vmem>>) target(%dma_start3A_402 : memref<128xf32, #tpu.memory_space<hbm>>) target_semaphore(%arg21 : memref<!tpu.dma_semaphore, #tpu.memory_space<semaphore_mem>>)
    %jit3A_405 = arith.constant 128 : i32
    %div3A_406 = arith.divsi %mul3A_367, %jit3A_405 : i32
    %sign3A_407 = arith.constant 0 : i32
    %sign3A_408 = arith.cmpi sgt, %mul3A_367, %sign3A_407 : i32
    %sign3A_409 = arith.extui %sign3A_408 : i1 to i32
    %sign3A_410 = arith.constant 0 : i32
    %sign3A_411 = arith.cmpi slt, %mul3A_367, %sign3A_410 : i32
    %sign3A_412 = arith.extui %sign3A_411 : i1 to i32
    %sign3A_413 = arith.subi %sign3A_409, %sign3A_412 : i32
    %sign3A_414 = arith.constant 0 : i32
    %sign3A_415 = arith.cmpi sgt, %jit3A_405, %sign3A_414 : i32
    %sign3A_416 = arith.extui %sign3A_415 : i1 to i32
    %sign3A_417 = arith.constant 0 : i32
    %sign3A_418 = arith.cmpi slt, %jit3A_405, %sign3A_417 : i32
    %sign3A_419 = arith.extui %sign3A_418 : i1 to i32
    %sign3A_420 = arith.subi %sign3A_416, %sign3A_419 : i32
    %ne3A_421 = arith.cmpi ne, %sign3A_413, %sign3A_420 : i32
    %rem3A_422 = arith.remsi %mul3A_367, %jit3A_405 : i32
    %ne3A_423 = arith.constant 0 : i32
    %ne3A_424 = arith.cmpi ne, %rem3A_422, %ne3A_423 : i32
    %and3A_425 = arith.andi %ne3A_421, %ne3A_424 : i1
    %sub3A_426 = arith.constant 1 : i32
    %sub3A_427 = arith.subi %div3A_406, %sub3A_426 : i32
    %select_n3A_428 = arith.select %and3A_425, %sub3A_427, %div3A_406 : i32
    %add3A_429 = arith.constant 1 : i32
    %add3A_430 = arith.addi %select_n3A_428, %add3A_429 : i32
    %mul3A_431 = arith.constant 8 : i32
    %mul3A_432 = arith.muli %add3A_430, %mul3A_431 : i32
    %add3A_433 = arith.addi %mul3A_432, %select_n3A : i32
    %dma_start3A_434 = arith.constant 128 : i32
    %dma_start3A_435 = tpu.memref_slice %arg12[%dma_start3A_434] : memref<256xf32, #tpu.memory_space<vmem>> -> memref<128xf32, #tpu.memory_space<vmem>>
    %dma_start3A_436 = arith.constant 0 : i32
    %dma_start3A_437 = tpu.memref_slice %arg6[%add3A_433, %dma_start3A_436] : memref<64x128xf32, #tpu.memory_space<hbm>> -> memref<1x128xf32, #tpu.memory_space<hbm>>
    %dma_start3A_438 = tpu.memref_squeeze %dma_start3A_437 : memref<1x128xf32, #tpu.memory_space<hbm>> -> memref<128xf32, #tpu.memory_space<hbm>>
    %dma_start3A_439 = arith.constant 0 : i32
    %dma_start3A_440 = tpu.memref_slice %arg6[%add3A_433, %dma_start3A_439] : memref<64x128xf32, #tpu.memory_space<hbm>> -> memref<1x128xf32, #tpu.memory_space<hbm>>
    %dma_start3A_441 = tpu.memref_squeeze %dma_start3A_440 : memref<1x128xf32, #tpu.memory_space<hbm>> -> memref<128xf32, #tpu.memory_space<hbm>>
    %dma_start3A_442 = arith.constant 128 : i32
    %dma_start3A_443 = tpu.memref_slice %arg12[%dma_start3A_442] : memref<256xf32, #tpu.memory_space<vmem>> -> memref<128xf32, #tpu.memory_space<vmem>>
    tpu.enqueue_dma source(%dma_start3A_443 : memref<128xf32, #tpu.memory_space<vmem>>) target(%dma_start3A_441 : memref<128xf32, #tpu.memory_space<hbm>>) target_semaphore(%arg21 : memref<!tpu.dma_semaphore, #tpu.memory_space<semaphore_mem>>)
    %dma_wait3A_444 = arith.constant 0 : i32
    %dma_wait3A_445 = arith.constant 0 : i32
    %dma_wait3A_446 = arith.constant 0 : i32
    %dma_wait3A_447 = tpu.memref_slice %arg10[%dma_wait3A_444, %dma_wait3A_445, %dma_wait3A_446] : memref<2x128x128xf32, #tpu.memory_space<vmem>> -> memref<1x128x128xf32, #tpu.memory_space<vmem>>
    %dma_wait3A_448 = tpu.memref_squeeze %dma_wait3A_447 : memref<1x128x128xf32, #tpu.memory_space<vmem>> -> memref<128x128xf32, #tpu.memory_space<vmem>>
    %dma_wait3A_449 = arith.constant 0 : i32
    %dma_wait3A_450 = tpu.memref_slice %arg5[%add3A_268, %dma_wait3A_449] : memref<16384x128xf32, #tpu.memory_space<hbm>> -> memref<128x128xf32, #tpu.memory_space<hbm>>
    %dma_wait3A_451 = arith.constant 0 : i32
    %dma_wait3A_452 = tpu.memref_slice %arg5[%add3A_268, %dma_wait3A_451] : memref<16384x128xf32, #tpu.memory_space<hbm>> -> memref<128x128xf32, #tpu.memory_space<hbm>>
    %dma_wait3A_453 = arith.constant 0 : i32
    %dma_wait3A_454 = arith.constant 0 : i32
    %dma_wait3A_455 = tpu.memref_slice %arg10[%dma_wait3A_444, %dma_wait3A_453, %dma_wait3A_454] : memref<2x128x128xf32, #tpu.memory_space<vmem>> -> memref<1x128x128xf32, #tpu.memory_space<vmem>>
    %dma_wait3A_456 = tpu.memref_squeeze %dma_wait3A_455 : memref<1x128x128xf32, #tpu.memory_space<vmem>> -> memref<128x128xf32, #tpu.memory_space<vmem>>
    tpu.wait_dma2 semaphore(%arg18 : memref<!tpu.dma_semaphore, #tpu.memory_space<semaphore_mem>>) src(%dma_wait3A_456 : memref<128x128xf32, #tpu.memory_space<vmem>>) dst(%dma_wait3A_452 : memref<128x128xf32, #tpu.memory_space<hbm>>)
    %dma_wait3A_457 = arith.constant 1 : i32
    %dma_wait3A_458 = arith.constant 0 : i32
    %dma_wait3A_459 = arith.constant 0 : i32
    %dma_wait3A_460 = tpu.memref_slice %arg10[%dma_wait3A_457, %dma_wait3A_458, %dma_wait3A_459] : memref<2x128x128xf32, #tpu.memory_space<vmem>> -> memref<1x128x128xf32, #tpu.memory_space<vmem>>
    %dma_wait3A_461 = tpu.memref_squeeze %dma_wait3A_460 : memref<1x128x128xf32, #tpu.memory_space<vmem>> -> memref<128x128xf32, #tpu.memory_space<vmem>>
    %dma_wait3A_462 = arith.constant 0 : i32
    %dma_wait3A_463 = tpu.memref_slice %arg5[%add3A_313, %dma_wait3A_462] : memref<16384x128xf32, #tpu.memory_space<hbm>> -> memref<128x128xf32, #tpu.memory_space<hbm>>
    %dma_wait3A_464 = arith.constant 0 : i32
    %dma_wait3A_465 = tpu.memref_slice %arg5[%add3A_313, %dma_wait3A_464] : memref<16384x128xf32, #tpu.memory_space<hbm>> -> memref<128x128xf32, #tpu.memory_space<hbm>>
    %dma_wait3A_466 = arith.constant 0 : i32
    %dma_wait3A_467 = arith.constant 0 : i32
    %dma_wait3A_468 = tpu.memref_slice %arg10[%dma_wait3A_457, %dma_wait3A_466, %dma_wait3A_467] : memref<2x128x128xf32, #tpu.memory_space<vmem>> -> memref<1x128x128xf32, #tpu.memory_space<vmem>>
    %dma_wait3A_469 = tpu.memref_squeeze %dma_wait3A_468 : memref<1x128x128xf32, #tpu.memory_space<vmem>> -> memref<128x128xf32, #tpu.memory_space<vmem>>
    tpu.wait_dma2 semaphore(%arg19 : memref<!tpu.dma_semaphore, #tpu.memory_space<semaphore_mem>>) src(%dma_wait3A_469 : memref<128x128xf32, #tpu.memory_space<vmem>>) dst(%dma_wait3A_465 : memref<128x128xf32, #tpu.memory_space<hbm>>)
    %dma_wait3A_470 = tpu.memref_slice %arg7[%mul3A_2] : memref<8192xi32, #tpu.memory_space<hbm>> -> memref<256xi32, #tpu.memory_space<hbm>>
    %dma_wait3A_471 = tpu.memref_slice %arg7[%mul3A_2] : memref<8192xi32, #tpu.memory_space<hbm>> -> memref<256xi32, #tpu.memory_space<hbm>>
    tpu.wait_dma2 semaphore(%arg20 : memref<!tpu.dma_semaphore, #tpu.memory_space<semaphore_mem>>) src(%arg8 : memref<256xi32, #tpu.memory_space<vmem>>) dst(%dma_wait3A_471 : memref<256xi32, #tpu.memory_space<hbm>>)
    %dma_wait3A_472 = arith.constant 0 : i32
    %dma_wait3A_473 = tpu.memref_slice %arg12[%dma_wait3A_472] : memref<256xf32, #tpu.memory_space<vmem>> -> memref<128xf32, #tpu.memory_space<vmem>>
    %dma_wait3A_474 = arith.constant 0 : i32
    %dma_wait3A_475 = tpu.memref_slice %arg6[%add3A_394, %dma_wait3A_474] : memref<64x128xf32, #tpu.memory_space<hbm>> -> memref<1x128xf32, #tpu.memory_space<hbm>>
    %dma_wait3A_476 = tpu.memref_squeeze %dma_wait3A_475 : memref<1x128xf32, #tpu.memory_space<hbm>> -> memref<128xf32, #tpu.memory_space<hbm>>
    %dma_wait3A_477 = arith.constant 0 : i32
    %dma_wait3A_478 = tpu.memref_slice %arg6[%add3A_394, %dma_wait3A_477] : memref<64x128xf32, #tpu.memory_space<hbm>> -> memref<1x128xf32, #tpu.memory_space<hbm>>
    %dma_wait3A_479 = tpu.memref_squeeze %dma_wait3A_478 : memref<1x128xf32, #tpu.memory_space<hbm>> -> memref<128xf32, #tpu.memory_space<hbm>>
    %dma_wait3A_480 = arith.constant 0 : i32
    %dma_wait3A_481 = tpu.memref_slice %arg12[%dma_wait3A_480] : memref<256xf32, #tpu.memory_space<vmem>> -> memref<128xf32, #tpu.memory_space<vmem>>
    tpu.wait_dma2 semaphore(%arg21 : memref<!tpu.dma_semaphore, #tpu.memory_space<semaphore_mem>>) src(%dma_wait3A_481 : memref<128xf32, #tpu.memory_space<vmem>>) dst(%dma_wait3A_479 : memref<128xf32, #tpu.memory_space<hbm>>)
    %dma_wait3A_482 = arith.constant 128 : i32
    %dma_wait3A_483 = tpu.memref_slice %arg12[%dma_wait3A_482] : memref<256xf32, #tpu.memory_space<vmem>> -> memref<128xf32, #tpu.memory_space<vmem>>
    %dma_wait3A_484 = arith.constant 0 : i32
    %dma_wait3A_485 = tpu.memref_slice %arg6[%add3A_433, %dma_wait3A_484] : memref<64x128xf32, #tpu.memory_space<hbm>> -> memref<1x128xf32, #tpu.memory_space<hbm>>
    %dma_wait3A_486 = tpu.memref_squeeze %dma_wait3A_485 : memref<1x128xf32, #tpu.memory_space<hbm>> -> memref<128xf32, #tpu.memory_space<hbm>>
    %dma_wait3A_487 = arith.constant 0 : i32
    %dma_wait3A_488 = tpu.memref_slice %arg6[%add3A_433, %dma_wait3A_487] : memref<64x128xf32, #tpu.memory_space<hbm>> -> memref<1x128xf32, #tpu.memory_space<hbm>>
    %dma_wait3A_489 = tpu.memref_squeeze %dma_wait3A_488 : memref<1x128xf32, #tpu.memory_space<hbm>> -> memref<128xf32, #tpu.memory_space<hbm>>
    %dma_wait3A_490 = arith.constant 128 : i32
    %dma_wait3A_491 = tpu.memref_slice %arg12[%dma_wait3A_490] : memref<256xf32, #tpu.memory_space<vmem>> -> memref<128xf32, #tpu.memory_space<vmem>>
    tpu.wait_dma2 semaphore(%arg21 : memref<!tpu.dma_semaphore, #tpu.memory_space<semaphore_mem>>) src(%dma_wait3A_491 : memref<128xf32, #tpu.memory_space<vmem>>) dst(%dma_wait3A_489 : memref<128xf32, #tpu.memory_space<hbm>>)
    return
  }
}

</mosaic_0001>

<sc_bundles>
// kernel: kernel.3.cloned.1.call-start
scs
__scs_entry_jumppad:
0x0: {  	(pc) =	sbr.rel $0x88, $3  }
0x1: {  	(tag) =	ssettag $0x0;
	lr =	simm.s32 $0x1  }
0x2: {  	[smem:$0x3F9E] =	sst lr;
	_ =	strace $0xD0000000  }
0x3: {  	_ = 	snop  }
0x4: {  	_ = 	snop  }
0x5: {  	_ = 	snop  }
0x6: {  	_ = 	snop  }
0x7: {  	_ = 	snop  }
__scs_overlays_trampoline_lowered:
0x8: {  	[smem:$0x3FAD] =	sst s0  }
0x9: {  	[smem:$0x3FAE] =	sst s1  }
0xa: {  	[smem:$0x3FAF] =	sst s2  }
0xb: {  	[smem:$0x3FB0] =	sst s3  }
0xc: {  	[smem:$0x3FB1] =	sst s4  }
0xd: {  	[smem:$0x3FB2] =	sst s5  }
0xe: {  	[smem:$0x3FB3] =	sst s6  }
0xf: {  	[smem:$0x3FB4] =	sst s7  }
0x10: {  	[smem:$0x3FB5] =	sst s8  }
0x11: {  	[smem:$0x3FB6] =	sst s9;
	s0 =	simm.s32 @!p0 $0x0  }
0x12: {  	s1 =	sld [smem:$0x3F9C];
	s0 =	simm.s32 @p0 $0x1  }
0x13: {  	[smem:$0x3FB7] =	sst s0;
	s0 =	simm.s32 @!p1 $0x0  }
0x14: {  	s2 =	sld [smem:$0x3F9B];
	s0 =	simm.s32 @p1 $0x1  }
0x15: {  	[smem:$0x3FB8] =	sst s0;
	s0 =	simm.s32 @!p2 $0x0  }
0x16: {  	s3 =	sld [smem:$0x3FDB];
	s0 =	simm.s32 @p2 $0x1  }
0x17: {  	s4 =	simm.s32 $0x1BF5;
	[smem:$0x3FBA] =	sst s0  }
0x18: {  	s0 =	sld [smem:$0x3F9D];
	_ =	swait.ge [sflag:s4], $0x0  }
0x19: {  	s7 =	sld [smem:$0x3F9E]  }
0x1a: {  	s8 =	sadd.s32 $0xFFFFE003, lr  }
0x1b: {  	s9 =	sadd.s32 $0xFFFFFEF7, lr;
	s5 =	simm.s32 $0xFFFFFFFF;
	p2 =	slt.u32 s8, $0xFFFFF086  }
0x1c: {  	p1 =	slt.u32 s9, $0xF7A;
	s5 =	simm.s32 @!p2 $0x0  }
0x1d: {  	s5 =	simm.s32 @p1 $0x1;
	p0 =	seq.s32 s7, s2  }
0x1e: {  	s7 =	smul.u32 @!p0 $0xF7A, s2;
	p2 =	seq.s32 @!p0 s5, $0x0  }
0x1f: {  	s9 =	smul.u32 $0xF7A, s1;
	s8 =	simm.s32 @!p0 $0x1BF5;
	p2 =	por !p2, p0  }
0x20: {  	[sflag:s8] =	ssyncset.s32 @!p0 $0xFFFFF086;
	s6 =	sadd.s32 @!p0 s3, s7;
	s7 =	simm.s32 @!p0 $0x108  }
0x21: {  	s3 =	sadd.s32 s3, s9;
	s6 =	sadd.s32 @!p0 $0x88, s6;
	s7 =	simm.s32 @p2 $0x1082  }
0x22: {  	[simem:s7], [sflag:s8] =	dma.local @!p0 [hbm:s6], $0xF7A  }
0x23: {  	s9 =	sor.u32 $0xD0000000, s2;
	s6 =	simm.s32 $0x108;
	_ =	swait.ge @!p0 [sflag:s8], $0x0  }
0x24: {  	s3 =	sadd.s32 $0x88, s3;
	s6 =	simm.s32 @!p1 $0x1082;
	[sflag:s4] =	ssyncset.s32 $0xFFFFF086  }
0x25: {  	[simem:s6], [sflag:s4] =	dma.local [hbm:s3], $0xF7A  }
0x26: {  	[smem:$0x3F9E] =	sst s1;
	(tag) =	ssettag s2;
	_ =	strace s9  }
0x27: {  	s1 =	sld [smem:$0x3FAE]  }
0x28: {  	s2 =	sld [smem:$0x3FAF]  }
0x29: {  	s4 =	sld [smem:$0x3FB1]  }
0x2a: {  	p0 =	seq.s32 s5, $0x0;
	s5 =	sld [smem:$0x3FB2]  }
0x2b: {  	s6 =	sld [smem:$0x3FB3]  }
0x2c: {  	s7 =	sld [smem:$0x3FB4]  }
0x2d: {  	s3 =	simm.s32 $0x108;
	s8 =	sld [smem:$0x3FB5]  }
0x2e: {  	s3 =	simm.s32 @!p0 $0x1082;
	s9 =	sld [smem:$0x3FB6]  }
0x2f: {  	lr =	sadd.s32 s0, s3;
	s0 =	sld [smem:$0x3FAD]  }
0x30: {  	s3 =	sld [smem:$0x3FB0]  }
0x31: {  	[smem:$0x3FB9] =	sst s10  }
0x32: {  	s10 =	sld [smem:$0x3FB7];
	_ =	sdelay $0x3  }
0x33: {  	p0 =	seq.s32 s10, $0x1;
	s10 =	sld [smem:$0x3FB9];
	_ =	sdelay $0x3  }
0x34: {  	[smem:$0x3FB9] =	sst s10  }
0x35: {  	s10 =	sld [smem:$0x3FB8];
	_ =	sdelay $0x3  }
0x36: {  	p1 =	seq.s32 s10, $0x1;
	s10 =	sld [smem:$0x3FB9];
	_ =	sdelay $0x3  }
0x37: {  	[smem:$0x3FB9] =	sst s10  }
0x38: {  	s10 =	sld [smem:$0x3FBA]  }
0x39: {  	_ = 	snop;
	(pc) =	sbr.ind lr, $3  }
0x3a: {  	_ = 	snop  }
0x3b: {  	_ = 	snop  }
0x3c: {  	p2 =	seq.s32 s10, $0x1;
	s10 =	sld [smem:$0x3FB9]  }
0x3d: {  	_ =	shalt  }
0x3e: {  	_ =	shalt  }
0x3f: {  	_ =	shalt  }
0x40: {  	_ =	shalt  }
0x41: {  	_ =	shalt  }
0x42: {  	_ =	shalt  }
0x43: {  	_ =	shalt  }
0x44: {  	_ =	shalt  }
0x45: {  	_ =	shalt  }
0x46: {  	_ =	shalt  }
0x47: {  	_ =	shalt  }
0x48: {  	_ =	shalt  }
0x49: {  	_ =	shalt  }
0x4a: {  	_ =	shalt  }
0x4b: {  	_ =	shalt  }
0x4c: {  	_ =	shalt  }
0x4d: {  	_ =	shalt  }
0x4e: {  	_ =	shalt  }
0x4f: {  	_ =	shalt  }
0x50: {  	_ =	shalt  }
0x51: {  	_ =	shalt  }
0x52: {  	_ =	shalt  }
0x53: {  	_ =	shalt  }
0x54: {  	_ =	shalt  }
0x55: {  	_ =	shalt  }
0x56: {  	_ =	shalt  }
0x57: {  	_ =	shalt  }
0x58: {  	_ =	shalt  }
0x59: {  	_ =	shalt  }
0x5a: {  	_ =	shalt  }
0x5b: {  	_ =	shalt  }
0x5c: {  	_ =	shalt  }
0x5d: {  	_ =	shalt  }
0x5e: {  	_ =	shalt  }
0x5f: {  	_ =	shalt  }
0x60: {  	_ =	shalt  }
0x61: {  	_ =	shalt  }
0x62: {  	_ =	shalt  }
0x63: {  	_ =	shalt  }
0x64: {  	_ =	shalt  }
0x65: {  	_ =	shalt  }
0x66: {  	_ =	shalt  }
0x67: {  	_ =	shalt  }
0x68: {  	_ =	shalt  }
0x69: {  	_ =	shalt  }
0x6a: {  	_ =	shalt  }
0x6b: {  	_ =	shalt  }
0x6c: {  	_ =	shalt  }
0x6d: {  	_ =	shalt  }
0x6e: {  	_ =	shalt  }
0x6f: {  	_ =	shalt  }
0x70: {  	_ =	shalt  }
0x71: {  	_ =	shalt  }
0x72: {  	_ =	shalt  }
0x73: {  	_ =	shalt  }
0x74: {  	_ =	shalt  }
0x75: {  	_ =	shalt  }
0x76: {  	_ =	shalt  }
0x77: {  	_ =	shalt  }
0x78: {  	_ =	shalt  }
0x79: {  	_ =	shalt  }
0x7a: {  	_ =	shalt  }
0x7b: {  	_ =	shalt  }
0x7c: {  	_ =	shalt  }
0x7d: {  	_ =	shalt  }
0x7e: {  	_ =	shalt  }
0x7f: {  	_ =	shalt  }
0x80: {  	_ =	shalt  }
0x81: {  	_ =	shalt  }
0x82: {  	_ =	shalt  }
0x83: {  	_ =	shalt  }
0x84: {  	_ =	shalt  }
0x85: {  	_ =	shalt  }
0x86: {  	_ =	shalt  }
0x87: {  	_ =	shalt  }
.Lfunc_end0:
.L_simem_size_0:
called_computation_lowered:
.L_overlay_start_0:
0x88: {  	s2 =	sld [smem:$0x3FD9]  }
0x89: {  	s3 =	sld [smem:$0x3FFE];
	_ =	sdelay $0x1  }
0x8a: {  	s1 =	srdreg.scid  }
0x8b: {  	s0 =	sand.u32 $0x1, s1  }
0x8c: {  	s15 =	sshll.u32 s0, $0xA;
	s2 =	sadd.s32 s3, s2  }
0x8d: {  	s2 =	sadd.s32 s2, s15  }
0x8e: {  	[smem:$0x3FC5] =	sst s2  }
0x8f: {  	_ = 	snop  }
0x90: {  	s2 =	sld [smem:$0x3FD0]  }
0x91: {  	s16 =	sld [smem:$0x3FC9]  }
0x92: {  	s4 =	sld [smem:$0x3FC8]  }
0x93: {  	s6 =	simm.s32 $0xA;
	s7 =	simm.s32 $0x10;
	s5 =	sld [smem:$0x3FC7]  }
0x94: {  	[smem:s7], [sflag:s6] =	dma.local [hbm:s2], $0x1  }
0x95: {  	_ =	swait.eq [sflag:s6], $0x1  }
0x96: {  	s17 =	sld [smem:$0x10];
	[sflag:s6] =	ssyncset.done $0x0  }
0x97: {  	s18 =	sld [smem:$0x11];
	[sflag:s6] =	ssyncadd.s32 $0xFFFFFFFF  }
0x98: {  	s19 =	sld [smem:$0x12];
	(tm) =	ssettm $0x1  }
0x99: {  	s8 =	sld [smem:$0x3FFB];
	_ =	sdelay $0x3  }
0x9a: {  	_ =	strace s8  }
0x9b: {  	s8 =	sld [smem:$0x3FFC];
	_ =	sdelay $0x3  }
0x9c: {  	_ =	strace s8  }
0x9d: {  	s8 =	sld [smem:$0x3FFD];
	_ =	sdelay $0x3  }
0x9e: {  	_ =	strace s8  }
0x9f: {  	_ =	strace $0x8FFFFFFF  }
0xa0: {  	s20 =	sld [smem:$0x3FDB];
	_ =	sdelay $0x1  }
0xa1: {  	s9 =	simm.s32 $_scs_section_size  }
0xa2: {  	s10 =	simm.s32 $_size__tile_overlayer_lowered;
	s11 =	simm.s32 $_tile_overlayer_lowered  }
0xa3: {  	s23 =	simm.s32 $0x1BFF;
	s22 =	sshll.u32 s11, $0x1;
	s8 =	sadd.s32 s9, s20  }
0xa4: {  	s12 =	simm.s32 $0x0;
	s21 =	sshll.u32 s10, $0x1;
	s10 =	sadd.s32 s22, s8  }
0xa5: {  	[timem:s12], [sflag:s23] =	dma.local [hbm:s10], s21  }
0xa6: {  	_ =	swait.ge [sflag:s23], s21  }
0xa7: {  	s9 =	ssub.s32 $0x0, s21;
	[sflag:s23] =	ssyncset.done $0x0  }
0xa8: {  	[sflag:s23] =	ssyncadd.s32 s9;
	_ =	sdelay $0x1  }
0xa9: {  	s24 =	simm.s32 $0x1B8B  }
0xaa: {  	_ =	swait.ge [sflag:s24], $0x1  }
0xab: {  	[sflag:s24] =	ssyncset.done $0x0  }
0xac: {  	s25 =	simm.s32 $0x1B8E;
	[sflag:s24] =	ssyncadd.s32 $0xFFFFFFFF  }
0xad: {  	s26 =	simm.s32 $execute0_lowered;
	[smem:$0x3FD2] =	sst s25  }
0xae: {  	s9 =	sshll.u32 s26, $0x1;
	_ =	strace $0x80000046;
	[dreg:$0x1] =	wrdreg $0xFFFFFFFF  }
0xaf: {  	s28 =	simm.s32 $_size_execute0_lowered;
	s8 =	sadd.s32 s8, s9;
	[dreg:$0x0] =	wrdreg $0x0  }
0xb0: {  	s9 =	sshll.u32 s28, $0x1;
	[dreg:$0x2] =	wrdreg s8  }
0xb1: {  	[dreg:$0x3] =	wrdreg s9  }
0xb2: {  	[dreg:$0x4] =	wrdreg $0xC0  }
0xb3: {  	_ =	task [dreg:s12], $0x5FFFF  }
0xb4: {  	[dreg:$0x1] =	wrdreg $0xFFFFFFFF  }
0xb5: {  	[dreg:$0x0] =	wrdreg $0x60  }
0xb6: {  	[dreg:$0x2] =	wrdreg s16  }
0xb7: {  	[dreg:$0x3] =	wrdreg s4  }
0xb8: {  	[dreg:$0x4] =	wrdreg s5  }
0xb9: {  	[dreg:$0x5] =	wrdreg s17  }
0xba: {  	[dreg:$0x6] =	wrdreg s18  }
0xbb: {  	[dreg:$0x7] =	wrdreg s19  }
0xbc: {  	[dreg:$0x8] =	wrdreg $0x9  }
0xbd: {  	_ =	task.clear_ibuf [dreg:s12], $0x9FFFF;
	_ =	strace $0x90000046  }
0xbe: {  	s29 =	simm.s32 $0x9;
	_ =	strace $0x80000048  }
0xbf: {  	_ =	swait.ge [sflag:s29], $0x1  }
0xc0: {  	[sflag:s29] =	ssyncadd.s32 $0xFFFFFFFF  }
0xc1: {  	_ =	strace $0x90000048  }
0xc2: {  	_ =	sfence  }
0xc3: {  	s30 =	sld [smem:$0x0];
	_ =	sdelay $0x2  }
0xc4: {  	s31 =	sshll.u32 s1, $0xD;
	s1 =	sshrl.u32 s1, $0x2  }
0xc5: {  	s3 =	sand.u32 $0x4000, s31;
	s1 =	sadd.s32 s1, s30  }
0xc6: {  	s0 =	sor.u32 s3, s0;
	s1 =	sshll.u32 s1, $0x11  }
0xc7: {  	s0 =	sor.u32 s1, s0  }
0xc8: {  	s0 =	sadd.s32 $0x8F2B, s0  }
0xc9: {  	[sflag:s0] =	ssyncadd.remote.s32 $0x1  }
0xca: {  	_ =	sfence.sel $0xFFFF  }
0xcb: {  	[dreg:$0x0] =	wrdreg $0xFFFFFFFF;
	(pc) =	sbr.abs _section_cstart, $3  }
0xcc: {  	[dreg:$0x1] =	wrdreg $0xFFFFFFFF  }
0xcd: {  	_ =	task.clear_ibuf [dreg:s12], $0x2FFFF;
	_ =	strace $0x9FFFFFFF  }
0xce: {  	(tm) =	ssettm $0x7FFFFFFF  }
0xcf: {  	_ =	shalt  }
tec
execute0_lowered:
.L_overlay_start_1:
0x0: {  	(tag) =	ssettag $0x1  }
0x1: {  	s5 =	rddreg [dreg:$0x0]  }
0x2: {  	s2 =	rddreg [dreg:$0x1]  }
0x3: {  	s0 =	rddreg [dreg:$0x2]  }
0x4: {  	s1 =	rddreg [dreg:$0x3];
	v0 =	vimm.s32 $0xEFCDAB89;
	v3 =	vlaneseq.u32;
	v1 =	vimm.s32 $0x67452301  }
0x5: {  	s4 =	rddreg [dreg:$0x4];
	vm0 =	vcmask $0xB08;
	vm1 =	vcmask $0x300;
	vm2 =	vcmask $0x700  }
0x6: {  	s6 =	rddreg [dreg:$0x5];
	v5 =	vimm.s32 $0xBA98FEDC;
	v6 =	vimm.s32 $0x32107654;
	vm3 =	vcmask $0xF00  }
0x7: {  	s3 =	simm.s32 $0x0;
	s7 =	srdreg.scid;
	s12 =	stileid.u32;
	v0 =	vunpack.c.l.s4.s8 v0;
	v1 =	vunpack.c.l.s4.s8 v1;
	vm0 =	vmor vm1, vm0  }
0x8: {  	s17 =	simm.s32 $0x9;
	s28 =	simm.s32 $0x2;
	s29 =	simm.s32 $0x4;
	vm1 =	vcmask $0x1310;
	v5 =	vunpack.c.l.s4.s8 v5;
	v6 =	vunpack.c.l.s4.s8 v6  }
0x9: {  	s30 =	simm.s32 $0x5;
	s31 =	simm.s32 $0x0;
	[smem:$0x7FF] =	sst s3;
	vm0 =	vmor vm0, vm1;
	vm1 =	vcmask $0x1B18;
	v2 =	vunpack.c.0.s8.s32 v0  }
0xa: {  	s7 =	sand.u32 $0x1, s7;
	s8 =	sshll.u32 s12, $0x1;
	s23 =	sshll.u32 s12, $0x3;
	v1 =	vunpack.c.0.s8.s32 v1;
	vm0 =	vmor vm0, vm1;
	vm1 =	vcmask $0x2320  }
0xb: {  	_ =	strace $0x80000047;
	s9 =	ssub.s32 $0x2, s7;
	s7 =	sor.u32 s7, s8;
	v0 =	vmul.u32 $0x2, v3;
	v5 =	vunpack.c.0.s8.s32 v5;
	v6 =	vunpack.c.0.s8.s32 v6  }
0xc: {  	s18 =	sshrl.u32 s9, $0x1;
	s10 =	sshll.u32 s7, $0x5;
	s11 =	sshll.u32 s7, $0xD;
	vm0 =	vmor vm0, vm1;
	vm1 =	vcmask $0x2B28;
	v4 =	vcombine.low v1, v2  }
0xd: {  	s7 =	sshll.u32 s7, $0x8;
	s8 =	ssub.s32 s9, s18;
	s5 =	sadd.s32 s5, s10;
	vm0 =	vmor vm0, vm1;
	v1 =	vimm.s32 $0xDCFE98BA;
	v2 =	vimm.s32 $0x54761032  }
0xe: {  	s19 =	sor.u32 $0x800, s11;
	s6 =	sadd.s32 s6, s10;
	s20 =	sadd.s32 s2, s11;
	vm1 =	vcmask $0x3330;
	v1 =	vunpack.c.l.s4.s8 v1;
	v2 =	vunpack.c.l.s4.s8 v2  }
0xf: {  	s22 =	sor.u32 $0x1000, s11;
	s24 =	sadd.s32 s1, s11;
	[dreg:$0x7] =	wrdreg s5;
	v6 =	vcombine.low v6, v5;
	vm0 =	vmor vm0, vm1;
	vm1 =	vcmask $0x3B38  }
0x10: {  	s7 =	sor.u32 s23, s7;
	s26 =	sor.u32 $0x1800, s11;
	[dreg:$0x8] =	wrdreg s6;
	vm0 =	vmor vm0, vm1;
	v1 =	vunpack.c.0.s8.s32 v1;
	v2 =	vunpack.c.0.s8.s32 v2  }
0x11: {  	s23 =	simm.s32 $0x3;
	[dreg:$0x9] =	wrdreg s20;
	s21 =	sadd.s32 s2, s19;
	vm1 =	vcmask $0x1710;
	v4 =	vand.u32 $0xF, v4;
	v6 =	vand.u32 $0xF, v6  }
0x12: {  	[dreg:$0xb] =	wrdreg s24;
	s25 =	sadd.s32 s2, s22;
	s5 =	sadd.s32 s1, s19;
	vm1 =	vmor vm2, vm1;
	v7 =	vcombine.low v2, v1;
	v1 =	vimm.s32 $0xFEDCBA98  }
0x13: {  	s7 =	sand.u32 $0x370, s7;
	s11 =	sadd.s32 s2, s26;
	s12 =	sadd.s32 s1, s22;
	vm2 =	vcmask $0x2720;
	v2 =	vimm.s32 $0x76543210;
	v5 =	vunpack.c.l.s4.s8 v1  }
0x14: {  	s14 =	sadd.s32 s1, s26;
	s16 =	smax.u32 s8, $0x1;
	s19 =	simm.s32 $0x100;
	vm1 =	vmor vm1, vm2;
	vm2 =	vcmask $0x3730;
	v8 =	vunpack.c.l.s4.s8 v2  }
0x15: {  	s20 =	simm.s32 $0x80;
	s22 =	simm.s32 $0x1;
	[dreg:$0xa] =	wrdreg s21;
	vm1 =	vmor vm1, vm2;
	vm2 =	vcmask $0x2F20;
	v9 =	vunpack.c.0.s8.s32 v5  }
0x16: {  	s26 =	simm.s32 $0x4300;
	s1 =	simm.s32 $0x6;
	[dreg:$0xc] =	wrdreg s25;
	v1 =	vand.u32 $0x7, v3;
	vm2 =	vmor vm3, vm2;
	v8 =	vunpack.c.0.s8.s32 v8  }
0x17: {  	s2 =	simm.s32 $0x7;
	[dreg:$0xd] =	wrdreg s5;
	s13 =	sadd.s32 s4, s7;
	v2 =	vor.u32 $0x8, v3;
	v5 =	vand.u32 $0xF, v7;
	v7 =	vand.u32 $0xF, v9  }
0x18: {  	s21 =	simm.s32 $0x300;
	s25 =	simm.s32 $0x8;
	s15 =	sadd.s32 $0x80, s13;
	v3 =	vor.u32 $0xFFFFFFF8, v3;
	vm3 =	vmmov $0xff;
	v7 =	vcombine.low v7, v8  }
.LBB2_1:
0x19: {  	s4 =	rddreg [dreg:$0x7]  }
0x1a: {  	[tilespmem:s3], [sflag:$0x9] =	stream.linear.gather [hbm4b:s4+s3], $0x100, $0x38;
	[tilespmem:$0x10500] =	vst v63  }
0x1b: {  	_ =	swait.ge [sflag:s17], $0x100  }
0x1c: {  	[sflag:s17] =	ssyncset.done $0x0  }
0x1d: {  	s18 =	rddreg [dreg:$0x8];
	[sflag:s17] =	ssyncadd.s32 $0xFFFFFF00  }
0x1e: {  	v8 =	vmov s3;
	[hbm4b:s18+s3] =	stream.linear.scatter [tilespmem:s3], [sflag:$0x7], $0x100, $0x38;
	[tilespmem:$0x10500] =	vst v63  }
0x1f: {  	s5 =	simm.s32 $0x8300;
	v8 =	vshll.u32 v8, $0x1;
	s24 =	rddreg [dreg:$0x9]  }
0x20: {  	v8 =	vor.u32 v0, v8;
	[tilespmem:s5], [sflag:$0x3] =	stream.linear.gather [hbm4b:s24+s3], $0x4000, $0x38;
	[tilespmem:$0x10500] =	vst v63  }
0x21: {  	v9 =	vand.u32 $0x1F0, v8;
	v11 =	vor.u32 v2, v8;
	v8 =	vld [tilespmem:s3+$0x0];
	_ =	sdelay $0x2  }
0x22: {  	v10 =	vor.u32 v1, v9  }
0x23: {  	s4 =	simm.s32 $0x10;
	v9 =	vand.u32 v3, v11;
	s5 =	simm.s32 $0x0  }
.LBB2_2:
0x24: {  	v11 =	vmov s4;
	v12 =	vshll.u32 v8, $0x1;
	s5 =	sadd.s32 $0x10, s5;
	p0 =	sne.s32 s4, $0xF0  }
.Ltmp0:
0x25: {  	s4 =	sadd.s32 $0x10, s4;
	v13 =	vand.u32 $0x7, v8;
	v11 =	vshll.u32 v11, $0x1;
	v12 =	vand.u32 $0xFFFFFFF0, v12;
	v8 =	vld [tilespmem:s5+$0x0];
	(pc) =	sbr.rel @p0 .LBB2_2-.Ltmp0, $4  }
0x26: {  	v11 =	vor.u32 v0, v11;
	v12 =	vor.u32 v13, v12  }
0x27: {  	v13 =	vand.u32 $0x1F0, v11;
	[tilespmem:v10+s19+$0x0] =	vst.idx.msk $0xffff, v12;
	v12 =	vor.u32 $0x8, v12  }
0x28: {  	v11 =	vor.u32 v2, v11;
	v10 =	vor.u32 v1, v13;
	[tilespmem:v9+s19+$0x0] =	vst.idx.msk $0xffff, v12  }
0x29: {  	v9 =	vand.u32 v3, v11  }
0x2a: {  	_ = 	snop  }
0x2b: {  	v11 =	vshll.u32 v8, $0x1  }
0x2c: {  	v8 =	vand.u32 $0x7, v8;
	v11 =	vand.u32 $0xFFFFFFF0, v11  }
0x2d: {  	v8 =	vor.u32 v8, v11  }
0x2e: {  	[tilespmem:v10+s19+$0x0] =	vst.idx.msk $0xffff, v8;
	v8 =	vor.u32 $0x8, v8  }
0x2f: {  	[tilespmem:v9+s19+$0x0] =	vst.idx.msk $0xffff, v8  }
0x30: {  	[tilespmem:s21], [sflag:$0x1] =	stream.indirect.gather [hbm4b:s0+s20], $0x80, s19, s20, $0xb8;
	[tilespmem:$0x10500] =	vst v63  }
0x31: {  	_ =	swait.ge [sflag:s22], $0x4000  }
0x32: {  	[sflag:s22] =	ssyncset.done $0x0  }
0x33: {  	[sflag:s22] =	ssyncadd.s32 $0xFFFFC000  }
0x34: {  	_ =	swait.ge [sflag:s23], $0x4000  }
0x35: {  	s4 =	simm.s32 $0x0;
	[sflag:s23] =	ssyncset.done $0x0  }
0x36: {  	s6 =	simm.s32 $0xC300;
	s5 =	rddreg [dreg:$0xa];
	[sflag:s23] =	ssyncadd.s32 $0xFFFFC000  }
0x37: {  	[tilespmem:s6], [sflag:$0x4] =	stream.linear.gather [hbm4b:s5+s4], $0x4000, $0x38;
	[tilespmem:$0x10500] =	vst v63  }
0x38: {  	s18 =	simm.s32 $0x180  }
0x39: {  	[tilespmem:s26], [sflag:$0x2] =	stream.indirect.gather [hbm4b:s0+s20], $0x80, s18, s20, $0xb8;
	[tilespmem:$0x10500] =	vst v63  }
0x3a: {  	s24 =	rddreg [dreg:$0xb];
	s5 =	simm.s32 $0x0  }
0x3b: {  	[hbm4b:s24+s4] =	stream.linear.scatter [tilespmem:s21], [sflag:$0x5], $0x4000, $0x38;
	[tilespmem:$0x10500] =	vst v63  }
.LBB2_4:
0x3c: {  	s6 =	sshll.u32 s5, $0x5;
	s7 =	sand.u32 $0x10, s4  }
0x3d: {  	s8 =	sand.u32 $0x7, s4;
	s7 =	sor.u32 s6, s7  }
0x3e: {  	s7 =	sor.u32 s8, s7  }
0x3f: {  	s8 =	sshll.u32 s7, $0x7  }
0x40: {  	v15 =	vld [tilespmem:s8+$0x760]  }
0x41: {  	v16 =	vld [tilespmem:s8+$0x8760]  }
0x42: {  	v13 =	vld [tilespmem:s8+$0x740]  }
0x43: {  	v14 =	vld [tilespmem:s8+$0x8740]  }
0x44: {  	v11 =	vld [tilespmem:s8+$0x720]  }
0x45: {  	v12 =	vld [tilespmem:s8+$0x8720]  }
0x46: {  	v9 =	vld [tilespmem:s8+$0x700]  }
0x47: {  	v10 =	vld [tilespmem:s8+$0x8700]  }
0x48: {  	v8 =	vld [tilespmem:s8+$0x360]  }
0x49: {  	v17 =	vld [tilespmem:s8+$0x8360]  }
0x4a: {  	v18 =	vld [tilespmem:s8+$0x370]  }
0x4b: {  	v19 =	vld [tilespmem:s8+$0x340]  }
0x4c: {  	v20 =	vld [tilespmem:s8+$0x8340]  }
0x4d: {  	v21 =	vld [tilespmem:s8+$0x300]  }
0x4e: {  	v22 =	vld [tilespmem:s8+$0x8300]  }
0x4f: {  	v23 =	vld [tilespmem:s8+$0x310]  }
0x50: {  	v24 =	vld [tilespmem:s8+$0x8310]  }
0x51: {  	v25 =	vld [tilespmem:s8+$0x320]  }
0x52: {  	v26 =	vld [tilespmem:s8+$0x8320]  }
0x53: {  	v27 =	vld [tilespmem:s8+$0x330]  }
0x54: {  	v28 =	vld [tilespmem:s8+$0x8330]  }
0x55: {  	v29 =	vld [tilespmem:s8+$0x350]  }
0x56: {  	v30 =	vld [tilespmem:s8+$0x8350]  }
0x57: {  	v31 =	vld [tilespmem:s8+$0x8370]  }
0x58: {  	v32 =	vld [tilespmem:s8+$0x710]  }
0x59: {  	v33 =	vld [tilespmem:s8+$0x8710]  }
0x5a: {  	v34 =	vld [tilespmem:s8+$0x730]  }
0x5b: {  	s18 =	simm.s32 $0x2;
	v62 =	vld [tilespmem:s8+$0x770];
	v21 =	vsub.f32 v21, v22;
	v22 =	vsub.f32 v23, v24  }
0x5c: {  	s24 =	simm.s32 $0x1;
	s9 =	sand.u32 $0x10, s18;
	v63 =	vld [tilespmem:s8+$0x8770];
	v24 =	vsub.f32 v25, v26;
	v25 =	vsub.f32 v27, v28  }
0x5d: {  	s9 =	sor.u32 s6, s9;
	s7 =	sand.u32 $0x7, s24;
	v23 =	vld [tilespmem:s8+$0x8730];
	v19 =	vsub.f32 v19, v20;
	v21 =	vmul.f32 v21, v21;
	v22 =	vmul.f32 v22, v22  }
0x5e: {  	s7 =	sor.u32 s7, s9;
	v26 =	vld [tilespmem:s8+$0x750];
	v27 =	vsub.f32 v29, v30;
	v24 =	vmul.f32 v24, v24;
	v25 =	vmul.f32 v25, v25  }
0x5f: {  	s7 =	sshll.u32 s7, $0x7;
	v20 =	vld [tilespmem:s8+$0x8750];
	v17 =	vsub.f32 v8, v17;
	v18 =	vsub.f32 v18, v31;
	v19 =	vmul.f32 v19, v19  }
0x60: {  	v8 =	vld [tilespmem:s7+$0x760];
	v21 =	vadd.f32 v24, v21;
	v22 =	vadd.f32 v25, v22;
	v24 =	vmul.f32 v27, v27  }
0x61: {  	v17 =	vmul.f32 v17, v17;
	v25 =	vsub.f32 v9, v10;
	v27 =	vsub.f32 v32, v33;
	v9 =	vld [tilespmem:s7+$0x8760]  }
0x62: {  	v18 =	vmul.f32 v18, v18;
	v10 =	vld [tilespmem:s7+$0x740];
	v19 =	vadd.f32 v19, v21;
	v21 =	vadd.f32 v24, v22  }
0x63: {  	v23 =	vsub.f32 v34, v23;
	v22 =	vmul.f32 v25, v25;
	v24 =	vsub.f32 v11, v12;
	v11 =	vld [tilespmem:s7+$0x8740]  }
0x64: {  	v12 =	vld [tilespmem:s7+$0x720];
	v17 =	vadd.f32 v17, v19;
	v18 =	vadd.f32 v18, v21;
	v19 =	vmul.f32 v27, v27  }
0x65: {  	v20 =	vsub.f32 v26, v20;
	v21 =	vmul.f32 v24, v24;
	v24 =	vsub.f32 v13, v14;
	v13 =	vld [tilespmem:s7+$0x8720]  }
0x66: {  	v14 =	vld [tilespmem:s7+$0x700];
	v17 =	vadd.f32 v22, v17;
	v18 =	vadd.f32 v19, v18;
	v19 =	vmul.f32 v23, v23  }
0x67: {  	v22 =	vmul.f32 v24, v24;
	v23 =	vsub.f32 v15, v16;
	v24 =	vsub.f32 v62, v63;
	v15 =	vld [tilespmem:s7+$0x8700]  }
0x68: {  	v16 =	vld [tilespmem:s7+$0x360];
	v21 =	vadd.f32 v21, v17;
	v18 =	vadd.f32 v19, v18;
	v19 =	vmul.f32 v20, v20  }
0x69: {  	v20 =	vmul.f32 v23, v23;
	v17 =	vld [tilespmem:s7+$0x8360]  }
0x6a: {  	v23 =	vmul.f32 v24, v24;
	v21 =	vadd.f32 v22, v21;
	v22 =	vadd.f32 v19, v18;
	v18 =	vld [tilespmem:s7+$0x370]  }
0x6b: {  	v19 =	vld [tilespmem:s7+$0x340]  }
0x6c: {  	v24 =	vadd.f32 v20, v21;
	v22 =	vadd.f32 v23, v22;
	v20 =	vld [tilespmem:s7+$0x8340]  }
0x6d: {  	v21 =	vld [tilespmem:s7+$0x300]  }
0x6e: {  	v23 =	vld [tilespmem:s7+$0x310];
	v24 =	vadd.f32 v22, v24  }
0x6f: {  	s8 =	simm.s32 $0x10400;
	v22 =	vld [tilespmem:s7+$0x8300]  }
0x70: {  	s9 =	simm.s32 $0x2;
	[tilespmem:s8+$0x0] =	vst v24;
	v24 =	vld [tilespmem:s7+$0x8310]  }
.LBB2_5:
0x71: {  	p0 =	sne.s32 s9, $0xF;
	v25 =	vld [tilespmem:s7+$0x320]  }
0x72: {  	v26 =	vld [tilespmem:s7+$0x8320]  }
0x73: {  	v27 =	vld [tilespmem:s7+$0x330]  }
0x74: {  	v28 =	vld [tilespmem:s7+$0x8330]  }
0x75: {  	v29 =	vld [tilespmem:s7+$0x350]  }
0x76: {  	v30 =	vld [tilespmem:s7+$0x8350]  }
0x77: {  	v31 =	vld [tilespmem:s7+$0x8370]  }
0x78: {  	v21 =	vsub.f32 v21, v22;
	v22 =	vsub.f32 v23, v24;
	v23 =	vld [tilespmem:s7+$0x710]  }
0x79: {  	v24 =	vsub.f32 v25, v26;
	v25 =	vsub.f32 v27, v28;
	v26 =	vld [tilespmem:s7+$0x8710]  }
0x7a: {  	v19 =	vsub.f32 v19, v20;
	v21 =	vmul.f32 v21, v21;
	v22 =	vmul.f32 v22, v22;
	v20 =	vld [tilespmem:s7+$0x730]  }
0x7b: {  	s18 =	sadd.s32 $0x2, s18;
	v24 =	vmul.f32 v24, v24;
	v25 =	vmul.f32 v25, v25;
	v27 =	vsub.f32 v29, v30;
	v28 =	vld [tilespmem:s7+$0x8730]  }
0x7c: {  	v16 =	vsub.f32 v16, v17;
	s10 =	sand.u32 $0x10, s18;
	v19 =	vmul.f32 v19, v19;
	v17 =	vsub.f32 v18, v31;
	v18 =	vld [tilespmem:s7+$0x750]  }
0x7d: {  	s24 =	sand.u32 $0x7, s9;
	s10 =	sor.u32 s6, s10;
	v21 =	vadd.f32 v24, v21;
	v22 =	vadd.f32 v25, v22;
	v24 =	vmul.f32 v27, v27;
	v25 =	vld [tilespmem:s7+$0x8750]  }
0x7e: {  	v14 =	vsub.f32 v14, v15;
	v16 =	vmul.f32 v16, v16;
	s10 =	sor.u32 s24, s10;
	v15 =	vsub.f32 v23, v26;
	v23 =	vld [tilespmem:s7+$0x770]  }
0x7f: {  	v19 =	vadd.f32 v19, v21;
	v17 =	vmul.f32 v17, v17;
	v21 =	vadd.f32 v24, v22;
	v22 =	vld [tilespmem:s7+$0x8770];
	s7 =	sshll.u32 s10, $0x7  }
0x80: {  	v12 =	vsub.f32 v12, v13;
	v14 =	vmul.f32 v14, v14;
	v24 =	vld [tilespmem:s7+$0x760];
	v13 =	vsub.f32 v20, v28  }
0x81: {  	v16 =	vadd.f32 v16, v19;
	v15 =	vmul.f32 v15, v15;
	v20 =	vld [tilespmem:s7+$0x8760];
	v17 =	vadd.f32 v17, v21  }
0x82: {  	v19 =	vmul.f32 v12, v12;
	v21 =	vsub.f32 v10, v11;
	v10 =	vld [tilespmem:s7+$0x740];
	v18 =	vsub.f32 v18, v25  }
0x83: {  	v14 =	vadd.f32 v14, v16;
	v16 =	vmul.f32 v13, v13;
	v11 =	vld [tilespmem:s7+$0x8740];
	v15 =	vadd.f32 v15, v17  }
0x84: {  	v25 =	vsub.f32 v8, v9;
	v17 =	vmul.f32 v21, v21;
	v12 =	vld [tilespmem:s7+$0x720];
	v21 =	vsub.f32 v23, v22  }
0x85: {  	v19 =	vadd.f32 v19, v14;
	v18 =	vmul.f32 v18, v18;
	v13 =	vld [tilespmem:s7+$0x8720];
	v16 =	vadd.f32 v16, v15;
	v8 =	vmovc v24  }
0x86: {  	v22 =	vmul.f32 v25, v25;
	v14 =	vld [tilespmem:s7+$0x700];
	v9 =	vmov v20  }
0x87: {  	v19 =	vadd.f32 v17, v19;
	v20 =	vmul.f32 v21, v21;
	v15 =	vld [tilespmem:s7+$0x8700];
	v18 =	vadd.f32 v18, v16  }
0x88: {  	v16 =	vld [tilespmem:s7+$0x360]  }
0x89: {  	v21 =	vadd.f32 v22, v19;
	v17 =	vld [tilespmem:s7+$0x8360];
	v20 =	vadd.f32 v20, v18  }
0x8a: {  	v18 =	vld [tilespmem:s7+$0x370]  }
0x8b: {  	v19 =	vld [tilespmem:s7+$0x340];
	v22 =	vadd.f32 v20, v21  }
.Ltmp1:
0x8c: {  	s8 =	sadd.s32 $0x10, s8;
	v20 =	vld [tilespmem:s7+$0x8340];
	(pc) =	sbr.rel @p0 .LBB2_5-.Ltmp1, $4  }
0x8d: {  	v21 =	vld [tilespmem:s7+$0x300];
	[tilespmem:s8+$0x0] =	vst v22  }
0x8e: {  	v22 =	vld [tilespmem:s7+$0x8300]  }
0x8f: {  	v23 =	vld [tilespmem:s7+$0x310]  }
0x90: {  	s9 =	sadd.s32 $0x1, s9;
	v24 =	vld [tilespmem:s7+$0x8310]  }
0x91: {  	v25 =	vld [tilespmem:s7+$0x320]  }
0x92: {  	v26 =	vld [tilespmem:s7+$0x8320]  }
0x93: {  	v27 =	vld [tilespmem:s7+$0x330]  }
0x94: {  	v28 =	vld [tilespmem:s7+$0x8330]  }
0x95: {  	v29 =	vld [tilespmem:s7+$0x350]  }
0x96: {  	v30 =	vld [tilespmem:s7+$0x8350]  }
0x97: {  	v31 =	vld [tilespmem:s7+$0x8370]  }
0x98: {  	v60 =	vld [tilespmem:s7+$0x710];
	v21 =	vsub.f32 v21, v22;
	v59 =	vsub.f32 v23, v24  }
0x99: {  	v63 =	vld [tilespmem:s7+$0x8710];
	v61 =	vsub.f32 v25, v26;
	v62 =	vsub.f32 v27, v28  }
0x9a: {  	v19 =	vsub.f32 v19, v20;
	v32 =	vld [tilespmem:s7+$0x730];
	v21 =	vmul.f32 v21, v21;
	v22 =	vmul.f32 v59, v59  }
0x9b: {  	v34 =	vld [tilespmem:s7+$0x8730];
	v33 =	vsub.f32 v29, v30;
	v24 =	vmul.f32 v61, v61;
	v25 =	vmul.f32 v62, v62  }
0x9c: {  	v16 =	vsub.f32 v16, v17;
	v36 =	vld [tilespmem:s7+$0x750];
	v19 =	vmul.f32 v19, v19;
	v35 =	vsub.f32 v18, v31  }
0x9d: {  	v38 =	vld [tilespmem:s7+$0x8750];
	v37 =	vmul.f32 v33, v33;
	v21 =	vadd.f32 v24, v21;
	v22 =	vadd.f32 v25, v22  }
0x9e: {  	v14 =	vsub.f32 v14, v15;
	v40 =	vld [tilespmem:s7+$0x770];
	v16 =	vmul.f32 v16, v16;
	v39 =	vsub.f32 v60, v63  }
0x9f: {  	v42 =	vld [tilespmem:s7+$0x8770];
	v17 =	vmul.f32 v35, v35;
	v19 =	vadd.f32 v19, v21;
	v41 =	vadd.f32 v37, v22  }
0xa0: {  	v12 =	vsub.f32 v12, v13;
	v14 =	vmul.f32 v14, v14;
	v43 =	vsub.f32 v32, v34  }
0xa1: {  	v15 =	vmul.f32 v39, v39;
	v16 =	vadd.f32 v16, v19;
	v17 =	vadd.f32 v17, v41  }
0xa2: {  	v10 =	vsub.f32 v10, v11;
	v12 =	vmul.f32 v12, v12;
	v44 =	vsub.f32 v36, v38  }
0xa3: {  	v13 =	vmul.f32 v43, v43;
	v14 =	vadd.f32 v14, v16;
	v15 =	vadd.f32 v15, v17  }
0xa4: {  	v8 =	vsub.f32 v8, v9;
	v10 =	vmul.f32 v10, v10;
	v45 =	vsub.f32 v40, v42  }
0xa5: {  	v11 =	vmul.f32 v44, v44;
	v12 =	vadd.f32 v12, v14;
	v13 =	vadd.f32 v13, v15  }
0xa6: {  	v8 =	vmul.f32 v8, v8  }
0xa7: {  	v9 =	vmul.f32 v45, v45;
	v10 =	vadd.f32 v10, v12;
	v11 =	vadd.f32 v11, v13;
	_ =	sdelay $0x1  }
0xa8: {  	v8 =	vadd.f32 v8, v10;
	v9 =	vadd.f32 v9, v11;
	_ =	sdelay $0x1  }
0xa9: {  	v8 =	vadd.f32 v9, v8  }
0xaa: {  	s6 =	sadd.s32 $0x10, s8  }
0xab: {  	[tilespmem:s6+$0x0] =	vst v8  }
0xac: {  	v8 =	vld [tilespmem:$0x10400]  }
0xad: {  	v46 =	vld [tilespmem:$0x10410]  }
0xae: {  	v47 =	vld [tilespmem:$0x10420]  }
0xaf: {  	v48 =	vld [tilespmem:$0x10430]  }
0xb0: {  	v49 =	vld [tilespmem:$0x10440]  }
0xb1: {  	v50 =	vld [tilespmem:$0x10450]  }
0xb2: {  	v52 =	vld [tilespmem:$0x10470]  }
0xb3: {  	v53 =	vld [tilespmem:$0x10480]  }
0xb4: {  	v54 =	vld [tilespmem:$0x10490]  }
0xb5: {  	v56 =	vld [tilespmem:$0x104A0]  }
0xb6: {  	v58 =	vld [tilespmem:$0x104B0];
	v55 =	vperm.xlane v8, v4;
	v57 =	vperm.xlane v46, v4  }
0xb7: {  	v61 =	vld [tilespmem:$0x104C0];
	v59 =	vperm.xlane v47, v4;
	v60 =	vperm.xlane v48, v4  }
0xb8: {  	v28 =	vld [tilespmem:$0x104D0];
	v62 =	vperm.xlane v49, v4;
	v63 =	vperm.xlane v50, v4  }
0xb9: {  	v29 =	vld [tilespmem:$0x104E0];
	v34 =	vperm.xlane v52, v4;
	v35 =	vperm.xlane v53, v4  }
0xba: {  	v32 =	vld [tilespmem:$0x104F0];
	v36 =	vperm.xlane v54, v4;
	v38 =	vperm.xlane v56, v4;
	v8 =	vadd.f32 v55, v8  }
0xbb: {  	v51 =	vld [tilespmem:$0x10460];
	v40 =	vperm.xlane v58, v4;
	v9 =	vadd.f32 v57, v46;
	v10 =	vadd.f32 v59, v47  }
0xbc: {  	v41 =	vperm.xlane v61, v4;
	v11 =	vadd.f32 v60, v48;
	v30 =	vadd.f32 v62, v49  }
0xbd: {  	v42 =	vperm.xlane v28, v4;
	v31 =	vadd.f32 v63, v50;
	v37 =	vadd.f32 v34, v52  }
0xbe: {  	v43 =	vperm.xlane v29, v4;
	v12 =	vadd.f32 v35, v53;
	v39 =	vadd.f32 v36, v54  }
0xbf: {  	v44 =	vperm.xlane v32, v4;
	v15 =	vadd.f32 v38, v56;
	v17 =	vadd.f32 v40, v58  }
0xc0: {  	v33 =	vperm.xlane v51, v4;
	v45 =	vadd.f32 v41, v61;
	v46 =	vadd.f32 v42, v28  }
0xc1: {  	v47 =	vadd.f32 v43, v29;
	v13 =	vadd.f32 v44, v32;
	v8 =	vsel vm0, v8, v9  }
0xc2: {  	v10 =	vsel vm0, v10, v11;
	v9 =	vsel vm0, v30, v31;
	v11 =	vadd.f32 v33, v51  }
0xc3: {  	v12 =	vsel vm0, v12, v39;
	v15 =	vsel vm0, v15, v17;
	v48 =	vperm.xlane v8, v5  }
0xc4: {  	v14 =	vsel vm0, v45, v46;
	v49 =	vperm.xlane v10, v5;
	v50 =	vperm.xlane v9, v5  }
0xc5: {  	v13 =	vsel vm0, v47, v13;
	v52 =	vperm.xlane v12, v5;
	v53 =	vperm.xlane v15, v5  }
0xc6: {  	v54 =	vperm.xlane v14, v5;
	v55 =	vperm.xlane v13, v5  }
0xc7: {  	v11 =	vsel vm0, v11, v37;
	v8 =	vadd.f32 v48, v8;
	v10 =	vadd.f32 v49, v10  }
0xc8: {  	v51 =	vperm.xlane v11, v5;
	v12 =	vadd.f32 v52, v12;
	v15 =	vadd.f32 v53, v15  }
0xc9: {  	v14 =	vadd.f32 v54, v14;
	v13 =	vadd.f32 v55, v13  }
0xca: {  	v9 =	vadd.f32 v50, v9;
	v11 =	vadd.f32 v51, v11  }
0xcb: {  	v8 =	vsel vm1, v8, v10;
	v56 =	vsel vm1, v12, v15;
	v57 =	vsel vm1, v14, v13  }
0xcc: {  	v58 =	vperm.xlane v8, v6;
	v60 =	vperm.xlane v56, v6;
	v9 =	vsel vm1, v9, v11  }
0xcd: {  	v61 =	vperm.xlane v57, v6;
	v59 =	vperm.xlane v9, v6  }
0xce: {  	v8 =	vadd.f32 v58, v8;
	v10 =	vadd.f32 v60, v56  }
0xcf: {  	v11 =	vadd.f32 v61, v57;
	v9 =	vadd.f32 v59, v9;
	_ =	sdelay $0x1  }
0xd0: {  	v62 =	vsel vm2, v10, v11;
	v8 =	vsel vm2, v8, v9  }
0xd1: {  	v11 =	vperm.xlane v62, v7;
	v63 =	vperm.xlane v8, v7  }
0xd2: {  	s24 =	sshll.u32 s5, $0x4;
	s5 =	sadd.s32 $0x1, s5  }
0xd3: {  	p0 =	sne.s32 s5, $0x4;
	v9 =	vadd.f32 v11, v62;
	v8 =	vadd.f32 v63, v8  }
.Ltmp2:
0xd4: {  	_ = 	snop;
	(pc) =	sbr.rel @p0 .LBB2_4-.Ltmp2, $4  }
0xd5: {  	v8 =	vsel vm3, v8, v9  }
0xd6: {  	v8 =	vmul.f32 $4.882812500e-03, v8  }
0xd7: {  	s6 =	sand.u32 $0x3FFFFFF0, s24  }
0xd8: {  	[tilespmem:s6+$0x10300] =	vst v8  }
0xd9: {  	_ =	swait.ge [sflag:s28], $0x4000  }
0xda: {  	[sflag:s28] =	ssyncset.done $0x0  }
0xdb: {  	[sflag:s28] =	ssyncadd.s32 $0xFFFFC000  }
0xdc: {  	_ =	swait.ge [sflag:s29], $0x4000  }
0xdd: {  	[sflag:s29] =	ssyncset.done $0x0  }
0xde: {  	[sflag:s29] =	ssyncadd.s32 $0xFFFFC000  }
0xdf: {  	_ =	swait.ge [sflag:s30], $0x4000  }
0xe0: {  	s4 =	simm.s32 $0x0;
	[sflag:s30] =	ssyncset.done $0x0  }
0xe1: {  	s6 =	simm.s32 $0x8300;
	s5 =	rddreg [dreg:$0xc];
	[sflag:s30] =	ssyncadd.s32 $0xFFFFC000  }
0xe2: {  	[tilespmem:s6], [sflag:$0x3] =	stream.linear.gather [hbm4b:s5+s4], $0x4000, $0x38;
	[tilespmem:$0x10500] =	vst v63  }
0xe3: {  	s18 =	simm.s32 $0x200  }
0xe4: {  	[tilespmem:s21], [sflag:$0x1] =	stream.indirect.gather [hbm4b:s0+s20], $0x80, s18, s20, $0xb8;
	[tilespmem:$0x10500] =	vst v63  }
0xe5: {  	s24 =	rddreg [dreg:$0xd];
	s5 =	simm.s32 $0x0  }
0xe6: {  	[hbm4b:s24+s4] =	stream.linear.scatter [tilespmem:s26], [sflag:$0x6], $0x4000, $0x38;
	[tilespmem:$0x10500] =	vst v63  }
.LBB2_8:
0xe7: {  	s6 =	sshll.u32 s5, $0x5;
	s7 =	sand.u32 $0x10, s4  }
0xe8: {  	s8 =	sand.u32 $0x7, s4;
	s7 =	sor.u32 s6, s7  }
0xe9: {  	s7 =	sor.u32 s8, s7  }
0xea: {  	s8 =	sshll.u32 s7, $0x7  }
0xeb: {  	v15 =	vld [tilespmem:s8+$0x4760]  }
0xec: {  	v16 =	vld [tilespmem:s8+$0xC760]  }
0xed: {  	v13 =	vld [tilespmem:s8+$0x4740]  }
0xee: {  	v14 =	vld [tilespmem:s8+$0xC740]  }
0xef: {  	v11 =	vld [tilespmem:s8+$0x4720]  }
0xf0: {  	v12 =	vld [tilespmem:s8+$0xC720]  }
0xf1: {  	v9 =	vld [tilespmem:s8+$0x4700]  }
0xf2: {  	v10 =	vld [tilespmem:s8+$0xC700]  }
0xf3: {  	v8 =	vld [tilespmem:s8+$0x4360]  }
0xf4: {  	v17 =	vld [tilespmem:s8+$0xC360]  }
0xf5: {  	v18 =	vld [tilespmem:s8+$0x4370]  }
0xf6: {  	v19 =	vld [tilespmem:s8+$0x4340]  }
0xf7: {  	v20 =	vld [tilespmem:s8+$0xC340]  }
0xf8: {  	v21 =	vld [tilespmem:s8+$0x4300]  }
0xf9: {  	v22 =	vld [tilespmem:s8+$0xC300]  }
0xfa: {  	v23 =	vld [tilespmem:s8+$0x4310]  }
0xfb: {  	v24 =	vld [tilespmem:s8+$0xC310]  }
0xfc: {  	v25 =	vld [tilespmem:s8+$0x4320]  }
0xfd: {  	v26 =	vld [tilespmem:s8+$0xC320]  }
0xfe: {  	v27 =	vld [tilespmem:s8+$0x4330]  }
0xff: {  	v28 =	vld [tilespmem:s8+$0xC330]  }
0x100: {  	v29 =	vld [tilespmem:s8+$0x4350]  }
0x101: {  	v30 =	vld [tilespmem:s8+$0xC350]  }
0x102: {  	v31 =	vld [tilespmem:s8+$0xC370]  }
0x103: {  	v32 =	vld [tilespmem:s8+$0x4710]  }
0x104: {  	v33 =	vld [tilespmem:s8+$0xC710]  }
0x105: {  	v34 =	vld [tilespmem:s8+$0x4730]  }
0x106: {  	s18 =	simm.s32 $0x2;
	v62 =	vld [tilespmem:s8+$0x4770];
	v21 =	vsub.f32 v21, v22;
	v22 =	vsub.f32 v23, v24  }
0x107: {  	s24 =	simm.s32 $0x1;
	s9 =	sand.u32 $0x10, s18;
	v63 =	vld [tilespmem:s8+$0xC770];
	v24 =	vsub.f32 v25, v26;
	v25 =	vsub.f32 v27, v28  }
0x108: {  	s9 =	sor.u32 s6, s9;
	s7 =	sand.u32 $0x7, s24;
	v23 =	vld [tilespmem:s8+$0xC730];
	v19 =	vsub.f32 v19, v20;
	v21 =	vmul.f32 v21, v21;
	v22 =	vmul.f32 v22, v22  }
0x109: {  	s7 =	sor.u32 s7, s9;
	v26 =	vld [tilespmem:s8+$0x4750];
	v27 =	vsub.f32 v29, v30;
	v24 =	vmul.f32 v24, v24;
	v25 =	vmul.f32 v25, v25  }
0x10a: {  	s7 =	sshll.u32 s7, $0x7;
	v20 =	vld [tilespmem:s8+$0xC750];
	v17 =	vsub.f32 v8, v17;
	v18 =	vsub.f32 v18, v31;
	v19 =	vmul.f32 v19, v19  }
0x10b: {  	v8 =	vld [tilespmem:s7+$0x4760];
	v21 =	vadd.f32 v24, v21;
	v22 =	vadd.f32 v25, v22;
	v24 =	vmul.f32 v27, v27  }
0x10c: {  	v17 =	vmul.f32 v17, v17;
	v25 =	vsub.f32 v9, v10;
	v27 =	vsub.f32 v32, v33;
	v9 =	vld [tilespmem:s7+$0xC760]  }
0x10d: {  	v18 =	vmul.f32 v18, v18;
	v10 =	vld [tilespmem:s7+$0x4740];
	v19 =	vadd.f32 v19, v21;
	v21 =	vadd.f32 v24, v22  }
0x10e: {  	v23 =	vsub.f32 v34, v23;
	v22 =	vmul.f32 v25, v25;
	v24 =	vsub.f32 v11, v12;
	v11 =	vld [tilespmem:s7+$0xC740]  }
0x10f: {  	v12 =	vld [tilespmem:s7+$0x4720];
	v17 =	vadd.f32 v17, v19;
	v18 =	vadd.f32 v18, v21;
	v19 =	vmul.f32 v27, v27  }
0x110: {  	v20 =	vsub.f32 v26, v20;
	v21 =	vmul.f32 v24, v24;
	v24 =	vsub.f32 v13, v14;
	v13 =	vld [tilespmem:s7+$0xC720]  }
0x111: {  	v14 =	vld [tilespmem:s7+$0x4700];
	v17 =	vadd.f32 v22, v17;
	v18 =	vadd.f32 v19, v18;
	v19 =	vmul.f32 v23, v23  }
0x112: {  	v22 =	vmul.f32 v24, v24;
	v23 =	vsub.f32 v15, v16;
	v24 =	vsub.f32 v62, v63;
	v15 =	vld [tilespmem:s7+$0xC700]  }
0x113: {  	v16 =	vld [tilespmem:s7+$0x4360];
	v21 =	vadd.f32 v21, v17;
	v18 =	vadd.f32 v19, v18;
	v19 =	vmul.f32 v20, v20  }
0x114: {  	v20 =	vmul.f32 v23, v23;
	v17 =	vld [tilespmem:s7+$0xC360]  }
0x115: {  	v23 =	vmul.f32 v24, v24;
	v21 =	vadd.f32 v22, v21;
	v22 =	vadd.f32 v19, v18;
	v18 =	vld [tilespmem:s7+$0x4370]  }
0x116: {  	v19 =	vld [tilespmem:s7+$0x4340]  }
0x117: {  	v24 =	vadd.f32 v20, v21;
	v22 =	vadd.f32 v23, v22;
	v20 =	vld [tilespmem:s7+$0xC340]  }
0x118: {  	v21 =	vld [tilespmem:s7+$0x4300]  }
0x119: {  	v23 =	vld [tilespmem:s7+$0x4310];
	v24 =	vadd.f32 v22, v24  }
0x11a: {  	s8 =	simm.s32 $0x10400;
	v22 =	vld [tilespmem:s7+$0xC300]  }
0x11b: {  	s9 =	simm.s32 $0x2;
	[tilespmem:s8+$0x0] =	vst v24;
	v24 =	vld [tilespmem:s7+$0xC310]  }
.LBB2_9:
0x11c: {  	p0 =	sne.s32 s9, $0xF;
	v25 =	vld [tilespmem:s7+$0x4320]  }
0x11d: {  	v26 =	vld [tilespmem:s7+$0xC320]  }
0x11e: {  	v27 =	vld [tilespmem:s7+$0x4330]  }
0x11f: {  	v28 =	vld [tilespmem:s7+$0xC330]  }
0x120: {  	v29 =	vld [tilespmem:s7+$0x4350]  }
0x121: {  	v30 =	vld [tilespmem:s7+$0xC350]  }
0x122: {  	v31 =	vld [tilespmem:s7+$0xC370]  }
0x123: {  	v21 =	vsub.f32 v21, v22;
	v22 =	vsub.f32 v23, v24;
	v23 =	vld [tilespmem:s7+$0x4710]  }
0x124: {  	v24 =	vsub.f32 v25, v26;
	v25 =	vsub.f32 v27, v28;
	v26 =	vld [tilespmem:s7+$0xC710]  }
0x125: {  	v19 =	vsub.f32 v19, v20;
	v21 =	vmul.f32 v21, v21;
	v22 =	vmul.f32 v22, v22;
	v20 =	vld [tilespmem:s7+$0x4730]  }
0x126: {  	s18 =	sadd.s32 $0x2, s18;
	v24 =	vmul.f32 v24, v24;
	v25 =	vmul.f32 v25, v25;
	v27 =	vsub.f32 v29, v30;
	v28 =	vld [tilespmem:s7+$0xC730]  }
0x127: {  	v16 =	vsub.f32 v16, v17;
	s10 =	sand.u32 $0x10, s18;
	v19 =	vmul.f32 v19, v19;
	v17 =	vsub.f32 v18, v31;
	v18 =	vld [tilespmem:s7+$0x4750]  }
0x128: {  	s24 =	sand.u32 $0x7, s9;
	s10 =	sor.u32 s6, s10;
	v21 =	vadd.f32 v24, v21;
	v22 =	vadd.f32 v25, v22;
	v24 =	vmul.f32 v27, v27;
	v25 =	vld [tilespmem:s7+$0xC750]  }
0x129: {  	v14 =	vsub.f32 v14, v15;
	v16 =	vmul.f32 v16, v16;
	s10 =	sor.u32 s24, s10;
	v15 =	vsub.f32 v23, v26;
	v23 =	vld [tilespmem:s7+$0x4770]  }
0x12a: {  	v19 =	vadd.f32 v19, v21;
	v17 =	vmul.f32 v17, v17;
	v21 =	vadd.f32 v24, v22;
	v22 =	vld [tilespmem:s7+$0xC770];
	s7 =	sshll.u32 s10, $0x7  }
0x12b: {  	v12 =	vsub.f32 v12, v13;
	v14 =	vmul.f32 v14, v14;
	v24 =	vld [tilespmem:s7+$0x4760];
	v13 =	vsub.f32 v20, v28  }
0x12c: {  	v16 =	vadd.f32 v16, v19;
	v15 =	vmul.f32 v15, v15;
	v20 =	vld [tilespmem:s7+$0xC760];
	v17 =	vadd.f32 v17, v21  }
0x12d: {  	v19 =	vmul.f32 v12, v12;
	v21 =	vsub.f32 v10, v11;
	v10 =	vld [tilespmem:s7+$0x4740];
	v18 =	vsub.f32 v18, v25  }
0x12e: {  	v14 =	vadd.f32 v14, v16;
	v16 =	vmul.f32 v13, v13;
	v11 =	vld [tilespmem:s7+$0xC740];
	v15 =	vadd.f32 v15, v17  }
0x12f: {  	v25 =	vsub.f32 v8, v9;
	v17 =	vmul.f32 v21, v21;
	v12 =	vld [tilespmem:s7+$0x4720];
	v21 =	vsub.f32 v23, v22  }
0x130: {  	v19 =	vadd.f32 v19, v14;
	v18 =	vmul.f32 v18, v18;
	v13 =	vld [tilespmem:s7+$0xC720];
	v16 =	vadd.f32 v16, v15;
	v8 =	vmovc v24  }
0x131: {  	v22 =	vmul.f32 v25, v25;
	v14 =	vld [tilespmem:s7+$0x4700];
	v9 =	vmov v20  }
0x132: {  	v19 =	vadd.f32 v17, v19;
	v20 =	vmul.f32 v21, v21;
	v15 =	vld [tilespmem:s7+$0xC700];
	v18 =	vadd.f32 v18, v16  }
0x133: {  	v16 =	vld [tilespmem:s7+$0x4360]  }
0x134: {  	v21 =	vadd.f32 v22, v19;
	v17 =	vld [tilespmem:s7+$0xC360];
	v20 =	vadd.f32 v20, v18  }
0x135: {  	v18 =	vld [tilespmem:s7+$0x4370]  }
0x136: {  	v19 =	vld [tilespmem:s7+$0x4340];
	v22 =	vadd.f32 v20, v21  }
.Ltmp3:
0x137: {  	s8 =	sadd.s32 $0x10, s8;
	v20 =	vld [tilespmem:s7+$0xC340];
	(pc) =	sbr.rel @p0 .LBB2_9-.Ltmp3, $4  }
0x138: {  	v21 =	vld [tilespmem:s7+$0x4300];
	[tilespmem:s8+$0x0] =	vst v22  }
0x139: {  	v22 =	vld [tilespmem:s7+$0xC300]  }
0x13a: {  	v23 =	vld [tilespmem:s7+$0x4310]  }
0x13b: {  	s9 =	sadd.s32 $0x1, s9;
	v24 =	vld [tilespmem:s7+$0xC310]  }
0x13c: {  	v25 =	vld [tilespmem:s7+$0x4320]  }
0x13d: {  	v26 =	vld [tilespmem:s7+$0xC320]  }
0x13e: {  	v27 =	vld [tilespmem:s7+$0x4330]  }
0x13f: {  	v28 =	vld [tilespmem:s7+$0xC330]  }
0x140: {  	v29 =	vld [tilespmem:s7+$0x4350]  }
0x141: {  	v30 =	vld [tilespmem:s7+$0xC350]  }
0x142: {  	v31 =	vld [tilespmem:s7+$0xC370]  }
0x143: {  	v60 =	vld [tilespmem:s7+$0x4710];
	v21 =	vsub.f32 v21, v22;
	v59 =	vsub.f32 v23, v24  }
0x144: {  	v63 =	vld [tilespmem:s7+$0xC710];
	v61 =	vsub.f32 v25, v26;
	v62 =	vsub.f32 v27, v28  }
0x145: {  	v19 =	vsub.f32 v19, v20;
	v32 =	vld [tilespmem:s7+$0x4730];
	v21 =	vmul.f32 v21, v21;
	v22 =	vmul.f32 v59, v59  }
0x146: {  	v34 =	vld [tilespmem:s7+$0xC730];
	v33 =	vsub.f32 v29, v30;
	v24 =	vmul.f32 v61, v61;
	v25 =	vmul.f32 v62, v62  }
0x147: {  	v16 =	vsub.f32 v16, v17;
	v36 =	vld [tilespmem:s7+$0x4750];
	v19 =	vmul.f32 v19, v19;
	v35 =	vsub.f32 v18, v31  }
0x148: {  	v38 =	vld [tilespmem:s7+$0xC750];
	v37 =	vmul.f32 v33, v33;
	v21 =	vadd.f32 v24, v21;
	v22 =	vadd.f32 v25, v22  }
0x149: {  	v14 =	vsub.f32 v14, v15;
	v40 =	vld [tilespmem:s7+$0x4770];
	v16 =	vmul.f32 v16, v16;
	v39 =	vsub.f32 v60, v63  }
0x14a: {  	v42 =	vld [tilespmem:s7+$0xC770];
	v17 =	vmul.f32 v35, v35;
	v19 =	vadd.f32 v19, v21;
	v41 =	vadd.f32 v37, v22  }
0x14b: {  	v12 =	vsub.f32 v12, v13;
	v14 =	vmul.f32 v14, v14;
	v43 =	vsub.f32 v32, v34  }
0x14c: {  	v15 =	vmul.f32 v39, v39;
	v16 =	vadd.f32 v16, v19;
	v17 =	vadd.f32 v17, v41  }
0x14d: {  	v10 =	vsub.f32 v10, v11;
	v12 =	vmul.f32 v12, v12;
	v44 =	vsub.f32 v36, v38  }
0x14e: {  	v13 =	vmul.f32 v43, v43;
	v14 =	vadd.f32 v14, v16;
	v15 =	vadd.f32 v15, v17  }
0x14f: {  	v8 =	vsub.f32 v8, v9;
	v10 =	vmul.f32 v10, v10;
	v45 =	vsub.f32 v40, v42  }
0x150: {  	v11 =	vmul.f32 v44, v44;
	v12 =	vadd.f32 v12, v14;
	v13 =	vadd.f32 v13, v15  }
0x151: {  	v8 =	vmul.f32 v8, v8  }
0x152: {  	v9 =	vmul.f32 v45, v45;
	v10 =	vadd.f32 v10, v12;
	v11 =	vadd.f32 v11, v13;
	_ =	sdelay $0x1  }
0x153: {  	v8 =	vadd.f32 v8, v10;
	v9 =	vadd.f32 v9, v11;
	_ =	sdelay $0x1  }
0x154: {  	v8 =	vadd.f32 v9, v8  }
0x155: {  	s6 =	sadd.s32 $0x10, s8  }
0x156: {  	[tilespmem:s6+$0x0] =	vst v8  }
0x157: {  	v8 =	vld [tilespmem:$0x10400]  }
0x158: {  	v46 =	vld [tilespmem:$0x10410]  }
0x159: {  	v47 =	vld [tilespmem:$0x10420]  }
0x15a: {  	v48 =	vld [tilespmem:$0x10430]  }
0x15b: {  	v49 =	vld [tilespmem:$0x10440]  }
0x15c: {  	v50 =	vld [tilespmem:$0x10450]  }
0x15d: {  	v52 =	vld [tilespmem:$0x10470]  }
0x15e: {  	v53 =	vld [tilespmem:$0x10480]  }
0x15f: {  	v54 =	vld [tilespmem:$0x10490]  }
0x160: {  	v56 =	vld [tilespmem:$0x104A0]  }
0x161: {  	v58 =	vld [tilespmem:$0x104B0];
	v55 =	vperm.xlane v8, v4;
	v57 =	vperm.xlane v46, v4  }
0x162: {  	v61 =	vld [tilespmem:$0x104C0];
	v59 =	vperm.xlane v47, v4;
	v60 =	vperm.xlane v48, v4  }
0x163: {  	v28 =	vld [tilespmem:$0x104D0];
	v62 =	vperm.xlane v49, v4;
	v63 =	vperm.xlane v50, v4  }
0x164: {  	v29 =	vld [tilespmem:$0x104E0];
	v34 =	vperm.xlane v52, v4;
	v35 =	vperm.xlane v53, v4  }
0x165: {  	v32 =	vld [tilespmem:$0x104F0];
	v36 =	vperm.xlane v54, v4;
	v38 =	vperm.xlane v56, v4;
	v8 =	vadd.f32 v55, v8  }
0x166: {  	v51 =	vld [tilespmem:$0x10460];
	v40 =	vperm.xlane v58, v4;
	v9 =	vadd.f32 v57, v46;
	v10 =	vadd.f32 v59, v47  }
0x167: {  	v41 =	vperm.xlane v61, v4;
	v11 =	vadd.f32 v60, v48;
	v30 =	vadd.f32 v62, v49  }
0x168: {  	v42 =	vperm.xlane v28, v4;
	v31 =	vadd.f32 v63, v50;
	v37 =	vadd.f32 v34, v52  }
0x169: {  	v43 =	vperm.xlane v29, v4;
	v12 =	vadd.f32 v35, v53;
	v39 =	vadd.f32 v36, v54  }
0x16a: {  	v44 =	vperm.xlane v32, v4;
	v15 =	vadd.f32 v38, v56;
	v17 =	vadd.f32 v40, v58  }
0x16b: {  	v33 =	vperm.xlane v51, v4;
	v45 =	vadd.f32 v41, v61;
	v46 =	vadd.f32 v42, v28  }
0x16c: {  	v47 =	vadd.f32 v43, v29;
	v13 =	vadd.f32 v44, v32;
	v8 =	vsel vm0, v8, v9  }
0x16d: {  	v10 =	vsel vm0, v10, v11;
	v9 =	vsel vm0, v30, v31;
	v11 =	vadd.f32 v33, v51  }
0x16e: {  	v12 =	vsel vm0, v12, v39;
	v15 =	vsel vm0, v15, v17;
	v48 =	vperm.xlane v8, v5  }
0x16f: {  	v14 =	vsel vm0, v45, v46;
	v49 =	vperm.xlane v10, v5;
	v50 =	vperm.xlane v9, v5  }
0x170: {  	v13 =	vsel vm0, v47, v13;
	v52 =	vperm.xlane v12, v5;
	v53 =	vperm.xlane v15, v5  }
0x171: {  	v54 =	vperm.xlane v14, v5;
	v55 =	vperm.xlane v13, v5  }
0x172: {  	v11 =	vsel vm0, v11, v37;
	v8 =	vadd.f32 v48, v8;
	v10 =	vadd.f32 v49, v10  }
0x173: {  	v51 =	vperm.xlane v11, v5;
	v12 =	vadd.f32 v52, v12;
	v15 =	vadd.f32 v53, v15  }
0x174: {  	v14 =	vadd.f32 v54, v14;
	v13 =	vadd.f32 v55, v13  }
0x175: {  	v9 =	vadd.f32 v50, v9;
	v11 =	vadd.f32 v51, v11  }
0x176: {  	v8 =	vsel vm1, v8, v10;
	v56 =	vsel vm1, v12, v15;
	v57 =	vsel vm1, v14, v13  }
0x177: {  	v58 =	vperm.xlane v8, v6;
	v60 =	vperm.xlane v56, v6;
	v9 =	vsel vm1, v9, v11  }
0x178: {  	v61 =	vperm.xlane v57, v6;
	v59 =	vperm.xlane v9, v6  }
0x179: {  	v8 =	vadd.f32 v58, v8;
	v10 =	vadd.f32 v60, v56  }
0x17a: {  	v11 =	vadd.f32 v61, v57;
	v9 =	vadd.f32 v59, v9;
	_ =	sdelay $0x1  }
0x17b: {  	v62 =	vsel vm2, v10, v11;
	v8 =	vsel vm2, v8, v9  }
0x17c: {  	v11 =	vperm.xlane v62, v7;
	v63 =	vperm.xlane v8, v7  }
0x17d: {  	s24 =	sshll.u32 s5, $0x4;
	s5 =	sadd.s32 $0x1, s5  }
0x17e: {  	p0 =	sne.s32 s5, $0x4;
	v9 =	vadd.f32 v11, v62;
	v8 =	vadd.f32 v63, v8  }
.Ltmp4:
0x17f: {  	_ = 	snop;
	(pc) =	sbr.rel @p0 .LBB2_8-.Ltmp4, $4  }
0x180: {  	v8 =	vsel vm3, v8, v9  }
0x181: {  	v8 =	vmul.f32 $4.882812500e-03, v8  }
0x182: {  	s6 =	sand.u32 $0x3FFFFFF0, s24  }
0x183: {  	[tilespmem:s6+$0x10340] =	vst v8  }
0x184: {  	_ =	swait.ge [sflag:s22], $0x4000  }
0x185: {  	[sflag:s22] =	ssyncset.done $0x0  }
0x186: {  	[sflag:s22] =	ssyncadd.s32 $0xFFFFC000  }
0x187: {  	_ =	swait.ge [sflag:s23], $0x4000  }
0x188: {  	[sflag:s23] =	ssyncset.done $0x0  }
0x189: {  	[sflag:s23] =	ssyncadd.s32 $0xFFFFC000  }
0x18a: {  	_ =	swait.ge [sflag:s1], $0x4000  }
0x18b: {  	[sflag:s1] =	ssyncset.done $0x0  }
0x18c: {  	s4 =	simm.s32 $0x0;
	s5 =	simm.s32 $0xC300;
	[sflag:s1] =	ssyncadd.s32 $0xFFFFC000  }
0x18d: {  	[tilespmem:s5], [sflag:$0x4] =	stream.linear.gather [hbm4b:s11+s4], $0x4000, $0x38;
	[tilespmem:$0x10500] =	vst v63  }
0x18e: {  	s24 =	simm.s32 $0x280  }
0x18f: {  	[tilespmem:s26], [sflag:$0x2] =	stream.indirect.gather [hbm4b:s0+s20], $0x80, s24, s20, $0xb8;
	[tilespmem:$0x10500] =	vst v63  }
0x190: {  	s5 =	simm.s32 $0x0  }
0x191: {  	[hbm4b:s12+s4] =	stream.linear.scatter [tilespmem:s21], [sflag:$0x5], $0x4000, $0x38;
	[tilespmem:$0x10500] =	vst v63  }
.LBB2_12:
0x192: {  	s6 =	sshll.u32 s5, $0x5;
	s7 =	sand.u32 $0x10, s4  }
0x193: {  	s8 =	sand.u32 $0x7, s4;
	s7 =	sor.u32 s6, s7  }
0x194: {  	s7 =	sor.u32 s8, s7  }
0x195: {  	s8 =	sshll.u32 s7, $0x7  }
0x196: {  	v15 =	vld [tilespmem:s8+$0x760]  }
0x197: {  	v16 =	vld [tilespmem:s8+$0x8760]  }
0x198: {  	v13 =	vld [tilespmem:s8+$0x740]  }
0x199: {  	v14 =	vld [tilespmem:s8+$0x8740]  }
0x19a: {  	v11 =	vld [tilespmem:s8+$0x720]  }
0x19b: {  	v12 =	vld [tilespmem:s8+$0x8720]  }
0x19c: {  	v9 =	vld [tilespmem:s8+$0x700]  }
0x19d: {  	v10 =	vld [tilespmem:s8+$0x8700]  }
0x19e: {  	v8 =	vld [tilespmem:s8+$0x360]  }
0x19f: {  	v17 =	vld [tilespmem:s8+$0x8360]  }
0x1a0: {  	v18 =	vld [tilespmem:s8+$0x370]  }
0x1a1: {  	v19 =	vld [tilespmem:s8+$0x340]  }
0x1a2: {  	v20 =	vld [tilespmem:s8+$0x8340]  }
0x1a3: {  	v21 =	vld [tilespmem:s8+$0x300]  }
0x1a4: {  	v22 =	vld [tilespmem:s8+$0x8300]  }
0x1a5: {  	v23 =	vld [tilespmem:s8+$0x310]  }
0x1a6: {  	v24 =	vld [tilespmem:s8+$0x8310]  }
0x1a7: {  	v25 =	vld [tilespmem:s8+$0x320]  }
0x1a8: {  	v26 =	vld [tilespmem:s8+$0x8320]  }
0x1a9: {  	v27 =	vld [tilespmem:s8+$0x330]  }
0x1aa: {  	v28 =	vld [tilespmem:s8+$0x8330]  }
0x1ab: {  	v29 =	vld [tilespmem:s8+$0x350]  }
0x1ac: {  	v30 =	vld [tilespmem:s8+$0x8350]  }
0x1ad: {  	v31 =	vld [tilespmem:s8+$0x8370]  }
0x1ae: {  	v32 =	vld [tilespmem:s8+$0x710]  }
0x1af: {  	v33 =	vld [tilespmem:s8+$0x8710]  }
0x1b0: {  	v34 =	vld [tilespmem:s8+$0x730]  }
0x1b1: {  	s18 =	simm.s32 $0x2;
	v62 =	vld [tilespmem:s8+$0x770];
	v21 =	vsub.f32 v21, v22;
	v22 =	vsub.f32 v23, v24  }
0x1b2: {  	s24 =	simm.s32 $0x1;
	s9 =	sand.u32 $0x10, s18;
	v63 =	vld [tilespmem:s8+$0x8770];
	v24 =	vsub.f32 v25, v26;
	v25 =	vsub.f32 v27, v28  }
0x1b3: {  	s9 =	sor.u32 s6, s9;
	s7 =	sand.u32 $0x7, s24;
	v23 =	vld [tilespmem:s8+$0x8730];
	v19 =	vsub.f32 v19, v20;
	v21 =	vmul.f32 v21, v21;
	v22 =	vmul.f32 v22, v22  }
0x1b4: {  	s7 =	sor.u32 s7, s9;
	v26 =	vld [tilespmem:s8+$0x750];
	v27 =	vsub.f32 v29, v30;
	v24 =	vmul.f32 v24, v24;
	v25 =	vmul.f32 v25, v25  }
0x1b5: {  	s7 =	sshll.u32 s7, $0x7;
	v20 =	vld [tilespmem:s8+$0x8750];
	v17 =	vsub.f32 v8, v17;
	v18 =	vsub.f32 v18, v31;
	v19 =	vmul.f32 v19, v19  }
0x1b6: {  	v8 =	vld [tilespmem:s7+$0x760];
	v21 =	vadd.f32 v24, v21;
	v22 =	vadd.f32 v25, v22;
	v24 =	vmul.f32 v27, v27  }
0x1b7: {  	v17 =	vmul.f32 v17, v17;
	v25 =	vsub.f32 v9, v10;
	v27 =	vsub.f32 v32, v33;
	v9 =	vld [tilespmem:s7+$0x8760]  }
0x1b8: {  	v18 =	vmul.f32 v18, v18;
	v10 =	vld [tilespmem:s7+$0x740];
	v19 =	vadd.f32 v19, v21;
	v21 =	vadd.f32 v24, v22  }
0x1b9: {  	v23 =	vsub.f32 v34, v23;
	v22 =	vmul.f32 v25, v25;
	v24 =	vsub.f32 v11, v12;
	v11 =	vld [tilespmem:s7+$0x8740]  }
0x1ba: {  	v12 =	vld [tilespmem:s7+$0x720];
	v17 =	vadd.f32 v17, v19;
	v18 =	vadd.f32 v18, v21;
	v19 =	vmul.f32 v27, v27  }
0x1bb: {  	v20 =	vsub.f32 v26, v20;
	v21 =	vmul.f32 v24, v24;
	v24 =	vsub.f32 v13, v14;
	v13 =	vld [tilespmem:s7+$0x8720]  }
0x1bc: {  	v14 =	vld [tilespmem:s7+$0x700];
	v17 =	vadd.f32 v22, v17;
	v18 =	vadd.f32 v19, v18;
	v19 =	vmul.f32 v23, v23  }
0x1bd: {  	v22 =	vmul.f32 v24, v24;
	v23 =	vsub.f32 v15, v16;
	v24 =	vsub.f32 v62, v63;
	v15 =	vld [tilespmem:s7+$0x8700]  }
0x1be: {  	v16 =	vld [tilespmem:s7+$0x360];
	v21 =	vadd.f32 v21, v17;
	v18 =	vadd.f32 v19, v18;
	v19 =	vmul.f32 v20, v20  }
0x1bf: {  	v20 =	vmul.f32 v23, v23;
	v17 =	vld [tilespmem:s7+$0x8360]  }
0x1c0: {  	v23 =	vmul.f32 v24, v24;
	v21 =	vadd.f32 v22, v21;
	v22 =	vadd.f32 v19, v18;
	v18 =	vld [tilespmem:s7+$0x370]  }
0x1c1: {  	v19 =	vld [tilespmem:s7+$0x340]  }
0x1c2: {  	v24 =	vadd.f32 v20, v21;
	v22 =	vadd.f32 v23, v22;
	v20 =	vld [tilespmem:s7+$0x8340]  }
0x1c3: {  	v21 =	vld [tilespmem:s7+$0x300]  }
0x1c4: {  	v23 =	vld [tilespmem:s7+$0x310];
	v24 =	vadd.f32 v22, v24  }
0x1c5: {  	s8 =	simm.s32 $0x10400;
	v22 =	vld [tilespmem:s7+$0x8300]  }
0x1c6: {  	s9 =	simm.s32 $0x2;
	[tilespmem:s8+$0x0] =	vst v24;
	v24 =	vld [tilespmem:s7+$0x8310]  }
.LBB2_13:
0x1c7: {  	p0 =	sne.s32 s9, $0xF;
	v25 =	vld [tilespmem:s7+$0x320]  }
0x1c8: {  	v26 =	vld [tilespmem:s7+$0x8320]  }
0x1c9: {  	v27 =	vld [tilespmem:s7+$0x330]  }
0x1ca: {  	v28 =	vld [tilespmem:s7+$0x8330]  }
0x1cb: {  	v29 =	vld [tilespmem:s7+$0x350]  }
0x1cc: {  	v30 =	vld [tilespmem:s7+$0x8350]  }
0x1cd: {  	v31 =	vld [tilespmem:s7+$0x8370]  }
0x1ce: {  	v21 =	vsub.f32 v21, v22;
	v22 =	vsub.f32 v23, v24;
	v23 =	vld [tilespmem:s7+$0x710]  }
0x1cf: {  	v24 =	vsub.f32 v25, v26;
	v25 =	vsub.f32 v27, v28;
	v26 =	vld [tilespmem:s7+$0x8710]  }
0x1d0: {  	v19 =	vsub.f32 v19, v20;
	v21 =	vmul.f32 v21, v21;
	v22 =	vmul.f32 v22, v22;
	v20 =	vld [tilespmem:s7+$0x730]  }
0x1d1: {  	s18 =	sadd.s32 $0x2, s18;
	v24 =	vmul.f32 v24, v24;
	v25 =	vmul.f32 v25, v25;
	v27 =	vsub.f32 v29, v30;
	v28 =	vld [tilespmem:s7+$0x8730]  }
0x1d2: {  	v16 =	vsub.f32 v16, v17;
	s10 =	sand.u32 $0x10, s18;
	v19 =	vmul.f32 v19, v19;
	v17 =	vsub.f32 v18, v31;
	v18 =	vld [tilespmem:s7+$0x750]  }
0x1d3: {  	s24 =	sand.u32 $0x7, s9;
	s10 =	sor.u32 s6, s10;
	v21 =	vadd.f32 v24, v21;
	v22 =	vadd.f32 v25, v22;
	v24 =	vmul.f32 v27, v27;
	v25 =	vld [tilespmem:s7+$0x8750]  }
0x1d4: {  	v14 =	vsub.f32 v14, v15;
	v16 =	vmul.f32 v16, v16;
	s10 =	sor.u32 s24, s10;
	v15 =	vsub.f32 v23, v26;
	v23 =	vld [tilespmem:s7+$0x770]  }
0x1d5: {  	v19 =	vadd.f32 v19, v21;
	v17 =	vmul.f32 v17, v17;
	v21 =	vadd.f32 v24, v22;
	v22 =	vld [tilespmem:s7+$0x8770];
	s7 =	sshll.u32 s10, $0x7  }
0x1d6: {  	v12 =	vsub.f32 v12, v13;
	v14 =	vmul.f32 v14, v14;
	v24 =	vld [tilespmem:s7+$0x760];
	v13 =	vsub.f32 v20, v28  }
0x1d7: {  	v16 =	vadd.f32 v16, v19;
	v15 =	vmul.f32 v15, v15;
	v20 =	vld [tilespmem:s7+$0x8760];
	v17 =	vadd.f32 v17, v21  }
0x1d8: {  	v19 =	vmul.f32 v12, v12;
	v21 =	vsub.f32 v10, v11;
	v10 =	vld [tilespmem:s7+$0x740];
	v18 =	vsub.f32 v18, v25  }
0x1d9: {  	v14 =	vadd.f32 v14, v16;
	v16 =	vmul.f32 v13, v13;
	v11 =	vld [tilespmem:s7+$0x8740];
	v15 =	vadd.f32 v15, v17  }
0x1da: {  	v25 =	vsub.f32 v8, v9;
	v17 =	vmul.f32 v21, v21;
	v12 =	vld [tilespmem:s7+$0x720];
	v21 =	vsub.f32 v23, v22  }
0x1db: {  	v19 =	vadd.f32 v19, v14;
	v18 =	vmul.f32 v18, v18;
	v13 =	vld [tilespmem:s7+$0x8720];
	v16 =	vadd.f32 v16, v15;
	v8 =	vmovc v24  }
0x1dc: {  	v22 =	vmul.f32 v25, v25;
	v14 =	vld [tilespmem:s7+$0x700];
	v9 =	vmov v20  }
0x1dd: {  	v19 =	vadd.f32 v17, v19;
	v20 =	vmul.f32 v21, v21;
	v15 =	vld [tilespmem:s7+$0x8700];
	v18 =	vadd.f32 v18, v16  }
0x1de: {  	v16 =	vld [tilespmem:s7+$0x360]  }
0x1df: {  	v21 =	vadd.f32 v22, v19;
	v17 =	vld [tilespmem:s7+$0x8360];
	v20 =	vadd.f32 v20, v18  }
0x1e0: {  	v18 =	vld [tilespmem:s7+$0x370]  }
0x1e1: {  	v19 =	vld [tilespmem:s7+$0x340];
	v22 =	vadd.f32 v20, v21  }
.Ltmp5:
0x1e2: {  	s8 =	sadd.s32 $0x10, s8;
	v20 =	vld [tilespmem:s7+$0x8340];
	(pc) =	sbr.rel @p0 .LBB2_13-.Ltmp5, $4  }
0x1e3: {  	v21 =	vld [tilespmem:s7+$0x300];
	[tilespmem:s8+$0x0] =	vst v22  }
0x1e4: {  	v22 =	vld [tilespmem:s7+$0x8300]  }
0x1e5: {  	v23 =	vld [tilespmem:s7+$0x310]  }
0x1e6: {  	s9 =	sadd.s32 $0x1, s9;
	v24 =	vld [tilespmem:s7+$0x8310]  }
0x1e7: {  	v25 =	vld [tilespmem:s7+$0x320]  }
0x1e8: {  	v26 =	vld [tilespmem:s7+$0x8320]  }
0x1e9: {  	v27 =	vld [tilespmem:s7+$0x330]  }
0x1ea: {  	v28 =	vld [tilespmem:s7+$0x8330]  }
0x1eb: {  	v29 =	vld [tilespmem:s7+$0x350]  }
0x1ec: {  	v30 =	vld [tilespmem:s7+$0x8350]  }
0x1ed: {  	v31 =	vld [tilespmem:s7+$0x8370]  }
0x1ee: {  	v60 =	vld [tilespmem:s7+$0x710];
	v21 =	vsub.f32 v21, v22;
	v59 =	vsub.f32 v23, v24  }
0x1ef: {  	v63 =	vld [tilespmem:s7+$0x8710];
	v61 =	vsub.f32 v25, v26;
	v62 =	vsub.f32 v27, v28  }
0x1f0: {  	v19 =	vsub.f32 v19, v20;
	v32 =	vld [tilespmem:s7+$0x730];
	v21 =	vmul.f32 v21, v21;
	v22 =	vmul.f32 v59, v59  }
0x1f1: {  	v34 =	vld [tilespmem:s7+$0x8730];
	v33 =	vsub.f32 v29, v30;
	v24 =	vmul.f32 v61, v61;
	v25 =	vmul.f32 v62, v62  }
0x1f2: {  	v16 =	vsub.f32 v16, v17;
	v36 =	vld [tilespmem:s7+$0x750];
	v19 =	vmul.f32 v19, v19;
	v35 =	vsub.f32 v18, v31  }
0x1f3: {  	v38 =	vld [tilespmem:s7+$0x8750];
	v37 =	vmul.f32 v33, v33;
	v21 =	vadd.f32 v24, v21;
	v22 =	vadd.f32 v25, v22  }
0x1f4: {  	v14 =	vsub.f32 v14, v15;
	v40 =	vld [tilespmem:s7+$0x770];
	v16 =	vmul.f32 v16, v16;
	v39 =	vsub.f32 v60, v63  }
0x1f5: {  	v42 =	vld [tilespmem:s7+$0x8770];
	v17 =	vmul.f32 v35, v35;
	v19 =	vadd.f32 v19, v21;
	v41 =	vadd.f32 v37, v22  }
0x1f6: {  	v12 =	vsub.f32 v12, v13;
	v14 =	vmul.f32 v14, v14;
	v43 =	vsub.f32 v32, v34  }
0x1f7: {  	v15 =	vmul.f32 v39, v39;
	v16 =	vadd.f32 v16, v19;
	v17 =	vadd.f32 v17, v41  }
0x1f8: {  	v10 =	vsub.f32 v10, v11;
	v12 =	vmul.f32 v12, v12;
	v44 =	vsub.f32 v36, v38  }
0x1f9: {  	v13 =	vmul.f32 v43, v43;
	v14 =	vadd.f32 v14, v16;
	v15 =	vadd.f32 v15, v17  }
0x1fa: {  	v8 =	vsub.f32 v8, v9;
	v10 =	vmul.f32 v10, v10;
	v45 =	vsub.f32 v40, v42  }
0x1fb: {  	v11 =	vmul.f32 v44, v44;
	v12 =	vadd.f32 v12, v14;
	v13 =	vadd.f32 v13, v15  }
0x1fc: {  	v8 =	vmul.f32 v8, v8  }
0x1fd: {  	v9 =	vmul.f32 v45, v45;
	v10 =	vadd.f32 v10, v12;
	v11 =	vadd.f32 v11, v13;
	_ =	sdelay $0x1  }
0x1fe: {  	v8 =	vadd.f32 v8, v10;
	v9 =	vadd.f32 v9, v11;
	_ =	sdelay $0x1  }
0x1ff: {  	v8 =	vadd.f32 v9, v8  }
0x200: {  	s6 =	sadd.s32 $0x10, s8  }
0x201: {  	[tilespmem:s6+$0x0] =	vst v8  }
0x202: {  	v8 =	vld [tilespmem:$0x10400]  }
0x203: {  	v46 =	vld [tilespmem:$0x10410]  }
0x204: {  	v47 =	vld [tilespmem:$0x10420]  }
0x205: {  	v48 =	vld [tilespmem:$0x10430]  }
0x206: {  	v49 =	vld [tilespmem:$0x10440]  }
0x207: {  	v50 =	vld [tilespmem:$0x10450]  }
0x208: {  	v52 =	vld [tilespmem:$0x10470]  }
0x209: {  	v53 =	vld [tilespmem:$0x10480]  }
0x20a: {  	v54 =	vld [tilespmem:$0x10490]  }
0x20b: {  	v56 =	vld [tilespmem:$0x104A0]  }
0x20c: {  	v58 =	vld [tilespmem:$0x104B0];
	v55 =	vperm.xlane v8, v4;
	v57 =	vperm.xlane v46, v4  }
0x20d: {  	v61 =	vld [tilespmem:$0x104C0];
	v59 =	vperm.xlane v47, v4;
	v60 =	vperm.xlane v48, v4  }
0x20e: {  	v28 =	vld [tilespmem:$0x104D0];
	v62 =	vperm.xlane v49, v4;
	v63 =	vperm.xlane v50, v4  }
0x20f: {  	v29 =	vld [tilespmem:$0x104E0];
	v34 =	vperm.xlane v52, v4;
	v35 =	vperm.xlane v53, v4  }
0x210: {  	v32 =	vld [tilespmem:$0x104F0];
	v36 =	vperm.xlane v54, v4;
	v38 =	vperm.xlane v56, v4;
	v8 =	vadd.f32 v55, v8  }
0x211: {  	v51 =	vld [tilespmem:$0x10460];
	v40 =	vperm.xlane v58, v4;
	v9 =	vadd.f32 v57, v46;
	v10 =	vadd.f32 v59, v47  }
0x212: {  	v41 =	vperm.xlane v61, v4;
	v11 =	vadd.f32 v60, v48;
	v30 =	vadd.f32 v62, v49  }
0x213: {  	v42 =	vperm.xlane v28, v4;
	v31 =	vadd.f32 v63, v50;
	v37 =	vadd.f32 v34, v52  }
0x214: {  	v43 =	vperm.xlane v29, v4;
	v12 =	vadd.f32 v35, v53;
	v39 =	vadd.f32 v36, v54  }
0x215: {  	v44 =	vperm.xlane v32, v4;
	v15 =	vadd.f32 v38, v56;
	v17 =	vadd.f32 v40, v58  }
0x216: {  	v33 =	vperm.xlane v51, v4;
	v45 =	vadd.f32 v41, v61;
	v46 =	vadd.f32 v42, v28  }
0x217: {  	v47 =	vadd.f32 v43, v29;
	v13 =	vadd.f32 v44, v32;
	v8 =	vsel vm0, v8, v9  }
0x218: {  	v10 =	vsel vm0, v10, v11;
	v9 =	vsel vm0, v30, v31;
	v11 =	vadd.f32 v33, v51  }
0x219: {  	v12 =	vsel vm0, v12, v39;
	v15 =	vsel vm0, v15, v17;
	v48 =	vperm.xlane v8, v5  }
0x21a: {  	v14 =	vsel vm0, v45, v46;
	v49 =	vperm.xlane v10, v5;
	v50 =	vperm.xlane v9, v5  }
0x21b: {  	v13 =	vsel vm0, v47, v13;
	v52 =	vperm.xlane v12, v5;
	v53 =	vperm.xlane v15, v5  }
0x21c: {  	v54 =	vperm.xlane v14, v5;
	v55 =	vperm.xlane v13, v5  }
0x21d: {  	v11 =	vsel vm0, v11, v37;
	v8 =	vadd.f32 v48, v8;
	v10 =	vadd.f32 v49, v10  }
0x21e: {  	v51 =	vperm.xlane v11, v5;
	v12 =	vadd.f32 v52, v12;
	v15 =	vadd.f32 v53, v15  }
0x21f: {  	v14 =	vadd.f32 v54, v14;
	v13 =	vadd.f32 v55, v13  }
0x220: {  	v9 =	vadd.f32 v50, v9;
	v11 =	vadd.f32 v51, v11  }
0x221: {  	v8 =	vsel vm1, v8, v10;
	v56 =	vsel vm1, v12, v15;
	v57 =	vsel vm1, v14, v13  }
0x222: {  	v58 =	vperm.xlane v8, v6;
	v60 =	vperm.xlane v56, v6;
	v9 =	vsel vm1, v9, v11  }
0x223: {  	v61 =	vperm.xlane v57, v6;
	v59 =	vperm.xlane v9, v6  }
0x224: {  	v8 =	vadd.f32 v58, v8;
	v10 =	vadd.f32 v60, v56  }
0x225: {  	v11 =	vadd.f32 v61, v57;
	v9 =	vadd.f32 v59, v9;
	_ =	sdelay $0x1  }
0x226: {  	v62 =	vsel vm2, v10, v11;
	v8 =	vsel vm2, v8, v9  }
0x227: {  	v11 =	vperm.xlane v62, v7;
	v63 =	vperm.xlane v8, v7  }
0x228: {  	s24 =	sshll.u32 s5, $0x4;
	s5 =	sadd.s32 $0x1, s5  }
0x229: {  	p0 =	sne.s32 s5, $0x4;
	v9 =	vadd.f32 v11, v62;
	v8 =	vadd.f32 v63, v8  }
.Ltmp6:
0x22a: {  	_ = 	snop;
	(pc) =	sbr.rel @p0 .LBB2_12-.Ltmp6, $4  }
0x22b: {  	v8 =	vsel vm3, v8, v9  }
0x22c: {  	v8 =	vmul.f32 $4.882812500e-03, v8  }
0x22d: {  	s6 =	sand.u32 $0x3FFFFFF0, s24  }
0x22e: {  	[tilespmem:s6+$0x10380] =	vst v8  }
0x22f: {  	_ =	swait.ge [sflag:s28], $0x4000  }
0x230: {  	[sflag:s28] =	ssyncset.done $0x0  }
0x231: {  	[sflag:s28] =	ssyncadd.s32 $0xFFFFC000  }
0x232: {  	_ =	swait.ge [sflag:s29], $0x4000  }
0x233: {  	[sflag:s29] =	ssyncset.done $0x0  }
0x234: {  	s4 =	simm.s32 $0x0;
	s5 =	simm.s32 $0x0;
	[sflag:s29] =	ssyncadd.s32 $0xFFFFC000  }
0x235: {  	[hbm4b:s14+s4] =	stream.linear.scatter [tilespmem:s26], [sflag:$0x6], $0x4000, $0x38;
	[tilespmem:$0x10500] =	vst v63  }
.LBB2_16:
0x236: {  	s6 =	sshll.u32 s5, $0x5;
	s7 =	sand.u32 $0x10, s4  }
0x237: {  	s8 =	sand.u32 $0x7, s4;
	s7 =	sor.u32 s6, s7  }
0x238: {  	s7 =	sor.u32 s8, s7  }
0x239: {  	s8 =	sshll.u32 s7, $0x7  }
0x23a: {  	v15 =	vld [tilespmem:s8+$0x4760]  }
0x23b: {  	v16 =	vld [tilespmem:s8+$0xC760]  }
0x23c: {  	v13 =	vld [tilespmem:s8+$0x4740]  }
0x23d: {  	v14 =	vld [tilespmem:s8+$0xC740]  }
0x23e: {  	v11 =	vld [tilespmem:s8+$0x4720]  }
0x23f: {  	v12 =	vld [tilespmem:s8+$0xC720]  }
0x240: {  	v9 =	vld [tilespmem:s8+$0x4700]  }
0x241: {  	v10 =	vld [tilespmem:s8+$0xC700]  }
0x242: {  	v8 =	vld [tilespmem:s8+$0x4360]  }
0x243: {  	v17 =	vld [tilespmem:s8+$0xC360]  }
0x244: {  	v18 =	vld [tilespmem:s8+$0x4370]  }
0x245: {  	v19 =	vld [tilespmem:s8+$0x4340]  }
0x246: {  	v20 =	vld [tilespmem:s8+$0xC340]  }
0x247: {  	v21 =	vld [tilespmem:s8+$0x4300]  }
0x248: {  	v22 =	vld [tilespmem:s8+$0xC300]  }
0x249: {  	v23 =	vld [tilespmem:s8+$0x4310]  }
0x24a: {  	v24 =	vld [tilespmem:s8+$0xC310]  }
0x24b: {  	v25 =	vld [tilespmem:s8+$0x4320]  }
0x24c: {  	v26 =	vld [tilespmem:s8+$0xC320]  }
0x24d: {  	v27 =	vld [tilespmem:s8+$0x4330]  }
0x24e: {  	v28 =	vld [tilespmem:s8+$0xC330]  }
0x24f: {  	v29 =	vld [tilespmem:s8+$0x4350]  }
0x250: {  	v30 =	vld [tilespmem:s8+$0xC350]  }
0x251: {  	v31 =	vld [tilespmem:s8+$0xC370]  }
0x252: {  	v32 =	vld [tilespmem:s8+$0x4710]  }
0x253: {  	v33 =	vld [tilespmem:s8+$0xC710]  }
0x254: {  	v34 =	vld [tilespmem:s8+$0x4730]  }
0x255: {  	s18 =	simm.s32 $0x2;
	v62 =	vld [tilespmem:s8+$0x4770];
	v21 =	vsub.f32 v21, v22;
	v22 =	vsub.f32 v23, v24  }
0x256: {  	s24 =	simm.s32 $0x1;
	s9 =	sand.u32 $0x10, s18;
	v63 =	vld [tilespmem:s8+$0xC770];
	v24 =	vsub.f32 v25, v26;
	v25 =	vsub.f32 v27, v28  }
0x257: {  	s9 =	sor.u32 s6, s9;
	s7 =	sand.u32 $0x7, s24;
	v23 =	vld [tilespmem:s8+$0xC730];
	v19 =	vsub.f32 v19, v20;
	v21 =	vmul.f32 v21, v21;
	v22 =	vmul.f32 v22, v22  }
0x258: {  	s7 =	sor.u32 s7, s9;
	v26 =	vld [tilespmem:s8+$0x4750];
	v27 =	vsub.f32 v29, v30;
	v24 =	vmul.f32 v24, v24;
	v25 =	vmul.f32 v25, v25  }
0x259: {  	s7 =	sshll.u32 s7, $0x7;
	v20 =	vld [tilespmem:s8+$0xC750];
	v17 =	vsub.f32 v8, v17;
	v18 =	vsub.f32 v18, v31;
	v19 =	vmul.f32 v19, v19  }
0x25a: {  	v8 =	vld [tilespmem:s7+$0x4760];
	v21 =	vadd.f32 v24, v21;
	v22 =	vadd.f32 v25, v22;
	v24 =	vmul.f32 v27, v27  }
0x25b: {  	v17 =	vmul.f32 v17, v17;
	v25 =	vsub.f32 v9, v10;
	v27 =	vsub.f32 v32, v33;
	v9 =	vld [tilespmem:s7+$0xC760]  }
0x25c: {  	v18 =	vmul.f32 v18, v18;
	v10 =	vld [tilespmem:s7+$0x4740];
	v19 =	vadd.f32 v19, v21;
	v21 =	vadd.f32 v24, v22  }
0x25d: {  	v23 =	vsub.f32 v34, v23;
	v22 =	vmul.f32 v25, v25;
	v24 =	vsub.f32 v11, v12;
	v11 =	vld [tilespmem:s7+$0xC740]  }
0x25e: {  	v12 =	vld [tilespmem:s7+$0x4720];
	v17 =	vadd.f32 v17, v19;
	v18 =	vadd.f32 v18, v21;
	v19 =	vmul.f32 v27, v27  }
0x25f: {  	v20 =	vsub.f32 v26, v20;
	v21 =	vmul.f32 v24, v24;
	v24 =	vsub.f32 v13, v14;
	v13 =	vld [tilespmem:s7+$0xC720]  }
0x260: {  	v14 =	vld [tilespmem:s7+$0x4700];
	v17 =	vadd.f32 v22, v17;
	v18 =	vadd.f32 v19, v18;
	v19 =	vmul.f32 v23, v23  }
0x261: {  	v22 =	vmul.f32 v24, v24;
	v23 =	vsub.f32 v15, v16;
	v24 =	vsub.f32 v62, v63;
	v15 =	vld [tilespmem:s7+$0xC700]  }
0x262: {  	v16 =	vld [tilespmem:s7+$0x4360];
	v21 =	vadd.f32 v21, v17;
	v18 =	vadd.f32 v19, v18;
	v19 =	vmul.f32 v20, v20  }
0x263: {  	v20 =	vmul.f32 v23, v23;
	v17 =	vld [tilespmem:s7+$0xC360]  }
0x264: {  	v23 =	vmul.f32 v24, v24;
	v21 =	vadd.f32 v22, v21;
	v22 =	vadd.f32 v19, v18;
	v18 =	vld [tilespmem:s7+$0x4370]  }
0x265: {  	v19 =	vld [tilespmem:s7+$0x4340]  }
0x266: {  	v24 =	vadd.f32 v20, v21;
	v22 =	vadd.f32 v23, v22;
	v20 =	vld [tilespmem:s7+$0xC340]  }
0x267: {  	v21 =	vld [tilespmem:s7+$0x4300]  }
0x268: {  	v23 =	vld [tilespmem:s7+$0x4310];
	v24 =	vadd.f32 v22, v24  }
0x269: {  	s8 =	simm.s32 $0x10400;
	v22 =	vld [tilespmem:s7+$0xC300]  }
0x26a: {  	s9 =	simm.s32 $0x2;
	[tilespmem:s8+$0x0] =	vst v24;
	v24 =	vld [tilespmem:s7+$0xC310]  }
.LBB2_17:
0x26b: {  	p0 =	sne.s32 s9, $0xF;
	v25 =	vld [tilespmem:s7+$0x4320]  }
0x26c: {  	v26 =	vld [tilespmem:s7+$0xC320]  }
0x26d: {  	v27 =	vld [tilespmem:s7+$0x4330]  }
0x26e: {  	v28 =	vld [tilespmem:s7+$0xC330]  }
0x26f: {  	v29 =	vld [tilespmem:s7+$0x4350]  }
0x270: {  	v30 =	vld [tilespmem:s7+$0xC350]  }
0x271: {  	v31 =	vld [tilespmem:s7+$0xC370]  }
0x272: {  	v21 =	vsub.f32 v21, v22;
	v22 =	vsub.f32 v23, v24;
	v23 =	vld [tilespmem:s7+$0x4710]  }
0x273: {  	v24 =	vsub.f32 v25, v26;
	v25 =	vsub.f32 v27, v28;
	v26 =	vld [tilespmem:s7+$0xC710]  }
0x274: {  	v19 =	vsub.f32 v19, v20;
	v21 =	vmul.f32 v21, v21;
	v22 =	vmul.f32 v22, v22;
	v20 =	vld [tilespmem:s7+$0x4730]  }
0x275: {  	s18 =	sadd.s32 $0x2, s18;
	v24 =	vmul.f32 v24, v24;
	v25 =	vmul.f32 v25, v25;
	v27 =	vsub.f32 v29, v30;
	v28 =	vld [tilespmem:s7+$0xC730]  }
0x276: {  	v16 =	vsub.f32 v16, v17;
	s10 =	sand.u32 $0x10, s18;
	v19 =	vmul.f32 v19, v19;
	v17 =	vsub.f32 v18, v31;
	v18 =	vld [tilespmem:s7+$0x4750]  }
0x277: {  	s24 =	sand.u32 $0x7, s9;
	s10 =	sor.u32 s6, s10;
	v21 =	vadd.f32 v24, v21;
	v22 =	vadd.f32 v25, v22;
	v24 =	vmul.f32 v27, v27;
	v25 =	vld [tilespmem:s7+$0xC750]  }
0x278: {  	v14 =	vsub.f32 v14, v15;
	v16 =	vmul.f32 v16, v16;
	s10 =	sor.u32 s24, s10;
	v15 =	vsub.f32 v23, v26;
	v23 =	vld [tilespmem:s7+$0x4770]  }
0x279: {  	v19 =	vadd.f32 v19, v21;
	v17 =	vmul.f32 v17, v17;
	v21 =	vadd.f32 v24, v22;
	v22 =	vld [tilespmem:s7+$0xC770];
	s7 =	sshll.u32 s10, $0x7  }
0x27a: {  	v12 =	vsub.f32 v12, v13;
	v14 =	vmul.f32 v14, v14;
	v24 =	vld [tilespmem:s7+$0x4760];
	v13 =	vsub.f32 v20, v28  }
0x27b: {  	v16 =	vadd.f32 v16, v19;
	v15 =	vmul.f32 v15, v15;
	v20 =	vld [tilespmem:s7+$0xC760];
	v17 =	vadd.f32 v17, v21  }
0x27c: {  	v19 =	vmul.f32 v12, v12;
	v21 =	vsub.f32 v10, v11;
	v10 =	vld [tilespmem:s7+$0x4740];
	v18 =	vsub.f32 v18, v25  }
0x27d: {  	v14 =	vadd.f32 v14, v16;
	v16 =	vmul.f32 v13, v13;
	v11 =	vld [tilespmem:s7+$0xC740];
	v15 =	vadd.f32 v15, v17  }
0x27e: {  	v25 =	vsub.f32 v8, v9;
	v17 =	vmul.f32 v21, v21;
	v12 =	vld [tilespmem:s7+$0x4720];
	v21 =	vsub.f32 v23, v22  }
0x27f: {  	v19 =	vadd.f32 v19, v14;
	v18 =	vmul.f32 v18, v18;
	v13 =	vld [tilespmem:s7+$0xC720];
	v16 =	vadd.f32 v16, v15;
	v8 =	vmovc v24  }
0x280: {  	v22 =	vmul.f32 v25, v25;
	v14 =	vld [tilespmem:s7+$0x4700];
	v9 =	vmov v20  }
0x281: {  	v19 =	vadd.f32 v17, v19;
	v20 =	vmul.f32 v21, v21;
	v15 =	vld [tilespmem:s7+$0xC700];
	v18 =	vadd.f32 v18, v16  }
0x282: {  	v16 =	vld [tilespmem:s7+$0x4360]  }
0x283: {  	v21 =	vadd.f32 v22, v19;
	v17 =	vld [tilespmem:s7+$0xC360];
	v20 =	vadd.f32 v20, v18  }
0x284: {  	v18 =	vld [tilespmem:s7+$0x4370]  }
0x285: {  	v19 =	vld [tilespmem:s7+$0x4340];
	v22 =	vadd.f32 v20, v21  }
.Ltmp7:
0x286: {  	s8 =	sadd.s32 $0x10, s8;
	v20 =	vld [tilespmem:s7+$0xC340];
	(pc) =	sbr.rel @p0 .LBB2_17-.Ltmp7, $4  }
0x287: {  	v21 =	vld [tilespmem:s7+$0x4300];
	[tilespmem:s8+$0x0] =	vst v22  }
0x288: {  	v22 =	vld [tilespmem:s7+$0xC300]  }
0x289: {  	v23 =	vld [tilespmem:s7+$0x4310]  }
0x28a: {  	s9 =	sadd.s32 $0x1, s9;
	v24 =	vld [tilespmem:s7+$0xC310]  }
0x28b: {  	v25 =	vld [tilespmem:s7+$0x4320]  }
0x28c: {  	v26 =	vld [tilespmem:s7+$0xC320]  }
0x28d: {  	v27 =	vld [tilespmem:s7+$0x4330]  }
0x28e: {  	v28 =	vld [tilespmem:s7+$0xC330]  }
0x28f: {  	v29 =	vld [tilespmem:s7+$0x4350]  }
0x290: {  	v30 =	vld [tilespmem:s7+$0xC350]  }
0x291: {  	v31 =	vld [tilespmem:s7+$0xC370]  }
0x292: {  	v60 =	vld [tilespmem:s7+$0x4710];
	v21 =	vsub.f32 v21, v22;
	v59 =	vsub.f32 v23, v24  }
0x293: {  	v63 =	vld [tilespmem:s7+$0xC710];
	v61 =	vsub.f32 v25, v26;
	v62 =	vsub.f32 v27, v28  }
0x294: {  	v19 =	vsub.f32 v19, v20;
	v32 =	vld [tilespmem:s7+$0x4730];
	v21 =	vmul.f32 v21, v21;
	v22 =	vmul.f32 v59, v59  }
0x295: {  	v34 =	vld [tilespmem:s7+$0xC730];
	v33 =	vsub.f32 v29, v30;
	v24 =	vmul.f32 v61, v61;
	v25 =	vmul.f32 v62, v62  }
0x296: {  	v16 =	vsub.f32 v16, v17;
	v36 =	vld [tilespmem:s7+$0x4750];
	v19 =	vmul.f32 v19, v19;
	v35 =	vsub.f32 v18, v31  }
0x297: {  	v38 =	vld [tilespmem:s7+$0xC750];
	v37 =	vmul.f32 v33, v33;
	v21 =	vadd.f32 v24, v21;
	v22 =	vadd.f32 v25, v22  }
0x298: {  	v14 =	vsub.f32 v14, v15;
	v40 =	vld [tilespmem:s7+$0x4770];
	v16 =	vmul.f32 v16, v16;
	v39 =	vsub.f32 v60, v63  }
0x299: {  	v42 =	vld [tilespmem:s7+$0xC770];
	v17 =	vmul.f32 v35, v35;
	v19 =	vadd.f32 v19, v21;
	v41 =	vadd.f32 v37, v22  }
0x29a: {  	v12 =	vsub.f32 v12, v13;
	v14 =	vmul.f32 v14, v14;
	v43 =	vsub.f32 v32, v34  }
0x29b: {  	v15 =	vmul.f32 v39, v39;
	v16 =	vadd.f32 v16, v19;
	v17 =	vadd.f32 v17, v41  }
0x29c: {  	v10 =	vsub.f32 v10, v11;
	v12 =	vmul.f32 v12, v12;
	v44 =	vsub.f32 v36, v38  }
0x29d: {  	v13 =	vmul.f32 v43, v43;
	v14 =	vadd.f32 v14, v16;
	v15 =	vadd.f32 v15, v17  }
0x29e: {  	v8 =	vsub.f32 v8, v9;
	v10 =	vmul.f32 v10, v10;
	v45 =	vsub.f32 v40, v42  }
0x29f: {  	v11 =	vmul.f32 v44, v44;
	v12 =	vadd.f32 v12, v14;
	v13 =	vadd.f32 v13, v15  }
0x2a0: {  	v8 =	vmul.f32 v8, v8  }
0x2a1: {  	v9 =	vmul.f32 v45, v45;
	v10 =	vadd.f32 v10, v12;
	v11 =	vadd.f32 v11, v13;
	_ =	sdelay $0x1  }
0x2a2: {  	v8 =	vadd.f32 v8, v10;
	v9 =	vadd.f32 v9, v11;
	_ =	sdelay $0x1  }
0x2a3: {  	v8 =	vadd.f32 v9, v8  }
0x2a4: {  	s6 =	sadd.s32 $0x10, s8  }
0x2a5: {  	[tilespmem:s6+$0x0] =	vst v8  }
0x2a6: {  	v8 =	vld [tilespmem:$0x10400]  }
0x2a7: {  	v46 =	vld [tilespmem:$0x10410]  }
0x2a8: {  	v47 =	vld [tilespmem:$0x10420]  }
0x2a9: {  	v48 =	vld [tilespmem:$0x10430]  }
0x2aa: {  	v49 =	vld [tilespmem:$0x10440]  }
0x2ab: {  	v50 =	vld [tilespmem:$0x10450]  }
0x2ac: {  	v52 =	vld [tilespmem:$0x10470]  }
0x2ad: {  	v53 =	vld [tilespmem:$0x10480]  }
0x2ae: {  	v54 =	vld [tilespmem:$0x10490]  }
0x2af: {  	v56 =	vld [tilespmem:$0x104A0]  }
0x2b0: {  	v58 =	vld [tilespmem:$0x104B0];
	v55 =	vperm.xlane v8, v4;
	v57 =	vperm.xlane v46, v4  }
0x2b1: {  	v61 =	vld [tilespmem:$0x104C0];
	v59 =	vperm.xlane v47, v4;
	v60 =	vperm.xlane v48, v4  }
0x2b2: {  	v28 =	vld [tilespmem:$0x104D0];
	v62 =	vperm.xlane v49, v4;
	v63 =	vperm.xlane v50, v4  }
0x2b3: {  	v29 =	vld [tilespmem:$0x104E0];
	v34 =	vperm.xlane v52, v4;
	v35 =	vperm.xlane v53, v4  }
0x2b4: {  	v32 =	vld [tilespmem:$0x104F0];
	v36 =	vperm.xlane v54, v4;
	v38 =	vperm.xlane v56, v4;
	v8 =	vadd.f32 v55, v8  }
0x2b5: {  	v51 =	vld [tilespmem:$0x10460];
	v40 =	vperm.xlane v58, v4;
	v9 =	vadd.f32 v57, v46;
	v10 =	vadd.f32 v59, v47  }
0x2b6: {  	v41 =	vperm.xlane v61, v4;
	v11 =	vadd.f32 v60, v48;
	v30 =	vadd.f32 v62, v49  }
0x2b7: {  	v42 =	vperm.xlane v28, v4;
	v31 =	vadd.f32 v63, v50;
	v37 =	vadd.f32 v34, v52  }
0x2b8: {  	v43 =	vperm.xlane v29, v4;
	v12 =	vadd.f32 v35, v53;
	v39 =	vadd.f32 v36, v54  }
0x2b9: {  	v44 =	vperm.xlane v32, v4;
	v15 =	vadd.f32 v38, v56;
	v17 =	vadd.f32 v40, v58  }
0x2ba: {  	v33 =	vperm.xlane v51, v4;
	v45 =	vadd.f32 v41, v61;
	v46 =	vadd.f32 v42, v28  }
0x2bb: {  	v47 =	vadd.f32 v43, v29;
	v13 =	vadd.f32 v44, v32;
	v8 =	vsel vm0, v8, v9  }
0x2bc: {  	v10 =	vsel vm0, v10, v11;
	v9 =	vsel vm0, v30, v31;
	v11 =	vadd.f32 v33, v51  }
0x2bd: {  	v12 =	vsel vm0, v12, v39;
	v15 =	vsel vm0, v15, v17;
	v48 =	vperm.xlane v8, v5  }
0x2be: {  	v14 =	vsel vm0, v45, v46;
	v49 =	vperm.xlane v10, v5;
	v50 =	vperm.xlane v9, v5  }
0x2bf: {  	v13 =	vsel vm0, v47, v13;
	v52 =	vperm.xlane v12, v5;
	v53 =	vperm.xlane v15, v5  }
0x2c0: {  	v54 =	vperm.xlane v14, v5;
	v55 =	vperm.xlane v13, v5  }
0x2c1: {  	v11 =	vsel vm0, v11, v37;
	v8 =	vadd.f32 v48, v8;
	v10 =	vadd.f32 v49, v10  }
0x2c2: {  	v51 =	vperm.xlane v11, v5;
	v12 =	vadd.f32 v52, v12;
	v15 =	vadd.f32 v53, v15  }
0x2c3: {  	v14 =	vadd.f32 v54, v14;
	v13 =	vadd.f32 v55, v13  }
0x2c4: {  	v9 =	vadd.f32 v50, v9;
	v11 =	vadd.f32 v51, v11  }
0x2c5: {  	v8 =	vsel vm1, v8, v10;
	v56 =	vsel vm1, v12, v15;
	v57 =	vsel vm1, v14, v13  }
0x2c6: {  	v58 =	vperm.xlane v8, v6;
	v60 =	vperm.xlane v56, v6;
	v9 =	vsel vm1, v9, v11  }
0x2c7: {  	v61 =	vperm.xlane v57, v6;
	v59 =	vperm.xlane v9, v6  }
0x2c8: {  	v8 =	vadd.f32 v58, v8;
	v10 =	vadd.f32 v60, v56  }
0x2c9: {  	v11 =	vadd.f32 v61, v57;
	v9 =	vadd.f32 v59, v9;
	_ =	sdelay $0x1  }
0x2ca: {  	v62 =	vsel vm2, v10, v11;
	v8 =	vsel vm2, v8, v9  }
0x2cb: {  	v11 =	vperm.xlane v62, v7;
	v63 =	vperm.xlane v8, v7  }
0x2cc: {  	s24 =	sshll.u32 s5, $0x4;
	s5 =	sadd.s32 $0x1, s5  }
0x2cd: {  	p0 =	sne.s32 s5, $0x4;
	v9 =	vadd.f32 v11, v62;
	v8 =	vadd.f32 v63, v8  }
.Ltmp8:
0x2ce: {  	_ = 	snop;
	(pc) =	sbr.rel @p0 .LBB2_16-.Ltmp8, $4  }
0x2cf: {  	v8 =	vsel vm3, v8, v9  }
0x2d0: {  	v8 =	vmul.f32 $4.882812500e-03, v8  }
0x2d1: {  	s6 =	sand.u32 $0x3FFFFFF0, s24  }
0x2d2: {  	[tilespmem:s6+$0x103C0] =	vst v8  }
0x2d3: {  	s4 =	simm.s32 $0x10300  }
0x2d4: {  	[hbm4b:s13+s3] =	stream.linear.scatter [tilespmem:s4], [sflag:$0x8], $0x80, $0x38;
	[tilespmem:$0x10500] =	vst v63  }
0x2d5: {  	s24 =	simm.s32 $0x10380  }
0x2d6: {  	[hbm4b:s15+s3] =	stream.linear.scatter [tilespmem:s24], [sflag:$0x8], $0x80, $0x38;
	[tilespmem:$0x10500] =	vst v63  }
0x2d7: {  	_ =	swait.ge [sflag:s30], $0x4000  }
0x2d8: {  	[sflag:s30] =	ssyncset.done $0x0  }
0x2d9: {  	[sflag:s30] =	ssyncadd.s32 $0xFFFFC000  }
0x2da: {  	_ =	swait.ge [sflag:s1], $0x4000  }
0x2db: {  	[sflag:s1] =	ssyncset.done $0x0  }
0x2dc: {  	[sflag:s1] =	ssyncadd.s32 $0xFFFFC000  }
0x2dd: {  	_ =	swait.ge [sflag:s2], $0x100  }
0x2de: {  	[sflag:s2] =	ssyncset.done $0x0  }
0x2df: {  	s31 =	sadd.s32 $0x1, s31;
	[sflag:s2] =	ssyncadd.s32 $0xFFFFFF00  }
0x2e0: {  	p0 =	sne.s32 s31, s16;
	_ =	swait.ge [sflag:s25], $0x80  }
.Ltmp9:
0x2e1: {  	[sflag:s25] =	ssyncset.done $0x0;
	(pc) =	sbr.rel @p0 .LBB2_1-.Ltmp9, $4  }
0x2e2: {  	[sflag:s25] =	ssyncadd.s32 $0xFFFFFF80  }
0x2e3: {  	_ =	swait.ge [sflag:s25], $0x80  }
0x2e4: {  	[sflag:s25] =	ssyncset.done $0x0  }
0x2e5: {  	[sflag:s25] =	ssyncadd.s32 $0xFFFFFF80  }
0x2e6: {  	_ =	sfence.sel $0x180000  }
0x2e7: {  	[bflag:$0x0] =	sbarrier.arrive $0xFFFF  }
0x2e8: {  	_ =	strace $0x90000047  }
0x2e9: {  	s0 =	stileid.u32;
	[bflag:$0x2] =	sbarrier.arrive $0xFFFF  }
0x2ea: {  	p0 =	sne.s32 s0, $0x0;
	s0 =	rddreg [dreg:$0x6]  }
0x2eb: {  	s0 =	sadd.s32 @!p0 $0x100000, s0  }
0x2ec: {  	[sflag:s0] =	ssyncadd.tile.s32 @!p0 $0x1;
	_ =	shalt  }
.Lfunc_end2:
_tile_overlayer_lowered:
.L_overlay_start_2:
0x2ed: {  	(tag) =	ssettag $0x2  }
0x2ee: {  	s0 =	rddreg [dreg:$0x0];
	s2 =	stileid.u32  }
0x2ef: {  	s1 =	rddreg [dreg:$0x1];
	p0 =	sne.s32 s2, $0x0  }
0x2f0: {  	s3 =	rddreg [dreg:$0x2];
	[bflag:$0x3] =	sbarrier.arrive $0xFFFF;
	s2 =	simm.s32 @!p0 $0x1C09  }
0x2f1: {  	[timem:s3], [sflag:s2] =	dma.local @!p0 [hbm:s0], s1  }
0x2f2: {  	s0 =	simm.s32 @!p0 $0x9  }
0x2f3: {  	_ =	swait.ge @!p0 [sflag:s0], s1  }
0x2f4: {  	s1 =	ssub.s32 @!p0 $0x0, s1;
	[sflag:s0] =	ssyncset.done @!p0 $0x0  }
0x2f5: {  	[sflag:s0] =	ssyncadd.s32 @!p0 s1  }
0x2f6: {  	[bflag:$0x3] =	sbarrier.arrive $0xFFFF  }
0x2f7: {  	_ =	shalt  }

</sc_bundles>
